<compile_context>
chip_gen: v7x
topology: tpu7x:2x2x1
jax: 0.10.2.dev20260603
libtpu: 0.0.44.dev20260713+nightly
codegen_flags: <defaults>
</compile_context>

<pallas_src>
import functools

import jax
import jax.numpy as jnp
from jax import lax
from jax.experimental import pallas as pl
from jax.experimental.pallas import tpu as pltpu
from jax.experimental.pallas import tpu_sc as plsc

B, N, K, D = 8, 256, 3, 32
NUM_EDGE, NUM_SPATIAL = 1536, 512
NP1 = N + 1
NC, NS, L = 2, 16, 16
NW = NC * NS
RPW = (B * N) // NW
WPB = NW // B
CHUNK = N
UNITS = RPW
THIRD = 1.0 / 3.0


def _body(sp_hbm, ef_hbm, spw_hbm, ew_hbm, vn_hbm, out_hbm,
          sp_tab, ed_tab, ob0, ob1, vrow, vnb,
          spv0, spv1, efv0, efv1,
          so0, so1, ss0, ss1, se0, se1):
    cid = lax.axis_index("c")
    sid = lax.axis_index("s")
    wid = sid * NC + cid
    b = wid // WPB
    i0 = (wid % WPB) * RPW + 1

    pltpu.sync_copy(spw_hbm, sp_tab)
    pltpu.sync_copy(ew_hbm, ed_tab)
    pltpu.sync_copy(vn_hbm, vnb)
    v0 = vnb[pl.ds(0, L)]
    v1 = vnb[pl.ds(L, L)]

    for ob in (ob0, ob1):
        ob[pl.ds(0, L)] = v0
        ob[pl.ds(L, L)] = v1

    @pl.when(wid < B)
    def _():
        def fill(j, c):
            vrow[pl.ds(j * D, L)] = v0
            vrow[pl.ds(j * D + L, L)] = v1
            return c
        lax.fori_loop(0, NP1, fill, 0)
        pltpu.sync_copy(vrow, out_hbm.at[wid, 0])

    obufs = (ob0, ob1)
    spss = (spv0, spv1)
    efss = (efv0, efv1)
    sems_o = (so0, so1)
    sems_s = (ss0, ss1)
    sems_e = (se0, se1)

    spvs = (spv0, spv1)
    efvs = (efv0, efv1)

    def start_idx(u, s):
        src_row = i0 - 1 + u
        pltpu.async_copy(sp_hbm.at[b, src_row], spvs[s], sems_s[s])
        pltpu.async_copy(ef_hbm.at[b, src_row], efvs[s], sems_e[s])

    def wait_idx(s):
        pltpu.make_async_copy(sp_hbm.at[b, 0], spvs[s], sems_s[s]).wait()
        pltpu.make_async_copy(ef_hbm.at[b, 0], efvs[s], sems_e[s]).wait()

    def wait_out(s):
        pltpu.make_async_copy(obufs[s], out_hbm.at[b, 1], sems_o[s]).wait()

    start_idx(0, 0)

    def compute(ob, sps, efs):
        base_col = 1

        @plsc.parallel_loop(0, CHUNK // L, unroll=1)
        def _grp(g):
            spv = sps[pl.ds(g * L, L)] * D
            evs = (efs[pl.ds(g * L * K, L)] * D,
                   efs[pl.ds(g * L * K + L, L)] * D,
                   efs[pl.ds(g * L * K + 2 * L, L)] * D)
            ob_base = (base_col + g * L) * D
            for pp in range(L):
                f = K * pp
                rb = spv[pp]
                b0 = evs[f // L][f % L]
                b1 = evs[(f + 1) // L][(f + 1) % L]
                b2 = evs[(f + 2) // L][(f + 2) % L]
                po = ob_base + pp * D
                for h in range(2):
                    o = h * L
                    val = (sp_tab[pl.ds(rb + o, L)]
                           + (ed_tab[pl.ds(b0 + o, L)]
                              + ed_tab[pl.ds(b1 + o, L)]
                              + ed_tab[pl.ds(b2 + o, L)]) * THIRD)
                    ob[pl.ds(po + o, L)] = val

    def iter_body(rr, c):
        for sub in range(2):
            t = rr * 2 + sub
            s = sub

            @pl.when(t + 1 < UNITS)
            def _():
                start_idx(t + 1, 1 - s)

            wait_idx(s)

            @pl.when(t >= 2)
            def _():
                wait_out(s)

            compute(obufs[s], spss[s], efss[s])
            pltpu.async_copy(obufs[s], out_hbm.at[b, i0 + t], sems_o[s])
        return c

    lax.fori_loop(0, RPW // 2, iter_body, 0)
    wait_out(0)
    wait_out(1)


_edge_kernel = functools.partial(
    pl.kernel,
    out_type=jax.ShapeDtypeStruct((B, NP1, NP1 * D), jnp.float32),
    mesh=plsc.VectorSubcoreMesh(core_axis_name="c", subcore_axis_name="s",
                                num_cores=NC, num_subcores=NS),
    compiler_params=pltpu.CompilerParams(needs_layout_passes=False),
    scratch_types=[
        pltpu.VMEM((NUM_SPATIAL * D,), jnp.float32),
        pltpu.VMEM((NUM_EDGE * D,), jnp.float32),
        pltpu.VMEM((NP1 * D,), jnp.float32),
        pltpu.VMEM((NP1 * D,), jnp.float32),
        pltpu.VMEM((NP1 * D,), jnp.float32),
        pltpu.VMEM((D,), jnp.float32),
        pltpu.VMEM((CHUNK,), jnp.int32),
        pltpu.VMEM((CHUNK,), jnp.int32),
        pltpu.VMEM((CHUNK * K,), jnp.int32),
        pltpu.VMEM((CHUNK * K,), jnp.int32),
        pltpu.SemaphoreType.DMA,
        pltpu.SemaphoreType.DMA,
        pltpu.SemaphoreType.DMA,
        pltpu.SemaphoreType.DMA,
        pltpu.SemaphoreType.DMA,
        pltpu.SemaphoreType.DMA,
    ],
)(_body)


def kernel(graph_attn_bias, shortest_path, edge_feat, sp_weight, edge_weight, vnode_weight):
    del graph_attn_bias
    out = _edge_kernel(
        shortest_path.astype(jnp.int32),
        edge_feat.astype(jnp.int32).reshape(B, N, N * K),
        sp_weight.astype(jnp.float32).reshape(NUM_SPATIAL * D),
        edge_weight.astype(jnp.float32).reshape(NUM_EDGE * D),
        vnode_weight.astype(jnp.float32).reshape(D),
    )
    return out.reshape(B, NP1, NP1, D)

# --- scband reference (transcript-rebuilt; emitter-appended) ---
"""Pipeline reference for scband-edge-feature-53944789238387 (READ-ONLY COPY).

The authoritative reference and input builder live on the scoring server;
editing this copy changes nothing except your own understanding.
"""

import jax, jax.numpy as jnp
import numpy as np

B, N, K, D = 8, 256, 3, 32
NUM_EDGE, NUM_SPATIAL = 1536, 512


def setup_inputs(seed: int = 0) -> dict:
    key = jax.random.key(seed)
    k1, k2, k3, k4, k5, k6 = jax.random.split(key, 6)
    shortest_path = jax.random.randint(k1, (B, N, N), 0, NUM_SPATIAL)
    edge_feat = jax.random.randint(k2, (B, N, N, K), 0, NUM_EDGE)
    graph_attn_bias = jax.random.normal(k3, (B, N + 1, N + 1, D), dtype=jnp.float32)
    sp_weight = (0.02 * jax.random.normal(k4, (NUM_SPATIAL, D), dtype=jnp.float32)).at[0].set(0.0)
    edge_weight = (0.02 * jax.random.normal(k5, (NUM_EDGE, D), dtype=jnp.float32)).at[0].set(0.0)
    vnode_weight = 0.02 * jax.random.normal(k6, (1, D), dtype=jnp.float32)
    return {
        "graph_attn_bias": graph_attn_bias,
        "shortest_path": shortest_path,
        "edge_feat": edge_feat,
        "sp_weight": sp_weight,
        "edge_weight": edge_weight,
        "vnode_weight": vnode_weight,
    }


def reference(graph_attn_bias, shortest_path, edge_feat, sp_weight, edge_weight, vnode_weight):
    d = vnode_weight.shape[-1]
    gab = graph_attn_bias
    # graph_attn_bias[:, 1:, 1:, :] = shortest_path_encoder(shortest_path)
    sp_emb = jnp.take(sp_weight, shortest_path, axis=0)  # [B, N, N, D]
    gab = gab.at[:, 1:, 1:, :].set(sp_emb)
    # virtual node distance
    t = vnode_weight.reshape(1, 1, d)
    gab = gab.at[:, 1:, 0, :].set(t)
    gab = gab.at[:, 0, :, :].set(t)
    # edge_input = edge_encoder(edge_feat).mean(-2)
    edge_emb = jnp.take(edge_weight, edge_feat, axis=0)  # [B, N, N, K, D]
    edge_input = edge_emb.mean(-2)  # [B, N, N, D]
    gab = gab.at[:, 1:, 1:, :].add(edge_input)
    return gab

if __name__ == "__main__":
    import jax
    _d = setup_inputs()
    print(jax.jit(kernel)(*tuple(_d.values())))

</pallas_src>

<mosaic_0001>
#map = affine_map<(d0, d1) -> (0, 0, 0)>
#map1 = affine_map<(d0, d1) -> (0)>
module attributes {stable_mosaic.version = 14 : i64} {
  func.func @_body(%arg0: i32, %arg1: i32, %arg2: memref<8x256x256xi32, #tpu.memory_space<hbm>>, %arg3: memref<8x256x768xi32, #tpu.memory_space<hbm>>, %arg4: memref<16384xf32, #tpu.memory_space<hbm>>, %arg5: memref<49152xf32, #tpu.memory_space<hbm>>, %arg6: memref<32xf32, #tpu.memory_space<hbm>>, %arg7: memref<8x257x8224xf32, #tpu.memory_space<hbm>>, %arg8: memref<16384xf32, #tpu.memory_space<vmem>>, %arg9: memref<49152xf32, #tpu.memory_space<vmem>>, %arg10: memref<8224xf32, #tpu.memory_space<vmem>>, %arg11: memref<8224xf32, #tpu.memory_space<vmem>>, %arg12: memref<8224xf32, #tpu.memory_space<vmem>>, %arg13: memref<32xf32, #tpu.memory_space<vmem>>, %arg14: memref<256xi32, #tpu.memory_space<vmem>>, %arg15: memref<256xi32, #tpu.memory_space<vmem>>, %arg16: memref<768xi32, #tpu.memory_space<vmem>>, %arg17: memref<768xi32, #tpu.memory_space<vmem>>, %arg18: memref<!tpu.dma_semaphore, #tpu.memory_space<semaphore_mem>>, %arg19: memref<!tpu.dma_semaphore, #tpu.memory_space<semaphore_mem>>, %arg20: memref<!tpu.dma_semaphore, #tpu.memory_space<semaphore_mem>>, %arg21: memref<!tpu.dma_semaphore, #tpu.memory_space<semaphore_mem>>, %arg22: memref<!tpu.dma_semaphore, #tpu.memory_space<semaphore_mem>>, %arg23: memref<!tpu.dma_semaphore, #tpu.memory_space<semaphore_mem>>) attributes {dimension_semantics = [#tpu.dimension_semantics<core_parallel>, #tpu.dimension_semantics<subcore_parallel>], iteration_bounds = array<i64: 2, 16>, scalar_prefetch = 0 : i64, scratch_operands = 16 : i64, tpu.core_type = #tpu.core_type<sc_vector_subcore>, window_params = [{transform_indices = #map}, {transform_indices = #map}, {transform_indices = #map1}, {transform_indices = #map1}, {transform_indices = #map1}, {transform_indices = #map}]} {
    %mul3A = arith.constant 2 : i32
    %mul3A_0 = arith.muli %arg1, %mul3A : i32
    %add3A = arith.addi %mul3A_0, %arg0 : i32
    %jit3A = arith.constant 4 : i32
    %div3A = arith.divsi %add3A, %jit3A : i32
    %sign3A = arith.constant 0 : i32
    %sign3A_1 = arith.cmpi sgt, %add3A, %sign3A : i32
    %sign3A_2 = arith.extui %sign3A_1 : i1 to i32
    %sign3A_3 = arith.constant 0 : i32
    %sign3A_4 = arith.cmpi slt, %add3A, %sign3A_3 : i32
    %sign3A_5 = arith.extui %sign3A_4 : i1 to i32
    %sign3A_6 = arith.subi %sign3A_2, %sign3A_5 : i32
    %sign3A_7 = arith.constant 0 : i32
    %sign3A_8 = arith.cmpi sgt, %jit3A, %sign3A_7 : i32
    %sign3A_9 = arith.extui %sign3A_8 : i1 to i32
    %sign3A_10 = arith.constant 0 : i32
    %sign3A_11 = arith.cmpi slt, %jit3A, %sign3A_10 : i32
    %sign3A_12 = arith.extui %sign3A_11 : i1 to i32
    %sign3A_13 = arith.subi %sign3A_9, %sign3A_12 : i32
    %ne3A = arith.cmpi ne, %sign3A_6, %sign3A_13 : i32
    %rem3A = arith.remsi %add3A, %jit3A : i32
    %ne3A_14 = arith.constant 0 : i32
    %ne3A_15 = arith.cmpi ne, %rem3A, %ne3A_14 : i32
    %and3A = arith.andi %ne3A, %ne3A_15 : i1
    %sub3A = arith.constant 1 : i32
    %sub3A_16 = arith.subi %div3A, %sub3A : i32
    %select_n3A = arith.select %and3A, %sub3A_16, %div3A : i32
    %jit3A_17 = arith.constant 4 : i32
    %eq3A = arith.constant 0 : i32
    %eq3A_18 = arith.cmpi eq, %jit3A_17, %eq3A : i32
    %jit3A_19 = arith.constant 1 : i32
    %select_n3A_20 = arith.select %eq3A_18, %jit3A_19, %jit3A_17 : i32
    %rem3A_21 = arith.remsi %add3A, %select_n3A_20 : i32
    %ne3A_22 = arith.constant 0 : i32
    %ne3A_23 = arith.cmpi ne, %rem3A_21, %ne3A_22 : i32
    %lt3A = arith.constant 0 : i32
    %lt3A_24 = arith.cmpi slt, %rem3A_21, %lt3A : i32
    %lt3A_25 = arith.constant 0 : i32
    %lt3A_26 = arith.cmpi slt, %select_n3A_20, %lt3A_25 : i32
    %ne3A_27 = arith.xori %lt3A_24, %lt3A_26 : i1
    %and3A_28 = arith.andi %ne3A_27, %ne3A_23 : i1
    %add3A_29 = arith.addi %rem3A_21, %select_n3A_20 : i32
    %select_n3A_30 = arith.select %and3A_28, %add3A_29, %rem3A_21 : i32
    %mul3A_31 = arith.constant 64 : i32
    %mul3A_32 = arith.muli %select_n3A_30, %mul3A_31 : i32
    %add3A_33 = arith.constant 1 : i32
    %add3A_34 = arith.addi %mul3A_32, %add3A_33 : i32
    "tpu.region"() ({
      %run_scoped3A = tpu.sem_alloc : memref<!tpu.dma_semaphore, #tpu.memory_space<semaphore_mem>>
      tpu.enqueue_dma source(%arg4 : memref<16384xf32, #tpu.memory_space<hbm>>) target(%arg8 : memref<16384xf32, #tpu.memory_space<vmem>>) target_semaphore(%run_scoped3A : memref<!tpu.dma_semaphore, #tpu.memory_space<semaphore_mem>>)
      tpu.wait_dma2 semaphore(%run_scoped3A : memref<!tpu.dma_semaphore, #tpu.memory_space<semaphore_mem>>) src(%arg4 : memref<16384xf32, #tpu.memory_space<hbm>>) dst(%arg8 : memref<16384xf32, #tpu.memory_space<vmem>>)
      tpu.yield
    }) : () -> ()
    "tpu.region"() ({
      %run_scoped3A = tpu.sem_alloc : memref<!tpu.dma_semaphore, #tpu.memory_space<semaphore_mem>>
      tpu.enqueue_dma source(%arg5 : memref<49152xf32, #tpu.memory_space<hbm>>) target(%arg9 : memref<49152xf32, #tpu.memory_space<vmem>>) target_semaphore(%run_scoped3A : memref<!tpu.dma_semaphore, #tpu.memory_space<semaphore_mem>>)
      tpu.wait_dma2 semaphore(%run_scoped3A : memref<!tpu.dma_semaphore, #tpu.memory_space<semaphore_mem>>) src(%arg5 : memref<49152xf32, #tpu.memory_space<hbm>>) dst(%arg9 : memref<49152xf32, #tpu.memory_space<vmem>>)
      tpu.yield
    }) : () -> ()
    "tpu.region"() ({
      %run_scoped3A = tpu.sem_alloc : memref<!tpu.dma_semaphore, #tpu.memory_space<semaphore_mem>>
      tpu.enqueue_dma source(%arg6 : memref<32xf32, #tpu.memory_space<hbm>>) target(%arg13 : memref<32xf32, #tpu.memory_space<vmem>>) target_semaphore(%run_scoped3A : memref<!tpu.dma_semaphore, #tpu.memory_space<semaphore_mem>>)
      tpu.wait_dma2 semaphore(%run_scoped3A : memref<!tpu.dma_semaphore, #tpu.memory_space<semaphore_mem>>) src(%arg6 : memref<32xf32, #tpu.memory_space<hbm>>) dst(%arg13 : memref<32xf32, #tpu.memory_space<vmem>>)
      tpu.yield
    }) : () -> ()
    %get3A = arith.constant 0 : index
    %get3A_35 = tpu.vector_load %arg13[%get3A] {strides = array<i32>} : memref<32xf32, #tpu.memory_space<vmem>>, vector<16xf32>,
    %get3A_36 = arith.constant 16 : index
    %get3A_37 = tpu.vector_load %arg13[%get3A_36] {strides = array<i32>} : memref<32xf32, #tpu.memory_space<vmem>>, vector<16xf32>,
    %swap3A = arith.constant 0 : index
    %swap3A_38 = tpu.vector_load %arg10[%swap3A] {strides = array<i32>} : memref<8224xf32, #tpu.memory_space<vmem>>, vector<16xf32>,
    tpu.vector_store %arg10[%swap3A], %get3A_35 {strides = array<i32>} : memref<8224xf32, #tpu.memory_space<vmem>>, vector<16xf32>,
    %swap3A_39 = arith.constant 16 : index
    %swap3A_40 = tpu.vector_load %arg10[%swap3A_39] {strides = array<i32>} : memref<8224xf32, #tpu.memory_space<vmem>>, vector<16xf32>,
    tpu.vector_store %arg10[%swap3A_39], %get3A_37 {strides = array<i32>} : memref<8224xf32, #tpu.memory_space<vmem>>, vector<16xf32>,
    %swap3A_41 = arith.constant 0 : index
    %swap3A_42 = tpu.vector_load %arg11[%swap3A_41] {strides = array<i32>} : memref<8224xf32, #tpu.memory_space<vmem>>, vector<16xf32>,
    tpu.vector_store %arg11[%swap3A_41], %get3A_35 {strides = array<i32>} : memref<8224xf32, #tpu.memory_space<vmem>>, vector<16xf32>,
    %swap3A_43 = arith.constant 16 : index
    %swap3A_44 = tpu.vector_load %arg11[%swap3A_43] {strides = array<i32>} : memref<8224xf32, #tpu.memory_space<vmem>>, vector<16xf32>,
    tpu.vector_store %arg11[%swap3A_43], %get3A_37 {strides = array<i32>} : memref<8224xf32, #tpu.memory_space<vmem>>, vector<16xf32>,
    %lt3A_45 = arith.constant 8 : i32
    %lt3A_46 = arith.cmpi slt, %add3A, %lt3A_45 : i32
    %convert_element_type3A = arith.extui %lt3A_46 : i1 to i32
    %cond3A = arith.constant 0 : i32
    %cond3A_47 = arith.cmpi ne, %convert_element_type3A, %cond3A : i32
    scf.if %cond3A_47 {
      %scan3A_81 = arith.constant 0 : i32
      %scan3A_82 = arith.constant 0 : i32
      %scan3A_83 = arith.constant 257 : i32
      %scan3A_84 = arith.addi %scan3A_82, %scan3A_83 : i32
      %scan3A_85 = arith.constant 1 : i32
      scf.for %scan3A_87 = %scan3A_82 to %scan3A_84 step %scan3A_85  : i32 {
        %mul3A_88 = arith.constant 32 : i32
        %mul3A_89 = arith.muli %scan3A_87, %mul3A_88 : i32
        %swap3A_90 = arith.index_cast %mul3A_89 : i32 to index
        %swap3A_91 = tpu.vector_load %arg12[%swap3A_90] {strides = array<i32>} : memref<8224xf32, #tpu.memory_space<vmem>>, vector<16xf32>,
        tpu.vector_store %arg12[%swap3A_90], %get3A_35 {strides = array<i32>} : memref<8224xf32, #tpu.memory_space<vmem>>, vector<16xf32>,
        %mul3A_92 = arith.constant 32 : i32
        %mul3A_93 = arith.muli %scan3A_87, %mul3A_92 : i32
        %add3A_94 = arith.constant 16 : i32
        %add3A_95 = arith.addi %mul3A_93, %add3A_94 : i32
        %swap3A_96 = arith.index_cast %add3A_95 : i32 to index
        %swap3A_97 = tpu.vector_load %arg12[%swap3A_96] {strides = array<i32>} : memref<8224xf32, #tpu.memory_space<vmem>>, vector<16xf32>,
        tpu.vector_store %arg12[%swap3A_96], %get3A_37 {strides = array<i32>} : memref<8224xf32, #tpu.memory_space<vmem>>, vector<16xf32>,
      }
      %scan3A_86 = arith.constant 257 : i32
      %run_scoped3A = arith.constant 0 : i32
      "tpu.region"() ({
        %run_scoped3A_87 = tpu.sem_alloc : memref<!tpu.dma_semaphore, #tpu.memory_space<semaphore_mem>>
        %dma_start3A_88 = arith.constant 0 : i32
        %dma_start3A_89 = tpu.memref_slice %arg7[%add3A, %run_scoped3A, %dma_start3A_88] : memref<8x257x8224xf32, #tpu.memory_space<hbm>> -> memref<1x1x8224xf32, #tpu.memory_space<hbm>>
        %dma_start3A_90 = tpu.memref_squeeze %dma_start3A_89 : memref<1x1x8224xf32, #tpu.memory_space<hbm>> -> memref<8224xf32, #tpu.memory_space<hbm>>
        %dma_start3A_91 = arith.constant 0 : i32
        %dma_start3A_92 = tpu.memref_slice %arg7[%add3A, %run_scoped3A, %dma_start3A_91] : memref<8x257x8224xf32, #tpu.memory_space<hbm>> -> memref<1x1x8224xf32, #tpu.memory_space<hbm>>
        %dma_start3A_93 = tpu.memref_squeeze %dma_start3A_92 : memref<1x1x8224xf32, #tpu.memory_space<hbm>> -> memref<8224xf32, #tpu.memory_space<hbm>>
        tpu.enqueue_dma source(%arg12 : memref<8224xf32, #tpu.memory_space<vmem>>) target(%dma_start3A_93 : memref<8224xf32, #tpu.memory_space<hbm>>) target_semaphore(%run_scoped3A_87 : memref<!tpu.dma_semaphore, #tpu.memory_space<semaphore_mem>>)
        %dma_wait3A_94 = arith.constant 0 : i32
        %dma_wait3A_95 = tpu.memref_slice %arg7[%add3A, %run_scoped3A, %dma_wait3A_94] : memref<8x257x8224xf32, #tpu.memory_space<hbm>> -> memref<1x1x8224xf32, #tpu.memory_space<hbm>>
        %dma_wait3A_96 = tpu.memref_squeeze %dma_wait3A_95 : memref<1x1x8224xf32, #tpu.memory_space<hbm>> -> memref<8224xf32, #tpu.memory_space<hbm>>
        %dma_wait3A_97 = arith.constant 0 : i32
        %dma_wait3A_98 = tpu.memref_slice %arg7[%add3A, %run_scoped3A, %dma_wait3A_97] : memref<8x257x8224xf32, #tpu.memory_space<hbm>> -> memref<1x1x8224xf32, #tpu.memory_space<hbm>>
        %dma_wait3A_99 = tpu.memref_squeeze %dma_wait3A_98 : memref<1x1x8224xf32, #tpu.memory_space<hbm>> -> memref<8224xf32, #tpu.memory_space<hbm>>
        tpu.wait_dma2 semaphore(%run_scoped3A_87 : memref<!tpu.dma_semaphore, #tpu.memory_space<semaphore_mem>>) src(%arg12 : memref<8224xf32, #tpu.memory_space<vmem>>) dst(%dma_wait3A_99 : memref<8224xf32, #tpu.memory_space<hbm>>)
        tpu.yield
      }) : () -> ()
    } else {
    }
    %sub3A_48 = arith.constant 1 : i32
    %sub3A_49 = arith.subi %add3A_34, %sub3A_48 : i32
    %add3A_50 = arith.constant 0 : i32
    %add3A_51 = arith.addi %sub3A_49, %add3A_50 : i32
    %dma_start3A = arith.constant 0 : i32
    %dma_start3A_52 = tpu.memref_slice %arg2[%select_n3A, %add3A_51, %dma_start3A] : memref<8x256x256xi32, #tpu.memory_space<hbm>> -> memref<1x1x256xi32, #tpu.memory_space<hbm>>
    %dma_start3A_53 = tpu.memref_squeeze %dma_start3A_52 : memref<1x1x256xi32, #tpu.memory_space<hbm>> -> memref<256xi32, #tpu.memory_space<hbm>>
    %dma_start3A_54 = arith.constant 0 : i32
    %dma_start3A_55 = tpu.memref_slice %arg2[%select_n3A, %add3A_51, %dma_start3A_54] : memref<8x256x256xi32, #tpu.memory_space<hbm>> -> memref<1x1x256xi32, #tpu.memory_space<hbm>>
    %dma_start3A_56 = tpu.memref_squeeze %dma_start3A_55 : memref<1x1x256xi32, #tpu.memory_space<hbm>> -> memref<256xi32, #tpu.memory_space<hbm>>
    tpu.enqueue_dma source(%dma_start3A_56 : memref<256xi32, #tpu.memory_space<hbm>>) target(%arg14 : memref<256xi32, #tpu.memory_space<vmem>>) target_semaphore(%arg20 : memref<!tpu.dma_semaphore, #tpu.memory_space<semaphore_mem>>)
    %dma_start3A_57 = arith.constant 0 : i32
    %dma_start3A_58 = tpu.memref_slice %arg3[%select_n3A, %add3A_51, %dma_start3A_57] : memref<8x256x768xi32, #tpu.memory_space<hbm>> -> memref<1x1x768xi32, #tpu.memory_space<hbm>>
    %dma_start3A_59 = tpu.memref_squeeze %dma_start3A_58 : memref<1x1x768xi32, #tpu.memory_space<hbm>> -> memref<768xi32, #tpu.memory_space<hbm>>
    %dma_start3A_60 = arith.constant 0 : i32
    %dma_start3A_61 = tpu.memref_slice %arg3[%select_n3A, %add3A_51, %dma_start3A_60] : memref<8x256x768xi32, #tpu.memory_space<hbm>> -> memref<1x1x768xi32, #tpu.memory_space<hbm>>
    %dma_start3A_62 = tpu.memref_squeeze %dma_start3A_61 : memref<1x1x768xi32, #tpu.memory_space<hbm>> -> memref<768xi32, #tpu.memory_space<hbm>>
    tpu.enqueue_dma source(%dma_start3A_62 : memref<768xi32, #tpu.memory_space<hbm>>) target(%arg16 : memref<768xi32, #tpu.memory_space<vmem>>) target_semaphore(%arg22 : memref<!tpu.dma_semaphore, #tpu.memory_space<semaphore_mem>>)
    %scan3A = arith.constant 0 : i32
    %scan3A_63 = arith.constant 0 : i32
    %scan3A_64 = arith.constant 32 : i32
    %scan3A_65 = arith.addi %scan3A_63, %scan3A_64 : i32
    %scan3A_66 = arith.constant 1 : i32
    scf.for %scan3A_81 = %scan3A_63 to %scan3A_65 step %scan3A_66  : i32 {
      %mul3A_82 = arith.constant 2 : i32
      %mul3A_83 = arith.muli %scan3A_81, %mul3A_82 : i32
      %add3A_84 = arith.constant 0 : i32
      %add3A_85 = arith.addi %mul3A_83, %add3A_84 : i32
      %add3A_86 = arith.constant 1 : i32
      %add3A_87 = arith.addi %add3A_85, %add3A_86 : i32
      %lt3A_88 = arith.constant 64 : i32
      %lt3A_89 = arith.cmpi slt, %add3A_87, %lt3A_88 : i32
      %convert_element_type3A_90 = arith.extui %lt3A_89 : i1 to i32
      %cond3A_91 = arith.constant 0 : i32
      %cond3A_92 = arith.cmpi ne, %convert_element_type3A_90, %cond3A_91 : i32
      scf.if %cond3A_92 {
        %add3A_160 = arith.constant 1 : i32
        %add3A_161 = arith.addi %add3A_85, %add3A_160 : i32
        %sub3A_162 = arith.constant 1 : i32
        %sub3A_163 = arith.subi %add3A_34, %sub3A_162 : i32
        %add3A_164 = arith.addi %sub3A_163, %add3A_161 : i32
        %dma_start3A_165 = arith.constant 0 : i32
        %dma_start3A_166 = tpu.memref_slice %arg2[%select_n3A, %add3A_164, %dma_start3A_165] : memref<8x256x256xi32, #tpu.memory_space<hbm>> -> memref<1x1x256xi32, #tpu.memory_space<hbm>>
        %dma_start3A_167 = tpu.memref_squeeze %dma_start3A_166 : memref<1x1x256xi32, #tpu.memory_space<hbm>> -> memref<256xi32, #tpu.memory_space<hbm>>
        %dma_start3A_168 = arith.constant 0 : i32
        %dma_start3A_169 = tpu.memref_slice %arg2[%select_n3A, %add3A_164, %dma_start3A_168] : memref<8x256x256xi32, #tpu.memory_space<hbm>> -> memref<1x1x256xi32, #tpu.memory_space<hbm>>
        %dma_start3A_170 = tpu.memref_squeeze %dma_start3A_169 : memref<1x1x256xi32, #tpu.memory_space<hbm>> -> memref<256xi32, #tpu.memory_space<hbm>>
        tpu.enqueue_dma source(%dma_start3A_170 : memref<256xi32, #tpu.memory_space<hbm>>) target(%arg15 : memref<256xi32, #tpu.memory_space<vmem>>) target_semaphore(%arg21 : memref<!tpu.dma_semaphore, #tpu.memory_space<semaphore_mem>>)
        %dma_start3A_171 = arith.constant 0 : i32
        %dma_start3A_172 = tpu.memref_slice %arg3[%select_n3A, %add3A_164, %dma_start3A_171] : memref<8x256x768xi32, #tpu.memory_space<hbm>> -> memref<1x1x768xi32, #tpu.memory_space<hbm>>
        %dma_start3A_173 = tpu.memref_squeeze %dma_start3A_172 : memref<1x1x768xi32, #tpu.memory_space<hbm>> -> memref<768xi32, #tpu.memory_space<hbm>>
        %dma_start3A_174 = arith.constant 0 : i32
        %dma_start3A_175 = tpu.memref_slice %arg3[%select_n3A, %add3A_164, %dma_start3A_174] : memref<8x256x768xi32, #tpu.memory_space<hbm>> -> memref<1x1x768xi32, #tpu.memory_space<hbm>>
        %dma_start3A_176 = tpu.memref_squeeze %dma_start3A_175 : memref<1x1x768xi32, #tpu.memory_space<hbm>> -> memref<768xi32, #tpu.memory_space<hbm>>
        tpu.enqueue_dma source(%dma_start3A_176 : memref<768xi32, #tpu.memory_space<hbm>>) target(%arg17 : memref<768xi32, #tpu.memory_space<vmem>>) target_semaphore(%arg23 : memref<!tpu.dma_semaphore, #tpu.memory_space<semaphore_mem>>)
      } else {
      }
      %dma_wait3A_93 = arith.constant 0 : i32
      %dma_wait3A_94 = arith.constant 0 : i32
      %dma_wait3A_95 = tpu.memref_slice %arg2[%select_n3A, %dma_wait3A_93, %dma_wait3A_94] : memref<8x256x256xi32, #tpu.memory_space<hbm>> -> memref<1x1x256xi32, #tpu.memory_space<hbm>>
      %dma_wait3A_96 = tpu.memref_squeeze %dma_wait3A_95 : memref<1x1x256xi32, #tpu.memory_space<hbm>> -> memref<256xi32, #tpu.memory_space<hbm>>
      %dma_wait3A_97 = arith.constant 0 : i32
      %dma_wait3A_98 = tpu.memref_slice %arg2[%select_n3A, %dma_wait3A_93, %dma_wait3A_97] : memref<8x256x256xi32, #tpu.memory_space<hbm>> -> memref<1x1x256xi32, #tpu.memory_space<hbm>>
      %dma_wait3A_99 = tpu.memref_squeeze %dma_wait3A_98 : memref<1x1x256xi32, #tpu.memory_space<hbm>> -> memref<256xi32, #tpu.memory_space<hbm>>
      tpu.wait_dma2 semaphore(%arg20 : memref<!tpu.dma_semaphore, #tpu.memory_space<semaphore_mem>>) src(%dma_wait3A_99 : memref<256xi32, #tpu.memory_space<hbm>>) dst(%arg14 : memref<256xi32, #tpu.memory_space<vmem>>)
      %dma_wait3A_100 = arith.constant 0 : i32
      %dma_wait3A_101 = arith.constant 0 : i32
      %dma_wait3A_102 = tpu.memref_slice %arg3[%select_n3A, %dma_wait3A_100, %dma_wait3A_101] : memref<8x256x768xi32, #tpu.memory_space<hbm>> -> memref<1x1x768xi32, #tpu.memory_space<hbm>>
      %dma_wait3A_103 = tpu.memref_squeeze %dma_wait3A_102 : memref<1x1x768xi32, #tpu.memory_space<hbm>> -> memref<768xi32, #tpu.memory_space<hbm>>
      %dma_wait3A_104 = arith.constant 0 : i32
      %dma_wait3A_105 = tpu.memref_slice %arg3[%select_n3A, %dma_wait3A_100, %dma_wait3A_104] : memref<8x256x768xi32, #tpu.memory_space<hbm>> -> memref<1x1x768xi32, #tpu.memory_space<hbm>>
      %dma_wait3A_106 = tpu.memref_squeeze %dma_wait3A_105 : memref<1x1x768xi32, #tpu.memory_space<hbm>> -> memref<768xi32, #tpu.memory_space<hbm>>
      tpu.wait_dma2 semaphore(%arg22 : memref<!tpu.dma_semaphore, #tpu.memory_space<semaphore_mem>>) src(%dma_wait3A_106 : memref<768xi32, #tpu.memory_space<hbm>>) dst(%arg16 : memref<768xi32, #tpu.memory_space<vmem>>)
      %ge3A = arith.constant 2 : i32
      %ge3A_107 = arith.cmpi sge, %add3A_85, %ge3A : i32
      %convert_element_type3A_108 = arith.extui %ge3A_107 : i1 to i32
      %cond3A_109 = arith.constant 0 : i32
      %cond3A_110 = arith.cmpi ne, %convert_element_type3A_108, %cond3A_109 : i32
      scf.if %cond3A_110 {
        %dma_wait3A_160 = arith.constant 1 : i32
        %dma_wait3A_161 = arith.constant 0 : i32
        %dma_wait3A_162 = tpu.memref_slice %arg7[%select_n3A, %dma_wait3A_160, %dma_wait3A_161] : memref<8x257x8224xf32, #tpu.memory_space<hbm>> -> memref<1x1x8224xf32, #tpu.memory_space<hbm>>
        %dma_wait3A_163 = tpu.memref_squeeze %dma_wait3A_162 : memref<1x1x8224xf32, #tpu.memory_space<hbm>> -> memref<8224xf32, #tpu.memory_space<hbm>>
        %dma_wait3A_164 = arith.constant 0 : i32
        %dma_wait3A_165 = tpu.memref_slice %arg7[%select_n3A, %dma_wait3A_160, %dma_wait3A_164] : memref<8x257x8224xf32, #tpu.memory_space<hbm>> -> memref<1x1x8224xf32, #tpu.memory_space<hbm>>
        %dma_wait3A_166 = tpu.memref_squeeze %dma_wait3A_165 : memref<1x1x8224xf32, #tpu.memory_space<hbm>> -> memref<8224xf32, #tpu.memory_space<hbm>>
        tpu.wait_dma2 semaphore(%arg18 : memref<!tpu.dma_semaphore, #tpu.memory_space<semaphore_mem>>) src(%arg10 : memref<8224xf32, #tpu.memory_space<vmem>>) dst(%dma_wait3A_166 : memref<8224xf32, #tpu.memory_space<hbm>>)
      } else {
      }
      %parallel_loop3A = arith.constant 0 : i32
      %parallel_loop3A_111 = arith.constant 16 : i32
      %parallel_loop3A_112 = arith.constant 1 : i32
      scf.for %parallel_loop3A_160 = %parallel_loop3A to %parallel_loop3A_111 step %parallel_loop3A_112  : i32 {
        %parallel_loop3A_161 = arith.constant 16 : i32
        %parallel_loop3A_162 = arith.muli %parallel_loop3A_160, %parallel_loop3A_161 : i32
        %parallel_loop3A_163 = arith.index_cast %parallel_loop3A_162 : i32 to index
        %parallel_loop3A_164 = tpu.vector_load %arg14[%parallel_loop3A_163] {strides = array<i32>} : memref<256xi32, #tpu.memory_space<vmem>>, vector<16xi32>,
        %parallel_loop3A_165 = arith.constant 32 : i32
        %parallel_loop3A_166 = vector.broadcast %parallel_loop3A_165 : i32 to vector<16xi32>
        %parallel_loop3A_167 = arith.muli %parallel_loop3A_164, %parallel_loop3A_166 : vector<16xi32>
        %parallel_loop3A_168 = arith.constant 16 : i32
        %parallel_loop3A_169 = arith.muli %parallel_loop3A_160, %parallel_loop3A_168 : i32
        %parallel_loop3A_170 = arith.constant 3 : i32
        %parallel_loop3A_171 = arith.muli %parallel_loop3A_169, %parallel_loop3A_170 : i32
        %parallel_loop3A_172 = arith.index_cast %parallel_loop3A_171 : i32 to index
        %parallel_loop3A_173 = tpu.vector_load %arg16[%parallel_loop3A_172] {strides = array<i32>} : memref<768xi32, #tpu.memory_space<vmem>>, vector<16xi32>,
        %parallel_loop3A_174 = arith.constant 32 : i32
        %parallel_loop3A_175 = vector.broadcast %parallel_loop3A_174 : i32 to vector<16xi32>
        %parallel_loop3A_176 = arith.muli %parallel_loop3A_173, %parallel_loop3A_175 : vector<16xi32>
        %parallel_loop3A_177 = arith.constant 16 : i32
        %parallel_loop3A_178 = arith.muli %parallel_loop3A_160, %parallel_loop3A_177 : i32
        %parallel_loop3A_179 = arith.constant 3 : i32
        %parallel_loop3A_180 = arith.muli %parallel_loop3A_178, %parallel_loop3A_179 : i32
        %parallel_loop3A_181 = arith.constant 16 : i32
        %parallel_loop3A_182 = arith.addi %parallel_loop3A_180, %parallel_loop3A_181 : i32
        %parallel_loop3A_183 = arith.index_cast %parallel_loop3A_182 : i32 to index
        %parallel_loop3A_184 = tpu.vector_load %arg16[%parallel_loop3A_183] {strides = array<i32>} : memref<768xi32, #tpu.memory_space<vmem>>, vector<16xi32>,
        %parallel_loop3A_185 = arith.constant 32 : i32
        %parallel_loop3A_186 = vector.broadcast %parallel_loop3A_185 : i32 to vector<16xi32>
        %parallel_loop3A_187 = arith.muli %parallel_loop3A_184, %parallel_loop3A_186 : vector<16xi32>
        %parallel_loop3A_188 = arith.constant 16 : i32
        %parallel_loop3A_189 = arith.muli %parallel_loop3A_160, %parallel_loop3A_188 : i32
        %parallel_loop3A_190 = arith.constant 3 : i32
        %parallel_loop3A_191 = arith.muli %parallel_loop3A_189, %parallel_loop3A_190 : i32
        %parallel_loop3A_192 = arith.constant 32 : i32
        %parallel_loop3A_193 = arith.addi %parallel_loop3A_191, %parallel_loop3A_192 : i32
        %parallel_loop3A_194 = arith.index_cast %parallel_loop3A_193 : i32 to index
        %parallel_loop3A_195 = tpu.vector_load %arg16[%parallel_loop3A_194] {strides = array<i32>} : memref<768xi32, #tpu.memory_space<vmem>>, vector<16xi32>,
        %parallel_loop3A_196 = arith.constant 32 : i32
        %parallel_loop3A_197 = vector.broadcast %parallel_loop3A_196 : i32 to vector<16xi32>
        %parallel_loop3A_198 = arith.muli %parallel_loop3A_195, %parallel_loop3A_197 : vector<16xi32>
        %parallel_loop3A_199 = arith.constant 16 : i32
        %parallel_loop3A_200 = arith.muli %parallel_loop3A_160, %parallel_loop3A_199 : i32
        %parallel_loop3A_201 = arith.constant 1 : i32
        %parallel_loop3A_202 = arith.addi %parallel_loop3A_201, %parallel_loop3A_200 : i32
        %parallel_loop3A_203 = arith.constant 32 : i32
        %parallel_loop3A_204 = arith.muli %parallel_loop3A_202, %parallel_loop3A_203 : i32
        %parallel_loop3A_205 = vector.extract_strided_slice %parallel_loop3A_167 {offsets = [0], sizes = [1], strides = [1]} : vector<16xi32> to vector<1xi32>
        %parallel_loop3A_206 = vector.extract %parallel_loop3A_205[0] : i32 from vector<1xi32>
        %parallel_loop3A_207 = vector.extract_strided_slice %parallel_loop3A_176 {offsets = [0], sizes = [1], strides = [1]} : vector<16xi32> to vector<1xi32>
        %parallel_loop3A_208 = vector.extract %parallel_loop3A_207[0] : i32 from vector<1xi32>
        %parallel_loop3A_209 = vector.extract_strided_slice %parallel_loop3A_176 {offsets = [1], sizes = [1], strides = [1]} : vector<16xi32> to vector<1xi32>
        %parallel_loop3A_210 = vector.extract %parallel_loop3A_209[0] : i32 from vector<1xi32>
        %parallel_loop3A_211 = vector.extract_strided_slice %parallel_loop3A_176 {offsets = [2], sizes = [1], strides = [1]} : vector<16xi32> to vector<1xi32>
        %parallel_loop3A_212 = vector.extract %parallel_loop3A_211[0] : i32 from vector<1xi32>
        %parallel_loop3A_213 = arith.constant 0 : i32
        %parallel_loop3A_214 = arith.addi %parallel_loop3A_204, %parallel_loop3A_213 : i32
        %parallel_loop3A_215 = arith.constant 0 : i32
        %parallel_loop3A_216 = arith.addi %parallel_loop3A_206, %parallel_loop3A_215 : i32
        %parallel_loop3A_217 = arith.index_cast %parallel_loop3A_216 : i32 to index
        %parallel_loop3A_218 = tpu.vector_load %arg8[%parallel_loop3A_217] {strides = array<i32>} : memref<16384xf32, #tpu.memory_space<vmem>>, vector<16xf32>,
        %parallel_loop3A_219 = arith.constant 0 : i32
        %parallel_loop3A_220 = arith.addi %parallel_loop3A_208, %parallel_loop3A_219 : i32
        %parallel_loop3A_221 = arith.index_cast %parallel_loop3A_220 : i32 to index
        %parallel_loop3A_222 = tpu.vector_load %arg9[%parallel_loop3A_221] {strides = array<i32>} : memref<49152xf32, #tpu.memory_space<vmem>>, vector<16xf32>,
        %parallel_loop3A_223 = arith.constant 0 : i32
        %parallel_loop3A_224 = arith.addi %parallel_loop3A_210, %parallel_loop3A_223 : i32
        %parallel_loop3A_225 = arith.index_cast %parallel_loop3A_224 : i32 to index
        %parallel_loop3A_226 = tpu.vector_load %arg9[%parallel_loop3A_225] {strides = array<i32>} : memref<49152xf32, #tpu.memory_space<vmem>>, vector<16xf32>,
        %parallel_loop3A_227 = arith.addf %parallel_loop3A_222, %parallel_loop3A_226 : vector<16xf32>
        %parallel_loop3A_228 = arith.constant 0 : i32
        %parallel_loop3A_229 = arith.addi %parallel_loop3A_212, %parallel_loop3A_228 : i32
        %parallel_loop3A_230 = arith.index_cast %parallel_loop3A_229 : i32 to index
        %parallel_loop3A_231 = tpu.vector_load %arg9[%parallel_loop3A_230] {strides = array<i32>} : memref<49152xf32, #tpu.memory_space<vmem>>, vector<16xf32>,
        %parallel_loop3A_232 = arith.addf %parallel_loop3A_227, %parallel_loop3A_231 : vector<16xf32>
        %parallel_loop3A_233 = arith.constant 0.333333343 : f32
        %parallel_loop3A_234 = vector.broadcast %parallel_loop3A_233 : f32 to vector<16xf32>
        %parallel_loop3A_235 = arith.mulf %parallel_loop3A_232, %parallel_loop3A_234 : vector<16xf32>
        %parallel_loop3A_236 = arith.addf %parallel_loop3A_218, %parallel_loop3A_235 : vector<16xf32>
        %parallel_loop3A_237 = arith.constant 0 : i32
        %parallel_loop3A_238 = arith.addi %parallel_loop3A_214, %parallel_loop3A_237 : i32
        %parallel_loop3A_239 = arith.index_cast %parallel_loop3A_238 : i32 to index
        %parallel_loop3A_240 = tpu.vector_load %arg10[%parallel_loop3A_239] {strides = array<i32>} : memref<8224xf32, #tpu.memory_space<vmem>>, vector<16xf32>,
        tpu.vector_store %arg10[%parallel_loop3A_239], %parallel_loop3A_236 {strides = array<i32>} : memref<8224xf32, #tpu.memory_space<vmem>>, vector<16xf32>,
        %parallel_loop3A_241 = arith.constant 16 : i32
        %parallel_loop3A_242 = arith.addi %parallel_loop3A_206, %parallel_loop3A_241 : i32
        %parallel_loop3A_243 = arith.index_cast %parallel_loop3A_242 : i32 to index
        %parallel_loop3A_244 = tpu.vector_load %arg8[%parallel_loop3A_243] {strides = array<i32>} : memref<16384xf32, #tpu.memory_space<vmem>>, vector<16xf32>,
        %parallel_loop3A_245 = arith.constant 16 : i32
        %parallel_loop3A_246 = arith.addi %parallel_loop3A_208, %parallel_loop3A_245 : i32
        %parallel_loop3A_247 = arith.index_cast %parallel_loop3A_246 : i32 to index
        %parallel_loop3A_248 = tpu.vector_load %arg9[%parallel_loop3A_247] {strides = array<i32>} : memref<49152xf32, #tpu.memory_space<vmem>>, vector<16xf32>,
        %parallel_loop3A_249 = arith.constant 16 : i32
        %parallel_loop3A_250 = arith.addi %parallel_loop3A_210, %parallel_loop3A_249 : i32
        %parallel_loop3A_251 = arith.index_cast %parallel_loop3A_250 : i32 to index
        %parallel_loop3A_252 = tpu.vector_load %arg9[%parallel_loop3A_251] {strides = array<i32>} : memref<49152xf32, #tpu.memory_space<vmem>>, vector<16xf32>,
        %parallel_loop3A_253 = arith.addf %parallel_loop3A_248, %parallel_loop3A_252 : vector<16xf32>
        %parallel_loop3A_254 = arith.constant 16 : i32
        %parallel_loop3A_255 = arith.addi %parallel_loop3A_212, %parallel_loop3A_254 : i32
        %parallel_loop3A_256 = arith.index_cast %parallel_loop3A_255 : i32 to index
        %parallel_loop3A_257 = tpu.vector_load %arg9[%parallel_loop3A_256] {strides = array<i32>} : memref<49152xf32, #tpu.memory_space<vmem>>, vector<16xf32>,
        %parallel_loop3A_258 = arith.addf %parallel_loop3A_253, %parallel_loop3A_257 : vector<16xf32>
        %parallel_loop3A_259 = arith.constant 0.333333343 : f32
        %parallel_loop3A_260 = vector.broadcast %parallel_loop3A_259 : f32 to vector<16xf32>
        %parallel_loop3A_261 = arith.mulf %parallel_loop3A_258, %parallel_loop3A_260 : vector<16xf32>
        %parallel_loop3A_262 = arith.addf %parallel_loop3A_244, %parallel_loop3A_261 : vector<16xf32>
        %parallel_loop3A_263 = arith.constant 16 : i32
        %parallel_loop3A_264 = arith.addi %parallel_loop3A_214, %parallel_loop3A_263 : i32
        %parallel_loop3A_265 = arith.index_cast %parallel_loop3A_264 : i32 to index
        %parallel_loop3A_266 = tpu.vector_load %arg10[%parallel_loop3A_265] {strides = array<i32>} : memref<8224xf32, #tpu.memory_space<vmem>>, vector<16xf32>,
        tpu.vector_store %arg10[%parallel_loop3A_265], %parallel_loop3A_262 {strides = array<i32>} : memref<8224xf32, #tpu.memory_space<vmem>>, vector<16xf32>,
        %parallel_loop3A_267 = vector.extract_strided_slice %parallel_loop3A_167 {offsets = [1], sizes = [1], strides = [1]} : vector<16xi32> to vector<1xi32>
        %parallel_loop3A_268 = vector.extract %parallel_loop3A_267[0] : i32 from vector<1xi32>
        %parallel_loop3A_269 = vector.extract_strided_slice %parallel_loop3A_176 {offsets = [3], sizes = [1], strides = [1]} : vector<16xi32> to vector<1xi32>
        %parallel_loop3A_270 = vector.extract %parallel_loop3A_269[0] : i32 from vector<1xi32>
        %parallel_loop3A_271 = vector.extract_strided_slice %parallel_loop3A_176 {offsets = [4], sizes = [1], strides = [1]} : vector<16xi32> to vector<1xi32>
        %parallel_loop3A_272 = vector.extract %parallel_loop3A_271[0] : i32 from vector<1xi32>
        %parallel_loop3A_273 = vector.extract_strided_slice %parallel_loop3A_176 {offsets = [5], sizes = [1], strides = [1]} : vector<16xi32> to vector<1xi32>
        %parallel_loop3A_274 = vector.extract %parallel_loop3A_273[0] : i32 from vector<1xi32>
        %parallel_loop3A_275 = arith.constant 32 : i32
        %parallel_loop3A_276 = arith.addi %parallel_loop3A_204, %parallel_loop3A_275 : i32
        %parallel_loop3A_277 = arith.constant 0 : i32
        %parallel_loop3A_278 = arith.addi %parallel_loop3A_268, %parallel_loop3A_277 : i32
        %parallel_loop3A_279 = arith.index_cast %parallel_loop3A_278 : i32 to index
        %parallel_loop3A_280 = tpu.vector_load %arg8[%parallel_loop3A_279] {strides = array<i32>} : memref<16384xf32, #tpu.memory_space<vmem>>, vector<16xf32>,
        %parallel_loop3A_281 = arith.constant 0 : i32
        %parallel_loop3A_282 = arith.addi %parallel_loop3A_270, %parallel_loop3A_281 : i32
        %parallel_loop3A_283 = arith.index_cast %parallel_loop3A_282 : i32 to index
        %parallel_loop3A_284 = tpu.vector_load %arg9[%parallel_loop3A_283] {strides = array<i32>} : memref<49152xf32, #tpu.memory_space<vmem>>, vector<16xf32>,
        %parallel_loop3A_285 = arith.constant 0 : i32
        %parallel_loop3A_286 = arith.addi %parallel_loop3A_272, %parallel_loop3A_285 : i32
        %parallel_loop3A_287 = arith.index_cast %parallel_loop3A_286 : i32 to index
        %parallel_loop3A_288 = tpu.vector_load %arg9[%parallel_loop3A_287] {strides = array<i32>} : memref<49152xf32, #tpu.memory_space<vmem>>, vector<16xf32>,
        %parallel_loop3A_289 = arith.addf %parallel_loop3A_284, %parallel_loop3A_288 : vector<16xf32>
        %parallel_loop3A_290 = arith.constant 0 : i32
        %parallel_loop3A_291 = arith.addi %parallel_loop3A_274, %parallel_loop3A_290 : i32
        %parallel_loop3A_292 = arith.index_cast %parallel_loop3A_291 : i32 to index
        %parallel_loop3A_293 = tpu.vector_load %arg9[%parallel_loop3A_292] {strides = array<i32>} : memref<49152xf32, #tpu.memory_space<vmem>>, vector<16xf32>,
        %parallel_loop3A_294 = arith.addf %parallel_loop3A_289, %parallel_loop3A_293 : vector<16xf32>
        %parallel_loop3A_295 = arith.constant 0.333333343 : f32
        %parallel_loop3A_296 = vector.broadcast %parallel_loop3A_295 : f32 to vector<16xf32>
        %parallel_loop3A_297 = arith.mulf %parallel_loop3A_294, %parallel_loop3A_296 : vector<16xf32>
        %parallel_loop3A_298 = arith.addf %parallel_loop3A_280, %parallel_loop3A_297 : vector<16xf32>
        %parallel_loop3A_299 = arith.constant 0 : i32
        %parallel_loop3A_300 = arith.addi %parallel_loop3A_276, %parallel_loop3A_299 : i32
        %parallel_loop3A_301 = arith.index_cast %parallel_loop3A_300 : i32 to index
        %parallel_loop3A_302 = tpu.vector_load %arg10[%parallel_loop3A_301] {strides = array<i32>} : memref<8224xf32, #tpu.memory_space<vmem>>, vector<16xf32>,
        tpu.vector_store %arg10[%parallel_loop3A_301], %parallel_loop3A_298 {strides = array<i32>} : memref<8224xf32, #tpu.memory_space<vmem>>, vector<16xf32>,
        %parallel_loop3A_303 = arith.constant 16 : i32
        %parallel_loop3A_304 = arith.addi %parallel_loop3A_268, %parallel_loop3A_303 : i32
        %parallel_loop3A_305 = arith.index_cast %parallel_loop3A_304 : i32 to index
        %parallel_loop3A_306 = tpu.vector_load %arg8[%parallel_loop3A_305] {strides = array<i32>} : memref<16384xf32, #tpu.memory_space<vmem>>, vector<16xf32>,
        %parallel_loop3A_307 = arith.constant 16 : i32
        %parallel_loop3A_308 = arith.addi %parallel_loop3A_270, %parallel_loop3A_307 : i32
        %parallel_loop3A_309 = arith.index_cast %parallel_loop3A_308 : i32 to index
        %parallel_loop3A_310 = tpu.vector_load %arg9[%parallel_loop3A_309] {strides = array<i32>} : memref<49152xf32, #tpu.memory_space<vmem>>, vector<16xf32>,
        %parallel_loop3A_311 = arith.constant 16 : i32
        %parallel_loop3A_312 = arith.addi %parallel_loop3A_272, %parallel_loop3A_311 : i32
        %parallel_loop3A_313 = arith.index_cast %parallel_loop3A_312 : i32 to index
        %parallel_loop3A_314 = tpu.vector_load %arg9[%parallel_loop3A_313] {strides = array<i32>} : memref<49152xf32, #tpu.memory_space<vmem>>, vector<16xf32>,
        %parallel_loop3A_315 = arith.addf %parallel_loop3A_310, %parallel_loop3A_314 : vector<16xf32>
        %parallel_loop3A_316 = arith.constant 16 : i32
        %parallel_loop3A_317 = arith.addi %parallel_loop3A_274, %parallel_loop3A_316 : i32
        %parallel_loop3A_318 = arith.index_cast %parallel_loop3A_317 : i32 to index
        %parallel_loop3A_319 = tpu.vector_load %arg9[%parallel_loop3A_318] {strides = array<i32>} : memref<49152xf32, #tpu.memory_space<vmem>>, vector<16xf32>,
        %parallel_loop3A_320 = arith.addf %parallel_loop3A_315, %parallel_loop3A_319 : vector<16xf32>
        %parallel_loop3A_321 = arith.constant 0.333333343 : f32
        %parallel_loop3A_322 = vector.broadcast %parallel_loop3A_321 : f32 to vector<16xf32>
        %parallel_loop3A_323 = arith.mulf %parallel_loop3A_320, %parallel_loop3A_322 : vector<16xf32>
        %parallel_loop3A_324 = arith.addf %parallel_loop3A_306, %parallel_loop3A_323 : vector<16xf32>
        %parallel_loop3A_325 = arith.constant 16 : i32
        %parallel_loop3A_326 = arith.addi %parallel_loop3A_276, %parallel_loop3A_325 : i32
        %parallel_loop3A_327 = arith.index_cast %parallel_loop3A_326 : i32 to index
        %parallel_loop3A_328 = tpu.vector_load %arg10[%parallel_loop3A_327] {strides = array<i32>} : memref<8224xf32, #tpu.memory_space<vmem>>, vector<16xf32>,
        tpu.vector_store %arg10[%parallel_loop3A_327], %parallel_loop3A_324 {strides = array<i32>} : memref<8224xf32, #tpu.memory_space<vmem>>, vector<16xf32>,
        %parallel_loop3A_329 = vector.extract_strided_slice %parallel_loop3A_167 {offsets = [2], sizes = [1], strides = [1]} : vector<16xi32> to vector<1xi32>
        %parallel_loop3A_330 = vector.extract %parallel_loop3A_329[0] : i32 from vector<1xi32>
        %parallel_loop3A_331 = vector.extract_strided_slice %parallel_loop3A_176 {offsets = [6], sizes = [1], strides = [1]} : vector<16xi32> to vector<1xi32>
        %parallel_loop3A_332 = vector.extract %parallel_loop3A_331[0] : i32 from vector<1xi32>
        %parallel_loop3A_333 = vector.extract_strided_slice %parallel_loop3A_176 {offsets = [7], sizes = [1], strides = [1]} : vector<16xi32> to vector<1xi32>
        %parallel_loop3A_334 = vector.extract %parallel_loop3A_333[0] : i32 from vector<1xi32>
        %parallel_loop3A_335 = vector.extract_strided_slice %parallel_loop3A_176 {offsets = [8], sizes = [1], strides = [1]} : vector<16xi32> to vector<1xi32>
        %parallel_loop3A_336 = vector.extract %parallel_loop3A_335[0] : i32 from vector<1xi32>
        %parallel_loop3A_337 = arith.constant 64 : i32
        %parallel_loop3A_338 = arith.addi %parallel_loop3A_204, %parallel_loop3A_337 : i32
        %parallel_loop3A_339 = arith.constant 0 : i32
        %parallel_loop3A_340 = arith.addi %parallel_loop3A_330, %parallel_loop3A_339 : i32
        %parallel_loop3A_341 = arith.index_cast %parallel_loop3A_340 : i32 to index
        %parallel_loop3A_342 = tpu.vector_load %arg8[%parallel_loop3A_341] {strides = array<i32>} : memref<16384xf32, #tpu.memory_space<vmem>>, vector<16xf32>,
        %parallel_loop3A_343 = arith.constant 0 : i32
        %parallel_loop3A_344 = arith.addi %parallel_loop3A_332, %parallel_loop3A_343 : i32
        %parallel_loop3A_345 = arith.index_cast %parallel_loop3A_344 : i32 to index
        %parallel_loop3A_346 = tpu.vector_load %arg9[%parallel_loop3A_345] {strides = array<i32>} : memref<49152xf32, #tpu.memory_space<vmem>>, vector<16xf32>,
        %parallel_loop3A_347 = arith.constant 0 : i32
        %parallel_loop3A_348 = arith.addi %parallel_loop3A_334, %parallel_loop3A_347 : i32
        %parallel_loop3A_349 = arith.index_cast %parallel_loop3A_348 : i32 to index
        %parallel_loop3A_350 = tpu.vector_load %arg9[%parallel_loop3A_349] {strides = array<i32>} : memref<49152xf32, #tpu.memory_space<vmem>>, vector<16xf32>,
        %parallel_loop3A_351 = arith.addf %parallel_loop3A_346, %parallel_loop3A_350 : vector<16xf32>
        %parallel_loop3A_352 = arith.constant 0 : i32
        %parallel_loop3A_353 = arith.addi %parallel_loop3A_336, %parallel_loop3A_352 : i32
        %parallel_loop3A_354 = arith.index_cast %parallel_loop3A_353 : i32 to index
        %parallel_loop3A_355 = tpu.vector_load %arg9[%parallel_loop3A_354] {strides = array<i32>} : memref<49152xf32, #tpu.memory_space<vmem>>, vector<16xf32>,
        %parallel_loop3A_356 = arith.addf %parallel_loop3A_351, %parallel_loop3A_355 : vector<16xf32>
        %parallel_loop3A_357 = arith.constant 0.333333343 : f32
        %parallel_loop3A_358 = vector.broadcast %parallel_loop3A_357 : f32 to vector<16xf32>
        %parallel_loop3A_359 = arith.mulf %parallel_loop3A_356, %parallel_loop3A_358 : vector<16xf32>
        %parallel_loop3A_360 = arith.addf %parallel_loop3A_342, %parallel_loop3A_359 : vector<16xf32>
        %parallel_loop3A_361 = arith.constant 0 : i32
        %parallel_loop3A_362 = arith.addi %parallel_loop3A_338, %parallel_loop3A_361 : i32
        %parallel_loop3A_363 = arith.index_cast %parallel_loop3A_362 : i32 to index
        %parallel_loop3A_364 = tpu.vector_load %arg10[%parallel_loop3A_363] {strides = array<i32>} : memref<8224xf32, #tpu.memory_space<vmem>>, vector<16xf32>,
        tpu.vector_store %arg10[%parallel_loop3A_363], %parallel_loop3A_360 {strides = array<i32>} : memref<8224xf32, #tpu.memory_space<vmem>>, vector<16xf32>,
        %parallel_loop3A_365 = arith.constant 16 : i32
        %parallel_loop3A_366 = arith.addi %parallel_loop3A_330, %parallel_loop3A_365 : i32
        %parallel_loop3A_367 = arith.index_cast %parallel_loop3A_366 : i32 to index
        %parallel_loop3A_368 = tpu.vector_load %arg8[%parallel_loop3A_367] {strides = array<i32>} : memref<16384xf32, #tpu.memory_space<vmem>>, vector<16xf32>,
        %parallel_loop3A_369 = arith.constant 16 : i32
        %parallel_loop3A_370 = arith.addi %parallel_loop3A_332, %parallel_loop3A_369 : i32
        %parallel_loop3A_371 = arith.index_cast %parallel_loop3A_370 : i32 to index
        %parallel_loop3A_372 = tpu.vector_load %arg9[%parallel_loop3A_371] {strides = array<i32>} : memref<49152xf32, #tpu.memory_space<vmem>>, vector<16xf32>,
        %parallel_loop3A_373 = arith.constant 16 : i32
        %parallel_loop3A_374 = arith.addi %parallel_loop3A_334, %parallel_loop3A_373 : i32
        %parallel_loop3A_375 = arith.index_cast %parallel_loop3A_374 : i32 to index
        %parallel_loop3A_376 = tpu.vector_load %arg9[%parallel_loop3A_375] {strides = array<i32>} : memref<49152xf32, #tpu.memory_space<vmem>>, vector<16xf32>,
        %parallel_loop3A_377 = arith.addf %parallel_loop3A_372, %parallel_loop3A_376 : vector<16xf32>
        %parallel_loop3A_378 = arith.constant 16 : i32
        %parallel_loop3A_379 = arith.addi %parallel_loop3A_336, %parallel_loop3A_378 : i32
        %parallel_loop3A_380 = arith.index_cast %parallel_loop3A_379 : i32 to index
        %parallel_loop3A_381 = tpu.vector_load %arg9[%parallel_loop3A_380] {strides = array<i32>} : memref<49152xf32, #tpu.memory_space<vmem>>, vector<16xf32>,
        %parallel_loop3A_382 = arith.addf %parallel_loop3A_377, %parallel_loop3A_381 : vector<16xf32>
        %parallel_loop3A_383 = arith.constant 0.333333343 : f32
        %parallel_loop3A_384 = vector.broadcast %parallel_loop3A_383 : f32 to vector<16xf32>
        %parallel_loop3A_385 = arith.mulf %parallel_loop3A_382, %parallel_loop3A_384 : vector<16xf32>
        %parallel_loop3A_386 = arith.addf %parallel_loop3A_368, %parallel_loop3A_385 : vector<16xf32>
        %parallel_loop3A_387 = arith.constant 16 : i32
        %parallel_loop3A_388 = arith.addi %parallel_loop3A_338, %parallel_loop3A_387 : i32
        %parallel_loop3A_389 = arith.index_cast %parallel_loop3A_388 : i32 to index
        %parallel_loop3A_390 = tpu.vector_load %arg10[%parallel_loop3A_389] {strides = array<i32>} : memref<8224xf32, #tpu.memory_space<vmem>>, vector<16xf32>,
        tpu.vector_store %arg10[%parallel_loop3A_389], %parallel_loop3A_386 {strides = array<i32>} : memref<8224xf32, #tpu.memory_space<vmem>>, vector<16xf32>,
        %parallel_loop3A_391 = vector.extract_strided_slice %parallel_loop3A_167 {offsets = [3], sizes = [1], strides = [1]} : vector<16xi32> to vector<1xi32>
        %parallel_loop3A_392 = vector.extract %parallel_loop3A_391[0] : i32 from vector<1xi32>
        %parallel_loop3A_393 = vector.extract_strided_slice %parallel_loop3A_176 {offsets = [9], sizes = [1], strides = [1]} : vector<16xi32> to vector<1xi32>
        %parallel_loop3A_394 = vector.extract %parallel_loop3A_393[0] : i32 from vector<1xi32>
        %parallel_loop3A_395 = vector.extract_strided_slice %parallel_loop3A_176 {offsets = [10], sizes = [1], strides = [1]} : vector<16xi32> to vector<1xi32>
        %parallel_loop3A_396 = vector.extract %parallel_loop3A_395[0] : i32 from vector<1xi32>
        %parallel_loop3A_397 = vector.extract_strided_slice %parallel_loop3A_176 {offsets = [11], sizes = [1], strides = [1]} : vector<16xi32> to vector<1xi32>
        %parallel_loop3A_398 = vector.extract %parallel_loop3A_397[0] : i32 from vector<1xi32>
        %parallel_loop3A_399 = arith.constant 96 : i32
        %parallel_loop3A_400 = arith.addi %parallel_loop3A_204, %parallel_loop3A_399 : i32
        %parallel_loop3A_401 = arith.constant 0 : i32
        %parallel_loop3A_402 = arith.addi %parallel_loop3A_392, %parallel_loop3A_401 : i32
        %parallel_loop3A_403 = arith.index_cast %parallel_loop3A_402 : i32 to index
        %parallel_loop3A_404 = tpu.vector_load %arg8[%parallel_loop3A_403] {strides = array<i32>} : memref<16384xf32, #tpu.memory_space<vmem>>, vector<16xf32>,
        %parallel_loop3A_405 = arith.constant 0 : i32
        %parallel_loop3A_406 = arith.addi %parallel_loop3A_394, %parallel_loop3A_405 : i32
        %parallel_loop3A_407 = arith.index_cast %parallel_loop3A_406 : i32 to index
        %parallel_loop3A_408 = tpu.vector_load %arg9[%parallel_loop3A_407] {strides = array<i32>} : memref<49152xf32, #tpu.memory_space<vmem>>, vector<16xf32>,
        %parallel_loop3A_409 = arith.constant 0 : i32
        %parallel_loop3A_410 = arith.addi %parallel_loop3A_396, %parallel_loop3A_409 : i32
        %parallel_loop3A_411 = arith.index_cast %parallel_loop3A_410 : i32 to index
        %parallel_loop3A_412 = tpu.vector_load %arg9[%parallel_loop3A_411] {strides = array<i32>} : memref<49152xf32, #tpu.memory_space<vmem>>, vector<16xf32>,
        %parallel_loop3A_413 = arith.addf %parallel_loop3A_408, %parallel_loop3A_412 : vector<16xf32>
        %parallel_loop3A_414 = arith.constant 0 : i32
        %parallel_loop3A_415 = arith.addi %parallel_loop3A_398, %parallel_loop3A_414 : i32
        %parallel_loop3A_416 = arith.index_cast %parallel_loop3A_415 : i32 to index
        %parallel_loop3A_417 = tpu.vector_load %arg9[%parallel_loop3A_416] {strides = array<i32>} : memref<49152xf32, #tpu.memory_space<vmem>>, vector<16xf32>,
        %parallel_loop3A_418 = arith.addf %parallel_loop3A_413, %parallel_loop3A_417 : vector<16xf32>
        %parallel_loop3A_419 = arith.constant 0.333333343 : f32
        %parallel_loop3A_420 = vector.broadcast %parallel_loop3A_419 : f32 to vector<16xf32>
        %parallel_loop3A_421 = arith.mulf %parallel_loop3A_418, %parallel_loop3A_420 : vector<16xf32>
        %parallel_loop3A_422 = arith.addf %parallel_loop3A_404, %parallel_loop3A_421 : vector<16xf32>
        %parallel_loop3A_423 = arith.constant 0 : i32
        %parallel_loop3A_424 = arith.addi %parallel_loop3A_400, %parallel_loop3A_423 : i32
        %parallel_loop3A_425 = arith.index_cast %parallel_loop3A_424 : i32 to index
        %parallel_loop3A_426 = tpu.vector_load %arg10[%parallel_loop3A_425] {strides = array<i32>} : memref<8224xf32, #tpu.memory_space<vmem>>, vector<16xf32>,
        tpu.vector_store %arg10[%parallel_loop3A_425], %parallel_loop3A_422 {strides = array<i32>} : memref<8224xf32, #tpu.memory_space<vmem>>, vector<16xf32>,
        %parallel_loop3A_427 = arith.constant 16 : i32
        %parallel_loop3A_428 = arith.addi %parallel_loop3A_392, %parallel_loop3A_427 : i32
        %parallel_loop3A_429 = arith.index_cast %parallel_loop3A_428 : i32 to index
        %parallel_loop3A_430 = tpu.vector_load %arg8[%parallel_loop3A_429] {strides = array<i32>} : memref<16384xf32, #tpu.memory_space<vmem>>, vector<16xf32>,
        %parallel_loop3A_431 = arith.constant 16 : i32
        %parallel_loop3A_432 = arith.addi %parallel_loop3A_394, %parallel_loop3A_431 : i32
        %parallel_loop3A_433 = arith.index_cast %parallel_loop3A_432 : i32 to index
        %parallel_loop3A_434 = tpu.vector_load %arg9[%parallel_loop3A_433] {strides = array<i32>} : memref<49152xf32, #tpu.memory_space<vmem>>, vector<16xf32>,
        %parallel_loop3A_435 = arith.constant 16 : i32
        %parallel_loop3A_436 = arith.addi %parallel_loop3A_396, %parallel_loop3A_435 : i32
        %parallel_loop3A_437 = arith.index_cast %parallel_loop3A_436 : i32 to index
        %parallel_loop3A_438 = tpu.vector_load %arg9[%parallel_loop3A_437] {strides = array<i32>} : memref<49152xf32, #tpu.memory_space<vmem>>, vector<16xf32>,
        %parallel_loop3A_439 = arith.addf %parallel_loop3A_434, %parallel_loop3A_438 : vector<16xf32>
        %parallel_loop3A_440 = arith.constant 16 : i32
        %parallel_loop3A_441 = arith.addi %parallel_loop3A_398, %parallel_loop3A_440 : i32
        %parallel_loop3A_442 = arith.index_cast %parallel_loop3A_441 : i32 to index
        %parallel_loop3A_443 = tpu.vector_load %arg9[%parallel_loop3A_442] {strides = array<i32>} : memref<49152xf32, #tpu.memory_space<vmem>>, vector<16xf32>,
        %parallel_loop3A_444 = arith.addf %parallel_loop3A_439, %parallel_loop3A_443 : vector<16xf32>
        %parallel_loop3A_445 = arith.constant 0.333333343 : f32
        %parallel_loop3A_446 = vector.broadcast %parallel_loop3A_445 : f32 to vector<16xf32>
        %parallel_loop3A_447 = arith.mulf %parallel_loop3A_444, %parallel_loop3A_446 : vector<16xf32>
        %parallel_loop3A_448 = arith.addf %parallel_loop3A_430, %parallel_loop3A_447 : vector<16xf32>
        %parallel_loop3A_449 = arith.constant 16 : i32
        %parallel_loop3A_450 = arith.addi %parallel_loop3A_400, %parallel_loop3A_449 : i32
        %parallel_loop3A_451 = arith.index_cast %parallel_loop3A_450 : i32 to index
        %parallel_loop3A_452 = tpu.vector_load %arg10[%parallel_loop3A_451] {strides = array<i32>} : memref<8224xf32, #tpu.memory_space<vmem>>, vector<16xf32>,
        tpu.vector_store %arg10[%parallel_loop3A_451], %parallel_loop3A_448 {strides = array<i32>} : memref<8224xf32, #tpu.memory_space<vmem>>, vector<16xf32>,
        %parallel_loop3A_453 = vector.extract_strided_slice %parallel_loop3A_167 {offsets = [4], sizes = [1], strides = [1]} : vector<16xi32> to vector<1xi32>
        %parallel_loop3A_454 = vector.extract %parallel_loop3A_453[0] : i32 from vector<1xi32>
        %parallel_loop3A_455 = vector.extract_strided_slice %parallel_loop3A_176 {offsets = [12], sizes = [1], strides = [1]} : vector<16xi32> to vector<1xi32>
        %parallel_loop3A_456 = vector.extract %parallel_loop3A_455[0] : i32 from vector<1xi32>
        %parallel_loop3A_457 = vector.extract_strided_slice %parallel_loop3A_176 {offsets = [13], sizes = [1], strides = [1]} : vector<16xi32> to vector<1xi32>
        %parallel_loop3A_458 = vector.extract %parallel_loop3A_457[0] : i32 from vector<1xi32>
        %parallel_loop3A_459 = vector.extract_strided_slice %parallel_loop3A_176 {offsets = [14], sizes = [1], strides = [1]} : vector<16xi32> to vector<1xi32>
        %parallel_loop3A_460 = vector.extract %parallel_loop3A_459[0] : i32 from vector<1xi32>
        %parallel_loop3A_461 = arith.constant 128 : i32
        %parallel_loop3A_462 = arith.addi %parallel_loop3A_204, %parallel_loop3A_461 : i32
        %parallel_loop3A_463 = arith.constant 0 : i32
        %parallel_loop3A_464 = arith.addi %parallel_loop3A_454, %parallel_loop3A_463 : i32
        %parallel_loop3A_465 = arith.index_cast %parallel_loop3A_464 : i32 to index
        %parallel_loop3A_466 = tpu.vector_load %arg8[%parallel_loop3A_465] {strides = array<i32>} : memref<16384xf32, #tpu.memory_space<vmem>>, vector<16xf32>,
        %parallel_loop3A_467 = arith.constant 0 : i32
        %parallel_loop3A_468 = arith.addi %parallel_loop3A_456, %parallel_loop3A_467 : i32
        %parallel_loop3A_469 = arith.index_cast %parallel_loop3A_468 : i32 to index
        %parallel_loop3A_470 = tpu.vector_load %arg9[%parallel_loop3A_469] {strides = array<i32>} : memref<49152xf32, #tpu.memory_space<vmem>>, vector<16xf32>,
        %parallel_loop3A_471 = arith.constant 0 : i32
        %parallel_loop3A_472 = arith.addi %parallel_loop3A_458, %parallel_loop3A_471 : i32
        %parallel_loop3A_473 = arith.index_cast %parallel_loop3A_472 : i32 to index
        %parallel_loop3A_474 = tpu.vector_load %arg9[%parallel_loop3A_473] {strides = array<i32>} : memref<49152xf32, #tpu.memory_space<vmem>>, vector<16xf32>,
        %parallel_loop3A_475 = arith.addf %parallel_loop3A_470, %parallel_loop3A_474 : vector<16xf32>
        %parallel_loop3A_476 = arith.constant 0 : i32
        %parallel_loop3A_477 = arith.addi %parallel_loop3A_460, %parallel_loop3A_476 : i32
        %parallel_loop3A_478 = arith.index_cast %parallel_loop3A_477 : i32 to index
        %parallel_loop3A_479 = tpu.vector_load %arg9[%parallel_loop3A_478] {strides = array<i32>} : memref<49152xf32, #tpu.memory_space<vmem>>, vector<16xf32>,
        %parallel_loop3A_480 = arith.addf %parallel_loop3A_475, %parallel_loop3A_479 : vector<16xf32>
        %parallel_loop3A_481 = arith.constant 0.333333343 : f32
        %parallel_loop3A_482 = vector.broadcast %parallel_loop3A_481 : f32 to vector<16xf32>
        %parallel_loop3A_483 = arith.mulf %parallel_loop3A_480, %parallel_loop3A_482 : vector<16xf32>
        %parallel_loop3A_484 = arith.addf %parallel_loop3A_466, %parallel_loop3A_483 : vector<16xf32>
        %parallel_loop3A_485 = arith.constant 0 : i32
        %parallel_loop3A_486 = arith.addi %parallel_loop3A_462, %parallel_loop3A_485 : i32
        %parallel_loop3A_487 = arith.index_cast %parallel_loop3A_486 : i32 to index
        %parallel_loop3A_488 = tpu.vector_load %arg10[%parallel_loop3A_487] {strides = array<i32>} : memref<8224xf32, #tpu.memory_space<vmem>>, vector<16xf32>,
        tpu.vector_store %arg10[%parallel_loop3A_487], %parallel_loop3A_484 {strides = array<i32>} : memref<8224xf32, #tpu.memory_space<vmem>>, vector<16xf32>,
        %parallel_loop3A_489 = arith.constant 16 : i32
        %parallel_loop3A_490 = arith.addi %parallel_loop3A_454, %parallel_loop3A_489 : i32
        %parallel_loop3A_491 = arith.index_cast %parallel_loop3A_490 : i32 to index
        %parallel_loop3A_492 = tpu.vector_load %arg8[%parallel_loop3A_491] {strides = array<i32>} : memref<16384xf32, #tpu.memory_space<vmem>>, vector<16xf32>,
        %parallel_loop3A_493 = arith.constant 16 : i32
        %parallel_loop3A_494 = arith.addi %parallel_loop3A_456, %parallel_loop3A_493 : i32
        %parallel_loop3A_495 = arith.index_cast %parallel_loop3A_494 : i32 to index
        %parallel_loop3A_496 = tpu.vector_load %arg9[%parallel_loop3A_495] {strides = array<i32>} : memref<49152xf32, #tpu.memory_space<vmem>>, vector<16xf32>,
        %parallel_loop3A_497 = arith.constant 16 : i32
        %parallel_loop3A_498 = arith.addi %parallel_loop3A_458, %parallel_loop3A_497 : i32
        %parallel_loop3A_499 = arith.index_cast %parallel_loop3A_498 : i32 to index
        %parallel_loop3A_500 = tpu.vector_load %arg9[%parallel_loop3A_499] {strides = array<i32>} : memref<49152xf32, #tpu.memory_space<vmem>>, vector<16xf32>,
        %parallel_loop3A_501 = arith.addf %parallel_loop3A_496, %parallel_loop3A_500 : vector<16xf32>
        %parallel_loop3A_502 = arith.constant 16 : i32
        %parallel_loop3A_503 = arith.addi %parallel_loop3A_460, %parallel_loop3A_502 : i32
        %parallel_loop3A_504 = arith.index_cast %parallel_loop3A_503 : i32 to index
        %parallel_loop3A_505 = tpu.vector_load %arg9[%parallel_loop3A_504] {strides = array<i32>} : memref<49152xf32, #tpu.memory_space<vmem>>, vector<16xf32>,
        %parallel_loop3A_506 = arith.addf %parallel_loop3A_501, %parallel_loop3A_505 : vector<16xf32>
        %parallel_loop3A_507 = arith.constant 0.333333343 : f32
        %parallel_loop3A_508 = vector.broadcast %parallel_loop3A_507 : f32 to vector<16xf32>
        %parallel_loop3A_509 = arith.mulf %parallel_loop3A_506, %parallel_loop3A_508 : vector<16xf32>
        %parallel_loop3A_510 = arith.addf %parallel_loop3A_492, %parallel_loop3A_509 : vector<16xf32>
        %parallel_loop3A_511 = arith.constant 16 : i32
        %parallel_loop3A_512 = arith.addi %parallel_loop3A_462, %parallel_loop3A_511 : i32
        %parallel_loop3A_513 = arith.index_cast %parallel_loop3A_512 : i32 to index
        %parallel_loop3A_514 = tpu.vector_load %arg10[%parallel_loop3A_513] {strides = array<i32>} : memref<8224xf32, #tpu.memory_space<vmem>>, vector<16xf32>,
        tpu.vector_store %arg10[%parallel_loop3A_513], %parallel_loop3A_510 {strides = array<i32>} : memref<8224xf32, #tpu.memory_space<vmem>>, vector<16xf32>,
        %parallel_loop3A_515 = vector.extract_strided_slice %parallel_loop3A_167 {offsets = [5], sizes = [1], strides = [1]} : vector<16xi32> to vector<1xi32>
        %parallel_loop3A_516 = vector.extract %parallel_loop3A_515[0] : i32 from vector<1xi32>
        %parallel_loop3A_517 = vector.extract_strided_slice %parallel_loop3A_176 {offsets = [15], sizes = [1], strides = [1]} : vector<16xi32> to vector<1xi32>
        %parallel_loop3A_518 = vector.extract %parallel_loop3A_517[0] : i32 from vector<1xi32>
        %parallel_loop3A_519 = vector.extract_strided_slice %parallel_loop3A_187 {offsets = [0], sizes = [1], strides = [1]} : vector<16xi32> to vector<1xi32>
        %parallel_loop3A_520 = vector.extract %parallel_loop3A_519[0] : i32 from vector<1xi32>
        %parallel_loop3A_521 = vector.extract_strided_slice %parallel_loop3A_187 {offsets = [1], sizes = [1], strides = [1]} : vector<16xi32> to vector<1xi32>
        %parallel_loop3A_522 = vector.extract %parallel_loop3A_521[0] : i32 from vector<1xi32>
        %parallel_loop3A_523 = arith.constant 160 : i32
        %parallel_loop3A_524 = arith.addi %parallel_loop3A_204, %parallel_loop3A_523 : i32
        %parallel_loop3A_525 = arith.constant 0 : i32
        %parallel_loop3A_526 = arith.addi %parallel_loop3A_516, %parallel_loop3A_525 : i32
        %parallel_loop3A_527 = arith.index_cast %parallel_loop3A_526 : i32 to index
        %parallel_loop3A_528 = tpu.vector_load %arg8[%parallel_loop3A_527] {strides = array<i32>} : memref<16384xf32, #tpu.memory_space<vmem>>, vector<16xf32>,
        %parallel_loop3A_529 = arith.constant 0 : i32
        %parallel_loop3A_530 = arith.addi %parallel_loop3A_518, %parallel_loop3A_529 : i32
        %parallel_loop3A_531 = arith.index_cast %parallel_loop3A_530 : i32 to index
        %parallel_loop3A_532 = tpu.vector_load %arg9[%parallel_loop3A_531] {strides = array<i32>} : memref<49152xf32, #tpu.memory_space<vmem>>, vector<16xf32>,
        %parallel_loop3A_533 = arith.constant 0 : i32
        %parallel_loop3A_534 = arith.addi %parallel_loop3A_520, %parallel_loop3A_533 : i32
        %parallel_loop3A_535 = arith.index_cast %parallel_loop3A_534 : i32 to index
        %parallel_loop3A_536 = tpu.vector_load %arg9[%parallel_loop3A_535] {strides = array<i32>} : memref<49152xf32, #tpu.memory_space<vmem>>, vector<16xf32>,
        %parallel_loop3A_537 = arith.addf %parallel_loop3A_532, %parallel_loop3A_536 : vector<16xf32>
        %parallel_loop3A_538 = arith.constant 0 : i32
        %parallel_loop3A_539 = arith.addi %parallel_loop3A_522, %parallel_loop3A_538 : i32
        %parallel_loop3A_540 = arith.index_cast %parallel_loop3A_539 : i32 to index
        %parallel_loop3A_541 = tpu.vector_load %arg9[%parallel_loop3A_540] {strides = array<i32>} : memref<49152xf32, #tpu.memory_space<vmem>>, vector<16xf32>,
        %parallel_loop3A_542 = arith.addf %parallel_loop3A_537, %parallel_loop3A_541 : vector<16xf32>
        %parallel_loop3A_543 = arith.constant 0.333333343 : f32
        %parallel_loop3A_544 = vector.broadcast %parallel_loop3A_543 : f32 to vector<16xf32>
        %parallel_loop3A_545 = arith.mulf %parallel_loop3A_542, %parallel_loop3A_544 : vector<16xf32>
        %parallel_loop3A_546 = arith.addf %parallel_loop3A_528, %parallel_loop3A_545 : vector<16xf32>
        %parallel_loop3A_547 = arith.constant 0 : i32
        %parallel_loop3A_548 = arith.addi %parallel_loop3A_524, %parallel_loop3A_547 : i32
        %parallel_loop3A_549 = arith.index_cast %parallel_loop3A_548 : i32 to index
        %parallel_loop3A_550 = tpu.vector_load %arg10[%parallel_loop3A_549] {strides = array<i32>} : memref<8224xf32, #tpu.memory_space<vmem>>, vector<16xf32>,
        tpu.vector_store %arg10[%parallel_loop3A_549], %parallel_loop3A_546 {strides = array<i32>} : memref<8224xf32, #tpu.memory_space<vmem>>, vector<16xf32>,
        %parallel_loop3A_551 = arith.constant 16 : i32
        %parallel_loop3A_552 = arith.addi %parallel_loop3A_516, %parallel_loop3A_551 : i32
        %parallel_loop3A_553 = arith.index_cast %parallel_loop3A_552 : i32 to index
        %parallel_loop3A_554 = tpu.vector_load %arg8[%parallel_loop3A_553] {strides = array<i32>} : memref<16384xf32, #tpu.memory_space<vmem>>, vector<16xf32>,
        %parallel_loop3A_555 = arith.constant 16 : i32
        %parallel_loop3A_556 = arith.addi %parallel_loop3A_518, %parallel_loop3A_555 : i32
        %parallel_loop3A_557 = arith.index_cast %parallel_loop3A_556 : i32 to index
        %parallel_loop3A_558 = tpu.vector_load %arg9[%parallel_loop3A_557] {strides = array<i32>} : memref<49152xf32, #tpu.memory_space<vmem>>, vector<16xf32>,
        %parallel_loop3A_559 = arith.constant 16 : i32
        %parallel_loop3A_560 = arith.addi %parallel_loop3A_520, %parallel_loop3A_559 : i32
        %parallel_loop3A_561 = arith.index_cast %parallel_loop3A_560 : i32 to index
        %parallel_loop3A_562 = tpu.vector_load %arg9[%parallel_loop3A_561] {strides = array<i32>} : memref<49152xf32, #tpu.memory_space<vmem>>, vector<16xf32>,
        %parallel_loop3A_563 = arith.addf %parallel_loop3A_558, %parallel_loop3A_562 : vector<16xf32>
        %parallel_loop3A_564 = arith.constant 16 : i32
        %parallel_loop3A_565 = arith.addi %parallel_loop3A_522, %parallel_loop3A_564 : i32
        %parallel_loop3A_566 = arith.index_cast %parallel_loop3A_565 : i32 to index
        %parallel_loop3A_567 = tpu.vector_load %arg9[%parallel_loop3A_566] {strides = array<i32>} : memref<49152xf32, #tpu.memory_space<vmem>>, vector<16xf32>,
        %parallel_loop3A_568 = arith.addf %parallel_loop3A_563, %parallel_loop3A_567 : vector<16xf32>
        %parallel_loop3A_569 = arith.constant 0.333333343 : f32
        %parallel_loop3A_570 = vector.broadcast %parallel_loop3A_569 : f32 to vector<16xf32>
        %parallel_loop3A_571 = arith.mulf %parallel_loop3A_568, %parallel_loop3A_570 : vector<16xf32>
        %parallel_loop3A_572 = arith.addf %parallel_loop3A_554, %parallel_loop3A_571 : vector<16xf32>
        %parallel_loop3A_573 = arith.constant 16 : i32
        %parallel_loop3A_574 = arith.addi %parallel_loop3A_524, %parallel_loop3A_573 : i32
        %parallel_loop3A_575 = arith.index_cast %parallel_loop3A_574 : i32 to index
        %parallel_loop3A_576 = tpu.vector_load %arg10[%parallel_loop3A_575] {strides = array<i32>} : memref<8224xf32, #tpu.memory_space<vmem>>, vector<16xf32>,
        tpu.vector_store %arg10[%parallel_loop3A_575], %parallel_loop3A_572 {strides = array<i32>} : memref<8224xf32, #tpu.memory_space<vmem>>, vector<16xf32>,
        %parallel_loop3A_577 = vector.extract_strided_slice %parallel_loop3A_167 {offsets = [6], sizes = [1], strides = [1]} : vector<16xi32> to vector<1xi32>
        %parallel_loop3A_578 = vector.extract %parallel_loop3A_577[0] : i32 from vector<1xi32>
        %parallel_loop3A_579 = vector.extract_strided_slice %parallel_loop3A_187 {offsets = [2], sizes = [1], strides = [1]} : vector<16xi32> to vector<1xi32>
        %parallel_loop3A_580 = vector.extract %parallel_loop3A_579[0] : i32 from vector<1xi32>
        %parallel_loop3A_581 = vector.extract_strided_slice %parallel_loop3A_187 {offsets = [3], sizes = [1], strides = [1]} : vector<16xi32> to vector<1xi32>
        %parallel_loop3A_582 = vector.extract %parallel_loop3A_581[0] : i32 from vector<1xi32>
        %parallel_loop3A_583 = vector.extract_strided_slice %parallel_loop3A_187 {offsets = [4], sizes = [1], strides = [1]} : vector<16xi32> to vector<1xi32>
        %parallel_loop3A_584 = vector.extract %parallel_loop3A_583[0] : i32 from vector<1xi32>
        %parallel_loop3A_585 = arith.constant 192 : i32
        %parallel_loop3A_586 = arith.addi %parallel_loop3A_204, %parallel_loop3A_585 : i32
        %parallel_loop3A_587 = arith.constant 0 : i32
        %parallel_loop3A_588 = arith.addi %parallel_loop3A_578, %parallel_loop3A_587 : i32
        %parallel_loop3A_589 = arith.index_cast %parallel_loop3A_588 : i32 to index
        %parallel_loop3A_590 = tpu.vector_load %arg8[%parallel_loop3A_589] {strides = array<i32>} : memref<16384xf32, #tpu.memory_space<vmem>>, vector<16xf32>,
        %parallel_loop3A_591 = arith.constant 0 : i32
        %parallel_loop3A_592 = arith.addi %parallel_loop3A_580, %parallel_loop3A_591 : i32
        %parallel_loop3A_593 = arith.index_cast %parallel_loop3A_592 : i32 to index
        %parallel_loop3A_594 = tpu.vector_load %arg9[%parallel_loop3A_593] {strides = array<i32>} : memref<49152xf32, #tpu.memory_space<vmem>>, vector<16xf32>,
        %parallel_loop3A_595 = arith.constant 0 : i32
        %parallel_loop3A_596 = arith.addi %parallel_loop3A_582, %parallel_loop3A_595 : i32
        %parallel_loop3A_597 = arith.index_cast %parallel_loop3A_596 : i32 to index
        %parallel_loop3A_598 = tpu.vector_load %arg9[%parallel_loop3A_597] {strides = array<i32>} : memref<49152xf32, #tpu.memory_space<vmem>>, vector<16xf32>,
        %parallel_loop3A_599 = arith.addf %parallel_loop3A_594, %parallel_loop3A_598 : vector<16xf32>
        %parallel_loop3A_600 = arith.constant 0 : i32
        %parallel_loop3A_601 = arith.addi %parallel_loop3A_584, %parallel_loop3A_600 : i32
        %parallel_loop3A_602 = arith.index_cast %parallel_loop3A_601 : i32 to index
        %parallel_loop3A_603 = tpu.vector_load %arg9[%parallel_loop3A_602] {strides = array<i32>} : memref<49152xf32, #tpu.memory_space<vmem>>, vector<16xf32>,
        %parallel_loop3A_604 = arith.addf %parallel_loop3A_599, %parallel_loop3A_603 : vector<16xf32>
        %parallel_loop3A_605 = arith.constant 0.333333343 : f32
        %parallel_loop3A_606 = vector.broadcast %parallel_loop3A_605 : f32 to vector<16xf32>
        %parallel_loop3A_607 = arith.mulf %parallel_loop3A_604, %parallel_loop3A_606 : vector<16xf32>
        %parallel_loop3A_608 = arith.addf %parallel_loop3A_590, %parallel_loop3A_607 : vector<16xf32>
        %parallel_loop3A_609 = arith.constant 0 : i32
        %parallel_loop3A_610 = arith.addi %parallel_loop3A_586, %parallel_loop3A_609 : i32
        %parallel_loop3A_611 = arith.index_cast %parallel_loop3A_610 : i32 to index
        %parallel_loop3A_612 = tpu.vector_load %arg10[%parallel_loop3A_611] {strides = array<i32>} : memref<8224xf32, #tpu.memory_space<vmem>>, vector<16xf32>,
        tpu.vector_store %arg10[%parallel_loop3A_611], %parallel_loop3A_608 {strides = array<i32>} : memref<8224xf32, #tpu.memory_space<vmem>>, vector<16xf32>,
        %parallel_loop3A_613 = arith.constant 16 : i32
        %parallel_loop3A_614 = arith.addi %parallel_loop3A_578, %parallel_loop3A_613 : i32
        %parallel_loop3A_615 = arith.index_cast %parallel_loop3A_614 : i32 to index
        %parallel_loop3A_616 = tpu.vector_load %arg8[%parallel_loop3A_615] {strides = array<i32>} : memref<16384xf32, #tpu.memory_space<vmem>>, vector<16xf32>,
        %parallel_loop3A_617 = arith.constant 16 : i32
        %parallel_loop3A_618 = arith.addi %parallel_loop3A_580, %parallel_loop3A_617 : i32
        %parallel_loop3A_619 = arith.index_cast %parallel_loop3A_618 : i32 to index
        %parallel_loop3A_620 = tpu.vector_load %arg9[%parallel_loop3A_619] {strides = array<i32>} : memref<49152xf32, #tpu.memory_space<vmem>>, vector<16xf32>,
        %parallel_loop3A_621 = arith.constant 16 : i32
        %parallel_loop3A_622 = arith.addi %parallel_loop3A_582, %parallel_loop3A_621 : i32
        %parallel_loop3A_623 = arith.index_cast %parallel_loop3A_622 : i32 to index
        %parallel_loop3A_624 = tpu.vector_load %arg9[%parallel_loop3A_623] {strides = array<i32>} : memref<49152xf32, #tpu.memory_space<vmem>>, vector<16xf32>,
        %parallel_loop3A_625 = arith.addf %parallel_loop3A_620, %parallel_loop3A_624 : vector<16xf32>
        %parallel_loop3A_626 = arith.constant 16 : i32
        %parallel_loop3A_627 = arith.addi %parallel_loop3A_584, %parallel_loop3A_626 : i32
        %parallel_loop3A_628 = arith.index_cast %parallel_loop3A_627 : i32 to index
        %parallel_loop3A_629 = tpu.vector_load %arg9[%parallel_loop3A_628] {strides = array<i32>} : memref<49152xf32, #tpu.memory_space<vmem>>, vector<16xf32>,
        %parallel_loop3A_630 = arith.addf %parallel_loop3A_625, %parallel_loop3A_629 : vector<16xf32>
        %parallel_loop3A_631 = arith.constant 0.333333343 : f32
        %parallel_loop3A_632 = vector.broadcast %parallel_loop3A_631 : f32 to vector<16xf32>
        %parallel_loop3A_633 = arith.mulf %parallel_loop3A_630, %parallel_loop3A_632 : vector<16xf32>
        %parallel_loop3A_634 = arith.addf %parallel_loop3A_616, %parallel_loop3A_633 : vector<16xf32>
        %parallel_loop3A_635 = arith.constant 16 : i32
        %parallel_loop3A_636 = arith.addi %parallel_loop3A_586, %parallel_loop3A_635 : i32
        %parallel_loop3A_637 = arith.index_cast %parallel_loop3A_636 : i32 to index
        %parallel_loop3A_638 = tpu.vector_load %arg10[%parallel_loop3A_637] {strides = array<i32>} : memref<8224xf32, #tpu.memory_space<vmem>>, vector<16xf32>,
        tpu.vector_store %arg10[%parallel_loop3A_637], %parallel_loop3A_634 {strides = array<i32>} : memref<8224xf32, #tpu.memory_space<vmem>>, vector<16xf32>,
        %parallel_loop3A_639 = vector.extract_strided_slice %parallel_loop3A_167 {offsets = [7], sizes = [1], strides = [1]} : vector<16xi32> to vector<1xi32>
        %parallel_loop3A_640 = vector.extract %parallel_loop3A_639[0] : i32 from vector<1xi32>
        %parallel_loop3A_641 = vector.extract_strided_slice %parallel_loop3A_187 {offsets = [5], sizes = [1], strides = [1]} : vector<16xi32> to vector<1xi32>
        %parallel_loop3A_642 = vector.extract %parallel_loop3A_641[0] : i32 from vector<1xi32>
        %parallel_loop3A_643 = vector.extract_strided_slice %parallel_loop3A_187 {offsets = [6], sizes = [1], strides = [1]} : vector<16xi32> to vector<1xi32>
        %parallel_loop3A_644 = vector.extract %parallel_loop3A_643[0] : i32 from vector<1xi32>
        %parallel_loop3A_645 = vector.extract_strided_slice %parallel_loop3A_187 {offsets = [7], sizes = [1], strides = [1]} : vector<16xi32> to vector<1xi32>
        %parallel_loop3A_646 = vector.extract %parallel_loop3A_645[0] : i32 from vector<1xi32>
        %parallel_loop3A_647 = arith.constant 224 : i32
        %parallel_loop3A_648 = arith.addi %parallel_loop3A_204, %parallel_loop3A_647 : i32
        %parallel_loop3A_649 = arith.constant 0 : i32
        %parallel_loop3A_650 = arith.addi %parallel_loop3A_640, %parallel_loop3A_649 : i32
        %parallel_loop3A_651 = arith.index_cast %parallel_loop3A_650 : i32 to index
        %parallel_loop3A_652 = tpu.vector_load %arg8[%parallel_loop3A_651] {strides = array<i32>} : memref<16384xf32, #tpu.memory_space<vmem>>, vector<16xf32>,
        %parallel_loop3A_653 = arith.constant 0 : i32
        %parallel_loop3A_654 = arith.addi %parallel_loop3A_642, %parallel_loop3A_653 : i32
        %parallel_loop3A_655 = arith.index_cast %parallel_loop3A_654 : i32 to index
        %parallel_loop3A_656 = tpu.vector_load %arg9[%parallel_loop3A_655] {strides = array<i32>} : memref<49152xf32, #tpu.memory_space<vmem>>, vector<16xf32>,
        %parallel_loop3A_657 = arith.constant 0 : i32
        %parallel_loop3A_658 = arith.addi %parallel_loop3A_644, %parallel_loop3A_657 : i32
        %parallel_loop3A_659 = arith.index_cast %parallel_loop3A_658 : i32 to index
        %parallel_loop3A_660 = tpu.vector_load %arg9[%parallel_loop3A_659] {strides = array<i32>} : memref<49152xf32, #tpu.memory_space<vmem>>, vector<16xf32>,
        %parallel_loop3A_661 = arith.addf %parallel_loop3A_656, %parallel_loop3A_660 : vector<16xf32>
        %parallel_loop3A_662 = arith.constant 0 : i32
        %parallel_loop3A_663 = arith.addi %parallel_loop3A_646, %parallel_loop3A_662 : i32
        %parallel_loop3A_664 = arith.index_cast %parallel_loop3A_663 : i32 to index
        %parallel_loop3A_665 = tpu.vector_load %arg9[%parallel_loop3A_664] {strides = array<i32>} : memref<49152xf32, #tpu.memory_space<vmem>>, vector<16xf32>,
        %parallel_loop3A_666 = arith.addf %parallel_loop3A_661, %parallel_loop3A_665 : vector<16xf32>
        %parallel_loop3A_667 = arith.constant 0.333333343 : f32
        %parallel_loop3A_668 = vector.broadcast %parallel_loop3A_667 : f32 to vector<16xf32>
        %parallel_loop3A_669 = arith.mulf %parallel_loop3A_666, %parallel_loop3A_668 : vector<16xf32>
        %parallel_loop3A_670 = arith.addf %parallel_loop3A_652, %parallel_loop3A_669 : vector<16xf32>
        %parallel_loop3A_671 = arith.constant 0 : i32
        %parallel_loop3A_672 = arith.addi %parallel_loop3A_648, %parallel_loop3A_671 : i32
        %parallel_loop3A_673 = arith.index_cast %parallel_loop3A_672 : i32 to index
        %parallel_loop3A_674 = tpu.vector_load %arg10[%parallel_loop3A_673] {strides = array<i32>} : memref<8224xf32, #tpu.memory_space<vmem>>, vector<16xf32>,
        tpu.vector_store %arg10[%parallel_loop3A_673], %parallel_loop3A_670 {strides = array<i32>} : memref<8224xf32, #tpu.memory_space<vmem>>, vector<16xf32>,
        %parallel_loop3A_675 = arith.constant 16 : i32
        %parallel_loop3A_676 = arith.addi %parallel_loop3A_640, %parallel_loop3A_675 : i32
        %parallel_loop3A_677 = arith.index_cast %parallel_loop3A_676 : i32 to index
        %parallel_loop3A_678 = tpu.vector_load %arg8[%parallel_loop3A_677] {strides = array<i32>} : memref<16384xf32, #tpu.memory_space<vmem>>, vector<16xf32>,
        %parallel_loop3A_679 = arith.constant 16 : i32
        %parallel_loop3A_680 = arith.addi %parallel_loop3A_642, %parallel_loop3A_679 : i32
        %parallel_loop3A_681 = arith.index_cast %parallel_loop3A_680 : i32 to index
        %parallel_loop3A_682 = tpu.vector_load %arg9[%parallel_loop3A_681] {strides = array<i32>} : memref<49152xf32, #tpu.memory_space<vmem>>, vector<16xf32>,
        %parallel_loop3A_683 = arith.constant 16 : i32
        %parallel_loop3A_684 = arith.addi %parallel_loop3A_644, %parallel_loop3A_683 : i32
        %parallel_loop3A_685 = arith.index_cast %parallel_loop3A_684 : i32 to index
        %parallel_loop3A_686 = tpu.vector_load %arg9[%parallel_loop3A_685] {strides = array<i32>} : memref<49152xf32, #tpu.memory_space<vmem>>, vector<16xf32>,
        %parallel_loop3A_687 = arith.addf %parallel_loop3A_682, %parallel_loop3A_686 : vector<16xf32>
        %parallel_loop3A_688 = arith.constant 16 : i32
        %parallel_loop3A_689 = arith.addi %parallel_loop3A_646, %parallel_loop3A_688 : i32
        %parallel_loop3A_690 = arith.index_cast %parallel_loop3A_689 : i32 to index
        %parallel_loop3A_691 = tpu.vector_load %arg9[%parallel_loop3A_690] {strides = array<i32>} : memref<49152xf32, #tpu.memory_space<vmem>>, vector<16xf32>,
        %parallel_loop3A_692 = arith.addf %parallel_loop3A_687, %parallel_loop3A_691 : vector<16xf32>
        %parallel_loop3A_693 = arith.constant 0.333333343 : f32
        %parallel_loop3A_694 = vector.broadcast %parallel_loop3A_693 : f32 to vector<16xf32>
        %parallel_loop3A_695 = arith.mulf %parallel_loop3A_692, %parallel_loop3A_694 : vector<16xf32>
        %parallel_loop3A_696 = arith.addf %parallel_loop3A_678, %parallel_loop3A_695 : vector<16xf32>
        %parallel_loop3A_697 = arith.constant 16 : i32
        %parallel_loop3A_698 = arith.addi %parallel_loop3A_648, %parallel_loop3A_697 : i32
        %parallel_loop3A_699 = arith.index_cast %parallel_loop3A_698 : i32 to index
        %parallel_loop3A_700 = tpu.vector_load %arg10[%parallel_loop3A_699] {strides = array<i32>} : memref<8224xf32, #tpu.memory_space<vmem>>, vector<16xf32>,
        tpu.vector_store %arg10[%parallel_loop3A_699], %parallel_loop3A_696 {strides = array<i32>} : memref<8224xf32, #tpu.memory_space<vmem>>, vector<16xf32>,
        %parallel_loop3A_701 = vector.extract_strided_slice %parallel_loop3A_167 {offsets = [8], sizes = [1], strides = [1]} : vector<16xi32> to vector<1xi32>
        %parallel_loop3A_702 = vector.extract %parallel_loop3A_701[0] : i32 from vector<1xi32>
        %parallel_loop3A_703 = vector.extract_strided_slice %parallel_loop3A_187 {offsets = [8], sizes = [1], strides = [1]} : vector<16xi32> to vector<1xi32>
        %parallel_loop3A_704 = vector.extract %parallel_loop3A_703[0] : i32 from vector<1xi32>
        %parallel_loop3A_705 = vector.extract_strided_slice %parallel_loop3A_187 {offsets = [9], sizes = [1], strides = [1]} : vector<16xi32> to vector<1xi32>
        %parallel_loop3A_706 = vector.extract %parallel_loop3A_705[0] : i32 from vector<1xi32>
        %parallel_loop3A_707 = vector.extract_strided_slice %parallel_loop3A_187 {offsets = [10], sizes = [1], strides = [1]} : vector<16xi32> to vector<1xi32>
        %parallel_loop3A_708 = vector.extract %parallel_loop3A_707[0] : i32 from vector<1xi32>
        %parallel_loop3A_709 = arith.constant 256 : i32
        %parallel_loop3A_710 = arith.addi %parallel_loop3A_204, %parallel_loop3A_709 : i32
        %parallel_loop3A_711 = arith.constant 0 : i32
        %parallel_loop3A_712 = arith.addi %parallel_loop3A_702, %parallel_loop3A_711 : i32
        %parallel_loop3A_713 = arith.index_cast %parallel_loop3A_712 : i32 to index
        %parallel_loop3A_714 = tpu.vector_load %arg8[%parallel_loop3A_713] {strides = array<i32>} : memref<16384xf32, #tpu.memory_space<vmem>>, vector<16xf32>,
        %parallel_loop3A_715 = arith.constant 0 : i32
        %parallel_loop3A_716 = arith.addi %parallel_loop3A_704, %parallel_loop3A_715 : i32
        %parallel_loop3A_717 = arith.index_cast %parallel_loop3A_716 : i32 to index
        %parallel_loop3A_718 = tpu.vector_load %arg9[%parallel_loop3A_717] {strides = array<i32>} : memref<49152xf32, #tpu.memory_space<vmem>>, vector<16xf32>,
        %parallel_loop3A_719 = arith.constant 0 : i32
        %parallel_loop3A_720 = arith.addi %parallel_loop3A_706, %parallel_loop3A_719 : i32
        %parallel_loop3A_721 = arith.index_cast %parallel_loop3A_720 : i32 to index
        %parallel_loop3A_722 = tpu.vector_load %arg9[%parallel_loop3A_721] {strides = array<i32>} : memref<49152xf32, #tpu.memory_space<vmem>>, vector<16xf32>,
        %parallel_loop3A_723 = arith.addf %parallel_loop3A_718, %parallel_loop3A_722 : vector<16xf32>
        %parallel_loop3A_724 = arith.constant 0 : i32
        %parallel_loop3A_725 = arith.addi %parallel_loop3A_708, %parallel_loop3A_724 : i32
        %parallel_loop3A_726 = arith.index_cast %parallel_loop3A_725 : i32 to index
        %parallel_loop3A_727 = tpu.vector_load %arg9[%parallel_loop3A_726] {strides = array<i32>} : memref<49152xf32, #tpu.memory_space<vmem>>, vector<16xf32>,
        %parallel_loop3A_728 = arith.addf %parallel_loop3A_723, %parallel_loop3A_727 : vector<16xf32>
        %parallel_loop3A_729 = arith.constant 0.333333343 : f32
        %parallel_loop3A_730 = vector.broadcast %parallel_loop3A_729 : f32 to vector<16xf32>
        %parallel_loop3A_731 = arith.mulf %parallel_loop3A_728, %parallel_loop3A_730 : vector<16xf32>
        %parallel_loop3A_732 = arith.addf %parallel_loop3A_714, %parallel_loop3A_731 : vector<16xf32>
        %parallel_loop3A_733 = arith.constant 0 : i32
        %parallel_loop3A_734 = arith.addi %parallel_loop3A_710, %parallel_loop3A_733 : i32
        %parallel_loop3A_735 = arith.index_cast %parallel_loop3A_734 : i32 to index
        %parallel_loop3A_736 = tpu.vector_load %arg10[%parallel_loop3A_735] {strides = array<i32>} : memref<8224xf32, #tpu.memory_space<vmem>>, vector<16xf32>,
        tpu.vector_store %arg10[%parallel_loop3A_735], %parallel_loop3A_732 {strides = array<i32>} : memref<8224xf32, #tpu.memory_space<vmem>>, vector<16xf32>,
        %parallel_loop3A_737 = arith.constant 16 : i32
        %parallel_loop3A_738 = arith.addi %parallel_loop3A_702, %parallel_loop3A_737 : i32
        %parallel_loop3A_739 = arith.index_cast %parallel_loop3A_738 : i32 to index
        %parallel_loop3A_740 = tpu.vector_load %arg8[%parallel_loop3A_739] {strides = array<i32>} : memref<16384xf32, #tpu.memory_space<vmem>>, vector<16xf32>,
        %parallel_loop3A_741 = arith.constant 16 : i32
        %parallel_loop3A_742 = arith.addi %parallel_loop3A_704, %parallel_loop3A_741 : i32
        %parallel_loop3A_743 = arith.index_cast %parallel_loop3A_742 : i32 to index
        %parallel_loop3A_744 = tpu.vector_load %arg9[%parallel_loop3A_743] {strides = array<i32>} : memref<49152xf32, #tpu.memory_space<vmem>>, vector<16xf32>,
        %parallel_loop3A_745 = arith.constant 16 : i32
        %parallel_loop3A_746 = arith.addi %parallel_loop3A_706, %parallel_loop3A_745 : i32
        %parallel_loop3A_747 = arith.index_cast %parallel_loop3A_746 : i32 to index
        %parallel_loop3A_748 = tpu.vector_load %arg9[%parallel_loop3A_747] {strides = array<i32>} : memref<49152xf32, #tpu.memory_space<vmem>>, vector<16xf32>,
        %parallel_loop3A_749 = arith.addf %parallel_loop3A_744, %parallel_loop3A_748 : vector<16xf32>
        %parallel_loop3A_750 = arith.constant 16 : i32
        %parallel_loop3A_751 = arith.addi %parallel_loop3A_708, %parallel_loop3A_750 : i32
        %parallel_loop3A_752 = arith.index_cast %parallel_loop3A_751 : i32 to index
        %parallel_loop3A_753 = tpu.vector_load %arg9[%parallel_loop3A_752] {strides = array<i32>} : memref<49152xf32, #tpu.memory_space<vmem>>, vector<16xf32>,
        %parallel_loop3A_754 = arith.addf %parallel_loop3A_749, %parallel_loop3A_753 : vector<16xf32>
        %parallel_loop3A_755 = arith.constant 0.333333343 : f32
        %parallel_loop3A_756 = vector.broadcast %parallel_loop3A_755 : f32 to vector<16xf32>
        %parallel_loop3A_757 = arith.mulf %parallel_loop3A_754, %parallel_loop3A_756 : vector<16xf32>
        %parallel_loop3A_758 = arith.addf %parallel_loop3A_740, %parallel_loop3A_757 : vector<16xf32>
        %parallel_loop3A_759 = arith.constant 16 : i32
        %parallel_loop3A_760 = arith.addi %parallel_loop3A_710, %parallel_loop3A_759 : i32
        %parallel_loop3A_761 = arith.index_cast %parallel_loop3A_760 : i32 to index
        %parallel_loop3A_762 = tpu.vector_load %arg10[%parallel_loop3A_761] {strides = array<i32>} : memref<8224xf32, #tpu.memory_space<vmem>>, vector<16xf32>,
        tpu.vector_store %arg10[%parallel_loop3A_761], %parallel_loop3A_758 {strides = array<i32>} : memref<8224xf32, #tpu.memory_space<vmem>>, vector<16xf32>,
        %parallel_loop3A_763 = vector.extract_strided_slice %parallel_loop3A_167 {offsets = [9], sizes = [1], strides = [1]} : vector<16xi32> to vector<1xi32>
        %parallel_loop3A_764 = vector.extract %parallel_loop3A_763[0] : i32 from vector<1xi32>
        %parallel_loop3A_765 = vector.extract_strided_slice %parallel_loop3A_187 {offsets = [11], sizes = [1], strides = [1]} : vector<16xi32> to vector<1xi32>
        %parallel_loop3A_766 = vector.extract %parallel_loop3A_765[0] : i32 from vector<1xi32>
        %parallel_loop3A_767 = vector.extract_strided_slice %parallel_loop3A_187 {offsets = [12], sizes = [1], strides = [1]} : vector<16xi32> to vector<1xi32>
        %parallel_loop3A_768 = vector.extract %parallel_loop3A_767[0] : i32 from vector<1xi32>
        %parallel_loop3A_769 = vector.extract_strided_slice %parallel_loop3A_187 {offsets = [13], sizes = [1], strides = [1]} : vector<16xi32> to vector<1xi32>
        %parallel_loop3A_770 = vector.extract %parallel_loop3A_769[0] : i32 from vector<1xi32>
        %parallel_loop3A_771 = arith.constant 288 : i32
        %parallel_loop3A_772 = arith.addi %parallel_loop3A_204, %parallel_loop3A_771 : i32
        %parallel_loop3A_773 = arith.constant 0 : i32
        %parallel_loop3A_774 = arith.addi %parallel_loop3A_764, %parallel_loop3A_773 : i32
        %parallel_loop3A_775 = arith.index_cast %parallel_loop3A_774 : i32 to index
        %parallel_loop3A_776 = tpu.vector_load %arg8[%parallel_loop3A_775] {strides = array<i32>} : memref<16384xf32, #tpu.memory_space<vmem>>, vector<16xf32>,
        %parallel_loop3A_777 = arith.constant 0 : i32
        %parallel_loop3A_778 = arith.addi %parallel_loop3A_766, %parallel_loop3A_777 : i32
        %parallel_loop3A_779 = arith.index_cast %parallel_loop3A_778 : i32 to index
        %parallel_loop3A_780 = tpu.vector_load %arg9[%parallel_loop3A_779] {strides = array<i32>} : memref<49152xf32, #tpu.memory_space<vmem>>, vector<16xf32>,
        %parallel_loop3A_781 = arith.constant 0 : i32
        %parallel_loop3A_782 = arith.addi %parallel_loop3A_768, %parallel_loop3A_781 : i32
        %parallel_loop3A_783 = arith.index_cast %parallel_loop3A_782 : i32 to index
        %parallel_loop3A_784 = tpu.vector_load %arg9[%parallel_loop3A_783] {strides = array<i32>} : memref<49152xf32, #tpu.memory_space<vmem>>, vector<16xf32>,
        %parallel_loop3A_785 = arith.addf %parallel_loop3A_780, %parallel_loop3A_784 : vector<16xf32>
        %parallel_loop3A_786 = arith.constant 0 : i32
        %parallel_loop3A_787 = arith.addi %parallel_loop3A_770, %parallel_loop3A_786 : i32
        %parallel_loop3A_788 = arith.index_cast %parallel_loop3A_787 : i32 to index
        %parallel_loop3A_789 = tpu.vector_load %arg9[%parallel_loop3A_788] {strides = array<i32>} : memref<49152xf32, #tpu.memory_space<vmem>>, vector<16xf32>,
        %parallel_loop3A_790 = arith.addf %parallel_loop3A_785, %parallel_loop3A_789 : vector<16xf32>
        %parallel_loop3A_791 = arith.constant 0.333333343 : f32
        %parallel_loop3A_792 = vector.broadcast %parallel_loop3A_791 : f32 to vector<16xf32>
        %parallel_loop3A_793 = arith.mulf %parallel_loop3A_790, %parallel_loop3A_792 : vector<16xf32>
        %parallel_loop3A_794 = arith.addf %parallel_loop3A_776, %parallel_loop3A_793 : vector<16xf32>
        %parallel_loop3A_795 = arith.constant 0 : i32
        %parallel_loop3A_796 = arith.addi %parallel_loop3A_772, %parallel_loop3A_795 : i32
        %parallel_loop3A_797 = arith.index_cast %parallel_loop3A_796 : i32 to index
        %parallel_loop3A_798 = tpu.vector_load %arg10[%parallel_loop3A_797] {strides = array<i32>} : memref<8224xf32, #tpu.memory_space<vmem>>, vector<16xf32>,
        tpu.vector_store %arg10[%parallel_loop3A_797], %parallel_loop3A_794 {strides = array<i32>} : memref<8224xf32, #tpu.memory_space<vmem>>, vector<16xf32>,
        %parallel_loop3A_799 = arith.constant 16 : i32
        %parallel_loop3A_800 = arith.addi %parallel_loop3A_764, %parallel_loop3A_799 : i32
        %parallel_loop3A_801 = arith.index_cast %parallel_loop3A_800 : i32 to index
        %parallel_loop3A_802 = tpu.vector_load %arg8[%parallel_loop3A_801] {strides = array<i32>} : memref<16384xf32, #tpu.memory_space<vmem>>, vector<16xf32>,
        %parallel_loop3A_803 = arith.constant 16 : i32
        %parallel_loop3A_804 = arith.addi %parallel_loop3A_766, %parallel_loop3A_803 : i32
        %parallel_loop3A_805 = arith.index_cast %parallel_loop3A_804 : i32 to index
        %parallel_loop3A_806 = tpu.vector_load %arg9[%parallel_loop3A_805] {strides = array<i32>} : memref<49152xf32, #tpu.memory_space<vmem>>, vector<16xf32>,
        %parallel_loop3A_807 = arith.constant 16 : i32
        %parallel_loop3A_808 = arith.addi %parallel_loop3A_768, %parallel_loop3A_807 : i32
        %parallel_loop3A_809 = arith.index_cast %parallel_loop3A_808 : i32 to index
        %parallel_loop3A_810 = tpu.vector_load %arg9[%parallel_loop3A_809] {strides = array<i32>} : memref<49152xf32, #tpu.memory_space<vmem>>, vector<16xf32>,
        %parallel_loop3A_811 = arith.addf %parallel_loop3A_806, %parallel_loop3A_810 : vector<16xf32>
        %parallel_loop3A_812 = arith.constant 16 : i32
        %parallel_loop3A_813 = arith.addi %parallel_loop3A_770, %parallel_loop3A_812 : i32
        %parallel_loop3A_814 = arith.index_cast %parallel_loop3A_813 : i32 to index
        %parallel_loop3A_815 = tpu.vector_load %arg9[%parallel_loop3A_814] {strides = array<i32>} : memref<49152xf32, #tpu.memory_space<vmem>>, vector<16xf32>,
        %parallel_loop3A_816 = arith.addf %parallel_loop3A_811, %parallel_loop3A_815 : vector<16xf32>
        %parallel_loop3A_817 = arith.constant 0.333333343 : f32
        %parallel_loop3A_818 = vector.broadcast %parallel_loop3A_817 : f32 to vector<16xf32>
        %parallel_loop3A_819 = arith.mulf %parallel_loop3A_816, %parallel_loop3A_818 : vector<16xf32>
        %parallel_loop3A_820 = arith.addf %parallel_loop3A_802, %parallel_loop3A_819 : vector<16xf32>
        %parallel_loop3A_821 = arith.constant 16 : i32
        %parallel_loop3A_822 = arith.addi %parallel_loop3A_772, %parallel_loop3A_821 : i32
        %parallel_loop3A_823 = arith.index_cast %parallel_loop3A_822 : i32 to index
        %parallel_loop3A_824 = tpu.vector_load %arg10[%parallel_loop3A_823] {strides = array<i32>} : memref<8224xf32, #tpu.memory_space<vmem>>, vector<16xf32>,
        tpu.vector_store %arg10[%parallel_loop3A_823], %parallel_loop3A_820 {strides = array<i32>} : memref<8224xf32, #tpu.memory_space<vmem>>, vector<16xf32>,
        %parallel_loop3A_825 = vector.extract_strided_slice %parallel_loop3A_167 {offsets = [10], sizes = [1], strides = [1]} : vector<16xi32> to vector<1xi32>
        %parallel_loop3A_826 = vector.extract %parallel_loop3A_825[0] : i32 from vector<1xi32>
        %parallel_loop3A_827 = vector.extract_strided_slice %parallel_loop3A_187 {offsets = [14], sizes = [1], strides = [1]} : vector<16xi32> to vector<1xi32>
        %parallel_loop3A_828 = vector.extract %parallel_loop3A_827[0] : i32 from vector<1xi32>
        %parallel_loop3A_829 = vector.extract_strided_slice %parallel_loop3A_187 {offsets = [15], sizes = [1], strides = [1]} : vector<16xi32> to vector<1xi32>
        %parallel_loop3A_830 = vector.extract %parallel_loop3A_829[0] : i32 from vector<1xi32>
        %parallel_loop3A_831 = vector.extract_strided_slice %parallel_loop3A_198 {offsets = [0], sizes = [1], strides = [1]} : vector<16xi32> to vector<1xi32>
        %parallel_loop3A_832 = vector.extract %parallel_loop3A_831[0] : i32 from vector<1xi32>
        %parallel_loop3A_833 = arith.constant 320 : i32
        %parallel_loop3A_834 = arith.addi %parallel_loop3A_204, %parallel_loop3A_833 : i32
        %parallel_loop3A_835 = arith.constant 0 : i32
        %parallel_loop3A_836 = arith.addi %parallel_loop3A_826, %parallel_loop3A_835 : i32
        %parallel_loop3A_837 = arith.index_cast %parallel_loop3A_836 : i32 to index
        %parallel_loop3A_838 = tpu.vector_load %arg8[%parallel_loop3A_837] {strides = array<i32>} : memref<16384xf32, #tpu.memory_space<vmem>>, vector<16xf32>,
        %parallel_loop3A_839 = arith.constant 0 : i32
        %parallel_loop3A_840 = arith.addi %parallel_loop3A_828, %parallel_loop3A_839 : i32
        %parallel_loop3A_841 = arith.index_cast %parallel_loop3A_840 : i32 to index
        %parallel_loop3A_842 = tpu.vector_load %arg9[%parallel_loop3A_841] {strides = array<i32>} : memref<49152xf32, #tpu.memory_space<vmem>>, vector<16xf32>,
        %parallel_loop3A_843 = arith.constant 0 : i32
        %parallel_loop3A_844 = arith.addi %parallel_loop3A_830, %parallel_loop3A_843 : i32
        %parallel_loop3A_845 = arith.index_cast %parallel_loop3A_844 : i32 to index
        %parallel_loop3A_846 = tpu.vector_load %arg9[%parallel_loop3A_845] {strides = array<i32>} : memref<49152xf32, #tpu.memory_space<vmem>>, vector<16xf32>,
        %parallel_loop3A_847 = arith.addf %parallel_loop3A_842, %parallel_loop3A_846 : vector<16xf32>
        %parallel_loop3A_848 = arith.constant 0 : i32
        %parallel_loop3A_849 = arith.addi %parallel_loop3A_832, %parallel_loop3A_848 : i32
        %parallel_loop3A_850 = arith.index_cast %parallel_loop3A_849 : i32 to index
        %parallel_loop3A_851 = tpu.vector_load %arg9[%parallel_loop3A_850] {strides = array<i32>} : memref<49152xf32, #tpu.memory_space<vmem>>, vector<16xf32>,
        %parallel_loop3A_852 = arith.addf %parallel_loop3A_847, %parallel_loop3A_851 : vector<16xf32>
        %parallel_loop3A_853 = arith.constant 0.333333343 : f32
        %parallel_loop3A_854 = vector.broadcast %parallel_loop3A_853 : f32 to vector<16xf32>
        %parallel_loop3A_855 = arith.mulf %parallel_loop3A_852, %parallel_loop3A_854 : vector<16xf32>
        %parallel_loop3A_856 = arith.addf %parallel_loop3A_838, %parallel_loop3A_855 : vector<16xf32>
        %parallel_loop3A_857 = arith.constant 0 : i32
        %parallel_loop3A_858 = arith.addi %parallel_loop3A_834, %parallel_loop3A_857 : i32
        %parallel_loop3A_859 = arith.index_cast %parallel_loop3A_858 : i32 to index
        %parallel_loop3A_860 = tpu.vector_load %arg10[%parallel_loop3A_859] {strides = array<i32>} : memref<8224xf32, #tpu.memory_space<vmem>>, vector<16xf32>,
        tpu.vector_store %arg10[%parallel_loop3A_859], %parallel_loop3A_856 {strides = array<i32>} : memref<8224xf32, #tpu.memory_space<vmem>>, vector<16xf32>,
        %parallel_loop3A_861 = arith.constant 16 : i32
        %parallel_loop3A_862 = arith.addi %parallel_loop3A_826, %parallel_loop3A_861 : i32
        %parallel_loop3A_863 = arith.index_cast %parallel_loop3A_862 : i32 to index
        %parallel_loop3A_864 = tpu.vector_load %arg8[%parallel_loop3A_863] {strides = array<i32>} : memref<16384xf32, #tpu.memory_space<vmem>>, vector<16xf32>,
        %parallel_loop3A_865 = arith.constant 16 : i32
        %parallel_loop3A_866 = arith.addi %parallel_loop3A_828, %parallel_loop3A_865 : i32
        %parallel_loop3A_867 = arith.index_cast %parallel_loop3A_866 : i32 to index
        %parallel_loop3A_868 = tpu.vector_load %arg9[%parallel_loop3A_867] {strides = array<i32>} : memref<49152xf32, #tpu.memory_space<vmem>>, vector<16xf32>,
        %parallel_loop3A_869 = arith.constant 16 : i32
        %parallel_loop3A_870 = arith.addi %parallel_loop3A_830, %parallel_loop3A_869 : i32
        %parallel_loop3A_871 = arith.index_cast %parallel_loop3A_870 : i32 to index
        %parallel_loop3A_872 = tpu.vector_load %arg9[%parallel_loop3A_871] {strides = array<i32>} : memref<49152xf32, #tpu.memory_space<vmem>>, vector<16xf32>,
        %parallel_loop3A_873 = arith.addf %parallel_loop3A_868, %parallel_loop3A_872 : vector<16xf32>
        %parallel_loop3A_874 = arith.constant 16 : i32
        %parallel_loop3A_875 = arith.addi %parallel_loop3A_832, %parallel_loop3A_874 : i32
        %parallel_loop3A_876 = arith.index_cast %parallel_loop3A_875 : i32 to index
        %parallel_loop3A_877 = tpu.vector_load %arg9[%parallel_loop3A_876] {strides = array<i32>} : memref<49152xf32, #tpu.memory_space<vmem>>, vector<16xf32>,
        %parallel_loop3A_878 = arith.addf %parallel_loop3A_873, %parallel_loop3A_877 : vector<16xf32>
        %parallel_loop3A_879 = arith.constant 0.333333343 : f32
        %parallel_loop3A_880 = vector.broadcast %parallel_loop3A_879 : f32 to vector<16xf32>
        %parallel_loop3A_881 = arith.mulf %parallel_loop3A_878, %parallel_loop3A_880 : vector<16xf32>
        %parallel_loop3A_882 = arith.addf %parallel_loop3A_864, %parallel_loop3A_881 : vector<16xf32>
        %parallel_loop3A_883 = arith.constant 16 : i32
        %parallel_loop3A_884 = arith.addi %parallel_loop3A_834, %parallel_loop3A_883 : i32
        %parallel_loop3A_885 = arith.index_cast %parallel_loop3A_884 : i32 to index
        %parallel_loop3A_886 = tpu.vector_load %arg10[%parallel_loop3A_885] {strides = array<i32>} : memref<8224xf32, #tpu.memory_space<vmem>>, vector<16xf32>,
        tpu.vector_store %arg10[%parallel_loop3A_885], %parallel_loop3A_882 {strides = array<i32>} : memref<8224xf32, #tpu.memory_space<vmem>>, vector<16xf32>,
        %parallel_loop3A_887 = vector.extract_strided_slice %parallel_loop3A_167 {offsets = [11], sizes = [1], strides = [1]} : vector<16xi32> to vector<1xi32>
        %parallel_loop3A_888 = vector.extract %parallel_loop3A_887[0] : i32 from vector<1xi32>
        %parallel_loop3A_889 = vector.extract_strided_slice %parallel_loop3A_198 {offsets = [1], sizes = [1], strides = [1]} : vector<16xi32> to vector<1xi32>
        %parallel_loop3A_890 = vector.extract %parallel_loop3A_889[0] : i32 from vector<1xi32>
        %parallel_loop3A_891 = vector.extract_strided_slice %parallel_loop3A_198 {offsets = [2], sizes = [1], strides = [1]} : vector<16xi32> to vector<1xi32>
        %parallel_loop3A_892 = vector.extract %parallel_loop3A_891[0] : i32 from vector<1xi32>
        %parallel_loop3A_893 = vector.extract_strided_slice %parallel_loop3A_198 {offsets = [3], sizes = [1], strides = [1]} : vector<16xi32> to vector<1xi32>
        %parallel_loop3A_894 = vector.extract %parallel_loop3A_893[0] : i32 from vector<1xi32>
        %parallel_loop3A_895 = arith.constant 352 : i32
        %parallel_loop3A_896 = arith.addi %parallel_loop3A_204, %parallel_loop3A_895 : i32
        %parallel_loop3A_897 = arith.constant 0 : i32
        %parallel_loop3A_898 = arith.addi %parallel_loop3A_888, %parallel_loop3A_897 : i32
        %parallel_loop3A_899 = arith.index_cast %parallel_loop3A_898 : i32 to index
        %parallel_loop3A_900 = tpu.vector_load %arg8[%parallel_loop3A_899] {strides = array<i32>} : memref<16384xf32, #tpu.memory_space<vmem>>, vector<16xf32>,
        %parallel_loop3A_901 = arith.constant 0 : i32
        %parallel_loop3A_902 = arith.addi %parallel_loop3A_890, %parallel_loop3A_901 : i32
        %parallel_loop3A_903 = arith.index_cast %parallel_loop3A_902 : i32 to index
        %parallel_loop3A_904 = tpu.vector_load %arg9[%parallel_loop3A_903] {strides = array<i32>} : memref<49152xf32, #tpu.memory_space<vmem>>, vector<16xf32>,
        %parallel_loop3A_905 = arith.constant 0 : i32
        %parallel_loop3A_906 = arith.addi %parallel_loop3A_892, %parallel_loop3A_905 : i32
        %parallel_loop3A_907 = arith.index_cast %parallel_loop3A_906 : i32 to index
        %parallel_loop3A_908 = tpu.vector_load %arg9[%parallel_loop3A_907] {strides = array<i32>} : memref<49152xf32, #tpu.memory_space<vmem>>, vector<16xf32>,
        %parallel_loop3A_909 = arith.addf %parallel_loop3A_904, %parallel_loop3A_908 : vector<16xf32>
        %parallel_loop3A_910 = arith.constant 0 : i32
        %parallel_loop3A_911 = arith.addi %parallel_loop3A_894, %parallel_loop3A_910 : i32
        %parallel_loop3A_912 = arith.index_cast %parallel_loop3A_911 : i32 to index
        %parallel_loop3A_913 = tpu.vector_load %arg9[%parallel_loop3A_912] {strides = array<i32>} : memref<49152xf32, #tpu.memory_space<vmem>>, vector<16xf32>,
        %parallel_loop3A_914 = arith.addf %parallel_loop3A_909, %parallel_loop3A_913 : vector<16xf32>
        %parallel_loop3A_915 = arith.constant 0.333333343 : f32
        %parallel_loop3A_916 = vector.broadcast %parallel_loop3A_915 : f32 to vector<16xf32>
        %parallel_loop3A_917 = arith.mulf %parallel_loop3A_914, %parallel_loop3A_916 : vector<16xf32>
        %parallel_loop3A_918 = arith.addf %parallel_loop3A_900, %parallel_loop3A_917 : vector<16xf32>
        %parallel_loop3A_919 = arith.constant 0 : i32
        %parallel_loop3A_920 = arith.addi %parallel_loop3A_896, %parallel_loop3A_919 : i32
        %parallel_loop3A_921 = arith.index_cast %parallel_loop3A_920 : i32 to index
        %parallel_loop3A_922 = tpu.vector_load %arg10[%parallel_loop3A_921] {strides = array<i32>} : memref<8224xf32, #tpu.memory_space<vmem>>, vector<16xf32>,
        tpu.vector_store %arg10[%parallel_loop3A_921], %parallel_loop3A_918 {strides = array<i32>} : memref<8224xf32, #tpu.memory_space<vmem>>, vector<16xf32>,
        %parallel_loop3A_923 = arith.constant 16 : i32
        %parallel_loop3A_924 = arith.addi %parallel_loop3A_888, %parallel_loop3A_923 : i32
        %parallel_loop3A_925 = arith.index_cast %parallel_loop3A_924 : i32 to index
        %parallel_loop3A_926 = tpu.vector_load %arg8[%parallel_loop3A_925] {strides = array<i32>} : memref<16384xf32, #tpu.memory_space<vmem>>, vector<16xf32>,
        %parallel_loop3A_927 = arith.constant 16 : i32
        %parallel_loop3A_928 = arith.addi %parallel_loop3A_890, %parallel_loop3A_927 : i32
        %parallel_loop3A_929 = arith.index_cast %parallel_loop3A_928 : i32 to index
        %parallel_loop3A_930 = tpu.vector_load %arg9[%parallel_loop3A_929] {strides = array<i32>} : memref<49152xf32, #tpu.memory_space<vmem>>, vector<16xf32>,
        %parallel_loop3A_931 = arith.constant 16 : i32
        %parallel_loop3A_932 = arith.addi %parallel_loop3A_892, %parallel_loop3A_931 : i32
        %parallel_loop3A_933 = arith.index_cast %parallel_loop3A_932 : i32 to index
        %parallel_loop3A_934 = tpu.vector_load %arg9[%parallel_loop3A_933] {strides = array<i32>} : memref<49152xf32, #tpu.memory_space<vmem>>, vector<16xf32>,
        %parallel_loop3A_935 = arith.addf %parallel_loop3A_930, %parallel_loop3A_934 : vector<16xf32>
        %parallel_loop3A_936 = arith.constant 16 : i32
        %parallel_loop3A_937 = arith.addi %parallel_loop3A_894, %parallel_loop3A_936 : i32
        %parallel_loop3A_938 = arith.index_cast %parallel_loop3A_937 : i32 to index
        %parallel_loop3A_939 = tpu.vector_load %arg9[%parallel_loop3A_938] {strides = array<i32>} : memref<49152xf32, #tpu.memory_space<vmem>>, vector<16xf32>,
        %parallel_loop3A_940 = arith.addf %parallel_loop3A_935, %parallel_loop3A_939 : vector<16xf32>
        %parallel_loop3A_941 = arith.constant 0.333333343 : f32
        %parallel_loop3A_942 = vector.broadcast %parallel_loop3A_941 : f32 to vector<16xf32>
        %parallel_loop3A_943 = arith.mulf %parallel_loop3A_940, %parallel_loop3A_942 : vector<16xf32>
        %parallel_loop3A_944 = arith.addf %parallel_loop3A_926, %parallel_loop3A_943 : vector<16xf32>
        %parallel_loop3A_945 = arith.constant 16 : i32
        %parallel_loop3A_946 = arith.addi %parallel_loop3A_896, %parallel_loop3A_945 : i32
        %parallel_loop3A_947 = arith.index_cast %parallel_loop3A_946 : i32 to index
        %parallel_loop3A_948 = tpu.vector_load %arg10[%parallel_loop3A_947] {strides = array<i32>} : memref<8224xf32, #tpu.memory_space<vmem>>, vector<16xf32>,
        tpu.vector_store %arg10[%parallel_loop3A_947], %parallel_loop3A_944 {strides = array<i32>} : memref<8224xf32, #tpu.memory_space<vmem>>, vector<16xf32>,
        %parallel_loop3A_949 = vector.extract_strided_slice %parallel_loop3A_167 {offsets = [12], sizes = [1], strides = [1]} : vector<16xi32> to vector<1xi32>
        %parallel_loop3A_950 = vector.extract %parallel_loop3A_949[0] : i32 from vector<1xi32>
        %parallel_loop3A_951 = vector.extract_strided_slice %parallel_loop3A_198 {offsets = [4], sizes = [1], strides = [1]} : vector<16xi32> to vector<1xi32>
        %parallel_loop3A_952 = vector.extract %parallel_loop3A_951[0] : i32 from vector<1xi32>
        %parallel_loop3A_953 = vector.extract_strided_slice %parallel_loop3A_198 {offsets = [5], sizes = [1], strides = [1]} : vector<16xi32> to vector<1xi32>
        %parallel_loop3A_954 = vector.extract %parallel_loop3A_953[0] : i32 from vector<1xi32>
        %parallel_loop3A_955 = vector.extract_strided_slice %parallel_loop3A_198 {offsets = [6], sizes = [1], strides = [1]} : vector<16xi32> to vector<1xi32>
        %parallel_loop3A_956 = vector.extract %parallel_loop3A_955[0] : i32 from vector<1xi32>
        %parallel_loop3A_957 = arith.constant 384 : i32
        %parallel_loop3A_958 = arith.addi %parallel_loop3A_204, %parallel_loop3A_957 : i32
        %parallel_loop3A_959 = arith.constant 0 : i32
        %parallel_loop3A_960 = arith.addi %parallel_loop3A_950, %parallel_loop3A_959 : i32
        %parallel_loop3A_961 = arith.index_cast %parallel_loop3A_960 : i32 to index
        %parallel_loop3A_962 = tpu.vector_load %arg8[%parallel_loop3A_961] {strides = array<i32>} : memref<16384xf32, #tpu.memory_space<vmem>>, vector<16xf32>,
        %parallel_loop3A_963 = arith.constant 0 : i32
        %parallel_loop3A_964 = arith.addi %parallel_loop3A_952, %parallel_loop3A_963 : i32
        %parallel_loop3A_965 = arith.index_cast %parallel_loop3A_964 : i32 to index
        %parallel_loop3A_966 = tpu.vector_load %arg9[%parallel_loop3A_965] {strides = array<i32>} : memref<49152xf32, #tpu.memory_space<vmem>>, vector<16xf32>,
        %parallel_loop3A_967 = arith.constant 0 : i32
        %parallel_loop3A_968 = arith.addi %parallel_loop3A_954, %parallel_loop3A_967 : i32
        %parallel_loop3A_969 = arith.index_cast %parallel_loop3A_968 : i32 to index
        %parallel_loop3A_970 = tpu.vector_load %arg9[%parallel_loop3A_969] {strides = array<i32>} : memref<49152xf32, #tpu.memory_space<vmem>>, vector<16xf32>,
        %parallel_loop3A_971 = arith.addf %parallel_loop3A_966, %parallel_loop3A_970 : vector<16xf32>
        %parallel_loop3A_972 = arith.constant 0 : i32
        %parallel_loop3A_973 = arith.addi %parallel_loop3A_956, %parallel_loop3A_972 : i32
        %parallel_loop3A_974 = arith.index_cast %parallel_loop3A_973 : i32 to index
        %parallel_loop3A_975 = tpu.vector_load %arg9[%parallel_loop3A_974] {strides = array<i32>} : memref<49152xf32, #tpu.memory_space<vmem>>, vector<16xf32>,
        %parallel_loop3A_976 = arith.addf %parallel_loop3A_971, %parallel_loop3A_975 : vector<16xf32>
        %parallel_loop3A_977 = arith.constant 0.333333343 : f32
        %parallel_loop3A_978 = vector.broadcast %parallel_loop3A_977 : f32 to vector<16xf32>
        %parallel_loop3A_979 = arith.mulf %parallel_loop3A_976, %parallel_loop3A_978 : vector<16xf32>
        %parallel_loop3A_980 = arith.addf %parallel_loop3A_962, %parallel_loop3A_979 : vector<16xf32>
        %parallel_loop3A_981 = arith.constant 0 : i32
        %parallel_loop3A_982 = arith.addi %parallel_loop3A_958, %parallel_loop3A_981 : i32
        %parallel_loop3A_983 = arith.index_cast %parallel_loop3A_982 : i32 to index
        %parallel_loop3A_984 = tpu.vector_load %arg10[%parallel_loop3A_983] {strides = array<i32>} : memref<8224xf32, #tpu.memory_space<vmem>>, vector<16xf32>,
        tpu.vector_store %arg10[%parallel_loop3A_983], %parallel_loop3A_980 {strides = array<i32>} : memref<8224xf32, #tpu.memory_space<vmem>>, vector<16xf32>,
        %parallel_loop3A_985 = arith.constant 16 : i32
        %parallel_loop3A_986 = arith.addi %parallel_loop3A_950, %parallel_loop3A_985 : i32
        %parallel_loop3A_987 = arith.index_cast %parallel_loop3A_986 : i32 to index
        %parallel_loop3A_988 = tpu.vector_load %arg8[%parallel_loop3A_987] {strides = array<i32>} : memref<16384xf32, #tpu.memory_space<vmem>>, vector<16xf32>,
        %parallel_loop3A_989 = arith.constant 16 : i32
        %parallel_loop3A_990 = arith.addi %parallel_loop3A_952, %parallel_loop3A_989 : i32
        %parallel_loop3A_991 = arith.index_cast %parallel_loop3A_990 : i32 to index
        %parallel_loop3A_992 = tpu.vector_load %arg9[%parallel_loop3A_991] {strides = array<i32>} : memref<49152xf32, #tpu.memory_space<vmem>>, vector<16xf32>,
        %parallel_loop3A_993 = arith.constant 16 : i32
        %parallel_loop3A_994 = arith.addi %parallel_loop3A_954, %parallel_loop3A_993 : i32
        %parallel_loop3A_995 = arith.index_cast %parallel_loop3A_994 : i32 to index
        %parallel_loop3A_996 = tpu.vector_load %arg9[%parallel_loop3A_995] {strides = array<i32>} : memref<49152xf32, #tpu.memory_space<vmem>>, vector<16xf32>,
        %parallel_loop3A_997 = arith.addf %parallel_loop3A_992, %parallel_loop3A_996 : vector<16xf32>
        %parallel_loop3A_998 = arith.constant 16 : i32
        %parallel_loop3A_999 = arith.addi %parallel_loop3A_956, %parallel_loop3A_998 : i32
        %parallel_loop3A_1000 = arith.index_cast %parallel_loop3A_999 : i32 to index
        %parallel_loop3A_1001 = tpu.vector_load %arg9[%parallel_loop3A_1000] {strides = array<i32>} : memref<49152xf32, #tpu.memory_space<vmem>>, vector<16xf32>,
        %parallel_loop3A_1002 = arith.addf %parallel_loop3A_997, %parallel_loop3A_1001 : vector<16xf32>
        %parallel_loop3A_1003 = arith.constant 0.333333343 : f32
        %parallel_loop3A_1004 = vector.broadcast %parallel_loop3A_1003 : f32 to vector<16xf32>
        %parallel_loop3A_1005 = arith.mulf %parallel_loop3A_1002, %parallel_loop3A_1004 : vector<16xf32>
        %parallel_loop3A_1006 = arith.addf %parallel_loop3A_988, %parallel_loop3A_1005 : vector<16xf32>
        %parallel_loop3A_1007 = arith.constant 16 : i32
        %parallel_loop3A_1008 = arith.addi %parallel_loop3A_958, %parallel_loop3A_1007 : i32
        %parallel_loop3A_1009 = arith.index_cast %parallel_loop3A_1008 : i32 to index
        %parallel_loop3A_1010 = tpu.vector_load %arg10[%parallel_loop3A_1009] {strides = array<i32>} : memref<8224xf32, #tpu.memory_space<vmem>>, vector<16xf32>,
        tpu.vector_store %arg10[%parallel_loop3A_1009], %parallel_loop3A_1006 {strides = array<i32>} : memref<8224xf32, #tpu.memory_space<vmem>>, vector<16xf32>,
        %parallel_loop3A_1011 = vector.extract_strided_slice %parallel_loop3A_167 {offsets = [13], sizes = [1], strides = [1]} : vector<16xi32> to vector<1xi32>
        %parallel_loop3A_1012 = vector.extract %parallel_loop3A_1011[0] : i32 from vector<1xi32>
        %parallel_loop3A_1013 = vector.extract_strided_slice %parallel_loop3A_198 {offsets = [7], sizes = [1], strides = [1]} : vector<16xi32> to vector<1xi32>
        %parallel_loop3A_1014 = vector.extract %parallel_loop3A_1013[0] : i32 from vector<1xi32>
        %parallel_loop3A_1015 = vector.extract_strided_slice %parallel_loop3A_198 {offsets = [8], sizes = [1], strides = [1]} : vector<16xi32> to vector<1xi32>
        %parallel_loop3A_1016 = vector.extract %parallel_loop3A_1015[0] : i32 from vector<1xi32>
        %parallel_loop3A_1017 = vector.extract_strided_slice %parallel_loop3A_198 {offsets = [9], sizes = [1], strides = [1]} : vector<16xi32> to vector<1xi32>
        %parallel_loop3A_1018 = vector.extract %parallel_loop3A_1017[0] : i32 from vector<1xi32>
        %parallel_loop3A_1019 = arith.constant 416 : i32
        %parallel_loop3A_1020 = arith.addi %parallel_loop3A_204, %parallel_loop3A_1019 : i32
        %parallel_loop3A_1021 = arith.constant 0 : i32
        %parallel_loop3A_1022 = arith.addi %parallel_loop3A_1012, %parallel_loop3A_1021 : i32
        %parallel_loop3A_1023 = arith.index_cast %parallel_loop3A_1022 : i32 to index
        %parallel_loop3A_1024 = tpu.vector_load %arg8[%parallel_loop3A_1023] {strides = array<i32>} : memref<16384xf32, #tpu.memory_space<vmem>>, vector<16xf32>,
        %parallel_loop3A_1025 = arith.constant 0 : i32
        %parallel_loop3A_1026 = arith.addi %parallel_loop3A_1014, %parallel_loop3A_1025 : i32
        %parallel_loop3A_1027 = arith.index_cast %parallel_loop3A_1026 : i32 to index
        %parallel_loop3A_1028 = tpu.vector_load %arg9[%parallel_loop3A_1027] {strides = array<i32>} : memref<49152xf32, #tpu.memory_space<vmem>>, vector<16xf32>,
        %parallel_loop3A_1029 = arith.constant 0 : i32
        %parallel_loop3A_1030 = arith.addi %parallel_loop3A_1016, %parallel_loop3A_1029 : i32
        %parallel_loop3A_1031 = arith.index_cast %parallel_loop3A_1030 : i32 to index
        %parallel_loop3A_1032 = tpu.vector_load %arg9[%parallel_loop3A_1031] {strides = array<i32>} : memref<49152xf32, #tpu.memory_space<vmem>>, vector<16xf32>,
        %parallel_loop3A_1033 = arith.addf %parallel_loop3A_1028, %parallel_loop3A_1032 : vector<16xf32>
        %parallel_loop3A_1034 = arith.constant 0 : i32
        %parallel_loop3A_1035 = arith.addi %parallel_loop3A_1018, %parallel_loop3A_1034 : i32
        %parallel_loop3A_1036 = arith.index_cast %parallel_loop3A_1035 : i32 to index
        %parallel_loop3A_1037 = tpu.vector_load %arg9[%parallel_loop3A_1036] {strides = array<i32>} : memref<49152xf32, #tpu.memory_space<vmem>>, vector<16xf32>,
        %parallel_loop3A_1038 = arith.addf %parallel_loop3A_1033, %parallel_loop3A_1037 : vector<16xf32>
        %parallel_loop3A_1039 = arith.constant 0.333333343 : f32
        %parallel_loop3A_1040 = vector.broadcast %parallel_loop3A_1039 : f32 to vector<16xf32>
        %parallel_loop3A_1041 = arith.mulf %parallel_loop3A_1038, %parallel_loop3A_1040 : vector<16xf32>
        %parallel_loop3A_1042 = arith.addf %parallel_loop3A_1024, %parallel_loop3A_1041 : vector<16xf32>
        %parallel_loop3A_1043 = arith.constant 0 : i32
        %parallel_loop3A_1044 = arith.addi %parallel_loop3A_1020, %parallel_loop3A_1043 : i32
        %parallel_loop3A_1045 = arith.index_cast %parallel_loop3A_1044 : i32 to index
        %parallel_loop3A_1046 = tpu.vector_load %arg10[%parallel_loop3A_1045] {strides = array<i32>} : memref<8224xf32, #tpu.memory_space<vmem>>, vector<16xf32>,
        tpu.vector_store %arg10[%parallel_loop3A_1045], %parallel_loop3A_1042 {strides = array<i32>} : memref<8224xf32, #tpu.memory_space<vmem>>, vector<16xf32>,
        %parallel_loop3A_1047 = arith.constant 16 : i32
        %parallel_loop3A_1048 = arith.addi %parallel_loop3A_1012, %parallel_loop3A_1047 : i32
        %parallel_loop3A_1049 = arith.index_cast %parallel_loop3A_1048 : i32 to index
        %parallel_loop3A_1050 = tpu.vector_load %arg8[%parallel_loop3A_1049] {strides = array<i32>} : memref<16384xf32, #tpu.memory_space<vmem>>, vector<16xf32>,
        %parallel_loop3A_1051 = arith.constant 16 : i32
        %parallel_loop3A_1052 = arith.addi %parallel_loop3A_1014, %parallel_loop3A_1051 : i32
        %parallel_loop3A_1053 = arith.index_cast %parallel_loop3A_1052 : i32 to index
        %parallel_loop3A_1054 = tpu.vector_load %arg9[%parallel_loop3A_1053] {strides = array<i32>} : memref<49152xf32, #tpu.memory_space<vmem>>, vector<16xf32>,
        %parallel_loop3A_1055 = arith.constant 16 : i32
        %parallel_loop3A_1056 = arith.addi %parallel_loop3A_1016, %parallel_loop3A_1055 : i32
        %parallel_loop3A_1057 = arith.index_cast %parallel_loop3A_1056 : i32 to index
        %parallel_loop3A_1058 = tpu.vector_load %arg9[%parallel_loop3A_1057] {strides = array<i32>} : memref<49152xf32, #tpu.memory_space<vmem>>, vector<16xf32>,
        %parallel_loop3A_1059 = arith.addf %parallel_loop3A_1054, %parallel_loop3A_1058 : vector<16xf32>
        %parallel_loop3A_1060 = arith.constant 16 : i32
        %parallel_loop3A_1061 = arith.addi %parallel_loop3A_1018, %parallel_loop3A_1060 : i32
        %parallel_loop3A_1062 = arith.index_cast %parallel_loop3A_1061 : i32 to index
        %parallel_loop3A_1063 = tpu.vector_load %arg9[%parallel_loop3A_1062] {strides = array<i32>} : memref<49152xf32, #tpu.memory_space<vmem>>, vector<16xf32>,
        %parallel_loop3A_1064 = arith.addf %parallel_loop3A_1059, %parallel_loop3A_1063 : vector<16xf32>
        %parallel_loop3A_1065 = arith.constant 0.333333343 : f32
        %parallel_loop3A_1066 = vector.broadcast %parallel_loop3A_1065 : f32 to vector<16xf32>
        %parallel_loop3A_1067 = arith.mulf %parallel_loop3A_1064, %parallel_loop3A_1066 : vector<16xf32>
        %parallel_loop3A_1068 = arith.addf %parallel_loop3A_1050, %parallel_loop3A_1067 : vector<16xf32>
        %parallel_loop3A_1069 = arith.constant 16 : i32
        %parallel_loop3A_1070 = arith.addi %parallel_loop3A_1020, %parallel_loop3A_1069 : i32
        %parallel_loop3A_1071 = arith.index_cast %parallel_loop3A_1070 : i32 to index
        %parallel_loop3A_1072 = tpu.vector_load %arg10[%parallel_loop3A_1071] {strides = array<i32>} : memref<8224xf32, #tpu.memory_space<vmem>>, vector<16xf32>,
        tpu.vector_store %arg10[%parallel_loop3A_1071], %parallel_loop3A_1068 {strides = array<i32>} : memref<8224xf32, #tpu.memory_space<vmem>>, vector<16xf32>,
        %parallel_loop3A_1073 = vector.extract_strided_slice %parallel_loop3A_167 {offsets = [14], sizes = [1], strides = [1]} : vector<16xi32> to vector<1xi32>
        %parallel_loop3A_1074 = vector.extract %parallel_loop3A_1073[0] : i32 from vector<1xi32>
        %parallel_loop3A_1075 = vector.extract_strided_slice %parallel_loop3A_198 {offsets = [10], sizes = [1], strides = [1]} : vector<16xi32> to vector<1xi32>
        %parallel_loop3A_1076 = vector.extract %parallel_loop3A_1075[0] : i32 from vector<1xi32>
        %parallel_loop3A_1077 = vector.extract_strided_slice %parallel_loop3A_198 {offsets = [11], sizes = [1], strides = [1]} : vector<16xi32> to vector<1xi32>
        %parallel_loop3A_1078 = vector.extract %parallel_loop3A_1077[0] : i32 from vector<1xi32>
        %parallel_loop3A_1079 = vector.extract_strided_slice %parallel_loop3A_198 {offsets = [12], sizes = [1], strides = [1]} : vector<16xi32> to vector<1xi32>
        %parallel_loop3A_1080 = vector.extract %parallel_loop3A_1079[0] : i32 from vector<1xi32>
        %parallel_loop3A_1081 = arith.constant 448 : i32
        %parallel_loop3A_1082 = arith.addi %parallel_loop3A_204, %parallel_loop3A_1081 : i32
        %parallel_loop3A_1083 = arith.constant 0 : i32
        %parallel_loop3A_1084 = arith.addi %parallel_loop3A_1074, %parallel_loop3A_1083 : i32
        %parallel_loop3A_1085 = arith.index_cast %parallel_loop3A_1084 : i32 to index
        %parallel_loop3A_1086 = tpu.vector_load %arg8[%parallel_loop3A_1085] {strides = array<i32>} : memref<16384xf32, #tpu.memory_space<vmem>>, vector<16xf32>,
        %parallel_loop3A_1087 = arith.constant 0 : i32
        %parallel_loop3A_1088 = arith.addi %parallel_loop3A_1076, %parallel_loop3A_1087 : i32
        %parallel_loop3A_1089 = arith.index_cast %parallel_loop3A_1088 : i32 to index
        %parallel_loop3A_1090 = tpu.vector_load %arg9[%parallel_loop3A_1089] {strides = array<i32>} : memref<49152xf32, #tpu.memory_space<vmem>>, vector<16xf32>,
        %parallel_loop3A_1091 = arith.constant 0 : i32
        %parallel_loop3A_1092 = arith.addi %parallel_loop3A_1078, %parallel_loop3A_1091 : i32
        %parallel_loop3A_1093 = arith.index_cast %parallel_loop3A_1092 : i32 to index
        %parallel_loop3A_1094 = tpu.vector_load %arg9[%parallel_loop3A_1093] {strides = array<i32>} : memref<49152xf32, #tpu.memory_space<vmem>>, vector<16xf32>,
        %parallel_loop3A_1095 = arith.addf %parallel_loop3A_1090, %parallel_loop3A_1094 : vector<16xf32>
        %parallel_loop3A_1096 = arith.constant 0 : i32
        %parallel_loop3A_1097 = arith.addi %parallel_loop3A_1080, %parallel_loop3A_1096 : i32
        %parallel_loop3A_1098 = arith.index_cast %parallel_loop3A_1097 : i32 to index
        %parallel_loop3A_1099 = tpu.vector_load %arg9[%parallel_loop3A_1098] {strides = array<i32>} : memref<49152xf32, #tpu.memory_space<vmem>>, vector<16xf32>,
        %parallel_loop3A_1100 = arith.addf %parallel_loop3A_1095, %parallel_loop3A_1099 : vector<16xf32>
        %parallel_loop3A_1101 = arith.constant 0.333333343 : f32
        %parallel_loop3A_1102 = vector.broadcast %parallel_loop3A_1101 : f32 to vector<16xf32>
        %parallel_loop3A_1103 = arith.mulf %parallel_loop3A_1100, %parallel_loop3A_1102 : vector<16xf32>
        %parallel_loop3A_1104 = arith.addf %parallel_loop3A_1086, %parallel_loop3A_1103 : vector<16xf32>
        %parallel_loop3A_1105 = arith.constant 0 : i32
        %parallel_loop3A_1106 = arith.addi %parallel_loop3A_1082, %parallel_loop3A_1105 : i32
        %parallel_loop3A_1107 = arith.index_cast %parallel_loop3A_1106 : i32 to index
        %parallel_loop3A_1108 = tpu.vector_load %arg10[%parallel_loop3A_1107] {strides = array<i32>} : memref<8224xf32, #tpu.memory_space<vmem>>, vector<16xf32>,
        tpu.vector_store %arg10[%parallel_loop3A_1107], %parallel_loop3A_1104 {strides = array<i32>} : memref<8224xf32, #tpu.memory_space<vmem>>, vector<16xf32>,
        %parallel_loop3A_1109 = arith.constant 16 : i32
        %parallel_loop3A_1110 = arith.addi %parallel_loop3A_1074, %parallel_loop3A_1109 : i32
        %parallel_loop3A_1111 = arith.index_cast %parallel_loop3A_1110 : i32 to index
        %parallel_loop3A_1112 = tpu.vector_load %arg8[%parallel_loop3A_1111] {strides = array<i32>} : memref<16384xf32, #tpu.memory_space<vmem>>, vector<16xf32>,
        %parallel_loop3A_1113 = arith.constant 16 : i32
        %parallel_loop3A_1114 = arith.addi %parallel_loop3A_1076, %parallel_loop3A_1113 : i32
        %parallel_loop3A_1115 = arith.index_cast %parallel_loop3A_1114 : i32 to index
        %parallel_loop3A_1116 = tpu.vector_load %arg9[%parallel_loop3A_1115] {strides = array<i32>} : memref<49152xf32, #tpu.memory_space<vmem>>, vector<16xf32>,
        %parallel_loop3A_1117 = arith.constant 16 : i32
        %parallel_loop3A_1118 = arith.addi %parallel_loop3A_1078, %parallel_loop3A_1117 : i32
        %parallel_loop3A_1119 = arith.index_cast %parallel_loop3A_1118 : i32 to index
        %parallel_loop3A_1120 = tpu.vector_load %arg9[%parallel_loop3A_1119] {strides = array<i32>} : memref<49152xf32, #tpu.memory_space<vmem>>, vector<16xf32>,
        %parallel_loop3A_1121 = arith.addf %parallel_loop3A_1116, %parallel_loop3A_1120 : vector<16xf32>
        %parallel_loop3A_1122 = arith.constant 16 : i32
        %parallel_loop3A_1123 = arith.addi %parallel_loop3A_1080, %parallel_loop3A_1122 : i32
        %parallel_loop3A_1124 = arith.index_cast %parallel_loop3A_1123 : i32 to index
        %parallel_loop3A_1125 = tpu.vector_load %arg9[%parallel_loop3A_1124] {strides = array<i32>} : memref<49152xf32, #tpu.memory_space<vmem>>, vector<16xf32>,
        %parallel_loop3A_1126 = arith.addf %parallel_loop3A_1121, %parallel_loop3A_1125 : vector<16xf32>
        %parallel_loop3A_1127 = arith.constant 0.333333343 : f32
        %parallel_loop3A_1128 = vector.broadcast %parallel_loop3A_1127 : f32 to vector<16xf32>
        %parallel_loop3A_1129 = arith.mulf %parallel_loop3A_1126, %parallel_loop3A_1128 : vector<16xf32>
        %parallel_loop3A_1130 = arith.addf %parallel_loop3A_1112, %parallel_loop3A_1129 : vector<16xf32>
        %parallel_loop3A_1131 = arith.constant 16 : i32
        %parallel_loop3A_1132 = arith.addi %parallel_loop3A_1082, %parallel_loop3A_1131 : i32
        %parallel_loop3A_1133 = arith.index_cast %parallel_loop3A_1132 : i32 to index
        %parallel_loop3A_1134 = tpu.vector_load %arg10[%parallel_loop3A_1133] {strides = array<i32>} : memref<8224xf32, #tpu.memory_space<vmem>>, vector<16xf32>,
        tpu.vector_store %arg10[%parallel_loop3A_1133], %parallel_loop3A_1130 {strides = array<i32>} : memref<8224xf32, #tpu.memory_space<vmem>>, vector<16xf32>,
        %parallel_loop3A_1135 = vector.extract_strided_slice %parallel_loop3A_167 {offsets = [15], sizes = [1], strides = [1]} : vector<16xi32> to vector<1xi32>
        %parallel_loop3A_1136 = vector.extract %parallel_loop3A_1135[0] : i32 from vector<1xi32>
        %parallel_loop3A_1137 = vector.extract_strided_slice %parallel_loop3A_198 {offsets = [13], sizes = [1], strides = [1]} : vector<16xi32> to vector<1xi32>
        %parallel_loop3A_1138 = vector.extract %parallel_loop3A_1137[0] : i32 from vector<1xi32>
        %parallel_loop3A_1139 = vector.extract_strided_slice %parallel_loop3A_198 {offsets = [14], sizes = [1], strides = [1]} : vector<16xi32> to vector<1xi32>
        %parallel_loop3A_1140 = vector.extract %parallel_loop3A_1139[0] : i32 from vector<1xi32>
        %parallel_loop3A_1141 = vector.extract_strided_slice %parallel_loop3A_198 {offsets = [15], sizes = [1], strides = [1]} : vector<16xi32> to vector<1xi32>
        %parallel_loop3A_1142 = vector.extract %parallel_loop3A_1141[0] : i32 from vector<1xi32>
        %parallel_loop3A_1143 = arith.constant 480 : i32
        %parallel_loop3A_1144 = arith.addi %parallel_loop3A_204, %parallel_loop3A_1143 : i32
        %parallel_loop3A_1145 = arith.constant 0 : i32
        %parallel_loop3A_1146 = arith.addi %parallel_loop3A_1136, %parallel_loop3A_1145 : i32
        %parallel_loop3A_1147 = arith.index_cast %parallel_loop3A_1146 : i32 to index
        %parallel_loop3A_1148 = tpu.vector_load %arg8[%parallel_loop3A_1147] {strides = array<i32>} : memref<16384xf32, #tpu.memory_space<vmem>>, vector<16xf32>,
        %parallel_loop3A_1149 = arith.constant 0 : i32
        %parallel_loop3A_1150 = arith.addi %parallel_loop3A_1138, %parallel_loop3A_1149 : i32
        %parallel_loop3A_1151 = arith.index_cast %parallel_loop3A_1150 : i32 to index
        %parallel_loop3A_1152 = tpu.vector_load %arg9[%parallel_loop3A_1151] {strides = array<i32>} : memref<49152xf32, #tpu.memory_space<vmem>>, vector<16xf32>,
        %parallel_loop3A_1153 = arith.constant 0 : i32
        %parallel_loop3A_1154 = arith.addi %parallel_loop3A_1140, %parallel_loop3A_1153 : i32
        %parallel_loop3A_1155 = arith.index_cast %parallel_loop3A_1154 : i32 to index
        %parallel_loop3A_1156 = tpu.vector_load %arg9[%parallel_loop3A_1155] {strides = array<i32>} : memref<49152xf32, #tpu.memory_space<vmem>>, vector<16xf32>,
        %parallel_loop3A_1157 = arith.addf %parallel_loop3A_1152, %parallel_loop3A_1156 : vector<16xf32>
        %parallel_loop3A_1158 = arith.constant 0 : i32
        %parallel_loop3A_1159 = arith.addi %parallel_loop3A_1142, %parallel_loop3A_1158 : i32
        %parallel_loop3A_1160 = arith.index_cast %parallel_loop3A_1159 : i32 to index
        %parallel_loop3A_1161 = tpu.vector_load %arg9[%parallel_loop3A_1160] {strides = array<i32>} : memref<49152xf32, #tpu.memory_space<vmem>>, vector<16xf32>,
        %parallel_loop3A_1162 = arith.addf %parallel_loop3A_1157, %parallel_loop3A_1161 : vector<16xf32>
        %parallel_loop3A_1163 = arith.constant 0.333333343 : f32
        %parallel_loop3A_1164 = vector.broadcast %parallel_loop3A_1163 : f32 to vector<16xf32>
        %parallel_loop3A_1165 = arith.mulf %parallel_loop3A_1162, %parallel_loop3A_1164 : vector<16xf32>
        %parallel_loop3A_1166 = arith.addf %parallel_loop3A_1148, %parallel_loop3A_1165 : vector<16xf32>
        %parallel_loop3A_1167 = arith.constant 0 : i32
        %parallel_loop3A_1168 = arith.addi %parallel_loop3A_1144, %parallel_loop3A_1167 : i32
        %parallel_loop3A_1169 = arith.index_cast %parallel_loop3A_1168 : i32 to index
        %parallel_loop3A_1170 = tpu.vector_load %arg10[%parallel_loop3A_1169] {strides = array<i32>} : memref<8224xf32, #tpu.memory_space<vmem>>, vector<16xf32>,
        tpu.vector_store %arg10[%parallel_loop3A_1169], %parallel_loop3A_1166 {strides = array<i32>} : memref<8224xf32, #tpu.memory_space<vmem>>, vector<16xf32>,
        %parallel_loop3A_1171 = arith.constant 16 : i32
        %parallel_loop3A_1172 = arith.addi %parallel_loop3A_1136, %parallel_loop3A_1171 : i32
        %parallel_loop3A_1173 = arith.index_cast %parallel_loop3A_1172 : i32 to index
        %parallel_loop3A_1174 = tpu.vector_load %arg8[%parallel_loop3A_1173] {strides = array<i32>} : memref<16384xf32, #tpu.memory_space<vmem>>, vector<16xf32>,
        %parallel_loop3A_1175 = arith.constant 16 : i32
        %parallel_loop3A_1176 = arith.addi %parallel_loop3A_1138, %parallel_loop3A_1175 : i32
        %parallel_loop3A_1177 = arith.index_cast %parallel_loop3A_1176 : i32 to index
        %parallel_loop3A_1178 = tpu.vector_load %arg9[%parallel_loop3A_1177] {strides = array<i32>} : memref<49152xf32, #tpu.memory_space<vmem>>, vector<16xf32>,
        %parallel_loop3A_1179 = arith.constant 16 : i32
        %parallel_loop3A_1180 = arith.addi %parallel_loop3A_1140, %parallel_loop3A_1179 : i32
        %parallel_loop3A_1181 = arith.index_cast %parallel_loop3A_1180 : i32 to index
        %parallel_loop3A_1182 = tpu.vector_load %arg9[%parallel_loop3A_1181] {strides = array<i32>} : memref<49152xf32, #tpu.memory_space<vmem>>, vector<16xf32>,
        %parallel_loop3A_1183 = arith.addf %parallel_loop3A_1178, %parallel_loop3A_1182 : vector<16xf32>
        %parallel_loop3A_1184 = arith.constant 16 : i32
        %parallel_loop3A_1185 = arith.addi %parallel_loop3A_1142, %parallel_loop3A_1184 : i32
        %parallel_loop3A_1186 = arith.index_cast %parallel_loop3A_1185 : i32 to index
        %parallel_loop3A_1187 = tpu.vector_load %arg9[%parallel_loop3A_1186] {strides = array<i32>} : memref<49152xf32, #tpu.memory_space<vmem>>, vector<16xf32>,
        %parallel_loop3A_1188 = arith.addf %parallel_loop3A_1183, %parallel_loop3A_1187 : vector<16xf32>
        %parallel_loop3A_1189 = arith.constant 0.333333343 : f32
        %parallel_loop3A_1190 = vector.broadcast %parallel_loop3A_1189 : f32 to vector<16xf32>
        %parallel_loop3A_1191 = arith.mulf %parallel_loop3A_1188, %parallel_loop3A_1190 : vector<16xf32>
        %parallel_loop3A_1192 = arith.addf %parallel_loop3A_1174, %parallel_loop3A_1191 : vector<16xf32>
        %parallel_loop3A_1193 = arith.constant 16 : i32
        %parallel_loop3A_1194 = arith.addi %parallel_loop3A_1144, %parallel_loop3A_1193 : i32
        %parallel_loop3A_1195 = arith.index_cast %parallel_loop3A_1194 : i32 to index
        %parallel_loop3A_1196 = tpu.vector_load %arg10[%parallel_loop3A_1195] {strides = array<i32>} : memref<8224xf32, #tpu.memory_space<vmem>>, vector<16xf32>,
        tpu.vector_store %arg10[%parallel_loop3A_1195], %parallel_loop3A_1192 {strides = array<i32>} : memref<8224xf32, #tpu.memory_space<vmem>>, vector<16xf32>,
      } {sc.loop_unroll_factor = 1 : i64, sc.parallel_access}
      %add3A_113 = arith.addi %add3A_34, %add3A_85 : i32
      %dma_start3A_114 = arith.constant 0 : i32
      %dma_start3A_115 = tpu.memref_slice %arg7[%select_n3A, %add3A_113, %dma_start3A_114] : memref<8x257x8224xf32, #tpu.memory_space<hbm>> -> memref<1x1x8224xf32, #tpu.memory_space<hbm>>
      %dma_start3A_116 = tpu.memref_squeeze %dma_start3A_115 : memref<1x1x8224xf32, #tpu.memory_space<hbm>> -> memref<8224xf32, #tpu.memory_space<hbm>>
      %dma_start3A_117 = arith.constant 0 : i32
      %dma_start3A_118 = tpu.memref_slice %arg7[%select_n3A, %add3A_113, %dma_start3A_117] : memref<8x257x8224xf32, #tpu.memory_space<hbm>> -> memref<1x1x8224xf32, #tpu.memory_space<hbm>>
      %dma_start3A_119 = tpu.memref_squeeze %dma_start3A_118 : memref<1x1x8224xf32, #tpu.memory_space<hbm>> -> memref<8224xf32, #tpu.memory_space<hbm>>
      tpu.enqueue_dma source(%arg10 : memref<8224xf32, #tpu.memory_space<vmem>>) target(%dma_start3A_119 : memref<8224xf32, #tpu.memory_space<hbm>>) target_semaphore(%arg18 : memref<!tpu.dma_semaphore, #tpu.memory_space<semaphore_mem>>)
      %mul3A_120 = arith.constant 2 : i32
      %mul3A_121 = arith.muli %scan3A_81, %mul3A_120 : i32
      %add3A_122 = arith.constant 1 : i32
      %add3A_123 = arith.addi %mul3A_121, %add3A_122 : i32
      %add3A_124 = arith.constant 1 : i32
      %add3A_125 = arith.addi %add3A_123, %add3A_124 : i32
      %lt3A_126 = arith.constant 64 : i32
      %lt3A_127 = arith.cmpi slt, %add3A_125, %lt3A_126 : i32
      %convert_element_type3A_128 = arith.extui %lt3A_127 : i1 to i32
      %cond3A_129 = arith.constant 0 : i32
      %cond3A_130 = arith.cmpi ne, %convert_element_type3A_128, %cond3A_129 : i32
      scf.if %cond3A_130 {
        %add3A_160 = arith.constant 1 : i32
        %add3A_161 = arith.addi %add3A_123, %add3A_160 : i32
        %sub3A_162 = arith.constant 1 : i32
        %sub3A_163 = arith.subi %add3A_34, %sub3A_162 : i32
        %add3A_164 = arith.addi %sub3A_163, %add3A_161 : i32
        %dma_start3A_165 = arith.constant 0 : i32
        %dma_start3A_166 = tpu.memref_slice %arg2[%select_n3A, %add3A_164, %dma_start3A_165] : memref<8x256x256xi32, #tpu.memory_space<hbm>> -> memref<1x1x256xi32, #tpu.memory_space<hbm>>
        %dma_start3A_167 = tpu.memref_squeeze %dma_start3A_166 : memref<1x1x256xi32, #tpu.memory_space<hbm>> -> memref<256xi32, #tpu.memory_space<hbm>>
        %dma_start3A_168 = arith.constant 0 : i32
        %dma_start3A_169 = tpu.memref_slice %arg2[%select_n3A, %add3A_164, %dma_start3A_168] : memref<8x256x256xi32, #tpu.memory_space<hbm>> -> memref<1x1x256xi32, #tpu.memory_space<hbm>>
        %dma_start3A_170 = tpu.memref_squeeze %dma_start3A_169 : memref<1x1x256xi32, #tpu.memory_space<hbm>> -> memref<256xi32, #tpu.memory_space<hbm>>
        tpu.enqueue_dma source(%dma_start3A_170 : memref<256xi32, #tpu.memory_space<hbm>>) target(%arg14 : memref<256xi32, #tpu.memory_space<vmem>>) target_semaphore(%arg20 : memref<!tpu.dma_semaphore, #tpu.memory_space<semaphore_mem>>)
        %dma_start3A_171 = arith.constant 0 : i32
        %dma_start3A_172 = tpu.memref_slice %arg3[%select_n3A, %add3A_164, %dma_start3A_171] : memref<8x256x768xi32, #tpu.memory_space<hbm>> -> memref<1x1x768xi32, #tpu.memory_space<hbm>>
        %dma_start3A_173 = tpu.memref_squeeze %dma_start3A_172 : memref<1x1x768xi32, #tpu.memory_space<hbm>> -> memref<768xi32, #tpu.memory_space<hbm>>
        %dma_start3A_174 = arith.constant 0 : i32
        %dma_start3A_175 = tpu.memref_slice %arg3[%select_n3A, %add3A_164, %dma_start3A_174] : memref<8x256x768xi32, #tpu.memory_space<hbm>> -> memref<1x1x768xi32, #tpu.memory_space<hbm>>
        %dma_start3A_176 = tpu.memref_squeeze %dma_start3A_175 : memref<1x1x768xi32, #tpu.memory_space<hbm>> -> memref<768xi32, #tpu.memory_space<hbm>>
        tpu.enqueue_dma source(%dma_start3A_176 : memref<768xi32, #tpu.memory_space<hbm>>) target(%arg16 : memref<768xi32, #tpu.memory_space<vmem>>) target_semaphore(%arg22 : memref<!tpu.dma_semaphore, #tpu.memory_space<semaphore_mem>>)
      } else {
      }
      %dma_wait3A_131 = arith.constant 0 : i32
      %dma_wait3A_132 = arith.constant 0 : i32
      %dma_wait3A_133 = tpu.memref_slice %arg2[%select_n3A, %dma_wait3A_131, %dma_wait3A_132] : memref<8x256x256xi32, #tpu.memory_space<hbm>> -> memref<1x1x256xi32, #tpu.memory_space<hbm>>
      %dma_wait3A_134 = tpu.memref_squeeze %dma_wait3A_133 : memref<1x1x256xi32, #tpu.memory_space<hbm>> -> memref<256xi32, #tpu.memory_space<hbm>>
      %dma_wait3A_135 = arith.constant 0 : i32
      %dma_wait3A_136 = tpu.memref_slice %arg2[%select_n3A, %dma_wait3A_131, %dma_wait3A_135] : memref<8x256x256xi32, #tpu.memory_space<hbm>> -> memref<1x1x256xi32, #tpu.memory_space<hbm>>
      %dma_wait3A_137 = tpu.memref_squeeze %dma_wait3A_136 : memref<1x1x256xi32, #tpu.memory_space<hbm>> -> memref<256xi32, #tpu.memory_space<hbm>>
      tpu.wait_dma2 semaphore(%arg21 : memref<!tpu.dma_semaphore, #tpu.memory_space<semaphore_mem>>) src(%dma_wait3A_137 : memref<256xi32, #tpu.memory_space<hbm>>) dst(%arg15 : memref<256xi32, #tpu.memory_space<vmem>>)
      %dma_wait3A_138 = arith.constant 0 : i32
      %dma_wait3A_139 = arith.constant 0 : i32
      %dma_wait3A_140 = tpu.memref_slice %arg3[%select_n3A, %dma_wait3A_138, %dma_wait3A_139] : memref<8x256x768xi32, #tpu.memory_space<hbm>> -> memref<1x1x768xi32, #tpu.memory_space<hbm>>
      %dma_wait3A_141 = tpu.memref_squeeze %dma_wait3A_140 : memref<1x1x768xi32, #tpu.memory_space<hbm>> -> memref<768xi32, #tpu.memory_space<hbm>>
      %dma_wait3A_142 = arith.constant 0 : i32
      %dma_wait3A_143 = tpu.memref_slice %arg3[%select_n3A, %dma_wait3A_138, %dma_wait3A_142] : memref<8x256x768xi32, #tpu.memory_space<hbm>> -> memref<1x1x768xi32, #tpu.memory_space<hbm>>
      %dma_wait3A_144 = tpu.memref_squeeze %dma_wait3A_143 : memref<1x1x768xi32, #tpu.memory_space<hbm>> -> memref<768xi32, #tpu.memory_space<hbm>>
      tpu.wait_dma2 semaphore(%arg23 : memref<!tpu.dma_semaphore, #tpu.memory_space<semaphore_mem>>) src(%dma_wait3A_144 : memref<768xi32, #tpu.memory_space<hbm>>) dst(%arg17 : memref<768xi32, #tpu.memory_space<vmem>>)
      %ge3A_145 = arith.constant 2 : i32
      %ge3A_146 = arith.cmpi sge, %add3A_123, %ge3A_145 : i32
      %convert_element_type3A_147 = arith.extui %ge3A_146 : i1 to i32
      %cond3A_148 = arith.constant 0 : i32
      %cond3A_149 = arith.cmpi ne, %convert_element_type3A_147, %cond3A_148 : i32
      scf.if %cond3A_149 {
        %dma_wait3A_160 = arith.constant 1 : i32
        %dma_wait3A_161 = arith.constant 0 : i32
        %dma_wait3A_162 = tpu.memref_slice %arg7[%select_n3A, %dma_wait3A_160, %dma_wait3A_161] : memref<8x257x8224xf32, #tpu.memory_space<hbm>> -> memref<1x1x8224xf32, #tpu.memory_space<hbm>>
        %dma_wait3A_163 = tpu.memref_squeeze %dma_wait3A_162 : memref<1x1x8224xf32, #tpu.memory_space<hbm>> -> memref<8224xf32, #tpu.memory_space<hbm>>
        %dma_wait3A_164 = arith.constant 0 : i32
        %dma_wait3A_165 = tpu.memref_slice %arg7[%select_n3A, %dma_wait3A_160, %dma_wait3A_164] : memref<8x257x8224xf32, #tpu.memory_space<hbm>> -> memref<1x1x8224xf32, #tpu.memory_space<hbm>>
        %dma_wait3A_166 = tpu.memref_squeeze %dma_wait3A_165 : memref<1x1x8224xf32, #tpu.memory_space<hbm>> -> memref<8224xf32, #tpu.memory_space<hbm>>
        tpu.wait_dma2 semaphore(%arg19 : memref<!tpu.dma_semaphore, #tpu.memory_space<semaphore_mem>>) src(%arg11 : memref<8224xf32, #tpu.memory_space<vmem>>) dst(%dma_wait3A_166 : memref<8224xf32, #tpu.memory_space<hbm>>)
      } else {
      }
      %parallel_loop3A_150 = arith.constant 0 : i32
      %parallel_loop3A_151 = arith.constant 16 : i32
      %parallel_loop3A_152 = arith.constant 1 : i32
      scf.for %parallel_loop3A_160 = %parallel_loop3A_150 to %parallel_loop3A_151 step %parallel_loop3A_152  : i32 {
        %parallel_loop3A_161 = arith.constant 16 : i32
        %parallel_loop3A_162 = arith.muli %parallel_loop3A_160, %parallel_loop3A_161 : i32
        %parallel_loop3A_163 = arith.index_cast %parallel_loop3A_162 : i32 to index
        %parallel_loop3A_164 = tpu.vector_load %arg15[%parallel_loop3A_163] {strides = array<i32>} : memref<256xi32, #tpu.memory_space<vmem>>, vector<16xi32>,
        %parallel_loop3A_165 = arith.constant 32 : i32
        %parallel_loop3A_166 = vector.broadcast %parallel_loop3A_165 : i32 to vector<16xi32>
        %parallel_loop3A_167 = arith.muli %parallel_loop3A_164, %parallel_loop3A_166 : vector<16xi32>
        %parallel_loop3A_168 = arith.constant 16 : i32
        %parallel_loop3A_169 = arith.muli %parallel_loop3A_160, %parallel_loop3A_168 : i32
        %parallel_loop3A_170 = arith.constant 3 : i32
        %parallel_loop3A_171 = arith.muli %parallel_loop3A_169, %parallel_loop3A_170 : i32
        %parallel_loop3A_172 = arith.index_cast %parallel_loop3A_171 : i32 to index
        %parallel_loop3A_173 = tpu.vector_load %arg17[%parallel_loop3A_172] {strides = array<i32>} : memref<768xi32, #tpu.memory_space<vmem>>, vector<16xi32>,
        %parallel_loop3A_174 = arith.constant 32 : i32
        %parallel_loop3A_175 = vector.broadcast %parallel_loop3A_174 : i32 to vector<16xi32>
        %parallel_loop3A_176 = arith.muli %parallel_loop3A_173, %parallel_loop3A_175 : vector<16xi32>
        %parallel_loop3A_177 = arith.constant 16 : i32
        %parallel_loop3A_178 = arith.muli %parallel_loop3A_160, %parallel_loop3A_177 : i32
        %parallel_loop3A_179 = arith.constant 3 : i32
        %parallel_loop3A_180 = arith.muli %parallel_loop3A_178, %parallel_loop3A_179 : i32
        %parallel_loop3A_181 = arith.constant 16 : i32
        %parallel_loop3A_182 = arith.addi %parallel_loop3A_180, %parallel_loop3A_181 : i32
        %parallel_loop3A_183 = arith.index_cast %parallel_loop3A_182 : i32 to index
        %parallel_loop3A_184 = tpu.vector_load %arg17[%parallel_loop3A_183] {strides = array<i32>} : memref<768xi32, #tpu.memory_space<vmem>>, vector<16xi32>,
        %parallel_loop3A_185 = arith.constant 32 : i32
        %parallel_loop3A_186 = vector.broadcast %parallel_loop3A_185 : i32 to vector<16xi32>
        %parallel_loop3A_187 = arith.muli %parallel_loop3A_184, %parallel_loop3A_186 : vector<16xi32>
        %parallel_loop3A_188 = arith.constant 16 : i32
        %parallel_loop3A_189 = arith.muli %parallel_loop3A_160, %parallel_loop3A_188 : i32
        %parallel_loop3A_190 = arith.constant 3 : i32
        %parallel_loop3A_191 = arith.muli %parallel_loop3A_189, %parallel_loop3A_190 : i32
        %parallel_loop3A_192 = arith.constant 32 : i32
        %parallel_loop3A_193 = arith.addi %parallel_loop3A_191, %parallel_loop3A_192 : i32
        %parallel_loop3A_194 = arith.index_cast %parallel_loop3A_193 : i32 to index
        %parallel_loop3A_195 = tpu.vector_load %arg17[%parallel_loop3A_194] {strides = array<i32>} : memref<768xi32, #tpu.memory_space<vmem>>, vector<16xi32>,
        %parallel_loop3A_196 = arith.constant 32 : i32
        %parallel_loop3A_197 = vector.broadcast %parallel_loop3A_196 : i32 to vector<16xi32>
        %parallel_loop3A_198 = arith.muli %parallel_loop3A_195, %parallel_loop3A_197 : vector<16xi32>
        %parallel_loop3A_199 = arith.constant 16 : i32
        %parallel_loop3A_200 = arith.muli %parallel_loop3A_160, %parallel_loop3A_199 : i32
        %parallel_loop3A_201 = arith.constant 1 : i32
        %parallel_loop3A_202 = arith.addi %parallel_loop3A_201, %parallel_loop3A_200 : i32
        %parallel_loop3A_203 = arith.constant 32 : i32
        %parallel_loop3A_204 = arith.muli %parallel_loop3A_202, %parallel_loop3A_203 : i32
        %parallel_loop3A_205 = vector.extract_strided_slice %parallel_loop3A_167 {offsets = [0], sizes = [1], strides = [1]} : vector<16xi32> to vector<1xi32>
        %parallel_loop3A_206 = vector.extract %parallel_loop3A_205[0] : i32 from vector<1xi32>
        %parallel_loop3A_207 = vector.extract_strided_slice %parallel_loop3A_176 {offsets = [0], sizes = [1], strides = [1]} : vector<16xi32> to vector<1xi32>
        %parallel_loop3A_208 = vector.extract %parallel_loop3A_207[0] : i32 from vector<1xi32>
        %parallel_loop3A_209 = vector.extract_strided_slice %parallel_loop3A_176 {offsets = [1], sizes = [1], strides = [1]} : vector<16xi32> to vector<1xi32>
        %parallel_loop3A_210 = vector.extract %parallel_loop3A_209[0] : i32 from vector<1xi32>
        %parallel_loop3A_211 = vector.extract_strided_slice %parallel_loop3A_176 {offsets = [2], sizes = [1], strides = [1]} : vector<16xi32> to vector<1xi32>
        %parallel_loop3A_212 = vector.extract %parallel_loop3A_211[0] : i32 from vector<1xi32>
        %parallel_loop3A_213 = arith.constant 0 : i32
        %parallel_loop3A_214 = arith.addi %parallel_loop3A_204, %parallel_loop3A_213 : i32
        %parallel_loop3A_215 = arith.constant 0 : i32
        %parallel_loop3A_216 = arith.addi %parallel_loop3A_206, %parallel_loop3A_215 : i32
        %parallel_loop3A_217 = arith.index_cast %parallel_loop3A_216 : i32 to index
        %parallel_loop3A_218 = tpu.vector_load %arg8[%parallel_loop3A_217] {strides = array<i32>} : memref<16384xf32, #tpu.memory_space<vmem>>, vector<16xf32>,
        %parallel_loop3A_219 = arith.constant 0 : i32
        %parallel_loop3A_220 = arith.addi %parallel_loop3A_208, %parallel_loop3A_219 : i32
        %parallel_loop3A_221 = arith.index_cast %parallel_loop3A_220 : i32 to index
        %parallel_loop3A_222 = tpu.vector_load %arg9[%parallel_loop3A_221] {strides = array<i32>} : memref<49152xf32, #tpu.memory_space<vmem>>, vector<16xf32>,
        %parallel_loop3A_223 = arith.constant 0 : i32
        %parallel_loop3A_224 = arith.addi %parallel_loop3A_210, %parallel_loop3A_223 : i32
        %parallel_loop3A_225 = arith.index_cast %parallel_loop3A_224 : i32 to index
        %parallel_loop3A_226 = tpu.vector_load %arg9[%parallel_loop3A_225] {strides = array<i32>} : memref<49152xf32, #tpu.memory_space<vmem>>, vector<16xf32>,
        %parallel_loop3A_227 = arith.addf %parallel_loop3A_222, %parallel_loop3A_226 : vector<16xf32>
        %parallel_loop3A_228 = arith.constant 0 : i32
        %parallel_loop3A_229 = arith.addi %parallel_loop3A_212, %parallel_loop3A_228 : i32
        %parallel_loop3A_230 = arith.index_cast %parallel_loop3A_229 : i32 to index
        %parallel_loop3A_231 = tpu.vector_load %arg9[%parallel_loop3A_230] {strides = array<i32>} : memref<49152xf32, #tpu.memory_space<vmem>>, vector<16xf32>,
        %parallel_loop3A_232 = arith.addf %parallel_loop3A_227, %parallel_loop3A_231 : vector<16xf32>
        %parallel_loop3A_233 = arith.constant 0.333333343 : f32
        %parallel_loop3A_234 = vector.broadcast %parallel_loop3A_233 : f32 to vector<16xf32>
        %parallel_loop3A_235 = arith.mulf %parallel_loop3A_232, %parallel_loop3A_234 : vector<16xf32>
        %parallel_loop3A_236 = arith.addf %parallel_loop3A_218, %parallel_loop3A_235 : vector<16xf32>
        %parallel_loop3A_237 = arith.constant 0 : i32
        %parallel_loop3A_238 = arith.addi %parallel_loop3A_214, %parallel_loop3A_237 : i32
        %parallel_loop3A_239 = arith.index_cast %parallel_loop3A_238 : i32 to index
        %parallel_loop3A_240 = tpu.vector_load %arg11[%parallel_loop3A_239] {strides = array<i32>} : memref<8224xf32, #tpu.memory_space<vmem>>, vector<16xf32>,
        tpu.vector_store %arg11[%parallel_loop3A_239], %parallel_loop3A_236 {strides = array<i32>} : memref<8224xf32, #tpu.memory_space<vmem>>, vector<16xf32>,
        %parallel_loop3A_241 = arith.constant 16 : i32
        %parallel_loop3A_242 = arith.addi %parallel_loop3A_206, %parallel_loop3A_241 : i32
        %parallel_loop3A_243 = arith.index_cast %parallel_loop3A_242 : i32 to index
        %parallel_loop3A_244 = tpu.vector_load %arg8[%parallel_loop3A_243] {strides = array<i32>} : memref<16384xf32, #tpu.memory_space<vmem>>, vector<16xf32>,
        %parallel_loop3A_245 = arith.constant 16 : i32
        %parallel_loop3A_246 = arith.addi %parallel_loop3A_208, %parallel_loop3A_245 : i32
        %parallel_loop3A_247 = arith.index_cast %parallel_loop3A_246 : i32 to index
        %parallel_loop3A_248 = tpu.vector_load %arg9[%parallel_loop3A_247] {strides = array<i32>} : memref<49152xf32, #tpu.memory_space<vmem>>, vector<16xf32>,
        %parallel_loop3A_249 = arith.constant 16 : i32
        %parallel_loop3A_250 = arith.addi %parallel_loop3A_210, %parallel_loop3A_249 : i32
        %parallel_loop3A_251 = arith.index_cast %parallel_loop3A_250 : i32 to index
        %parallel_loop3A_252 = tpu.vector_load %arg9[%parallel_loop3A_251] {strides = array<i32>} : memref<49152xf32, #tpu.memory_space<vmem>>, vector<16xf32>,
        %parallel_loop3A_253 = arith.addf %parallel_loop3A_248, %parallel_loop3A_252 : vector<16xf32>
        %parallel_loop3A_254 = arith.constant 16 : i32
        %parallel_loop3A_255 = arith.addi %parallel_loop3A_212, %parallel_loop3A_254 : i32
        %parallel_loop3A_256 = arith.index_cast %parallel_loop3A_255 : i32 to index
        %parallel_loop3A_257 = tpu.vector_load %arg9[%parallel_loop3A_256] {strides = array<i32>} : memref<49152xf32, #tpu.memory_space<vmem>>, vector<16xf32>,
        %parallel_loop3A_258 = arith.addf %parallel_loop3A_253, %parallel_loop3A_257 : vector<16xf32>
        %parallel_loop3A_259 = arith.constant 0.333333343 : f32
        %parallel_loop3A_260 = vector.broadcast %parallel_loop3A_259 : f32 to vector<16xf32>
        %parallel_loop3A_261 = arith.mulf %parallel_loop3A_258, %parallel_loop3A_260 : vector<16xf32>
        %parallel_loop3A_262 = arith.addf %parallel_loop3A_244, %parallel_loop3A_261 : vector<16xf32>
        %parallel_loop3A_263 = arith.constant 16 : i32
        %parallel_loop3A_264 = arith.addi %parallel_loop3A_214, %parallel_loop3A_263 : i32
        %parallel_loop3A_265 = arith.index_cast %parallel_loop3A_264 : i32 to index
        %parallel_loop3A_266 = tpu.vector_load %arg11[%parallel_loop3A_265] {strides = array<i32>} : memref<8224xf32, #tpu.memory_space<vmem>>, vector<16xf32>,
        tpu.vector_store %arg11[%parallel_loop3A_265], %parallel_loop3A_262 {strides = array<i32>} : memref<8224xf32, #tpu.memory_space<vmem>>, vector<16xf32>,
        %parallel_loop3A_267 = vector.extract_strided_slice %parallel_loop3A_167 {offsets = [1], sizes = [1], strides = [1]} : vector<16xi32> to vector<1xi32>
        %parallel_loop3A_268 = vector.extract %parallel_loop3A_267[0] : i32 from vector<1xi32>
        %parallel_loop3A_269 = vector.extract_strided_slice %parallel_loop3A_176 {offsets = [3], sizes = [1], strides = [1]} : vector<16xi32> to vector<1xi32>
        %parallel_loop3A_270 = vector.extract %parallel_loop3A_269[0] : i32 from vector<1xi32>
        %parallel_loop3A_271 = vector.extract_strided_slice %parallel_loop3A_176 {offsets = [4], sizes = [1], strides = [1]} : vector<16xi32> to vector<1xi32>
        %parallel_loop3A_272 = vector.extract %parallel_loop3A_271[0] : i32 from vector<1xi32>
        %parallel_loop3A_273 = vector.extract_strided_slice %parallel_loop3A_176 {offsets = [5], sizes = [1], strides = [1]} : vector<16xi32> to vector<1xi32>
        %parallel_loop3A_274 = vector.extract %parallel_loop3A_273[0] : i32 from vector<1xi32>
        %parallel_loop3A_275 = arith.constant 32 : i32
        %parallel_loop3A_276 = arith.addi %parallel_loop3A_204, %parallel_loop3A_275 : i32
        %parallel_loop3A_277 = arith.constant 0 : i32
        %parallel_loop3A_278 = arith.addi %parallel_loop3A_268, %parallel_loop3A_277 : i32
        %parallel_loop3A_279 = arith.index_cast %parallel_loop3A_278 : i32 to index
        %parallel_loop3A_280 = tpu.vector_load %arg8[%parallel_loop3A_279] {strides = array<i32>} : memref<16384xf32, #tpu.memory_space<vmem>>, vector<16xf32>,
        %parallel_loop3A_281 = arith.constant 0 : i32
        %parallel_loop3A_282 = arith.addi %parallel_loop3A_270, %parallel_loop3A_281 : i32
        %parallel_loop3A_283 = arith.index_cast %parallel_loop3A_282 : i32 to index
        %parallel_loop3A_284 = tpu.vector_load %arg9[%parallel_loop3A_283] {strides = array<i32>} : memref<49152xf32, #tpu.memory_space<vmem>>, vector<16xf32>,
        %parallel_loop3A_285 = arith.constant 0 : i32
        %parallel_loop3A_286 = arith.addi %parallel_loop3A_272, %parallel_loop3A_285 : i32
        %parallel_loop3A_287 = arith.index_cast %parallel_loop3A_286 : i32 to index
        %parallel_loop3A_288 = tpu.vector_load %arg9[%parallel_loop3A_287] {strides = array<i32>} : memref<49152xf32, #tpu.memory_space<vmem>>, vector<16xf32>,
        %parallel_loop3A_289 = arith.addf %parallel_loop3A_284, %parallel_loop3A_288 : vector<16xf32>
        %parallel_loop3A_290 = arith.constant 0 : i32
        %parallel_loop3A_291 = arith.addi %parallel_loop3A_274, %parallel_loop3A_290 : i32
        %parallel_loop3A_292 = arith.index_cast %parallel_loop3A_291 : i32 to index
        %parallel_loop3A_293 = tpu.vector_load %arg9[%parallel_loop3A_292] {strides = array<i32>} : memref<49152xf32, #tpu.memory_space<vmem>>, vector<16xf32>,
        %parallel_loop3A_294 = arith.addf %parallel_loop3A_289, %parallel_loop3A_293 : vector<16xf32>
        %parallel_loop3A_295 = arith.constant 0.333333343 : f32
        %parallel_loop3A_296 = vector.broadcast %parallel_loop3A_295 : f32 to vector<16xf32>
        %parallel_loop3A_297 = arith.mulf %parallel_loop3A_294, %parallel_loop3A_296 : vector<16xf32>
        %parallel_loop3A_298 = arith.addf %parallel_loop3A_280, %parallel_loop3A_297 : vector<16xf32>
        %parallel_loop3A_299 = arith.constant 0 : i32
        %parallel_loop3A_300 = arith.addi %parallel_loop3A_276, %parallel_loop3A_299 : i32
        %parallel_loop3A_301 = arith.index_cast %parallel_loop3A_300 : i32 to index
        %parallel_loop3A_302 = tpu.vector_load %arg11[%parallel_loop3A_301] {strides = array<i32>} : memref<8224xf32, #tpu.memory_space<vmem>>, vector<16xf32>,
        tpu.vector_store %arg11[%parallel_loop3A_301], %parallel_loop3A_298 {strides = array<i32>} : memref<8224xf32, #tpu.memory_space<vmem>>, vector<16xf32>,
        %parallel_loop3A_303 = arith.constant 16 : i32
        %parallel_loop3A_304 = arith.addi %parallel_loop3A_268, %parallel_loop3A_303 : i32
        %parallel_loop3A_305 = arith.index_cast %parallel_loop3A_304 : i32 to index
        %parallel_loop3A_306 = tpu.vector_load %arg8[%parallel_loop3A_305] {strides = array<i32>} : memref<16384xf32, #tpu.memory_space<vmem>>, vector<16xf32>,
        %parallel_loop3A_307 = arith.constant 16 : i32
        %parallel_loop3A_308 = arith.addi %parallel_loop3A_270, %parallel_loop3A_307 : i32
        %parallel_loop3A_309 = arith.index_cast %parallel_loop3A_308 : i32 to index
        %parallel_loop3A_310 = tpu.vector_load %arg9[%parallel_loop3A_309] {strides = array<i32>} : memref<49152xf32, #tpu.memory_space<vmem>>, vector<16xf32>,
        %parallel_loop3A_311 = arith.constant 16 : i32
        %parallel_loop3A_312 = arith.addi %parallel_loop3A_272, %parallel_loop3A_311 : i32
        %parallel_loop3A_313 = arith.index_cast %parallel_loop3A_312 : i32 to index
        %parallel_loop3A_314 = tpu.vector_load %arg9[%parallel_loop3A_313] {strides = array<i32>} : memref<49152xf32, #tpu.memory_space<vmem>>, vector<16xf32>,
        %parallel_loop3A_315 = arith.addf %parallel_loop3A_310, %parallel_loop3A_314 : vector<16xf32>
        %parallel_loop3A_316 = arith.constant 16 : i32
        %parallel_loop3A_317 = arith.addi %parallel_loop3A_274, %parallel_loop3A_316 : i32
        %parallel_loop3A_318 = arith.index_cast %parallel_loop3A_317 : i32 to index
        %parallel_loop3A_319 = tpu.vector_load %arg9[%parallel_loop3A_318] {strides = array<i32>} : memref<49152xf32, #tpu.memory_space<vmem>>, vector<16xf32>,
        %parallel_loop3A_320 = arith.addf %parallel_loop3A_315, %parallel_loop3A_319 : vector<16xf32>
        %parallel_loop3A_321 = arith.constant 0.333333343 : f32
        %parallel_loop3A_322 = vector.broadcast %parallel_loop3A_321 : f32 to vector<16xf32>
        %parallel_loop3A_323 = arith.mulf %parallel_loop3A_320, %parallel_loop3A_322 : vector<16xf32>
        %parallel_loop3A_324 = arith.addf %parallel_loop3A_306, %parallel_loop3A_323 : vector<16xf32>
        %parallel_loop3A_325 = arith.constant 16 : i32
        %parallel_loop3A_326 = arith.addi %parallel_loop3A_276, %parallel_loop3A_325 : i32
        %parallel_loop3A_327 = arith.index_cast %parallel_loop3A_326 : i32 to index
        %parallel_loop3A_328 = tpu.vector_load %arg11[%parallel_loop3A_327] {strides = array<i32>} : memref<8224xf32, #tpu.memory_space<vmem>>, vector<16xf32>,
        tpu.vector_store %arg11[%parallel_loop3A_327], %parallel_loop3A_324 {strides = array<i32>} : memref<8224xf32, #tpu.memory_space<vmem>>, vector<16xf32>,
        %parallel_loop3A_329 = vector.extract_strided_slice %parallel_loop3A_167 {offsets = [2], sizes = [1], strides = [1]} : vector<16xi32> to vector<1xi32>
        %parallel_loop3A_330 = vector.extract %parallel_loop3A_329[0] : i32 from vector<1xi32>
        %parallel_loop3A_331 = vector.extract_strided_slice %parallel_loop3A_176 {offsets = [6], sizes = [1], strides = [1]} : vector<16xi32> to vector<1xi32>
        %parallel_loop3A_332 = vector.extract %parallel_loop3A_331[0] : i32 from vector<1xi32>
        %parallel_loop3A_333 = vector.extract_strided_slice %parallel_loop3A_176 {offsets = [7], sizes = [1], strides = [1]} : vector<16xi32> to vector<1xi32>
        %parallel_loop3A_334 = vector.extract %parallel_loop3A_333[0] : i32 from vector<1xi32>
        %parallel_loop3A_335 = vector.extract_strided_slice %parallel_loop3A_176 {offsets = [8], sizes = [1], strides = [1]} : vector<16xi32> to vector<1xi32>
        %parallel_loop3A_336 = vector.extract %parallel_loop3A_335[0] : i32 from vector<1xi32>
        %parallel_loop3A_337 = arith.constant 64 : i32
        %parallel_loop3A_338 = arith.addi %parallel_loop3A_204, %parallel_loop3A_337 : i32
        %parallel_loop3A_339 = arith.constant 0 : i32
        %parallel_loop3A_340 = arith.addi %parallel_loop3A_330, %parallel_loop3A_339 : i32
        %parallel_loop3A_341 = arith.index_cast %parallel_loop3A_340 : i32 to index
        %parallel_loop3A_342 = tpu.vector_load %arg8[%parallel_loop3A_341] {strides = array<i32>} : memref<16384xf32, #tpu.memory_space<vmem>>, vector<16xf32>,
        %parallel_loop3A_343 = arith.constant 0 : i32
        %parallel_loop3A_344 = arith.addi %parallel_loop3A_332, %parallel_loop3A_343 : i32
        %parallel_loop3A_345 = arith.index_cast %parallel_loop3A_344 : i32 to index
        %parallel_loop3A_346 = tpu.vector_load %arg9[%parallel_loop3A_345] {strides = array<i32>} : memref<49152xf32, #tpu.memory_space<vmem>>, vector<16xf32>,
        %parallel_loop3A_347 = arith.constant 0 : i32
        %parallel_loop3A_348 = arith.addi %parallel_loop3A_334, %parallel_loop3A_347 : i32
        %parallel_loop3A_349 = arith.index_cast %parallel_loop3A_348 : i32 to index
        %parallel_loop3A_350 = tpu.vector_load %arg9[%parallel_loop3A_349] {strides = array<i32>} : memref<49152xf32, #tpu.memory_space<vmem>>, vector<16xf32>,
        %parallel_loop3A_351 = arith.addf %parallel_loop3A_346, %parallel_loop3A_350 : vector<16xf32>
        %parallel_loop3A_352 = arith.constant 0 : i32
        %parallel_loop3A_353 = arith.addi %parallel_loop3A_336, %parallel_loop3A_352 : i32
        %parallel_loop3A_354 = arith.index_cast %parallel_loop3A_353 : i32 to index
        %parallel_loop3A_355 = tpu.vector_load %arg9[%parallel_loop3A_354] {strides = array<i32>} : memref<49152xf32, #tpu.memory_space<vmem>>, vector<16xf32>,
        %parallel_loop3A_356 = arith.addf %parallel_loop3A_351, %parallel_loop3A_355 : vector<16xf32>
        %parallel_loop3A_357 = arith.constant 0.333333343 : f32
        %parallel_loop3A_358 = vector.broadcast %parallel_loop3A_357 : f32 to vector<16xf32>
        %parallel_loop3A_359 = arith.mulf %parallel_loop3A_356, %parallel_loop3A_358 : vector<16xf32>
        %parallel_loop3A_360 = arith.addf %parallel_loop3A_342, %parallel_loop3A_359 : vector<16xf32>
        %parallel_loop3A_361 = arith.constant 0 : i32
        %parallel_loop3A_362 = arith.addi %parallel_loop3A_338, %parallel_loop3A_361 : i32
        %parallel_loop3A_363 = arith.index_cast %parallel_loop3A_362 : i32 to index
        %parallel_loop3A_364 = tpu.vector_load %arg11[%parallel_loop3A_363] {strides = array<i32>} : memref<8224xf32, #tpu.memory_space<vmem>>, vector<16xf32>,
        tpu.vector_store %arg11[%parallel_loop3A_363], %parallel_loop3A_360 {strides = array<i32>} : memref<8224xf32, #tpu.memory_space<vmem>>, vector<16xf32>,
        %parallel_loop3A_365 = arith.constant 16 : i32
        %parallel_loop3A_366 = arith.addi %parallel_loop3A_330, %parallel_loop3A_365 : i32
        %parallel_loop3A_367 = arith.index_cast %parallel_loop3A_366 : i32 to index
        %parallel_loop3A_368 = tpu.vector_load %arg8[%parallel_loop3A_367] {strides = array<i32>} : memref<16384xf32, #tpu.memory_space<vmem>>, vector<16xf32>,
        %parallel_loop3A_369 = arith.constant 16 : i32
        %parallel_loop3A_370 = arith.addi %parallel_loop3A_332, %parallel_loop3A_369 : i32
        %parallel_loop3A_371 = arith.index_cast %parallel_loop3A_370 : i32 to index
        %parallel_loop3A_372 = tpu.vector_load %arg9[%parallel_loop3A_371] {strides = array<i32>} : memref<49152xf32, #tpu.memory_space<vmem>>, vector<16xf32>,
        %parallel_loop3A_373 = arith.constant 16 : i32
        %parallel_loop3A_374 = arith.addi %parallel_loop3A_334, %parallel_loop3A_373 : i32
        %parallel_loop3A_375 = arith.index_cast %parallel_loop3A_374 : i32 to index
        %parallel_loop3A_376 = tpu.vector_load %arg9[%parallel_loop3A_375] {strides = array<i32>} : memref<49152xf32, #tpu.memory_space<vmem>>, vector<16xf32>,
        %parallel_loop3A_377 = arith.addf %parallel_loop3A_372, %parallel_loop3A_376 : vector<16xf32>
        %parallel_loop3A_378 = arith.constant 16 : i32
        %parallel_loop3A_379 = arith.addi %parallel_loop3A_336, %parallel_loop3A_378 : i32
        %parallel_loop3A_380 = arith.index_cast %parallel_loop3A_379 : i32 to index
        %parallel_loop3A_381 = tpu.vector_load %arg9[%parallel_loop3A_380] {strides = array<i32>} : memref<49152xf32, #tpu.memory_space<vmem>>, vector<16xf32>,
        %parallel_loop3A_382 = arith.addf %parallel_loop3A_377, %parallel_loop3A_381 : vector<16xf32>
        %parallel_loop3A_383 = arith.constant 0.333333343 : f32
        %parallel_loop3A_384 = vector.broadcast %parallel_loop3A_383 : f32 to vector<16xf32>
        %parallel_loop3A_385 = arith.mulf %parallel_loop3A_382, %parallel_loop3A_384 : vector<16xf32>
        %parallel_loop3A_386 = arith.addf %parallel_loop3A_368, %parallel_loop3A_385 : vector<16xf32>
        %parallel_loop3A_387 = arith.constant 16 : i32
        %parallel_loop3A_388 = arith.addi %parallel_loop3A_338, %parallel_loop3A_387 : i32
        %parallel_loop3A_389 = arith.index_cast %parallel_loop3A_388 : i32 to index
        %parallel_loop3A_390 = tpu.vector_load %arg11[%parallel_loop3A_389] {strides = array<i32>} : memref<8224xf32, #tpu.memory_space<vmem>>, vector<16xf32>,
        tpu.vector_store %arg11[%parallel_loop3A_389], %parallel_loop3A_386 {strides = array<i32>} : memref<8224xf32, #tpu.memory_space<vmem>>, vector<16xf32>,
        %parallel_loop3A_391 = vector.extract_strided_slice %parallel_loop3A_167 {offsets = [3], sizes = [1], strides = [1]} : vector<16xi32> to vector<1xi32>
        %parallel_loop3A_392 = vector.extract %parallel_loop3A_391[0] : i32 from vector<1xi32>
        %parallel_loop3A_393 = vector.extract_strided_slice %parallel_loop3A_176 {offsets = [9], sizes = [1], strides = [1]} : vector<16xi32> to vector<1xi32>
        %parallel_loop3A_394 = vector.extract %parallel_loop3A_393[0] : i32 from vector<1xi32>
        %parallel_loop3A_395 = vector.extract_strided_slice %parallel_loop3A_176 {offsets = [10], sizes = [1], strides = [1]} : vector<16xi32> to vector<1xi32>
        %parallel_loop3A_396 = vector.extract %parallel_loop3A_395[0] : i32 from vector<1xi32>
        %parallel_loop3A_397 = vector.extract_strided_slice %parallel_loop3A_176 {offsets = [11], sizes = [1], strides = [1]} : vector<16xi32> to vector<1xi32>
        %parallel_loop3A_398 = vector.extract %parallel_loop3A_397[0] : i32 from vector<1xi32>
        %parallel_loop3A_399 = arith.constant 96 : i32
        %parallel_loop3A_400 = arith.addi %parallel_loop3A_204, %parallel_loop3A_399 : i32
        %parallel_loop3A_401 = arith.constant 0 : i32
        %parallel_loop3A_402 = arith.addi %parallel_loop3A_392, %parallel_loop3A_401 : i32
        %parallel_loop3A_403 = arith.index_cast %parallel_loop3A_402 : i32 to index
        %parallel_loop3A_404 = tpu.vector_load %arg8[%parallel_loop3A_403] {strides = array<i32>} : memref<16384xf32, #tpu.memory_space<vmem>>, vector<16xf32>,
        %parallel_loop3A_405 = arith.constant 0 : i32
        %parallel_loop3A_406 = arith.addi %parallel_loop3A_394, %parallel_loop3A_405 : i32
        %parallel_loop3A_407 = arith.index_cast %parallel_loop3A_406 : i32 to index
        %parallel_loop3A_408 = tpu.vector_load %arg9[%parallel_loop3A_407] {strides = array<i32>} : memref<49152xf32, #tpu.memory_space<vmem>>, vector<16xf32>,
        %parallel_loop3A_409 = arith.constant 0 : i32
        %parallel_loop3A_410 = arith.addi %parallel_loop3A_396, %parallel_loop3A_409 : i32
        %parallel_loop3A_411 = arith.index_cast %parallel_loop3A_410 : i32 to index
        %parallel_loop3A_412 = tpu.vector_load %arg9[%parallel_loop3A_411] {strides = array<i32>} : memref<49152xf32, #tpu.memory_space<vmem>>, vector<16xf32>,
        %parallel_loop3A_413 = arith.addf %parallel_loop3A_408, %parallel_loop3A_412 : vector<16xf32>
        %parallel_loop3A_414 = arith.constant 0 : i32
        %parallel_loop3A_415 = arith.addi %parallel_loop3A_398, %parallel_loop3A_414 : i32
        %parallel_loop3A_416 = arith.index_cast %parallel_loop3A_415 : i32 to index
        %parallel_loop3A_417 = tpu.vector_load %arg9[%parallel_loop3A_416] {strides = array<i32>} : memref<49152xf32, #tpu.memory_space<vmem>>, vector<16xf32>,
        %parallel_loop3A_418 = arith.addf %parallel_loop3A_413, %parallel_loop3A_417 : vector<16xf32>
        %parallel_loop3A_419 = arith.constant 0.333333343 : f32
        %parallel_loop3A_420 = vector.broadcast %parallel_loop3A_419 : f32 to vector<16xf32>
        %parallel_loop3A_421 = arith.mulf %parallel_loop3A_418, %parallel_loop3A_420 : vector<16xf32>
        %parallel_loop3A_422 = arith.addf %parallel_loop3A_404, %parallel_loop3A_421 : vector<16xf32>
        %parallel_loop3A_423 = arith.constant 0 : i32
        %parallel_loop3A_424 = arith.addi %parallel_loop3A_400, %parallel_loop3A_423 : i32
        %parallel_loop3A_425 = arith.index_cast %parallel_loop3A_424 : i32 to index
        %parallel_loop3A_426 = tpu.vector_load %arg11[%parallel_loop3A_425] {strides = array<i32>} : memref<8224xf32, #tpu.memory_space<vmem>>, vector<16xf32>,
        tpu.vector_store %arg11[%parallel_loop3A_425], %parallel_loop3A_422 {strides = array<i32>} : memref<8224xf32, #tpu.memory_space<vmem>>, vector<16xf32>,
        %parallel_loop3A_427 = arith.constant 16 : i32
        %parallel_loop3A_428 = arith.addi %parallel_loop3A_392, %parallel_loop3A_427 : i32
        %parallel_loop3A_429 = arith.index_cast %parallel_loop3A_428 : i32 to index
        %parallel_loop3A_430 = tpu.vector_load %arg8[%parallel_loop3A_429] {strides = array<i32>} : memref<16384xf32, #tpu.memory_space<vmem>>, vector<16xf32>,
        %parallel_loop3A_431 = arith.constant 16 : i32
        %parallel_loop3A_432 = arith.addi %parallel_loop3A_394, %parallel_loop3A_431 : i32
        %parallel_loop3A_433 = arith.index_cast %parallel_loop3A_432 : i32 to index
        %parallel_loop3A_434 = tpu.vector_load %arg9[%parallel_loop3A_433] {strides = array<i32>} : memref<49152xf32, #tpu.memory_space<vmem>>, vector<16xf32>,
        %parallel_loop3A_435 = arith.constant 16 : i32
        %parallel_loop3A_436 = arith.addi %parallel_loop3A_396, %parallel_loop3A_435 : i32
        %parallel_loop3A_437 = arith.index_cast %parallel_loop3A_436 : i32 to index
        %parallel_loop3A_438 = tpu.vector_load %arg9[%parallel_loop3A_437] {strides = array<i32>} : memref<49152xf32, #tpu.memory_space<vmem>>, vector<16xf32>,
        %parallel_loop3A_439 = arith.addf %parallel_loop3A_434, %parallel_loop3A_438 : vector<16xf32>
        %parallel_loop3A_440 = arith.constant 16 : i32
        %parallel_loop3A_441 = arith.addi %parallel_loop3A_398, %parallel_loop3A_440 : i32
        %parallel_loop3A_442 = arith.index_cast %parallel_loop3A_441 : i32 to index
        %parallel_loop3A_443 = tpu.vector_load %arg9[%parallel_loop3A_442] {strides = array<i32>} : memref<49152xf32, #tpu.memory_space<vmem>>, vector<16xf32>,
        %parallel_loop3A_444 = arith.addf %parallel_loop3A_439, %parallel_loop3A_443 : vector<16xf32>
        %parallel_loop3A_445 = arith.constant 0.333333343 : f32
        %parallel_loop3A_446 = vector.broadcast %parallel_loop3A_445 : f32 to vector<16xf32>
        %parallel_loop3A_447 = arith.mulf %parallel_loop3A_444, %parallel_loop3A_446 : vector<16xf32>
        %parallel_loop3A_448 = arith.addf %parallel_loop3A_430, %parallel_loop3A_447 : vector<16xf32>
        %parallel_loop3A_449 = arith.constant 16 : i32
        %parallel_loop3A_450 = arith.addi %parallel_loop3A_400, %parallel_loop3A_449 : i32
        %parallel_loop3A_451 = arith.index_cast %parallel_loop3A_450 : i32 to index
        %parallel_loop3A_452 = tpu.vector_load %arg11[%parallel_loop3A_451] {strides = array<i32>} : memref<8224xf32, #tpu.memory_space<vmem>>, vector<16xf32>,
        tpu.vector_store %arg11[%parallel_loop3A_451], %parallel_loop3A_448 {strides = array<i32>} : memref<8224xf32, #tpu.memory_space<vmem>>, vector<16xf32>,
        %parallel_loop3A_453 = vector.extract_strided_slice %parallel_loop3A_167 {offsets = [4], sizes = [1], strides = [1]} : vector<16xi32> to vector<1xi32>
        %parallel_loop3A_454 = vector.extract %parallel_loop3A_453[0] : i32 from vector<1xi32>
        %parallel_loop3A_455 = vector.extract_strided_slice %parallel_loop3A_176 {offsets = [12], sizes = [1], strides = [1]} : vector<16xi32> to vector<1xi32>
        %parallel_loop3A_456 = vector.extract %parallel_loop3A_455[0] : i32 from vector<1xi32>
        %parallel_loop3A_457 = vector.extract_strided_slice %parallel_loop3A_176 {offsets = [13], sizes = [1], strides = [1]} : vector<16xi32> to vector<1xi32>
        %parallel_loop3A_458 = vector.extract %parallel_loop3A_457[0] : i32 from vector<1xi32>
        %parallel_loop3A_459 = vector.extract_strided_slice %parallel_loop3A_176 {offsets = [14], sizes = [1], strides = [1]} : vector<16xi32> to vector<1xi32>
        %parallel_loop3A_460 = vector.extract %parallel_loop3A_459[0] : i32 from vector<1xi32>
        %parallel_loop3A_461 = arith.constant 128 : i32
        %parallel_loop3A_462 = arith.addi %parallel_loop3A_204, %parallel_loop3A_461 : i32
        %parallel_loop3A_463 = arith.constant 0 : i32
        %parallel_loop3A_464 = arith.addi %parallel_loop3A_454, %parallel_loop3A_463 : i32
        %parallel_loop3A_465 = arith.index_cast %parallel_loop3A_464 : i32 to index
        %parallel_loop3A_466 = tpu.vector_load %arg8[%parallel_loop3A_465] {strides = array<i32>} : memref<16384xf32, #tpu.memory_space<vmem>>, vector<16xf32>,
        %parallel_loop3A_467 = arith.constant 0 : i32
        %parallel_loop3A_468 = arith.addi %parallel_loop3A_456, %parallel_loop3A_467 : i32
        %parallel_loop3A_469 = arith.index_cast %parallel_loop3A_468 : i32 to index
        %parallel_loop3A_470 = tpu.vector_load %arg9[%parallel_loop3A_469] {strides = array<i32>} : memref<49152xf32, #tpu.memory_space<vmem>>, vector<16xf32>,
        %parallel_loop3A_471 = arith.constant 0 : i32
        %parallel_loop3A_472 = arith.addi %parallel_loop3A_458, %parallel_loop3A_471 : i32
        %parallel_loop3A_473 = arith.index_cast %parallel_loop3A_472 : i32 to index
        %parallel_loop3A_474 = tpu.vector_load %arg9[%parallel_loop3A_473] {strides = array<i32>} : memref<49152xf32, #tpu.memory_space<vmem>>, vector<16xf32>,
        %parallel_loop3A_475 = arith.addf %parallel_loop3A_470, %parallel_loop3A_474 : vector<16xf32>
        %parallel_loop3A_476 = arith.constant 0 : i32
        %parallel_loop3A_477 = arith.addi %parallel_loop3A_460, %parallel_loop3A_476 : i32
        %parallel_loop3A_478 = arith.index_cast %parallel_loop3A_477 : i32 to index
        %parallel_loop3A_479 = tpu.vector_load %arg9[%parallel_loop3A_478] {strides = array<i32>} : memref<49152xf32, #tpu.memory_space<vmem>>, vector<16xf32>,
        %parallel_loop3A_480 = arith.addf %parallel_loop3A_475, %parallel_loop3A_479 : vector<16xf32>
        %parallel_loop3A_481 = arith.constant 0.333333343 : f32
        %parallel_loop3A_482 = vector.broadcast %parallel_loop3A_481 : f32 to vector<16xf32>
        %parallel_loop3A_483 = arith.mulf %parallel_loop3A_480, %parallel_loop3A_482 : vector<16xf32>
        %parallel_loop3A_484 = arith.addf %parallel_loop3A_466, %parallel_loop3A_483 : vector<16xf32>
        %parallel_loop3A_485 = arith.constant 0 : i32
        %parallel_loop3A_486 = arith.addi %parallel_loop3A_462, %parallel_loop3A_485 : i32
        %parallel_loop3A_487 = arith.index_cast %parallel_loop3A_486 : i32 to index
        %parallel_loop3A_488 = tpu.vector_load %arg11[%parallel_loop3A_487] {strides = array<i32>} : memref<8224xf32, #tpu.memory_space<vmem>>, vector<16xf32>,
        tpu.vector_store %arg11[%parallel_loop3A_487], %parallel_loop3A_484 {strides = array<i32>} : memref<8224xf32, #tpu.memory_space<vmem>>, vector<16xf32>,
        %parallel_loop3A_489 = arith.constant 16 : i32
        %parallel_loop3A_490 = arith.addi %parallel_loop3A_454, %parallel_loop3A_489 : i32
        %parallel_loop3A_491 = arith.index_cast %parallel_loop3A_490 : i32 to index
        %parallel_loop3A_492 = tpu.vector_load %arg8[%parallel_loop3A_491] {strides = array<i32>} : memref<16384xf32, #tpu.memory_space<vmem>>, vector<16xf32>,
        %parallel_loop3A_493 = arith.constant 16 : i32
        %parallel_loop3A_494 = arith.addi %parallel_loop3A_456, %parallel_loop3A_493 : i32
        %parallel_loop3A_495 = arith.index_cast %parallel_loop3A_494 : i32 to index
        %parallel_loop3A_496 = tpu.vector_load %arg9[%parallel_loop3A_495] {strides = array<i32>} : memref<49152xf32, #tpu.memory_space<vmem>>, vector<16xf32>,
        %parallel_loop3A_497 = arith.constant 16 : i32
        %parallel_loop3A_498 = arith.addi %parallel_loop3A_458, %parallel_loop3A_497 : i32
        %parallel_loop3A_499 = arith.index_cast %parallel_loop3A_498 : i32 to index
        %parallel_loop3A_500 = tpu.vector_load %arg9[%parallel_loop3A_499] {strides = array<i32>} : memref<49152xf32, #tpu.memory_space<vmem>>, vector<16xf32>,
        %parallel_loop3A_501 = arith.addf %parallel_loop3A_496, %parallel_loop3A_500 : vector<16xf32>
        %parallel_loop3A_502 = arith.constant 16 : i32
        %parallel_loop3A_503 = arith.addi %parallel_loop3A_460, %parallel_loop3A_502 : i32
        %parallel_loop3A_504 = arith.index_cast %parallel_loop3A_503 : i32 to index
        %parallel_loop3A_505 = tpu.vector_load %arg9[%parallel_loop3A_504] {strides = array<i32>} : memref<49152xf32, #tpu.memory_space<vmem>>, vector<16xf32>,
        %parallel_loop3A_506 = arith.addf %parallel_loop3A_501, %parallel_loop3A_505 : vector<16xf32>
        %parallel_loop3A_507 = arith.constant 0.333333343 : f32
        %parallel_loop3A_508 = vector.broadcast %parallel_loop3A_507 : f32 to vector<16xf32>
        %parallel_loop3A_509 = arith.mulf %parallel_loop3A_506, %parallel_loop3A_508 : vector<16xf32>
        %parallel_loop3A_510 = arith.addf %parallel_loop3A_492, %parallel_loop3A_509 : vector<16xf32>
        %parallel_loop3A_511 = arith.constant 16 : i32
        %parallel_loop3A_512 = arith.addi %parallel_loop3A_462, %parallel_loop3A_511 : i32
        %parallel_loop3A_513 = arith.index_cast %parallel_loop3A_512 : i32 to index
        %parallel_loop3A_514 = tpu.vector_load %arg11[%parallel_loop3A_513] {strides = array<i32>} : memref<8224xf32, #tpu.memory_space<vmem>>, vector<16xf32>,
        tpu.vector_store %arg11[%parallel_loop3A_513], %parallel_loop3A_510 {strides = array<i32>} : memref<8224xf32, #tpu.memory_space<vmem>>, vector<16xf32>,
        %parallel_loop3A_515 = vector.extract_strided_slice %parallel_loop3A_167 {offsets = [5], sizes = [1], strides = [1]} : vector<16xi32> to vector<1xi32>
        %parallel_loop3A_516 = vector.extract %parallel_loop3A_515[0] : i32 from vector<1xi32>
        %parallel_loop3A_517 = vector.extract_strided_slice %parallel_loop3A_176 {offsets = [15], sizes = [1], strides = [1]} : vector<16xi32> to vector<1xi32>
        %parallel_loop3A_518 = vector.extract %parallel_loop3A_517[0] : i32 from vector<1xi32>
        %parallel_loop3A_519 = vector.extract_strided_slice %parallel_loop3A_187 {offsets = [0], sizes = [1], strides = [1]} : vector<16xi32> to vector<1xi32>
        %parallel_loop3A_520 = vector.extract %parallel_loop3A_519[0] : i32 from vector<1xi32>
        %parallel_loop3A_521 = vector.extract_strided_slice %parallel_loop3A_187 {offsets = [1], sizes = [1], strides = [1]} : vector<16xi32> to vector<1xi32>
        %parallel_loop3A_522 = vector.extract %parallel_loop3A_521[0] : i32 from vector<1xi32>
        %parallel_loop3A_523 = arith.constant 160 : i32
        %parallel_loop3A_524 = arith.addi %parallel_loop3A_204, %parallel_loop3A_523 : i32
        %parallel_loop3A_525 = arith.constant 0 : i32
        %parallel_loop3A_526 = arith.addi %parallel_loop3A_516, %parallel_loop3A_525 : i32
        %parallel_loop3A_527 = arith.index_cast %parallel_loop3A_526 : i32 to index
        %parallel_loop3A_528 = tpu.vector_load %arg8[%parallel_loop3A_527] {strides = array<i32>} : memref<16384xf32, #tpu.memory_space<vmem>>, vector<16xf32>,
        %parallel_loop3A_529 = arith.constant 0 : i32
        %parallel_loop3A_530 = arith.addi %parallel_loop3A_518, %parallel_loop3A_529 : i32
        %parallel_loop3A_531 = arith.index_cast %parallel_loop3A_530 : i32 to index
        %parallel_loop3A_532 = tpu.vector_load %arg9[%parallel_loop3A_531] {strides = array<i32>} : memref<49152xf32, #tpu.memory_space<vmem>>, vector<16xf32>,
        %parallel_loop3A_533 = arith.constant 0 : i32
        %parallel_loop3A_534 = arith.addi %parallel_loop3A_520, %parallel_loop3A_533 : i32
        %parallel_loop3A_535 = arith.index_cast %parallel_loop3A_534 : i32 to index
        %parallel_loop3A_536 = tpu.vector_load %arg9[%parallel_loop3A_535] {strides = array<i32>} : memref<49152xf32, #tpu.memory_space<vmem>>, vector<16xf32>,
        %parallel_loop3A_537 = arith.addf %parallel_loop3A_532, %parallel_loop3A_536 : vector<16xf32>
        %parallel_loop3A_538 = arith.constant 0 : i32
        %parallel_loop3A_539 = arith.addi %parallel_loop3A_522, %parallel_loop3A_538 : i32
        %parallel_loop3A_540 = arith.index_cast %parallel_loop3A_539 : i32 to index
        %parallel_loop3A_541 = tpu.vector_load %arg9[%parallel_loop3A_540] {strides = array<i32>} : memref<49152xf32, #tpu.memory_space<vmem>>, vector<16xf32>,
        %parallel_loop3A_542 = arith.addf %parallel_loop3A_537, %parallel_loop3A_541 : vector<16xf32>
        %parallel_loop3A_543 = arith.constant 0.333333343 : f32
        %parallel_loop3A_544 = vector.broadcast %parallel_loop3A_543 : f32 to vector<16xf32>
        %parallel_loop3A_545 = arith.mulf %parallel_loop3A_542, %parallel_loop3A_544 : vector<16xf32>
        %parallel_loop3A_546 = arith.addf %parallel_loop3A_528, %parallel_loop3A_545 : vector<16xf32>
        %parallel_loop3A_547 = arith.constant 0 : i32
        %parallel_loop3A_548 = arith.addi %parallel_loop3A_524, %parallel_loop3A_547 : i32
        %parallel_loop3A_549 = arith.index_cast %parallel_loop3A_548 : i32 to index
        %parallel_loop3A_550 = tpu.vector_load %arg11[%parallel_loop3A_549] {strides = array<i32>} : memref<8224xf32, #tpu.memory_space<vmem>>, vector<16xf32>,
        tpu.vector_store %arg11[%parallel_loop3A_549], %parallel_loop3A_546 {strides = array<i32>} : memref<8224xf32, #tpu.memory_space<vmem>>, vector<16xf32>,
        %parallel_loop3A_551 = arith.constant 16 : i32
        %parallel_loop3A_552 = arith.addi %parallel_loop3A_516, %parallel_loop3A_551 : i32
        %parallel_loop3A_553 = arith.index_cast %parallel_loop3A_552 : i32 to index
        %parallel_loop3A_554 = tpu.vector_load %arg8[%parallel_loop3A_553] {strides = array<i32>} : memref<16384xf32, #tpu.memory_space<vmem>>, vector<16xf32>,
        %parallel_loop3A_555 = arith.constant 16 : i32
        %parallel_loop3A_556 = arith.addi %parallel_loop3A_518, %parallel_loop3A_555 : i32
        %parallel_loop3A_557 = arith.index_cast %parallel_loop3A_556 : i32 to index
        %parallel_loop3A_558 = tpu.vector_load %arg9[%parallel_loop3A_557] {strides = array<i32>} : memref<49152xf32, #tpu.memory_space<vmem>>, vector<16xf32>,
        %parallel_loop3A_559 = arith.constant 16 : i32
        %parallel_loop3A_560 = arith.addi %parallel_loop3A_520, %parallel_loop3A_559 : i32
        %parallel_loop3A_561 = arith.index_cast %parallel_loop3A_560 : i32 to index
        %parallel_loop3A_562 = tpu.vector_load %arg9[%parallel_loop3A_561] {strides = array<i32>} : memref<49152xf32, #tpu.memory_space<vmem>>, vector<16xf32>,
        %parallel_loop3A_563 = arith.addf %parallel_loop3A_558, %parallel_loop3A_562 : vector<16xf32>
        %parallel_loop3A_564 = arith.constant 16 : i32
        %parallel_loop3A_565 = arith.addi %parallel_loop3A_522, %parallel_loop3A_564 : i32
        %parallel_loop3A_566 = arith.index_cast %parallel_loop3A_565 : i32 to index
        %parallel_loop3A_567 = tpu.vector_load %arg9[%parallel_loop3A_566] {strides = array<i32>} : memref<49152xf32, #tpu.memory_space<vmem>>, vector<16xf32>,
        %parallel_loop3A_568 = arith.addf %parallel_loop3A_563, %parallel_loop3A_567 : vector<16xf32>
        %parallel_loop3A_569 = arith.constant 0.333333343 : f32
        %parallel_loop3A_570 = vector.broadcast %parallel_loop3A_569 : f32 to vector<16xf32>
        %parallel_loop3A_571 = arith.mulf %parallel_loop3A_568, %parallel_loop3A_570 : vector<16xf32>
        %parallel_loop3A_572 = arith.addf %parallel_loop3A_554, %parallel_loop3A_571 : vector<16xf32>
        %parallel_loop3A_573 = arith.constant 16 : i32
        %parallel_loop3A_574 = arith.addi %parallel_loop3A_524, %parallel_loop3A_573 : i32
        %parallel_loop3A_575 = arith.index_cast %parallel_loop3A_574 : i32 to index
        %parallel_loop3A_576 = tpu.vector_load %arg11[%parallel_loop3A_575] {strides = array<i32>} : memref<8224xf32, #tpu.memory_space<vmem>>, vector<16xf32>,
        tpu.vector_store %arg11[%parallel_loop3A_575], %parallel_loop3A_572 {strides = array<i32>} : memref<8224xf32, #tpu.memory_space<vmem>>, vector<16xf32>,
        %parallel_loop3A_577 = vector.extract_strided_slice %parallel_loop3A_167 {offsets = [6], sizes = [1], strides = [1]} : vector<16xi32> to vector<1xi32>
        %parallel_loop3A_578 = vector.extract %parallel_loop3A_577[0] : i32 from vector<1xi32>
        %parallel_loop3A_579 = vector.extract_strided_slice %parallel_loop3A_187 {offsets = [2], sizes = [1], strides = [1]} : vector<16xi32> to vector<1xi32>
        %parallel_loop3A_580 = vector.extract %parallel_loop3A_579[0] : i32 from vector<1xi32>
        %parallel_loop3A_581 = vector.extract_strided_slice %parallel_loop3A_187 {offsets = [3], sizes = [1], strides = [1]} : vector<16xi32> to vector<1xi32>
        %parallel_loop3A_582 = vector.extract %parallel_loop3A_581[0] : i32 from vector<1xi32>
        %parallel_loop3A_583 = vector.extract_strided_slice %parallel_loop3A_187 {offsets = [4], sizes = [1], strides = [1]} : vector<16xi32> to vector<1xi32>
        %parallel_loop3A_584 = vector.extract %parallel_loop3A_583[0] : i32 from vector<1xi32>
        %parallel_loop3A_585 = arith.constant 192 : i32
        %parallel_loop3A_586 = arith.addi %parallel_loop3A_204, %parallel_loop3A_585 : i32
        %parallel_loop3A_587 = arith.constant 0 : i32
        %parallel_loop3A_588 = arith.addi %parallel_loop3A_578, %parallel_loop3A_587 : i32
        %parallel_loop3A_589 = arith.index_cast %parallel_loop3A_588 : i32 to index
        %parallel_loop3A_590 = tpu.vector_load %arg8[%parallel_loop3A_589] {strides = array<i32>} : memref<16384xf32, #tpu.memory_space<vmem>>, vector<16xf32>,
        %parallel_loop3A_591 = arith.constant 0 : i32
        %parallel_loop3A_592 = arith.addi %parallel_loop3A_580, %parallel_loop3A_591 : i32
        %parallel_loop3A_593 = arith.index_cast %parallel_loop3A_592 : i32 to index
        %parallel_loop3A_594 = tpu.vector_load %arg9[%parallel_loop3A_593] {strides = array<i32>} : memref<49152xf32, #tpu.memory_space<vmem>>, vector<16xf32>,
        %parallel_loop3A_595 = arith.constant 0 : i32
        %parallel_loop3A_596 = arith.addi %parallel_loop3A_582, %parallel_loop3A_595 : i32
        %parallel_loop3A_597 = arith.index_cast %parallel_loop3A_596 : i32 to index
        %parallel_loop3A_598 = tpu.vector_load %arg9[%parallel_loop3A_597] {strides = array<i32>} : memref<49152xf32, #tpu.memory_space<vmem>>, vector<16xf32>,
        %parallel_loop3A_599 = arith.addf %parallel_loop3A_594, %parallel_loop3A_598 : vector<16xf32>
        %parallel_loop3A_600 = arith.constant 0 : i32
        %parallel_loop3A_601 = arith.addi %parallel_loop3A_584, %parallel_loop3A_600 : i32
        %parallel_loop3A_602 = arith.index_cast %parallel_loop3A_601 : i32 to index
        %parallel_loop3A_603 = tpu.vector_load %arg9[%parallel_loop3A_602] {strides = array<i32>} : memref<49152xf32, #tpu.memory_space<vmem>>, vector<16xf32>,
        %parallel_loop3A_604 = arith.addf %parallel_loop3A_599, %parallel_loop3A_603 : vector<16xf32>
        %parallel_loop3A_605 = arith.constant 0.333333343 : f32
        %parallel_loop3A_606 = vector.broadcast %parallel_loop3A_605 : f32 to vector<16xf32>
        %parallel_loop3A_607 = arith.mulf %parallel_loop3A_604, %parallel_loop3A_606 : vector<16xf32>
        %parallel_loop3A_608 = arith.addf %parallel_loop3A_590, %parallel_loop3A_607 : vector<16xf32>
        %parallel_loop3A_609 = arith.constant 0 : i32
        %parallel_loop3A_610 = arith.addi %parallel_loop3A_586, %parallel_loop3A_609 : i32
        %parallel_loop3A_611 = arith.index_cast %parallel_loop3A_610 : i32 to index
        %parallel_loop3A_612 = tpu.vector_load %arg11[%parallel_loop3A_611] {strides = array<i32>} : memref<8224xf32, #tpu.memory_space<vmem>>, vector<16xf32>,
        tpu.vector_store %arg11[%parallel_loop3A_611], %parallel_loop3A_608 {strides = array<i32>} : memref<8224xf32, #tpu.memory_space<vmem>>, vector<16xf32>,
        %parallel_loop3A_613 = arith.constant 16 : i32
        %parallel_loop3A_614 = arith.addi %parallel_loop3A_578, %parallel_loop3A_613 : i32
        %parallel_loop3A_615 = arith.index_cast %parallel_loop3A_614 : i32 to index
        %parallel_loop3A_616 = tpu.vector_load %arg8[%parallel_loop3A_615] {strides = array<i32>} : memref<16384xf32, #tpu.memory_space<vmem>>, vector<16xf32>,
        %parallel_loop3A_617 = arith.constant 16 : i32
        %parallel_loop3A_618 = arith.addi %parallel_loop3A_580, %parallel_loop3A_617 : i32
        %parallel_loop3A_619 = arith.index_cast %parallel_loop3A_618 : i32 to index
        %parallel_loop3A_620 = tpu.vector_load %arg9[%parallel_loop3A_619] {strides = array<i32>} : memref<49152xf32, #tpu.memory_space<vmem>>, vector<16xf32>,
        %parallel_loop3A_621 = arith.constant 16 : i32
        %parallel_loop3A_622 = arith.addi %parallel_loop3A_582, %parallel_loop3A_621 : i32
        %parallel_loop3A_623 = arith.index_cast %parallel_loop3A_622 : i32 to index
        %parallel_loop3A_624 = tpu.vector_load %arg9[%parallel_loop3A_623] {strides = array<i32>} : memref<49152xf32, #tpu.memory_space<vmem>>, vector<16xf32>,
        %parallel_loop3A_625 = arith.addf %parallel_loop3A_620, %parallel_loop3A_624 : vector<16xf32>
        %parallel_loop3A_626 = arith.constant 16 : i32
        %parallel_loop3A_627 = arith.addi %parallel_loop3A_584, %parallel_loop3A_626 : i32
        %parallel_loop3A_628 = arith.index_cast %parallel_loop3A_627 : i32 to index
        %parallel_loop3A_629 = tpu.vector_load %arg9[%parallel_loop3A_628] {strides = array<i32>} : memref<49152xf32, #tpu.memory_space<vmem>>, vector<16xf32>,
        %parallel_loop3A_630 = arith.addf %parallel_loop3A_625, %parallel_loop3A_629 : vector<16xf32>
        %parallel_loop3A_631 = arith.constant 0.333333343 : f32
        %parallel_loop3A_632 = vector.broadcast %parallel_loop3A_631 : f32 to vector<16xf32>
        %parallel_loop3A_633 = arith.mulf %parallel_loop3A_630, %parallel_loop3A_632 : vector<16xf32>
        %parallel_loop3A_634 = arith.addf %parallel_loop3A_616, %parallel_loop3A_633 : vector<16xf32>
        %parallel_loop3A_635 = arith.constant 16 : i32
        %parallel_loop3A_636 = arith.addi %parallel_loop3A_586, %parallel_loop3A_635 : i32
        %parallel_loop3A_637 = arith.index_cast %parallel_loop3A_636 : i32 to index
        %parallel_loop3A_638 = tpu.vector_load %arg11[%parallel_loop3A_637] {strides = array<i32>} : memref<8224xf32, #tpu.memory_space<vmem>>, vector<16xf32>,
        tpu.vector_store %arg11[%parallel_loop3A_637], %parallel_loop3A_634 {strides = array<i32>} : memref<8224xf32, #tpu.memory_space<vmem>>, vector<16xf32>,
        %parallel_loop3A_639 = vector.extract_strided_slice %parallel_loop3A_167 {offsets = [7], sizes = [1], strides = [1]} : vector<16xi32> to vector<1xi32>
        %parallel_loop3A_640 = vector.extract %parallel_loop3A_639[0] : i32 from vector<1xi32>
        %parallel_loop3A_641 = vector.extract_strided_slice %parallel_loop3A_187 {offsets = [5], sizes = [1], strides = [1]} : vector<16xi32> to vector<1xi32>
        %parallel_loop3A_642 = vector.extract %parallel_loop3A_641[0] : i32 from vector<1xi32>
        %parallel_loop3A_643 = vector.extract_strided_slice %parallel_loop3A_187 {offsets = [6], sizes = [1], strides = [1]} : vector<16xi32> to vector<1xi32>
        %parallel_loop3A_644 = vector.extract %parallel_loop3A_643[0] : i32 from vector<1xi32>
        %parallel_loop3A_645 = vector.extract_strided_slice %parallel_loop3A_187 {offsets = [7], sizes = [1], strides = [1]} : vector<16xi32> to vector<1xi32>
        %parallel_loop3A_646 = vector.extract %parallel_loop3A_645[0] : i32 from vector<1xi32>
        %parallel_loop3A_647 = arith.constant 224 : i32
        %parallel_loop3A_648 = arith.addi %parallel_loop3A_204, %parallel_loop3A_647 : i32
        %parallel_loop3A_649 = arith.constant 0 : i32
        %parallel_loop3A_650 = arith.addi %parallel_loop3A_640, %parallel_loop3A_649 : i32
        %parallel_loop3A_651 = arith.index_cast %parallel_loop3A_650 : i32 to index
        %parallel_loop3A_652 = tpu.vector_load %arg8[%parallel_loop3A_651] {strides = array<i32>} : memref<16384xf32, #tpu.memory_space<vmem>>, vector<16xf32>,
        %parallel_loop3A_653 = arith.constant 0 : i32
        %parallel_loop3A_654 = arith.addi %parallel_loop3A_642, %parallel_loop3A_653 : i32
        %parallel_loop3A_655 = arith.index_cast %parallel_loop3A_654 : i32 to index
        %parallel_loop3A_656 = tpu.vector_load %arg9[%parallel_loop3A_655] {strides = array<i32>} : memref<49152xf32, #tpu.memory_space<vmem>>, vector<16xf32>,
        %parallel_loop3A_657 = arith.constant 0 : i32
        %parallel_loop3A_658 = arith.addi %parallel_loop3A_644, %parallel_loop3A_657 : i32
        %parallel_loop3A_659 = arith.index_cast %parallel_loop3A_658 : i32 to index
        %parallel_loop3A_660 = tpu.vector_load %arg9[%parallel_loop3A_659] {strides = array<i32>} : memref<49152xf32, #tpu.memory_space<vmem>>, vector<16xf32>,
        %parallel_loop3A_661 = arith.addf %parallel_loop3A_656, %parallel_loop3A_660 : vector<16xf32>
        %parallel_loop3A_662 = arith.constant 0 : i32
        %parallel_loop3A_663 = arith.addi %parallel_loop3A_646, %parallel_loop3A_662 : i32
        %parallel_loop3A_664 = arith.index_cast %parallel_loop3A_663 : i32 to index
        %parallel_loop3A_665 = tpu.vector_load %arg9[%parallel_loop3A_664] {strides = array<i32>} : memref<49152xf32, #tpu.memory_space<vmem>>, vector<16xf32>,
        %parallel_loop3A_666 = arith.addf %parallel_loop3A_661, %parallel_loop3A_665 : vector<16xf32>
        %parallel_loop3A_667 = arith.constant 0.333333343 : f32
        %parallel_loop3A_668 = vector.broadcast %parallel_loop3A_667 : f32 to vector<16xf32>
        %parallel_loop3A_669 = arith.mulf %parallel_loop3A_666, %parallel_loop3A_668 : vector<16xf32>
        %parallel_loop3A_670 = arith.addf %parallel_loop3A_652, %parallel_loop3A_669 : vector<16xf32>
        %parallel_loop3A_671 = arith.constant 0 : i32
        %parallel_loop3A_672 = arith.addi %parallel_loop3A_648, %parallel_loop3A_671 : i32
        %parallel_loop3A_673 = arith.index_cast %parallel_loop3A_672 : i32 to index
        %parallel_loop3A_674 = tpu.vector_load %arg11[%parallel_loop3A_673] {strides = array<i32>} : memref<8224xf32, #tpu.memory_space<vmem>>, vector<16xf32>,
        tpu.vector_store %arg11[%parallel_loop3A_673], %parallel_loop3A_670 {strides = array<i32>} : memref<8224xf32, #tpu.memory_space<vmem>>, vector<16xf32>,
        %parallel_loop3A_675 = arith.constant 16 : i32
        %parallel_loop3A_676 = arith.addi %parallel_loop3A_640, %parallel_loop3A_675 : i32
        %parallel_loop3A_677 = arith.index_cast %parallel_loop3A_676 : i32 to index
        %parallel_loop3A_678 = tpu.vector_load %arg8[%parallel_loop3A_677] {strides = array<i32>} : memref<16384xf32, #tpu.memory_space<vmem>>, vector<16xf32>,
        %parallel_loop3A_679 = arith.constant 16 : i32
        %parallel_loop3A_680 = arith.addi %parallel_loop3A_642, %parallel_loop3A_679 : i32
        %parallel_loop3A_681 = arith.index_cast %parallel_loop3A_680 : i32 to index
        %parallel_loop3A_682 = tpu.vector_load %arg9[%parallel_loop3A_681] {strides = array<i32>} : memref<49152xf32, #tpu.memory_space<vmem>>, vector<16xf32>,
        %parallel_loop3A_683 = arith.constant 16 : i32
        %parallel_loop3A_684 = arith.addi %parallel_loop3A_644, %parallel_loop3A_683 : i32
        %parallel_loop3A_685 = arith.index_cast %parallel_loop3A_684 : i32 to index
        %parallel_loop3A_686 = tpu.vector_load %arg9[%parallel_loop3A_685] {strides = array<i32>} : memref<49152xf32, #tpu.memory_space<vmem>>, vector<16xf32>,
        %parallel_loop3A_687 = arith.addf %parallel_loop3A_682, %parallel_loop3A_686 : vector<16xf32>
        %parallel_loop3A_688 = arith.constant 16 : i32
        %parallel_loop3A_689 = arith.addi %parallel_loop3A_646, %parallel_loop3A_688 : i32
        %parallel_loop3A_690 = arith.index_cast %parallel_loop3A_689 : i32 to index
        %parallel_loop3A_691 = tpu.vector_load %arg9[%parallel_loop3A_690] {strides = array<i32>} : memref<49152xf32, #tpu.memory_space<vmem>>, vector<16xf32>,
        %parallel_loop3A_692 = arith.addf %parallel_loop3A_687, %parallel_loop3A_691 : vector<16xf32>
        %parallel_loop3A_693 = arith.constant 0.333333343 : f32
        %parallel_loop3A_694 = vector.broadcast %parallel_loop3A_693 : f32 to vector<16xf32>
        %parallel_loop3A_695 = arith.mulf %parallel_loop3A_692, %parallel_loop3A_694 : vector<16xf32>
        %parallel_loop3A_696 = arith.addf %parallel_loop3A_678, %parallel_loop3A_695 : vector<16xf32>
        %parallel_loop3A_697 = arith.constant 16 : i32
        %parallel_loop3A_698 = arith.addi %parallel_loop3A_648, %parallel_loop3A_697 : i32
        %parallel_loop3A_699 = arith.index_cast %parallel_loop3A_698 : i32 to index
        %parallel_loop3A_700 = tpu.vector_load %arg11[%parallel_loop3A_699] {strides = array<i32>} : memref<8224xf32, #tpu.memory_space<vmem>>, vector<16xf32>,
        tpu.vector_store %arg11[%parallel_loop3A_699], %parallel_loop3A_696 {strides = array<i32>} : memref<8224xf32, #tpu.memory_space<vmem>>, vector<16xf32>,
        %parallel_loop3A_701 = vector.extract_strided_slice %parallel_loop3A_167 {offsets = [8], sizes = [1], strides = [1]} : vector<16xi32> to vector<1xi32>
        %parallel_loop3A_702 = vector.extract %parallel_loop3A_701[0] : i32 from vector<1xi32>
        %parallel_loop3A_703 = vector.extract_strided_slice %parallel_loop3A_187 {offsets = [8], sizes = [1], strides = [1]} : vector<16xi32> to vector<1xi32>
        %parallel_loop3A_704 = vector.extract %parallel_loop3A_703[0] : i32 from vector<1xi32>
        %parallel_loop3A_705 = vector.extract_strided_slice %parallel_loop3A_187 {offsets = [9], sizes = [1], strides = [1]} : vector<16xi32> to vector<1xi32>
        %parallel_loop3A_706 = vector.extract %parallel_loop3A_705[0] : i32 from vector<1xi32>
        %parallel_loop3A_707 = vector.extract_strided_slice %parallel_loop3A_187 {offsets = [10], sizes = [1], strides = [1]} : vector<16xi32> to vector<1xi32>
        %parallel_loop3A_708 = vector.extract %parallel_loop3A_707[0] : i32 from vector<1xi32>
        %parallel_loop3A_709 = arith.constant 256 : i32
        %parallel_loop3A_710 = arith.addi %parallel_loop3A_204, %parallel_loop3A_709 : i32
        %parallel_loop3A_711 = arith.constant 0 : i32
        %parallel_loop3A_712 = arith.addi %parallel_loop3A_702, %parallel_loop3A_711 : i32
        %parallel_loop3A_713 = arith.index_cast %parallel_loop3A_712 : i32 to index
        %parallel_loop3A_714 = tpu.vector_load %arg8[%parallel_loop3A_713] {strides = array<i32>} : memref<16384xf32, #tpu.memory_space<vmem>>, vector<16xf32>,
        %parallel_loop3A_715 = arith.constant 0 : i32
        %parallel_loop3A_716 = arith.addi %parallel_loop3A_704, %parallel_loop3A_715 : i32
        %parallel_loop3A_717 = arith.index_cast %parallel_loop3A_716 : i32 to index
        %parallel_loop3A_718 = tpu.vector_load %arg9[%parallel_loop3A_717] {strides = array<i32>} : memref<49152xf32, #tpu.memory_space<vmem>>, vector<16xf32>,
        %parallel_loop3A_719 = arith.constant 0 : i32
        %parallel_loop3A_720 = arith.addi %parallel_loop3A_706, %parallel_loop3A_719 : i32
        %parallel_loop3A_721 = arith.index_cast %parallel_loop3A_720 : i32 to index
        %parallel_loop3A_722 = tpu.vector_load %arg9[%parallel_loop3A_721] {strides = array<i32>} : memref<49152xf32, #tpu.memory_space<vmem>>, vector<16xf32>,
        %parallel_loop3A_723 = arith.addf %parallel_loop3A_718, %parallel_loop3A_722 : vector<16xf32>
        %parallel_loop3A_724 = arith.constant 0 : i32
        %parallel_loop3A_725 = arith.addi %parallel_loop3A_708, %parallel_loop3A_724 : i32
        %parallel_loop3A_726 = arith.index_cast %parallel_loop3A_725 : i32 to index
        %parallel_loop3A_727 = tpu.vector_load %arg9[%parallel_loop3A_726] {strides = array<i32>} : memref<49152xf32, #tpu.memory_space<vmem>>, vector<16xf32>,
        %parallel_loop3A_728 = arith.addf %parallel_loop3A_723, %parallel_loop3A_727 : vector<16xf32>
        %parallel_loop3A_729 = arith.constant 0.333333343 : f32
        %parallel_loop3A_730 = vector.broadcast %parallel_loop3A_729 : f32 to vector<16xf32>
        %parallel_loop3A_731 = arith.mulf %parallel_loop3A_728, %parallel_loop3A_730 : vector<16xf32>
        %parallel_loop3A_732 = arith.addf %parallel_loop3A_714, %parallel_loop3A_731 : vector<16xf32>
        %parallel_loop3A_733 = arith.constant 0 : i32
        %parallel_loop3A_734 = arith.addi %parallel_loop3A_710, %parallel_loop3A_733 : i32
        %parallel_loop3A_735 = arith.index_cast %parallel_loop3A_734 : i32 to index
        %parallel_loop3A_736 = tpu.vector_load %arg11[%parallel_loop3A_735] {strides = array<i32>} : memref<8224xf32, #tpu.memory_space<vmem>>, vector<16xf32>,
        tpu.vector_store %arg11[%parallel_loop3A_735], %parallel_loop3A_732 {strides = array<i32>} : memref<8224xf32, #tpu.memory_space<vmem>>, vector<16xf32>,
        %parallel_loop3A_737 = arith.constant 16 : i32
        %parallel_loop3A_738 = arith.addi %parallel_loop3A_702, %parallel_loop3A_737 : i32
        %parallel_loop3A_739 = arith.index_cast %parallel_loop3A_738 : i32 to index
        %parallel_loop3A_740 = tpu.vector_load %arg8[%parallel_loop3A_739] {strides = array<i32>} : memref<16384xf32, #tpu.memory_space<vmem>>, vector<16xf32>,
        %parallel_loop3A_741 = arith.constant 16 : i32
        %parallel_loop3A_742 = arith.addi %parallel_loop3A_704, %parallel_loop3A_741 : i32
        %parallel_loop3A_743 = arith.index_cast %parallel_loop3A_742 : i32 to index
        %parallel_loop3A_744 = tpu.vector_load %arg9[%parallel_loop3A_743] {strides = array<i32>} : memref<49152xf32, #tpu.memory_space<vmem>>, vector<16xf32>,
        %parallel_loop3A_745 = arith.constant 16 : i32
        %parallel_loop3A_746 = arith.addi %parallel_loop3A_706, %parallel_loop3A_745 : i32
        %parallel_loop3A_747 = arith.index_cast %parallel_loop3A_746 : i32 to index
        %parallel_loop3A_748 = tpu.vector_load %arg9[%parallel_loop3A_747] {strides = array<i32>} : memref<49152xf32, #tpu.memory_space<vmem>>, vector<16xf32>,
        %parallel_loop3A_749 = arith.addf %parallel_loop3A_744, %parallel_loop3A_748 : vector<16xf32>
        %parallel_loop3A_750 = arith.constant 16 : i32
        %parallel_loop3A_751 = arith.addi %parallel_loop3A_708, %parallel_loop3A_750 : i32
        %parallel_loop3A_752 = arith.index_cast %parallel_loop3A_751 : i32 to index
        %parallel_loop3A_753 = tpu.vector_load %arg9[%parallel_loop3A_752] {strides = array<i32>} : memref<49152xf32, #tpu.memory_space<vmem>>, vector<16xf32>,
        %parallel_loop3A_754 = arith.addf %parallel_loop3A_749, %parallel_loop3A_753 : vector<16xf32>
        %parallel_loop3A_755 = arith.constant 0.333333343 : f32
        %parallel_loop3A_756 = vector.broadcast %parallel_loop3A_755 : f32 to vector<16xf32>
        %parallel_loop3A_757 = arith.mulf %parallel_loop3A_754, %parallel_loop3A_756 : vector<16xf32>
        %parallel_loop3A_758 = arith.addf %parallel_loop3A_740, %parallel_loop3A_757 : vector<16xf32>
        %parallel_loop3A_759 = arith.constant 16 : i32
        %parallel_loop3A_760 = arith.addi %parallel_loop3A_710, %parallel_loop3A_759 : i32
        %parallel_loop3A_761 = arith.index_cast %parallel_loop3A_760 : i32 to index
        %parallel_loop3A_762 = tpu.vector_load %arg11[%parallel_loop3A_761] {strides = array<i32>} : memref<8224xf32, #tpu.memory_space<vmem>>, vector<16xf32>,
        tpu.vector_store %arg11[%parallel_loop3A_761], %parallel_loop3A_758 {strides = array<i32>} : memref<8224xf32, #tpu.memory_space<vmem>>, vector<16xf32>,
        %parallel_loop3A_763 = vector.extract_strided_slice %parallel_loop3A_167 {offsets = [9], sizes = [1], strides = [1]} : vector<16xi32> to vector<1xi32>
        %parallel_loop3A_764 = vector.extract %parallel_loop3A_763[0] : i32 from vector<1xi32>
        %parallel_loop3A_765 = vector.extract_strided_slice %parallel_loop3A_187 {offsets = [11], sizes = [1], strides = [1]} : vector<16xi32> to vector<1xi32>
        %parallel_loop3A_766 = vector.extract %parallel_loop3A_765[0] : i32 from vector<1xi32>
        %parallel_loop3A_767 = vector.extract_strided_slice %parallel_loop3A_187 {offsets = [12], sizes = [1], strides = [1]} : vector<16xi32> to vector<1xi32>
        %parallel_loop3A_768 = vector.extract %parallel_loop3A_767[0] : i32 from vector<1xi32>
        %parallel_loop3A_769 = vector.extract_strided_slice %parallel_loop3A_187 {offsets = [13], sizes = [1], strides = [1]} : vector<16xi32> to vector<1xi32>
        %parallel_loop3A_770 = vector.extract %parallel_loop3A_769[0] : i32 from vector<1xi32>
        %parallel_loop3A_771 = arith.constant 288 : i32
        %parallel_loop3A_772 = arith.addi %parallel_loop3A_204, %parallel_loop3A_771 : i32
        %parallel_loop3A_773 = arith.constant 0 : i32
        %parallel_loop3A_774 = arith.addi %parallel_loop3A_764, %parallel_loop3A_773 : i32
        %parallel_loop3A_775 = arith.index_cast %parallel_loop3A_774 : i32 to index
        %parallel_loop3A_776 = tpu.vector_load %arg8[%parallel_loop3A_775] {strides = array<i32>} : memref<16384xf32, #tpu.memory_space<vmem>>, vector<16xf32>,
        %parallel_loop3A_777 = arith.constant 0 : i32
        %parallel_loop3A_778 = arith.addi %parallel_loop3A_766, %parallel_loop3A_777 : i32
        %parallel_loop3A_779 = arith.index_cast %parallel_loop3A_778 : i32 to index
        %parallel_loop3A_780 = tpu.vector_load %arg9[%parallel_loop3A_779] {strides = array<i32>} : memref<49152xf32, #tpu.memory_space<vmem>>, vector<16xf32>,
        %parallel_loop3A_781 = arith.constant 0 : i32
        %parallel_loop3A_782 = arith.addi %parallel_loop3A_768, %parallel_loop3A_781 : i32
        %parallel_loop3A_783 = arith.index_cast %parallel_loop3A_782 : i32 to index
        %parallel_loop3A_784 = tpu.vector_load %arg9[%parallel_loop3A_783] {strides = array<i32>} : memref<49152xf32, #tpu.memory_space<vmem>>, vector<16xf32>,
        %parallel_loop3A_785 = arith.addf %parallel_loop3A_780, %parallel_loop3A_784 : vector<16xf32>
        %parallel_loop3A_786 = arith.constant 0 : i32
        %parallel_loop3A_787 = arith.addi %parallel_loop3A_770, %parallel_loop3A_786 : i32
        %parallel_loop3A_788 = arith.index_cast %parallel_loop3A_787 : i32 to index
        %parallel_loop3A_789 = tpu.vector_load %arg9[%parallel_loop3A_788] {strides = array<i32>} : memref<49152xf32, #tpu.memory_space<vmem>>, vector<16xf32>,
        %parallel_loop3A_790 = arith.addf %parallel_loop3A_785, %parallel_loop3A_789 : vector<16xf32>
        %parallel_loop3A_791 = arith.constant 0.333333343 : f32
        %parallel_loop3A_792 = vector.broadcast %parallel_loop3A_791 : f32 to vector<16xf32>
        %parallel_loop3A_793 = arith.mulf %parallel_loop3A_790, %parallel_loop3A_792 : vector<16xf32>
        %parallel_loop3A_794 = arith.addf %parallel_loop3A_776, %parallel_loop3A_793 : vector<16xf32>
        %parallel_loop3A_795 = arith.constant 0 : i32
        %parallel_loop3A_796 = arith.addi %parallel_loop3A_772, %parallel_loop3A_795 : i32
        %parallel_loop3A_797 = arith.index_cast %parallel_loop3A_796 : i32 to index
        %parallel_loop3A_798 = tpu.vector_load %arg11[%parallel_loop3A_797] {strides = array<i32>} : memref<8224xf32, #tpu.memory_space<vmem>>, vector<16xf32>,
        tpu.vector_store %arg11[%parallel_loop3A_797], %parallel_loop3A_794 {strides = array<i32>} : memref<8224xf32, #tpu.memory_space<vmem>>, vector<16xf32>,
        %parallel_loop3A_799 = arith.constant 16 : i32
        %parallel_loop3A_800 = arith.addi %parallel_loop3A_764, %parallel_loop3A_799 : i32
        %parallel_loop3A_801 = arith.index_cast %parallel_loop3A_800 : i32 to index
        %parallel_loop3A_802 = tpu.vector_load %arg8[%parallel_loop3A_801] {strides = array<i32>} : memref<16384xf32, #tpu.memory_space<vmem>>, vector<16xf32>,
        %parallel_loop3A_803 = arith.constant 16 : i32
        %parallel_loop3A_804 = arith.addi %parallel_loop3A_766, %parallel_loop3A_803 : i32
        %parallel_loop3A_805 = arith.index_cast %parallel_loop3A_804 : i32 to index
        %parallel_loop3A_806 = tpu.vector_load %arg9[%parallel_loop3A_805] {strides = array<i32>} : memref<49152xf32, #tpu.memory_space<vmem>>, vector<16xf32>,
        %parallel_loop3A_807 = arith.constant 16 : i32
        %parallel_loop3A_808 = arith.addi %parallel_loop3A_768, %parallel_loop3A_807 : i32
        %parallel_loop3A_809 = arith.index_cast %parallel_loop3A_808 : i32 to index
        %parallel_loop3A_810 = tpu.vector_load %arg9[%parallel_loop3A_809] {strides = array<i32>} : memref<49152xf32, #tpu.memory_space<vmem>>, vector<16xf32>,
        %parallel_loop3A_811 = arith.addf %parallel_loop3A_806, %parallel_loop3A_810 : vector<16xf32>
        %parallel_loop3A_812 = arith.constant 16 : i32
        %parallel_loop3A_813 = arith.addi %parallel_loop3A_770, %parallel_loop3A_812 : i32
        %parallel_loop3A_814 = arith.index_cast %parallel_loop3A_813 : i32 to index
        %parallel_loop3A_815 = tpu.vector_load %arg9[%parallel_loop3A_814] {strides = array<i32>} : memref<49152xf32, #tpu.memory_space<vmem>>, vector<16xf32>,
        %parallel_loop3A_816 = arith.addf %parallel_loop3A_811, %parallel_loop3A_815 : vector<16xf32>
        %parallel_loop3A_817 = arith.constant 0.333333343 : f32
        %parallel_loop3A_818 = vector.broadcast %parallel_loop3A_817 : f32 to vector<16xf32>
        %parallel_loop3A_819 = arith.mulf %parallel_loop3A_816, %parallel_loop3A_818 : vector<16xf32>
        %parallel_loop3A_820 = arith.addf %parallel_loop3A_802, %parallel_loop3A_819 : vector<16xf32>
        %parallel_loop3A_821 = arith.constant 16 : i32
        %parallel_loop3A_822 = arith.addi %parallel_loop3A_772, %parallel_loop3A_821 : i32
        %parallel_loop3A_823 = arith.index_cast %parallel_loop3A_822 : i32 to index
        %parallel_loop3A_824 = tpu.vector_load %arg11[%parallel_loop3A_823] {strides = array<i32>} : memref<8224xf32, #tpu.memory_space<vmem>>, vector<16xf32>,
        tpu.vector_store %arg11[%parallel_loop3A_823], %parallel_loop3A_820 {strides = array<i32>} : memref<8224xf32, #tpu.memory_space<vmem>>, vector<16xf32>,
        %parallel_loop3A_825 = vector.extract_strided_slice %parallel_loop3A_167 {offsets = [10], sizes = [1], strides = [1]} : vector<16xi32> to vector<1xi32>
        %parallel_loop3A_826 = vector.extract %parallel_loop3A_825[0] : i32 from vector<1xi32>
        %parallel_loop3A_827 = vector.extract_strided_slice %parallel_loop3A_187 {offsets = [14], sizes = [1], strides = [1]} : vector<16xi32> to vector<1xi32>
        %parallel_loop3A_828 = vector.extract %parallel_loop3A_827[0] : i32 from vector<1xi32>
        %parallel_loop3A_829 = vector.extract_strided_slice %parallel_loop3A_187 {offsets = [15], sizes = [1], strides = [1]} : vector<16xi32> to vector<1xi32>
        %parallel_loop3A_830 = vector.extract %parallel_loop3A_829[0] : i32 from vector<1xi32>
        %parallel_loop3A_831 = vector.extract_strided_slice %parallel_loop3A_198 {offsets = [0], sizes = [1], strides = [1]} : vector<16xi32> to vector<1xi32>
        %parallel_loop3A_832 = vector.extract %parallel_loop3A_831[0] : i32 from vector<1xi32>
        %parallel_loop3A_833 = arith.constant 320 : i32
        %parallel_loop3A_834 = arith.addi %parallel_loop3A_204, %parallel_loop3A_833 : i32
        %parallel_loop3A_835 = arith.constant 0 : i32
        %parallel_loop3A_836 = arith.addi %parallel_loop3A_826, %parallel_loop3A_835 : i32
        %parallel_loop3A_837 = arith.index_cast %parallel_loop3A_836 : i32 to index
        %parallel_loop3A_838 = tpu.vector_load %arg8[%parallel_loop3A_837] {strides = array<i32>} : memref<16384xf32, #tpu.memory_space<vmem>>, vector<16xf32>,
        %parallel_loop3A_839 = arith.constant 0 : i32
        %parallel_loop3A_840 = arith.addi %parallel_loop3A_828, %parallel_loop3A_839 : i32
        %parallel_loop3A_841 = arith.index_cast %parallel_loop3A_840 : i32 to index
        %parallel_loop3A_842 = tpu.vector_load %arg9[%parallel_loop3A_841] {strides = array<i32>} : memref<49152xf32, #tpu.memory_space<vmem>>, vector<16xf32>,
        %parallel_loop3A_843 = arith.constant 0 : i32
        %parallel_loop3A_844 = arith.addi %parallel_loop3A_830, %parallel_loop3A_843 : i32
        %parallel_loop3A_845 = arith.index_cast %parallel_loop3A_844 : i32 to index
        %parallel_loop3A_846 = tpu.vector_load %arg9[%parallel_loop3A_845] {strides = array<i32>} : memref<49152xf32, #tpu.memory_space<vmem>>, vector<16xf32>,
        %parallel_loop3A_847 = arith.addf %parallel_loop3A_842, %parallel_loop3A_846 : vector<16xf32>
        %parallel_loop3A_848 = arith.constant 0 : i32
        %parallel_loop3A_849 = arith.addi %parallel_loop3A_832, %parallel_loop3A_848 : i32
        %parallel_loop3A_850 = arith.index_cast %parallel_loop3A_849 : i32 to index
        %parallel_loop3A_851 = tpu.vector_load %arg9[%parallel_loop3A_850] {strides = array<i32>} : memref<49152xf32, #tpu.memory_space<vmem>>, vector<16xf32>,
        %parallel_loop3A_852 = arith.addf %parallel_loop3A_847, %parallel_loop3A_851 : vector<16xf32>
        %parallel_loop3A_853 = arith.constant 0.333333343 : f32
        %parallel_loop3A_854 = vector.broadcast %parallel_loop3A_853 : f32 to vector<16xf32>
        %parallel_loop3A_855 = arith.mulf %parallel_loop3A_852, %parallel_loop3A_854 : vector<16xf32>
        %parallel_loop3A_856 = arith.addf %parallel_loop3A_838, %parallel_loop3A_855 : vector<16xf32>
        %parallel_loop3A_857 = arith.constant 0 : i32
        %parallel_loop3A_858 = arith.addi %parallel_loop3A_834, %parallel_loop3A_857 : i32
        %parallel_loop3A_859 = arith.index_cast %parallel_loop3A_858 : i32 to index
        %parallel_loop3A_860 = tpu.vector_load %arg11[%parallel_loop3A_859] {strides = array<i32>} : memref<8224xf32, #tpu.memory_space<vmem>>, vector<16xf32>,
        tpu.vector_store %arg11[%parallel_loop3A_859], %parallel_loop3A_856 {strides = array<i32>} : memref<8224xf32, #tpu.memory_space<vmem>>, vector<16xf32>,
        %parallel_loop3A_861 = arith.constant 16 : i32
        %parallel_loop3A_862 = arith.addi %parallel_loop3A_826, %parallel_loop3A_861 : i32
        %parallel_loop3A_863 = arith.index_cast %parallel_loop3A_862 : i32 to index
        %parallel_loop3A_864 = tpu.vector_load %arg8[%parallel_loop3A_863] {strides = array<i32>} : memref<16384xf32, #tpu.memory_space<vmem>>, vector<16xf32>,
        %parallel_loop3A_865 = arith.constant 16 : i32
        %parallel_loop3A_866 = arith.addi %parallel_loop3A_828, %parallel_loop3A_865 : i32
        %parallel_loop3A_867 = arith.index_cast %parallel_loop3A_866 : i32 to index
        %parallel_loop3A_868 = tpu.vector_load %arg9[%parallel_loop3A_867] {strides = array<i32>} : memref<49152xf32, #tpu.memory_space<vmem>>, vector<16xf32>,
        %parallel_loop3A_869 = arith.constant 16 : i32
        %parallel_loop3A_870 = arith.addi %parallel_loop3A_830, %parallel_loop3A_869 : i32
        %parallel_loop3A_871 = arith.index_cast %parallel_loop3A_870 : i32 to index
        %parallel_loop3A_872 = tpu.vector_load %arg9[%parallel_loop3A_871] {strides = array<i32>} : memref<49152xf32, #tpu.memory_space<vmem>>, vector<16xf32>,
        %parallel_loop3A_873 = arith.addf %parallel_loop3A_868, %parallel_loop3A_872 : vector<16xf32>
        %parallel_loop3A_874 = arith.constant 16 : i32
        %parallel_loop3A_875 = arith.addi %parallel_loop3A_832, %parallel_loop3A_874 : i32
        %parallel_loop3A_876 = arith.index_cast %parallel_loop3A_875 : i32 to index
        %parallel_loop3A_877 = tpu.vector_load %arg9[%parallel_loop3A_876] {strides = array<i32>} : memref<49152xf32, #tpu.memory_space<vmem>>, vector<16xf32>,
        %parallel_loop3A_878 = arith.addf %parallel_loop3A_873, %parallel_loop3A_877 : vector<16xf32>
        %parallel_loop3A_879 = arith.constant 0.333333343 : f32
        %parallel_loop3A_880 = vector.broadcast %parallel_loop3A_879 : f32 to vector<16xf32>
        %parallel_loop3A_881 = arith.mulf %parallel_loop3A_878, %parallel_loop3A_880 : vector<16xf32>
        %parallel_loop3A_882 = arith.addf %parallel_loop3A_864, %parallel_loop3A_881 : vector<16xf32>
        %parallel_loop3A_883 = arith.constant 16 : i32
        %parallel_loop3A_884 = arith.addi %parallel_loop3A_834, %parallel_loop3A_883 : i32
        %parallel_loop3A_885 = arith.index_cast %parallel_loop3A_884 : i32 to index
        %parallel_loop3A_886 = tpu.vector_load %arg11[%parallel_loop3A_885] {strides = array<i32>} : memref<8224xf32, #tpu.memory_space<vmem>>, vector<16xf32>,
        tpu.vector_store %arg11[%parallel_loop3A_885], %parallel_loop3A_882 {strides = array<i32>} : memref<8224xf32, #tpu.memory_space<vmem>>, vector<16xf32>,
        %parallel_loop3A_887 = vector.extract_strided_slice %parallel_loop3A_167 {offsets = [11], sizes = [1], strides = [1]} : vector<16xi32> to vector<1xi32>
        %parallel_loop3A_888 = vector.extract %parallel_loop3A_887[0] : i32 from vector<1xi32>
        %parallel_loop3A_889 = vector.extract_strided_slice %parallel_loop3A_198 {offsets = [1], sizes = [1], strides = [1]} : vector<16xi32> to vector<1xi32>
        %parallel_loop3A_890 = vector.extract %parallel_loop3A_889[0] : i32 from vector<1xi32>
        %parallel_loop3A_891 = vector.extract_strided_slice %parallel_loop3A_198 {offsets = [2], sizes = [1], strides = [1]} : vector<16xi32> to vector<1xi32>
        %parallel_loop3A_892 = vector.extract %parallel_loop3A_891[0] : i32 from vector<1xi32>
        %parallel_loop3A_893 = vector.extract_strided_slice %parallel_loop3A_198 {offsets = [3], sizes = [1], strides = [1]} : vector<16xi32> to vector<1xi32>
        %parallel_loop3A_894 = vector.extract %parallel_loop3A_893[0] : i32 from vector<1xi32>
        %parallel_loop3A_895 = arith.constant 352 : i32
        %parallel_loop3A_896 = arith.addi %parallel_loop3A_204, %parallel_loop3A_895 : i32
        %parallel_loop3A_897 = arith.constant 0 : i32
        %parallel_loop3A_898 = arith.addi %parallel_loop3A_888, %parallel_loop3A_897 : i32
        %parallel_loop3A_899 = arith.index_cast %parallel_loop3A_898 : i32 to index
        %parallel_loop3A_900 = tpu.vector_load %arg8[%parallel_loop3A_899] {strides = array<i32>} : memref<16384xf32, #tpu.memory_space<vmem>>, vector<16xf32>,
        %parallel_loop3A_901 = arith.constant 0 : i32
        %parallel_loop3A_902 = arith.addi %parallel_loop3A_890, %parallel_loop3A_901 : i32
        %parallel_loop3A_903 = arith.index_cast %parallel_loop3A_902 : i32 to index
        %parallel_loop3A_904 = tpu.vector_load %arg9[%parallel_loop3A_903] {strides = array<i32>} : memref<49152xf32, #tpu.memory_space<vmem>>, vector<16xf32>,
        %parallel_loop3A_905 = arith.constant 0 : i32
        %parallel_loop3A_906 = arith.addi %parallel_loop3A_892, %parallel_loop3A_905 : i32
        %parallel_loop3A_907 = arith.index_cast %parallel_loop3A_906 : i32 to index
        %parallel_loop3A_908 = tpu.vector_load %arg9[%parallel_loop3A_907] {strides = array<i32>} : memref<49152xf32, #tpu.memory_space<vmem>>, vector<16xf32>,
        %parallel_loop3A_909 = arith.addf %parallel_loop3A_904, %parallel_loop3A_908 : vector<16xf32>
        %parallel_loop3A_910 = arith.constant 0 : i32
        %parallel_loop3A_911 = arith.addi %parallel_loop3A_894, %parallel_loop3A_910 : i32
        %parallel_loop3A_912 = arith.index_cast %parallel_loop3A_911 : i32 to index
        %parallel_loop3A_913 = tpu.vector_load %arg9[%parallel_loop3A_912] {strides = array<i32>} : memref<49152xf32, #tpu.memory_space<vmem>>, vector<16xf32>,
        %parallel_loop3A_914 = arith.addf %parallel_loop3A_909, %parallel_loop3A_913 : vector<16xf32>
        %parallel_loop3A_915 = arith.constant 0.333333343 : f32
        %parallel_loop3A_916 = vector.broadcast %parallel_loop3A_915 : f32 to vector<16xf32>
        %parallel_loop3A_917 = arith.mulf %parallel_loop3A_914, %parallel_loop3A_916 : vector<16xf32>
        %parallel_loop3A_918 = arith.addf %parallel_loop3A_900, %parallel_loop3A_917 : vector<16xf32>
        %parallel_loop3A_919 = arith.constant 0 : i32
        %parallel_loop3A_920 = arith.addi %parallel_loop3A_896, %parallel_loop3A_919 : i32
        %parallel_loop3A_921 = arith.index_cast %parallel_loop3A_920 : i32 to index
        %parallel_loop3A_922 = tpu.vector_load %arg11[%parallel_loop3A_921] {strides = array<i32>} : memref<8224xf32, #tpu.memory_space<vmem>>, vector<16xf32>,
        tpu.vector_store %arg11[%parallel_loop3A_921], %parallel_loop3A_918 {strides = array<i32>} : memref<8224xf32, #tpu.memory_space<vmem>>, vector<16xf32>,
        %parallel_loop3A_923 = arith.constant 16 : i32
        %parallel_loop3A_924 = arith.addi %parallel_loop3A_888, %parallel_loop3A_923 : i32
        %parallel_loop3A_925 = arith.index_cast %parallel_loop3A_924 : i32 to index
        %parallel_loop3A_926 = tpu.vector_load %arg8[%parallel_loop3A_925] {strides = array<i32>} : memref<16384xf32, #tpu.memory_space<vmem>>, vector<16xf32>,
        %parallel_loop3A_927 = arith.constant 16 : i32
        %parallel_loop3A_928 = arith.addi %parallel_loop3A_890, %parallel_loop3A_927 : i32
        %parallel_loop3A_929 = arith.index_cast %parallel_loop3A_928 : i32 to index
        %parallel_loop3A_930 = tpu.vector_load %arg9[%parallel_loop3A_929] {strides = array<i32>} : memref<49152xf32, #tpu.memory_space<vmem>>, vector<16xf32>,
        %parallel_loop3A_931 = arith.constant 16 : i32
        %parallel_loop3A_932 = arith.addi %parallel_loop3A_892, %parallel_loop3A_931 : i32
        %parallel_loop3A_933 = arith.index_cast %parallel_loop3A_932 : i32 to index
        %parallel_loop3A_934 = tpu.vector_load %arg9[%parallel_loop3A_933] {strides = array<i32>} : memref<49152xf32, #tpu.memory_space<vmem>>, vector<16xf32>,
        %parallel_loop3A_935 = arith.addf %parallel_loop3A_930, %parallel_loop3A_934 : vector<16xf32>
        %parallel_loop3A_936 = arith.constant 16 : i32
        %parallel_loop3A_937 = arith.addi %parallel_loop3A_894, %parallel_loop3A_936 : i32
        %parallel_loop3A_938 = arith.index_cast %parallel_loop3A_937 : i32 to index
        %parallel_loop3A_939 = tpu.vector_load %arg9[%parallel_loop3A_938] {strides = array<i32>} : memref<49152xf32, #tpu.memory_space<vmem>>, vector<16xf32>,
        %parallel_loop3A_940 = arith.addf %parallel_loop3A_935, %parallel_loop3A_939 : vector<16xf32>
        %parallel_loop3A_941 = arith.constant 0.333333343 : f32
        %parallel_loop3A_942 = vector.broadcast %parallel_loop3A_941 : f32 to vector<16xf32>
        %parallel_loop3A_943 = arith.mulf %parallel_loop3A_940, %parallel_loop3A_942 : vector<16xf32>
        %parallel_loop3A_944 = arith.addf %parallel_loop3A_926, %parallel_loop3A_943 : vector<16xf32>
        %parallel_loop3A_945 = arith.constant 16 : i32
        %parallel_loop3A_946 = arith.addi %parallel_loop3A_896, %parallel_loop3A_945 : i32
        %parallel_loop3A_947 = arith.index_cast %parallel_loop3A_946 : i32 to index
        %parallel_loop3A_948 = tpu.vector_load %arg11[%parallel_loop3A_947] {strides = array<i32>} : memref<8224xf32, #tpu.memory_space<vmem>>, vector<16xf32>,
        tpu.vector_store %arg11[%parallel_loop3A_947], %parallel_loop3A_944 {strides = array<i32>} : memref<8224xf32, #tpu.memory_space<vmem>>, vector<16xf32>,
        %parallel_loop3A_949 = vector.extract_strided_slice %parallel_loop3A_167 {offsets = [12], sizes = [1], strides = [1]} : vector<16xi32> to vector<1xi32>
        %parallel_loop3A_950 = vector.extract %parallel_loop3A_949[0] : i32 from vector<1xi32>
        %parallel_loop3A_951 = vector.extract_strided_slice %parallel_loop3A_198 {offsets = [4], sizes = [1], strides = [1]} : vector<16xi32> to vector<1xi32>
        %parallel_loop3A_952 = vector.extract %parallel_loop3A_951[0] : i32 from vector<1xi32>
        %parallel_loop3A_953 = vector.extract_strided_slice %parallel_loop3A_198 {offsets = [5], sizes = [1], strides = [1]} : vector<16xi32> to vector<1xi32>
        %parallel_loop3A_954 = vector.extract %parallel_loop3A_953[0] : i32 from vector<1xi32>
        %parallel_loop3A_955 = vector.extract_strided_slice %parallel_loop3A_198 {offsets = [6], sizes = [1], strides = [1]} : vector<16xi32> to vector<1xi32>
        %parallel_loop3A_956 = vector.extract %parallel_loop3A_955[0] : i32 from vector<1xi32>
        %parallel_loop3A_957 = arith.constant 384 : i32
        %parallel_loop3A_958 = arith.addi %parallel_loop3A_204, %parallel_loop3A_957 : i32
        %parallel_loop3A_959 = arith.constant 0 : i32
        %parallel_loop3A_960 = arith.addi %parallel_loop3A_950, %parallel_loop3A_959 : i32
        %parallel_loop3A_961 = arith.index_cast %parallel_loop3A_960 : i32 to index
        %parallel_loop3A_962 = tpu.vector_load %arg8[%parallel_loop3A_961] {strides = array<i32>} : memref<16384xf32, #tpu.memory_space<vmem>>, vector<16xf32>,
        %parallel_loop3A_963 = arith.constant 0 : i32
        %parallel_loop3A_964 = arith.addi %parallel_loop3A_952, %parallel_loop3A_963 : i32
        %parallel_loop3A_965 = arith.index_cast %parallel_loop3A_964 : i32 to index
        %parallel_loop3A_966 = tpu.vector_load %arg9[%parallel_loop3A_965] {strides = array<i32>} : memref<49152xf32, #tpu.memory_space<vmem>>, vector<16xf32>,
        %parallel_loop3A_967 = arith.constant 0 : i32
        %parallel_loop3A_968 = arith.addi %parallel_loop3A_954, %parallel_loop3A_967 : i32
        %parallel_loop3A_969 = arith.index_cast %parallel_loop3A_968 : i32 to index
        %parallel_loop3A_970 = tpu.vector_load %arg9[%parallel_loop3A_969] {strides = array<i32>} : memref<49152xf32, #tpu.memory_space<vmem>>, vector<16xf32>,
        %parallel_loop3A_971 = arith.addf %parallel_loop3A_966, %parallel_loop3A_970 : vector<16xf32>
        %parallel_loop3A_972 = arith.constant 0 : i32
        %parallel_loop3A_973 = arith.addi %parallel_loop3A_956, %parallel_loop3A_972 : i32
        %parallel_loop3A_974 = arith.index_cast %parallel_loop3A_973 : i32 to index
        %parallel_loop3A_975 = tpu.vector_load %arg9[%parallel_loop3A_974] {strides = array<i32>} : memref<49152xf32, #tpu.memory_space<vmem>>, vector<16xf32>,
        %parallel_loop3A_976 = arith.addf %parallel_loop3A_971, %parallel_loop3A_975 : vector<16xf32>
        %parallel_loop3A_977 = arith.constant 0.333333343 : f32
        %parallel_loop3A_978 = vector.broadcast %parallel_loop3A_977 : f32 to vector<16xf32>
        %parallel_loop3A_979 = arith.mulf %parallel_loop3A_976, %parallel_loop3A_978 : vector<16xf32>
        %parallel_loop3A_980 = arith.addf %parallel_loop3A_962, %parallel_loop3A_979 : vector<16xf32>
        %parallel_loop3A_981 = arith.constant 0 : i32
        %parallel_loop3A_982 = arith.addi %parallel_loop3A_958, %parallel_loop3A_981 : i32
        %parallel_loop3A_983 = arith.index_cast %parallel_loop3A_982 : i32 to index
        %parallel_loop3A_984 = tpu.vector_load %arg11[%parallel_loop3A_983] {strides = array<i32>} : memref<8224xf32, #tpu.memory_space<vmem>>, vector<16xf32>,
        tpu.vector_store %arg11[%parallel_loop3A_983], %parallel_loop3A_980 {strides = array<i32>} : memref<8224xf32, #tpu.memory_space<vmem>>, vector<16xf32>,
        %parallel_loop3A_985 = arith.constant 16 : i32
        %parallel_loop3A_986 = arith.addi %parallel_loop3A_950, %parallel_loop3A_985 : i32
        %parallel_loop3A_987 = arith.index_cast %parallel_loop3A_986 : i32 to index
        %parallel_loop3A_988 = tpu.vector_load %arg8[%parallel_loop3A_987] {strides = array<i32>} : memref<16384xf32, #tpu.memory_space<vmem>>, vector<16xf32>,
        %parallel_loop3A_989 = arith.constant 16 : i32
        %parallel_loop3A_990 = arith.addi %parallel_loop3A_952, %parallel_loop3A_989 : i32
        %parallel_loop3A_991 = arith.index_cast %parallel_loop3A_990 : i32 to index
        %parallel_loop3A_992 = tpu.vector_load %arg9[%parallel_loop3A_991] {strides = array<i32>} : memref<49152xf32, #tpu.memory_space<vmem>>, vector<16xf32>,
        %parallel_loop3A_993 = arith.constant 16 : i32
        %parallel_loop3A_994 = arith.addi %parallel_loop3A_954, %parallel_loop3A_993 : i32
        %parallel_loop3A_995 = arith.index_cast %parallel_loop3A_994 : i32 to index
        %parallel_loop3A_996 = tpu.vector_load %arg9[%parallel_loop3A_995] {strides = array<i32>} : memref<49152xf32, #tpu.memory_space<vmem>>, vector<16xf32>,
        %parallel_loop3A_997 = arith.addf %parallel_loop3A_992, %parallel_loop3A_996 : vector<16xf32>
        %parallel_loop3A_998 = arith.constant 16 : i32
        %parallel_loop3A_999 = arith.addi %parallel_loop3A_956, %parallel_loop3A_998 : i32
        %parallel_loop3A_1000 = arith.index_cast %parallel_loop3A_999 : i32 to index
        %parallel_loop3A_1001 = tpu.vector_load %arg9[%parallel_loop3A_1000] {strides = array<i32>} : memref<49152xf32, #tpu.memory_space<vmem>>, vector<16xf32>,
        %parallel_loop3A_1002 = arith.addf %parallel_loop3A_997, %parallel_loop3A_1001 : vector<16xf32>
        %parallel_loop3A_1003 = arith.constant 0.333333343 : f32
        %parallel_loop3A_1004 = vector.broadcast %parallel_loop3A_1003 : f32 to vector<16xf32>
        %parallel_loop3A_1005 = arith.mulf %parallel_loop3A_1002, %parallel_loop3A_1004 : vector<16xf32>
        %parallel_loop3A_1006 = arith.addf %parallel_loop3A_988, %parallel_loop3A_1005 : vector<16xf32>
        %parallel_loop3A_1007 = arith.constant 16 : i32
        %parallel_loop3A_1008 = arith.addi %parallel_loop3A_958, %parallel_loop3A_1007 : i32
        %parallel_loop3A_1009 = arith.index_cast %parallel_loop3A_1008 : i32 to index
        %parallel_loop3A_1010 = tpu.vector_load %arg11[%parallel_loop3A_1009] {strides = array<i32>} : memref<8224xf32, #tpu.memory_space<vmem>>, vector<16xf32>,
        tpu.vector_store %arg11[%parallel_loop3A_1009], %parallel_loop3A_1006 {strides = array<i32>} : memref<8224xf32, #tpu.memory_space<vmem>>, vector<16xf32>,
        %parallel_loop3A_1011 = vector.extract_strided_slice %parallel_loop3A_167 {offsets = [13], sizes = [1], strides = [1]} : vector<16xi32> to vector<1xi32>
        %parallel_loop3A_1012 = vector.extract %parallel_loop3A_1011[0] : i32 from vector<1xi32>
        %parallel_loop3A_1013 = vector.extract_strided_slice %parallel_loop3A_198 {offsets = [7], sizes = [1], strides = [1]} : vector<16xi32> to vector<1xi32>
        %parallel_loop3A_1014 = vector.extract %parallel_loop3A_1013[0] : i32 from vector<1xi32>
        %parallel_loop3A_1015 = vector.extract_strided_slice %parallel_loop3A_198 {offsets = [8], sizes = [1], strides = [1]} : vector<16xi32> to vector<1xi32>
        %parallel_loop3A_1016 = vector.extract %parallel_loop3A_1015[0] : i32 from vector<1xi32>
        %parallel_loop3A_1017 = vector.extract_strided_slice %parallel_loop3A_198 {offsets = [9], sizes = [1], strides = [1]} : vector<16xi32> to vector<1xi32>
        %parallel_loop3A_1018 = vector.extract %parallel_loop3A_1017[0] : i32 from vector<1xi32>
        %parallel_loop3A_1019 = arith.constant 416 : i32
        %parallel_loop3A_1020 = arith.addi %parallel_loop3A_204, %parallel_loop3A_1019 : i32
        %parallel_loop3A_1021 = arith.constant 0 : i32
        %parallel_loop3A_1022 = arith.addi %parallel_loop3A_1012, %parallel_loop3A_1021 : i32
        %parallel_loop3A_1023 = arith.index_cast %parallel_loop3A_1022 : i32 to index
        %parallel_loop3A_1024 = tpu.vector_load %arg8[%parallel_loop3A_1023] {strides = array<i32>} : memref<16384xf32, #tpu.memory_space<vmem>>, vector<16xf32>,
        %parallel_loop3A_1025 = arith.constant 0 : i32
        %parallel_loop3A_1026 = arith.addi %parallel_loop3A_1014, %parallel_loop3A_1025 : i32
        %parallel_loop3A_1027 = arith.index_cast %parallel_loop3A_1026 : i32 to index
        %parallel_loop3A_1028 = tpu.vector_load %arg9[%parallel_loop3A_1027] {strides = array<i32>} : memref<49152xf32, #tpu.memory_space<vmem>>, vector<16xf32>,
        %parallel_loop3A_1029 = arith.constant 0 : i32
        %parallel_loop3A_1030 = arith.addi %parallel_loop3A_1016, %parallel_loop3A_1029 : i32
        %parallel_loop3A_1031 = arith.index_cast %parallel_loop3A_1030 : i32 to index
        %parallel_loop3A_1032 = tpu.vector_load %arg9[%parallel_loop3A_1031] {strides = array<i32>} : memref<49152xf32, #tpu.memory_space<vmem>>, vector<16xf32>,
        %parallel_loop3A_1033 = arith.addf %parallel_loop3A_1028, %parallel_loop3A_1032 : vector<16xf32>
        %parallel_loop3A_1034 = arith.constant 0 : i32
        %parallel_loop3A_1035 = arith.addi %parallel_loop3A_1018, %parallel_loop3A_1034 : i32
        %parallel_loop3A_1036 = arith.index_cast %parallel_loop3A_1035 : i32 to index
        %parallel_loop3A_1037 = tpu.vector_load %arg9[%parallel_loop3A_1036] {strides = array<i32>} : memref<49152xf32, #tpu.memory_space<vmem>>, vector<16xf32>,
        %parallel_loop3A_1038 = arith.addf %parallel_loop3A_1033, %parallel_loop3A_1037 : vector<16xf32>
        %parallel_loop3A_1039 = arith.constant 0.333333343 : f32
        %parallel_loop3A_1040 = vector.broadcast %parallel_loop3A_1039 : f32 to vector<16xf32>
        %parallel_loop3A_1041 = arith.mulf %parallel_loop3A_1038, %parallel_loop3A_1040 : vector<16xf32>
        %parallel_loop3A_1042 = arith.addf %parallel_loop3A_1024, %parallel_loop3A_1041 : vector<16xf32>
        %parallel_loop3A_1043 = arith.constant 0 : i32
        %parallel_loop3A_1044 = arith.addi %parallel_loop3A_1020, %parallel_loop3A_1043 : i32
        %parallel_loop3A_1045 = arith.index_cast %parallel_loop3A_1044 : i32 to index
        %parallel_loop3A_1046 = tpu.vector_load %arg11[%parallel_loop3A_1045] {strides = array<i32>} : memref<8224xf32, #tpu.memory_space<vmem>>, vector<16xf32>,
        tpu.vector_store %arg11[%parallel_loop3A_1045], %parallel_loop3A_1042 {strides = array<i32>} : memref<8224xf32, #tpu.memory_space<vmem>>, vector<16xf32>,
        %parallel_loop3A_1047 = arith.constant 16 : i32
        %parallel_loop3A_1048 = arith.addi %parallel_loop3A_1012, %parallel_loop3A_1047 : i32
        %parallel_loop3A_1049 = arith.index_cast %parallel_loop3A_1048 : i32 to index
        %parallel_loop3A_1050 = tpu.vector_load %arg8[%parallel_loop3A_1049] {strides = array<i32>} : memref<16384xf32, #tpu.memory_space<vmem>>, vector<16xf32>,
        %parallel_loop3A_1051 = arith.constant 16 : i32
        %parallel_loop3A_1052 = arith.addi %parallel_loop3A_1014, %parallel_loop3A_1051 : i32
        %parallel_loop3A_1053 = arith.index_cast %parallel_loop3A_1052 : i32 to index
        %parallel_loop3A_1054 = tpu.vector_load %arg9[%parallel_loop3A_1053] {strides = array<i32>} : memref<49152xf32, #tpu.memory_space<vmem>>, vector<16xf32>,
        %parallel_loop3A_1055 = arith.constant 16 : i32
        %parallel_loop3A_1056 = arith.addi %parallel_loop3A_1016, %parallel_loop3A_1055 : i32
        %parallel_loop3A_1057 = arith.index_cast %parallel_loop3A_1056 : i32 to index
        %parallel_loop3A_1058 = tpu.vector_load %arg9[%parallel_loop3A_1057] {strides = array<i32>} : memref<49152xf32, #tpu.memory_space<vmem>>, vector<16xf32>,
        %parallel_loop3A_1059 = arith.addf %parallel_loop3A_1054, %parallel_loop3A_1058 : vector<16xf32>
        %parallel_loop3A_1060 = arith.constant 16 : i32
        %parallel_loop3A_1061 = arith.addi %parallel_loop3A_1018, %parallel_loop3A_1060 : i32
        %parallel_loop3A_1062 = arith.index_cast %parallel_loop3A_1061 : i32 to index
        %parallel_loop3A_1063 = tpu.vector_load %arg9[%parallel_loop3A_1062] {strides = array<i32>} : memref<49152xf32, #tpu.memory_space<vmem>>, vector<16xf32>,
        %parallel_loop3A_1064 = arith.addf %parallel_loop3A_1059, %parallel_loop3A_1063 : vector<16xf32>
        %parallel_loop3A_1065 = arith.constant 0.333333343 : f32
        %parallel_loop3A_1066 = vector.broadcast %parallel_loop3A_1065 : f32 to vector<16xf32>
        %parallel_loop3A_1067 = arith.mulf %parallel_loop3A_1064, %parallel_loop3A_1066 : vector<16xf32>
        %parallel_loop3A_1068 = arith.addf %parallel_loop3A_1050, %parallel_loop3A_1067 : vector<16xf32>
        %parallel_loop3A_1069 = arith.constant 16 : i32
        %parallel_loop3A_1070 = arith.addi %parallel_loop3A_1020, %parallel_loop3A_1069 : i32
        %parallel_loop3A_1071 = arith.index_cast %parallel_loop3A_1070 : i32 to index
        %parallel_loop3A_1072 = tpu.vector_load %arg11[%parallel_loop3A_1071] {strides = array<i32>} : memref<8224xf32, #tpu.memory_space<vmem>>, vector<16xf32>,
        tpu.vector_store %arg11[%parallel_loop3A_1071], %parallel_loop3A_1068 {strides = array<i32>} : memref<8224xf32, #tpu.memory_space<vmem>>, vector<16xf32>,
        %parallel_loop3A_1073 = vector.extract_strided_slice %parallel_loop3A_167 {offsets = [14], sizes = [1], strides = [1]} : vector<16xi32> to vector<1xi32>
        %parallel_loop3A_1074 = vector.extract %parallel_loop3A_1073[0] : i32 from vector<1xi32>
        %parallel_loop3A_1075 = vector.extract_strided_slice %parallel_loop3A_198 {offsets = [10], sizes = [1], strides = [1]} : vector<16xi32> to vector<1xi32>
        %parallel_loop3A_1076 = vector.extract %parallel_loop3A_1075[0] : i32 from vector<1xi32>
        %parallel_loop3A_1077 = vector.extract_strided_slice %parallel_loop3A_198 {offsets = [11], sizes = [1], strides = [1]} : vector<16xi32> to vector<1xi32>
        %parallel_loop3A_1078 = vector.extract %parallel_loop3A_1077[0] : i32 from vector<1xi32>
        %parallel_loop3A_1079 = vector.extract_strided_slice %parallel_loop3A_198 {offsets = [12], sizes = [1], strides = [1]} : vector<16xi32> to vector<1xi32>
        %parallel_loop3A_1080 = vector.extract %parallel_loop3A_1079[0] : i32 from vector<1xi32>
        %parallel_loop3A_1081 = arith.constant 448 : i32
        %parallel_loop3A_1082 = arith.addi %parallel_loop3A_204, %parallel_loop3A_1081 : i32
        %parallel_loop3A_1083 = arith.constant 0 : i32
        %parallel_loop3A_1084 = arith.addi %parallel_loop3A_1074, %parallel_loop3A_1083 : i32
        %parallel_loop3A_1085 = arith.index_cast %parallel_loop3A_1084 : i32 to index
        %parallel_loop3A_1086 = tpu.vector_load %arg8[%parallel_loop3A_1085] {strides = array<i32>} : memref<16384xf32, #tpu.memory_space<vmem>>, vector<16xf32>,
        %parallel_loop3A_1087 = arith.constant 0 : i32
        %parallel_loop3A_1088 = arith.addi %parallel_loop3A_1076, %parallel_loop3A_1087 : i32
        %parallel_loop3A_1089 = arith.index_cast %parallel_loop3A_1088 : i32 to index
        %parallel_loop3A_1090 = tpu.vector_load %arg9[%parallel_loop3A_1089] {strides = array<i32>} : memref<49152xf32, #tpu.memory_space<vmem>>, vector<16xf32>,
        %parallel_loop3A_1091 = arith.constant 0 : i32
        %parallel_loop3A_1092 = arith.addi %parallel_loop3A_1078, %parallel_loop3A_1091 : i32
        %parallel_loop3A_1093 = arith.index_cast %parallel_loop3A_1092 : i32 to index
        %parallel_loop3A_1094 = tpu.vector_load %arg9[%parallel_loop3A_1093] {strides = array<i32>} : memref<49152xf32, #tpu.memory_space<vmem>>, vector<16xf32>,
        %parallel_loop3A_1095 = arith.addf %parallel_loop3A_1090, %parallel_loop3A_1094 : vector<16xf32>
        %parallel_loop3A_1096 = arith.constant 0 : i32
        %parallel_loop3A_1097 = arith.addi %parallel_loop3A_1080, %parallel_loop3A_1096 : i32
        %parallel_loop3A_1098 = arith.index_cast %parallel_loop3A_1097 : i32 to index
        %parallel_loop3A_1099 = tpu.vector_load %arg9[%parallel_loop3A_1098] {strides = array<i32>} : memref<49152xf32, #tpu.memory_space<vmem>>, vector<16xf32>,
        %parallel_loop3A_1100 = arith.addf %parallel_loop3A_1095, %parallel_loop3A_1099 : vector<16xf32>
        %parallel_loop3A_1101 = arith.constant 0.333333343 : f32
        %parallel_loop3A_1102 = vector.broadcast %parallel_loop3A_1101 : f32 to vector<16xf32>
        %parallel_loop3A_1103 = arith.mulf %parallel_loop3A_1100, %parallel_loop3A_1102 : vector<16xf32>
        %parallel_loop3A_1104 = arith.addf %parallel_loop3A_1086, %parallel_loop3A_1103 : vector<16xf32>
        %parallel_loop3A_1105 = arith.constant 0 : i32
        %parallel_loop3A_1106 = arith.addi %parallel_loop3A_1082, %parallel_loop3A_1105 : i32
        %parallel_loop3A_1107 = arith.index_cast %parallel_loop3A_1106 : i32 to index
        %parallel_loop3A_1108 = tpu.vector_load %arg11[%parallel_loop3A_1107] {strides = array<i32>} : memref<8224xf32, #tpu.memory_space<vmem>>, vector<16xf32>,
        tpu.vector_store %arg11[%parallel_loop3A_1107], %parallel_loop3A_1104 {strides = array<i32>} : memref<8224xf32, #tpu.memory_space<vmem>>, vector<16xf32>,
        %parallel_loop3A_1109 = arith.constant 16 : i32
        %parallel_loop3A_1110 = arith.addi %parallel_loop3A_1074, %parallel_loop3A_1109 : i32
        %parallel_loop3A_1111 = arith.index_cast %parallel_loop3A_1110 : i32 to index
        %parallel_loop3A_1112 = tpu.vector_load %arg8[%parallel_loop3A_1111] {strides = array<i32>} : memref<16384xf32, #tpu.memory_space<vmem>>, vector<16xf32>,
        %parallel_loop3A_1113 = arith.constant 16 : i32
        %parallel_loop3A_1114 = arith.addi %parallel_loop3A_1076, %parallel_loop3A_1113 : i32
        %parallel_loop3A_1115 = arith.index_cast %parallel_loop3A_1114 : i32 to index
        %parallel_loop3A_1116 = tpu.vector_load %arg9[%parallel_loop3A_1115] {strides = array<i32>} : memref<49152xf32, #tpu.memory_space<vmem>>, vector<16xf32>,
        %parallel_loop3A_1117 = arith.constant 16 : i32
        %parallel_loop3A_1118 = arith.addi %parallel_loop3A_1078, %parallel_loop3A_1117 : i32
        %parallel_loop3A_1119 = arith.index_cast %parallel_loop3A_1118 : i32 to index
        %parallel_loop3A_1120 = tpu.vector_load %arg9[%parallel_loop3A_1119] {strides = array<i32>} : memref<49152xf32, #tpu.memory_space<vmem>>, vector<16xf32>,
        %parallel_loop3A_1121 = arith.addf %parallel_loop3A_1116, %parallel_loop3A_1120 : vector<16xf32>
        %parallel_loop3A_1122 = arith.constant 16 : i32
        %parallel_loop3A_1123 = arith.addi %parallel_loop3A_1080, %parallel_loop3A_1122 : i32
        %parallel_loop3A_1124 = arith.index_cast %parallel_loop3A_1123 : i32 to index
        %parallel_loop3A_1125 = tpu.vector_load %arg9[%parallel_loop3A_1124] {strides = array<i32>} : memref<49152xf32, #tpu.memory_space<vmem>>, vector<16xf32>,
        %parallel_loop3A_1126 = arith.addf %parallel_loop3A_1121, %parallel_loop3A_1125 : vector<16xf32>
        %parallel_loop3A_1127 = arith.constant 0.333333343 : f32
        %parallel_loop3A_1128 = vector.broadcast %parallel_loop3A_1127 : f32 to vector<16xf32>
        %parallel_loop3A_1129 = arith.mulf %parallel_loop3A_1126, %parallel_loop3A_1128 : vector<16xf32>
        %parallel_loop3A_1130 = arith.addf %parallel_loop3A_1112, %parallel_loop3A_1129 : vector<16xf32>
        %parallel_loop3A_1131 = arith.constant 16 : i32
        %parallel_loop3A_1132 = arith.addi %parallel_loop3A_1082, %parallel_loop3A_1131 : i32
        %parallel_loop3A_1133 = arith.index_cast %parallel_loop3A_1132 : i32 to index
        %parallel_loop3A_1134 = tpu.vector_load %arg11[%parallel_loop3A_1133] {strides = array<i32>} : memref<8224xf32, #tpu.memory_space<vmem>>, vector<16xf32>,
        tpu.vector_store %arg11[%parallel_loop3A_1133], %parallel_loop3A_1130 {strides = array<i32>} : memref<8224xf32, #tpu.memory_space<vmem>>, vector<16xf32>,
        %parallel_loop3A_1135 = vector.extract_strided_slice %parallel_loop3A_167 {offsets = [15], sizes = [1], strides = [1]} : vector<16xi32> to vector<1xi32>
        %parallel_loop3A_1136 = vector.extract %parallel_loop3A_1135[0] : i32 from vector<1xi32>
        %parallel_loop3A_1137 = vector.extract_strided_slice %parallel_loop3A_198 {offsets = [13], sizes = [1], strides = [1]} : vector<16xi32> to vector<1xi32>
        %parallel_loop3A_1138 = vector.extract %parallel_loop3A_1137[0] : i32 from vector<1xi32>
        %parallel_loop3A_1139 = vector.extract_strided_slice %parallel_loop3A_198 {offsets = [14], sizes = [1], strides = [1]} : vector<16xi32> to vector<1xi32>
        %parallel_loop3A_1140 = vector.extract %parallel_loop3A_1139[0] : i32 from vector<1xi32>
        %parallel_loop3A_1141 = vector.extract_strided_slice %parallel_loop3A_198 {offsets = [15], sizes = [1], strides = [1]} : vector<16xi32> to vector<1xi32>
        %parallel_loop3A_1142 = vector.extract %parallel_loop3A_1141[0] : i32 from vector<1xi32>
        %parallel_loop3A_1143 = arith.constant 480 : i32
        %parallel_loop3A_1144 = arith.addi %parallel_loop3A_204, %parallel_loop3A_1143 : i32
        %parallel_loop3A_1145 = arith.constant 0 : i32
        %parallel_loop3A_1146 = arith.addi %parallel_loop3A_1136, %parallel_loop3A_1145 : i32
        %parallel_loop3A_1147 = arith.index_cast %parallel_loop3A_1146 : i32 to index
        %parallel_loop3A_1148 = tpu.vector_load %arg8[%parallel_loop3A_1147] {strides = array<i32>} : memref<16384xf32, #tpu.memory_space<vmem>>, vector<16xf32>,
        %parallel_loop3A_1149 = arith.constant 0 : i32
        %parallel_loop3A_1150 = arith.addi %parallel_loop3A_1138, %parallel_loop3A_1149 : i32
        %parallel_loop3A_1151 = arith.index_cast %parallel_loop3A_1150 : i32 to index
        %parallel_loop3A_1152 = tpu.vector_load %arg9[%parallel_loop3A_1151] {strides = array<i32>} : memref<49152xf32, #tpu.memory_space<vmem>>, vector<16xf32>,
        %parallel_loop3A_1153 = arith.constant 0 : i32
        %parallel_loop3A_1154 = arith.addi %parallel_loop3A_1140, %parallel_loop3A_1153 : i32
        %parallel_loop3A_1155 = arith.index_cast %parallel_loop3A_1154 : i32 to index
        %parallel_loop3A_1156 = tpu.vector_load %arg9[%parallel_loop3A_1155] {strides = array<i32>} : memref<49152xf32, #tpu.memory_space<vmem>>, vector<16xf32>,
        %parallel_loop3A_1157 = arith.addf %parallel_loop3A_1152, %parallel_loop3A_1156 : vector<16xf32>
        %parallel_loop3A_1158 = arith.constant 0 : i32
        %parallel_loop3A_1159 = arith.addi %parallel_loop3A_1142, %parallel_loop3A_1158 : i32
        %parallel_loop3A_1160 = arith.index_cast %parallel_loop3A_1159 : i32 to index
        %parallel_loop3A_1161 = tpu.vector_load %arg9[%parallel_loop3A_1160] {strides = array<i32>} : memref<49152xf32, #tpu.memory_space<vmem>>, vector<16xf32>,
        %parallel_loop3A_1162 = arith.addf %parallel_loop3A_1157, %parallel_loop3A_1161 : vector<16xf32>
        %parallel_loop3A_1163 = arith.constant 0.333333343 : f32
        %parallel_loop3A_1164 = vector.broadcast %parallel_loop3A_1163 : f32 to vector<16xf32>
        %parallel_loop3A_1165 = arith.mulf %parallel_loop3A_1162, %parallel_loop3A_1164 : vector<16xf32>
        %parallel_loop3A_1166 = arith.addf %parallel_loop3A_1148, %parallel_loop3A_1165 : vector<16xf32>
        %parallel_loop3A_1167 = arith.constant 0 : i32
        %parallel_loop3A_1168 = arith.addi %parallel_loop3A_1144, %parallel_loop3A_1167 : i32
        %parallel_loop3A_1169 = arith.index_cast %parallel_loop3A_1168 : i32 to index
        %parallel_loop3A_1170 = tpu.vector_load %arg11[%parallel_loop3A_1169] {strides = array<i32>} : memref<8224xf32, #tpu.memory_space<vmem>>, vector<16xf32>,
        tpu.vector_store %arg11[%parallel_loop3A_1169], %parallel_loop3A_1166 {strides = array<i32>} : memref<8224xf32, #tpu.memory_space<vmem>>, vector<16xf32>,
        %parallel_loop3A_1171 = arith.constant 16 : i32
        %parallel_loop3A_1172 = arith.addi %parallel_loop3A_1136, %parallel_loop3A_1171 : i32
        %parallel_loop3A_1173 = arith.index_cast %parallel_loop3A_1172 : i32 to index
        %parallel_loop3A_1174 = tpu.vector_load %arg8[%parallel_loop3A_1173] {strides = array<i32>} : memref<16384xf32, #tpu.memory_space<vmem>>, vector<16xf32>,
        %parallel_loop3A_1175 = arith.constant 16 : i32
        %parallel_loop3A_1176 = arith.addi %parallel_loop3A_1138, %parallel_loop3A_1175 : i32
        %parallel_loop3A_1177 = arith.index_cast %parallel_loop3A_1176 : i32 to index
        %parallel_loop3A_1178 = tpu.vector_load %arg9[%parallel_loop3A_1177] {strides = array<i32>} : memref<49152xf32, #tpu.memory_space<vmem>>, vector<16xf32>,
        %parallel_loop3A_1179 = arith.constant 16 : i32
        %parallel_loop3A_1180 = arith.addi %parallel_loop3A_1140, %parallel_loop3A_1179 : i32
        %parallel_loop3A_1181 = arith.index_cast %parallel_loop3A_1180 : i32 to index
        %parallel_loop3A_1182 = tpu.vector_load %arg9[%parallel_loop3A_1181] {strides = array<i32>} : memref<49152xf32, #tpu.memory_space<vmem>>, vector<16xf32>,
        %parallel_loop3A_1183 = arith.addf %parallel_loop3A_1178, %parallel_loop3A_1182 : vector<16xf32>
        %parallel_loop3A_1184 = arith.constant 16 : i32
        %parallel_loop3A_1185 = arith.addi %parallel_loop3A_1142, %parallel_loop3A_1184 : i32
        %parallel_loop3A_1186 = arith.index_cast %parallel_loop3A_1185 : i32 to index
        %parallel_loop3A_1187 = tpu.vector_load %arg9[%parallel_loop3A_1186] {strides = array<i32>} : memref<49152xf32, #tpu.memory_space<vmem>>, vector<16xf32>,
        %parallel_loop3A_1188 = arith.addf %parallel_loop3A_1183, %parallel_loop3A_1187 : vector<16xf32>
        %parallel_loop3A_1189 = arith.constant 0.333333343 : f32
        %parallel_loop3A_1190 = vector.broadcast %parallel_loop3A_1189 : f32 to vector<16xf32>
        %parallel_loop3A_1191 = arith.mulf %parallel_loop3A_1188, %parallel_loop3A_1190 : vector<16xf32>
        %parallel_loop3A_1192 = arith.addf %parallel_loop3A_1174, %parallel_loop3A_1191 : vector<16xf32>
        %parallel_loop3A_1193 = arith.constant 16 : i32
        %parallel_loop3A_1194 = arith.addi %parallel_loop3A_1144, %parallel_loop3A_1193 : i32
        %parallel_loop3A_1195 = arith.index_cast %parallel_loop3A_1194 : i32 to index
        %parallel_loop3A_1196 = tpu.vector_load %arg11[%parallel_loop3A_1195] {strides = array<i32>} : memref<8224xf32, #tpu.memory_space<vmem>>, vector<16xf32>,
        tpu.vector_store %arg11[%parallel_loop3A_1195], %parallel_loop3A_1192 {strides = array<i32>} : memref<8224xf32, #tpu.memory_space<vmem>>, vector<16xf32>,
      } {sc.loop_unroll_factor = 1 : i64, sc.parallel_access}
      %add3A_153 = arith.addi %add3A_34, %add3A_123 : i32
      %dma_start3A_154 = arith.constant 0 : i32
      %dma_start3A_155 = tpu.memref_slice %arg7[%select_n3A, %add3A_153, %dma_start3A_154] : memref<8x257x8224xf32, #tpu.memory_space<hbm>> -> memref<1x1x8224xf32, #tpu.memory_space<hbm>>
      %dma_start3A_156 = tpu.memref_squeeze %dma_start3A_155 : memref<1x1x8224xf32, #tpu.memory_space<hbm>> -> memref<8224xf32, #tpu.memory_space<hbm>>
      %dma_start3A_157 = arith.constant 0 : i32
      %dma_start3A_158 = tpu.memref_slice %arg7[%select_n3A, %add3A_153, %dma_start3A_157] : memref<8x257x8224xf32, #tpu.memory_space<hbm>> -> memref<1x1x8224xf32, #tpu.memory_space<hbm>>
      %dma_start3A_159 = tpu.memref_squeeze %dma_start3A_158 : memref<1x1x8224xf32, #tpu.memory_space<hbm>> -> memref<8224xf32, #tpu.memory_space<hbm>>
      tpu.enqueue_dma source(%arg11 : memref<8224xf32, #tpu.memory_space<vmem>>) target(%dma_start3A_159 : memref<8224xf32, #tpu.memory_space<hbm>>) target_semaphore(%arg19 : memref<!tpu.dma_semaphore, #tpu.memory_space<semaphore_mem>>)
    }
    %scan3A_67 = arith.constant 32 : i32
    %dma_wait3A = arith.constant 1 : i32
    %dma_wait3A_68 = arith.constant 0 : i32
    %dma_wait3A_69 = tpu.memref_slice %arg7[%select_n3A, %dma_wait3A, %dma_wait3A_68] : memref<8x257x8224xf32, #tpu.memory_space<hbm>> -> memref<1x1x8224xf32, #tpu.memory_space<hbm>>
    %dma_wait3A_70 = tpu.memref_squeeze %dma_wait3A_69 : memref<1x1x8224xf32, #tpu.memory_space<hbm>> -> memref<8224xf32, #tpu.memory_space<hbm>>
    %dma_wait3A_71 = arith.constant 0 : i32
    %dma_wait3A_72 = tpu.memref_slice %arg7[%select_n3A, %dma_wait3A, %dma_wait3A_71] : memref<8x257x8224xf32, #tpu.memory_space<hbm>> -> memref<1x1x8224xf32, #tpu.memory_space<hbm>>
    %dma_wait3A_73 = tpu.memref_squeeze %dma_wait3A_72 : memref<1x1x8224xf32, #tpu.memory_space<hbm>> -> memref<8224xf32, #tpu.memory_space<hbm>>
    tpu.wait_dma2 semaphore(%arg18 : memref<!tpu.dma_semaphore, #tpu.memory_space<semaphore_mem>>) src(%arg10 : memref<8224xf32, #tpu.memory_space<vmem>>) dst(%dma_wait3A_73 : memref<8224xf32, #tpu.memory_space<hbm>>)
    %dma_wait3A_74 = arith.constant 1 : i32
    %dma_wait3A_75 = arith.constant 0 : i32
    %dma_wait3A_76 = tpu.memref_slice %arg7[%select_n3A, %dma_wait3A_74, %dma_wait3A_75] : memref<8x257x8224xf32, #tpu.memory_space<hbm>> -> memref<1x1x8224xf32, #tpu.memory_space<hbm>>
    %dma_wait3A_77 = tpu.memref_squeeze %dma_wait3A_76 : memref<1x1x8224xf32, #tpu.memory_space<hbm>> -> memref<8224xf32, #tpu.memory_space<hbm>>
    %dma_wait3A_78 = arith.constant 0 : i32
    %dma_wait3A_79 = tpu.memref_slice %arg7[%select_n3A, %dma_wait3A_74, %dma_wait3A_78] : memref<8x257x8224xf32, #tpu.memory_space<hbm>> -> memref<1x1x8224xf32, #tpu.memory_space<hbm>>
    %dma_wait3A_80 = tpu.memref_squeeze %dma_wait3A_79 : memref<1x1x8224xf32, #tpu.memory_space<hbm>> -> memref<8224xf32, #tpu.memory_space<hbm>>
    tpu.wait_dma2 semaphore(%arg19 : memref<!tpu.dma_semaphore, #tpu.memory_space<semaphore_mem>>) src(%arg11 : memref<8224xf32, #tpu.memory_space<vmem>>) dst(%dma_wait3A_80 : memref<8224xf32, #tpu.memory_space<hbm>>)
    return
  }
}

</mosaic_0001>

<sc_bundles>
// kernel: kernel.3.cloned.1.call-start
scs
__scs_entry_jumppad:
0x0: {  	(pc) =	sbr.rel $0x88, $3  }
0x1: {  	(tag) =	ssettag $0x0;
	lr =	simm.s32 $0x1  }
0x2: {  	[smem:$0x3F9C] =	sst lr;
	_ =	strace $0xD0000000  }
0x3: {  	_ = 	snop  }
0x4: {  	_ = 	snop  }
0x5: {  	_ = 	snop  }
0x6: {  	_ = 	snop  }
0x7: {  	_ = 	snop  }
__scs_overlays_trampoline_lowered:
0x8: {  	[smem:$0x3FAB] =	sst s0  }
0x9: {  	[smem:$0x3FAC] =	sst s1  }
0xa: {  	[smem:$0x3FAD] =	sst s2  }
0xb: {  	[smem:$0x3FAE] =	sst s3  }
0xc: {  	[smem:$0x3FAF] =	sst s4  }
0xd: {  	[smem:$0x3FB0] =	sst s5  }
0xe: {  	[smem:$0x3FB1] =	sst s6  }
0xf: {  	[smem:$0x3FB2] =	sst s7  }
0x10: {  	[smem:$0x3FB3] =	sst s8  }
0x11: {  	[smem:$0x3FB4] =	sst s9;
	s0 =	simm.s32 @!p0 $0x0  }
0x12: {  	s1 =	sld [smem:$0x3F9A];
	s0 =	simm.s32 @p0 $0x1  }
0x13: {  	[smem:$0x3FB5] =	sst s0;
	s0 =	simm.s32 @!p1 $0x0  }
0x14: {  	s2 =	sld [smem:$0x3F99];
	s0 =	simm.s32 @p1 $0x1  }
0x15: {  	[smem:$0x3FB6] =	sst s0;
	s0 =	simm.s32 @!p2 $0x0  }
0x16: {  	s3 =	sld [smem:$0x3FDB];
	s0 =	simm.s32 @p2 $0x1  }
0x17: {  	s4 =	simm.s32 $0x1BF5;
	[smem:$0x3FB8] =	sst s0  }
0x18: {  	s0 =	sld [smem:$0x3F9B];
	_ =	swait.ge [sflag:s4], $0x0  }
0x19: {  	s7 =	sld [smem:$0x3F9C]  }
0x1a: {  	s8 =	sadd.s32 $0xFFFFE003, lr  }
0x1b: {  	s9 =	sadd.s32 $0xFFFFFEF7, lr;
	s5 =	simm.s32 $0xFFFFFFFF;
	p2 =	slt.u32 s8, $0xFFFFF086  }
0x1c: {  	p1 =	slt.u32 s9, $0xF7A;
	s5 =	simm.s32 @!p2 $0x0  }
0x1d: {  	s5 =	simm.s32 @p1 $0x1;
	p0 =	seq.s32 s7, s2  }
0x1e: {  	s7 =	smul.u32 @!p0 $0xF7A, s2;
	p2 =	seq.s32 @!p0 s5, $0x0  }
0x1f: {  	s9 =	smul.u32 $0xF7A, s1;
	s8 =	simm.s32 @!p0 $0x1BF5;
	p2 =	por !p2, p0  }
0x20: {  	[sflag:s8] =	ssyncset.s32 @!p0 $0xFFFFF086;
	s6 =	sadd.s32 @!p0 s3, s7;
	s7 =	simm.s32 @!p0 $0x108  }
0x21: {  	s3 =	sadd.s32 s3, s9;
	s6 =	sadd.s32 @!p0 $0x88, s6;
	s7 =	simm.s32 @p2 $0x1082  }
0x22: {  	[simem:s7], [sflag:s8] =	dma.local @!p0 [hbm:s6], $0xF7A  }
0x23: {  	s9 =	sor.u32 $0xD0000000, s2;
	s6 =	simm.s32 $0x108;
	_ =	swait.ge @!p0 [sflag:s8], $0x0  }
0x24: {  	s3 =	sadd.s32 $0x88, s3;
	s6 =	simm.s32 @!p1 $0x1082;
	[sflag:s4] =	ssyncset.s32 $0xFFFFF086  }
0x25: {  	[simem:s6], [sflag:s4] =	dma.local [hbm:s3], $0xF7A  }
0x26: {  	[smem:$0x3F9C] =	sst s1;
	(tag) =	ssettag s2;
	_ =	strace s9  }
0x27: {  	s1 =	sld [smem:$0x3FAC]  }
0x28: {  	s2 =	sld [smem:$0x3FAD]  }
0x29: {  	s4 =	sld [smem:$0x3FAF]  }
0x2a: {  	p0 =	seq.s32 s5, $0x0;
	s5 =	sld [smem:$0x3FB0]  }
0x2b: {  	s6 =	sld [smem:$0x3FB1]  }
0x2c: {  	s7 =	sld [smem:$0x3FB2]  }
0x2d: {  	s3 =	simm.s32 $0x108;
	s8 =	sld [smem:$0x3FB3]  }
0x2e: {  	s3 =	simm.s32 @!p0 $0x1082;
	s9 =	sld [smem:$0x3FB4]  }
0x2f: {  	lr =	sadd.s32 s0, s3;
	s0 =	sld [smem:$0x3FAB]  }
0x30: {  	s3 =	sld [smem:$0x3FAE]  }
0x31: {  	[smem:$0x3FB7] =	sst s10  }
0x32: {  	s10 =	sld [smem:$0x3FB5];
	_ =	sdelay $0x3  }
0x33: {  	p0 =	seq.s32 s10, $0x1;
	s10 =	sld [smem:$0x3FB7];
	_ =	sdelay $0x3  }
0x34: {  	[smem:$0x3FB7] =	sst s10  }
0x35: {  	s10 =	sld [smem:$0x3FB6];
	_ =	sdelay $0x3  }
0x36: {  	p1 =	seq.s32 s10, $0x1;
	s10 =	sld [smem:$0x3FB7];
	_ =	sdelay $0x3  }
0x37: {  	[smem:$0x3FB7] =	sst s10  }
0x38: {  	s10 =	sld [smem:$0x3FB8]  }
0x39: {  	_ = 	snop;
	(pc) =	sbr.ind lr, $3  }
0x3a: {  	_ = 	snop  }
0x3b: {  	_ = 	snop  }
0x3c: {  	p2 =	seq.s32 s10, $0x1;
	s10 =	sld [smem:$0x3FB7]  }
0x3d: {  	_ =	shalt  }
0x3e: {  	_ =	shalt  }
0x3f: {  	_ =	shalt  }
0x40: {  	_ =	shalt  }
0x41: {  	_ =	shalt  }
0x42: {  	_ =	shalt  }
0x43: {  	_ =	shalt  }
0x44: {  	_ =	shalt  }
0x45: {  	_ =	shalt  }
0x46: {  	_ =	shalt  }
0x47: {  	_ =	shalt  }
0x48: {  	_ =	shalt  }
0x49: {  	_ =	shalt  }
0x4a: {  	_ =	shalt  }
0x4b: {  	_ =	shalt  }
0x4c: {  	_ =	shalt  }
0x4d: {  	_ =	shalt  }
0x4e: {  	_ =	shalt  }
0x4f: {  	_ =	shalt  }
0x50: {  	_ =	shalt  }
0x51: {  	_ =	shalt  }
0x52: {  	_ =	shalt  }
0x53: {  	_ =	shalt  }
0x54: {  	_ =	shalt  }
0x55: {  	_ =	shalt  }
0x56: {  	_ =	shalt  }
0x57: {  	_ =	shalt  }
0x58: {  	_ =	shalt  }
0x59: {  	_ =	shalt  }
0x5a: {  	_ =	shalt  }
0x5b: {  	_ =	shalt  }
0x5c: {  	_ =	shalt  }
0x5d: {  	_ =	shalt  }
0x5e: {  	_ =	shalt  }
0x5f: {  	_ =	shalt  }
0x60: {  	_ =	shalt  }
0x61: {  	_ =	shalt  }
0x62: {  	_ =	shalt  }
0x63: {  	_ =	shalt  }
0x64: {  	_ =	shalt  }
0x65: {  	_ =	shalt  }
0x66: {  	_ =	shalt  }
0x67: {  	_ =	shalt  }
0x68: {  	_ =	shalt  }
0x69: {  	_ =	shalt  }
0x6a: {  	_ =	shalt  }
0x6b: {  	_ =	shalt  }
0x6c: {  	_ =	shalt  }
0x6d: {  	_ =	shalt  }
0x6e: {  	_ =	shalt  }
0x6f: {  	_ =	shalt  }
0x70: {  	_ =	shalt  }
0x71: {  	_ =	shalt  }
0x72: {  	_ =	shalt  }
0x73: {  	_ =	shalt  }
0x74: {  	_ =	shalt  }
0x75: {  	_ =	shalt  }
0x76: {  	_ =	shalt  }
0x77: {  	_ =	shalt  }
0x78: {  	_ =	shalt  }
0x79: {  	_ =	shalt  }
0x7a: {  	_ =	shalt  }
0x7b: {  	_ =	shalt  }
0x7c: {  	_ =	shalt  }
0x7d: {  	_ =	shalt  }
0x7e: {  	_ =	shalt  }
0x7f: {  	_ =	shalt  }
0x80: {  	_ =	shalt  }
0x81: {  	_ =	shalt  }
0x82: {  	_ =	shalt  }
0x83: {  	_ =	shalt  }
0x84: {  	_ =	shalt  }
0x85: {  	_ =	shalt  }
0x86: {  	_ =	shalt  }
0x87: {  	_ =	shalt  }
.Lfunc_end0:
.L_simem_size_0:
called_computation.1_lowered:
.L_overlay_start_0:
0x88: {  	s2 =	sld [smem:$0x3FD9]  }
0x89: {  	s3 =	sld [smem:$0x3FFE];
	_ =	sdelay $0x1  }
0x8a: {  	s1 =	srdreg.scid  }
0x8b: {  	s0 =	sand.u32 $0x1, s1  }
0x8c: {  	s17 =	sshll.u32 s0, $0xA;
	s2 =	sadd.s32 s3, s2  }
0x8d: {  	s2 =	sadd.s32 s2, s17  }
0x8e: {  	[smem:$0x3FC3] =	sst s2  }
0x8f: {  	_ = 	snop  }
0x90: {  	s2 =	sld [smem:$0x3FC9]  }
0x91: {  	s18 =	sld [smem:$0x3FC5]  }
0x92: {  	s4 =	sld [smem:$0x3FD0];
	(tm) =	ssettm $0x1  }
0x93: {  	s5 =	sld [smem:$0x3FFB];
	_ =	sdelay $0x3  }
0x94: {  	_ =	strace s5  }
0x95: {  	s5 =	sld [smem:$0x3FFC];
	_ =	sdelay $0x3  }
0x96: {  	_ =	strace s5  }
0x97: {  	s5 =	sld [smem:$0x3FFD];
	_ =	sdelay $0x3  }
0x98: {  	_ =	strace s5  }
0x99: {  	_ =	strace $0x8FFFFFFF  }
0x9a: {  	s19 =	sld [smem:$0x3FDB];
	_ =	sdelay $0x1  }
0x9b: {  	s6 =	simm.s32 $_scs_section_size  }
0x9c: {  	s7 =	simm.s32 $_size__tile_overlayer_lowered;
	s8 =	simm.s32 $_tile_overlayer_lowered  }
0x9d: {  	s22 =	simm.s32 $0x1BFF;
	s21 =	sshll.u32 s8, $0x1;
	s5 =	sadd.s32 s6, s19  }
0x9e: {  	s9 =	simm.s32 $0x0;
	s20 =	sshll.u32 s7, $0x1;
	s7 =	sadd.s32 s21, s5  }
0x9f: {  	[timem:s9], [sflag:s22] =	dma.local [hbm:s7], s20  }
0xa0: {  	_ =	swait.ge [sflag:s22], s20  }
0xa1: {  	s6 =	ssub.s32 $0x0, s20;
	[sflag:s22] =	ssyncset.done $0x0  }
0xa2: {  	[sflag:s22] =	ssyncadd.s32 s6;
	_ =	sdelay $0x1  }
0xa3: {  	s23 =	simm.s32 $0x1B8B  }
0xa4: {  	_ =	swait.ge [sflag:s23], $0x1  }
0xa5: {  	[sflag:s23] =	ssyncset.done $0x0  }
0xa6: {  	s25 =	simm.s32 $0x1B8E;
	s24 =	sld [smem:$0x3FFE];
	[sflag:s23] =	ssyncadd.s32 $0xFFFFFFFF  }
0xa7: {  	s26 =	simm.s32 $execute0_lowered;
	[smem:$0x3FD2] =	sst s25  }
0xa8: {  	s7 =	sshll.u32 s26, $0x1;
	_ =	strace $0x80000046;
	[dreg:$0x1] =	wrdreg $0xFFFFFFFF  }
0xa9: {  	s28 =	simm.s32 $_size_execute0_lowered;
	s5 =	sadd.s32 s5, s7;
	[dreg:$0x0] =	wrdreg $0x0  }
0xaa: {  	s7 =	sshll.u32 s28, $0x1;
	[dreg:$0x2] =	wrdreg s5  }
0xab: {  	[dreg:$0x3] =	wrdreg s7  }
0xac: {  	[dreg:$0x4] =	wrdreg $0xC0  }
0xad: {  	_ =	task [dreg:s9], $0x5FFFF  }
0xae: {  	[dreg:$0x1] =	wrdreg $0xFFFFFFFF  }
0xaf: {  	[dreg:$0x0] =	wrdreg $0x60  }
0xb0: {  	[dreg:$0x2] =	wrdreg s2  }
0xb1: {  	[dreg:$0x3] =	wrdreg s24  }
0xb2: {  	[dreg:$0x4] =	wrdreg s18  }
0xb3: {  	[dreg:$0x5] =	wrdreg s4  }
0xb4: {  	[dreg:$0x6] =	wrdreg $0x9  }
0xb5: {  	_ =	task.clear_ibuf [dreg:s9], $0x7FFFF;
	_ =	strace $0x90000046  }
0xb6: {  	s29 =	simm.s32 $0x9;
	_ =	strace $0x80000048  }
0xb7: {  	_ =	swait.ge [sflag:s29], $0x1  }
0xb8: {  	[sflag:s29] =	ssyncadd.s32 $0xFFFFFFFF  }
0xb9: {  	_ =	strace $0x90000048  }
0xba: {  	_ =	sfence  }
0xbb: {  	s30 =	sld [smem:$0x0];
	_ =	sdelay $0x2  }
0xbc: {  	s31 =	sshll.u32 s1, $0xD;
	s1 =	sshrl.u32 s1, $0x2  }
0xbd: {  	s3 =	sand.u32 $0x4000, s31;
	s1 =	sadd.s32 s1, s30  }
0xbe: {  	s0 =	sor.u32 s3, s0;
	s1 =	sshll.u32 s1, $0x11  }
0xbf: {  	s0 =	sor.u32 s1, s0  }
0xc0: {  	s0 =	sadd.s32 $0x8F2B, s0  }
0xc1: {  	[sflag:s0] =	ssyncadd.remote.s32 $0x1  }
0xc2: {  	_ =	sfence.sel $0xFFFF  }
0xc3: {  	[dreg:$0x0] =	wrdreg $0xFFFFFFFF;
	(pc) =	sbr.abs _section_cstart, $3  }
0xc4: {  	[dreg:$0x1] =	wrdreg $0xFFFFFFFF  }
0xc5: {  	_ =	task.clear_ibuf [dreg:s9], $0x2FFFF;
	_ =	strace $0x9FFFFFFF  }
0xc6: {  	(tm) =	ssettm $0x7FFFFFFF  }
0xc7: {  	_ =	shalt  }
tec
execute0_lowered:
.L_overlay_start_1:
0x0: {  	(tag) =	ssettag $0x1  }
0x1: {  	s5 =	rddreg [dreg:$0x0]  }
0x2: {  	s0 =	rddreg [dreg:$0x1]  }
0x3: {  	s6 =	rddreg [dreg:$0x3]  }
0x4: {  	s1 =	simm.s32 $0x0;
	s22 =	srdreg.scid;
	s7 =	stileid.u32  }
0x5: {  	[smem:$0x7FF] =	sst s1;
	s8 =	sadd.s32 $0x2800, s0;
	s21 =	sadd.s32 $0x800, s0  }
0x6: {  	s0 =	sadd.s32 $0x1000, s0;
	s23 =	sand.u32 $0x1, s22;
	s24 =	sshll.u32 s7, $0x1  }
0x7: {  	s25 =	sshrl.u32 s7, $0x1;
	_ =	strace $0x80000047;
	[dreg:$0x6] =	wrdreg s21  }
0x8: {  	p0 =	sgt.u32 s7, $0x3;
	[dreg:$0x7] =	wrdreg s0;
	s2 =	ssub.s32 $0x2, s23  }
0x9: {  	s0 =	sor.u32 s23, s24;
	s9 =	smul.u32 $0x30000, s25;
	s11 =	sshll.u32 s25, $0x10  }
0xa: {  	[dreg:$0x5] =	wrdreg s8;
	s30 =	smul.u32 $0x218400, s25;
	s3 =	sshrl.u32 s2, $0x1  }
0xb: {  	s4 =	sand.u32 $0x3, s0;
	s0 =	smul.u32 $0x43080, s0;
	[dreg:$0xa] =	wrdreg s11  }
0xc: {  	s2 =	ssub.s32 s2, s3;
	s10 =	sshll.u32 s4, $0x6;
	[dreg:$0x8] =	wrdreg s9  }
0xd: {  	s26 =	smul.u32 $0xC000, s4;
	s4 =	sshll.u32 s4, $0xE;
	[dreg:$0xf] =	wrdreg s30  }
0xe: {  	[dreg:$0x9] =	wrdreg s10;
	s10 =	sor.u32 $0x1, s10;
	s4 =	sor.u32 s11, s4  }
0xf: {  	s0 =	sadd.s32 s6, s0;
	s31 =	smax.u32 s2, $0x1;
	[dreg:$0xb] =	wrdreg s10  }
0x10: {  	s3 =	sadd.s32 s9, s26;
	[dreg:$0xc] =	wrdreg s0;
	s28 =	sshrl.u32 s4, $0x3  }
0x11: {  	[dreg:$0x10] =	wrdreg s31;
	s3 =	sshrl.u32 s3, $0x3;
	s0 =	sadd.s32 s5, s28  }
0x12: {  	s2 =	simm.s32 $0x0;
	[dreg:$0xd] =	wrdreg s0;
	s29 =	sadd.s32 s8, s3  }
0x13: {  	s4 =	simm.s32 $0x80;
	s5 =	simm.s32 $0x400;
	[dreg:$0xe] =	wrdreg s29  }
.LBB2_1:
0x14: {  	[dreg:$0x11] =	wrdreg s2  }
0x15: {  	s1 =	simm.s32 $0x0;
	s0 =	rddreg [dreg:$0x6];
	s28 =	simm.s32 $0x7  }
0x16: {  	[tilespmem:s1], [sflag:$0x7] =	stream.linear.gather [hbm4b:s0+s1], $0x4000, $0x38;
	[tilespmem:$0x16A00] =	vst v63  }
0x17: {  	_ =	swait.ge [sflag:s28], $0x4000  }
0x18: {  	[sflag:s28] =	ssyncset.done $0x0  }
0x19: {  	s3 =	simm.s32 $0x4000;
	s29 =	rddreg [dreg:$0x7];
	[sflag:s28] =	ssyncadd.s32 $0xFFFFC000  }
0x1a: {  	[tilespmem:s3], [sflag:$0x7] =	stream.linear.gather [hbm4b:s29+s1], $0xC000, $0x38;
	[tilespmem:$0x16A00] =	vst v63  }
0x1b: {  	_ =	swait.ge [sflag:s28], $0xC000  }
0x1c: {  	[sflag:s28] =	ssyncset.done $0x0  }
0x1d: {  	[sflag:s28] =	ssyncadd.s32 $0xFFFF4000  }
0x1e: {  	s31 =	simm.s32 $0x16180;
	s30 =	rddreg [dreg:$0x2]  }
0x1f: {  	[tilespmem:s31], [sflag:$0x7] =	stream.linear.gather [hbm4b:s30+s1], $0x80, $0x38;
	[tilespmem:$0x16A00] =	vst v63  }
0x20: {  	_ =	swait.ge [sflag:s28], $0x80  }
0x21: {  	[sflag:s28] =	ssyncset.done $0x0  }
0x22: {  	[sflag:s28] =	ssyncadd.s32 $0xFFFFFF80  }
0x23: {  	v0 =	vld [tilespmem:$0x16180]  }
0x24: {  	v1 =	vld [tilespmem:$0x16190];
	_ =	sdelay $0x2  }
.Ltmp0:
0x25: {  	_ = 	snop;
	(pc) =	sbr.rel @p0 .LBB2_5-.Ltmp0, $4  }
0x26: {  	[tilespmem:$0x10000] =	vst v0  }
0x27: {  	[tilespmem:$0x10010] =	vst v1  }
0x28: {  	[tilespmem:$0x12080] =	vst v0  }
0x29: {  	[tilespmem:$0x12090] =	vst v1  }
0x2a: {  	s0 =	simm.s32 $0x80;
	s1 =	simm.s32 $0x0  }
.LBB2_3:
0x2b: {  	p1 =	sne.s32 s0, $0x8000;
	[tilespmem:s1+$0x14100] =	vst v0;
	s2 =	smov.u32 s0;
	s0 =	sadd.s32 $0x80, s0  }
.Ltmp1:
0x2c: {  	[tilespmem:s1+$0x14110] =	vst v1;
	(pc) =	sbr.rel @p1 .LBB2_3-.Ltmp1, $2  }
0x2d: {  	_ =	sdelay $0x2  }
0x2e: {  	s1 =	sshra.s32 s2, $0x2  }
0x2f: {  	[tilespmem:s1+$0x14100] =	vst v0  }
0x30: {  	[tilespmem:s1+$0x14110] =	vst v1;
	s0 =	rddreg [dreg:$0xc];
	s30 =	simm.s32 $0x14100;
	s31 =	simm.s32 $0x7  }
0x31: {  	[hbm4b:s0+s4] =	stream.strided.scatter [tilespmem:s30], [sflag:$0x7], $0x2080, s5, s4, $0x38;
	[tilespmem:$0x16A00] =	vst v63  }
0x32: {  	_ =	swait.ge [sflag:s31], $0x2080  }
0x33: {  	[sflag:s31] =	ssyncset.done $0x0  }
0x34: {  	[sflag:s31] =	ssyncadd.s32 $0xFFFFDF80  }
.LBB2_5:
0x35: {  	s0 =	rddreg [dreg:$0xd];
	s1 =	simm.s32 $0x16200  }
0x36: {  	[tilespmem:s1], [sflag:$0x3] =	stream.strided.gather [hbm4b:s0+s4], $0x100, s5, s4, $0x38;
	[tilespmem:$0x16A00] =	vst v63  }
0x37: {  	s30 =	rddreg [dreg:$0xe];
	s31 =	simm.s32 $0x16400;
	s6 =	simm.s32 $0x0  }
0x38: {  	[tilespmem:s31], [sflag:$0x5] =	stream.strided.gather [hbm4b:s30+s4], $0x300, s5, s4, $0x38;
	[tilespmem:$0x16A00] =	vst v63  }
.LBB2_6:
0x39: {  	s0 =	rddreg [dreg:$0x9]  }
0x3a: {  	s1 =	sshll.u32 s6, $0x1;
	s3 =	rddreg [dreg:$0xa]  }
0x3b: {  	s2 =	sshllo.u32 s6, $0x1;
	s30 =	rddreg [dreg:$0x8];
	s0 =	sor.u32 s0, s1  }
0x3c: {  	[dreg:$0x13] =	wrdreg s2;
	s0 =	sshrl.u32 s0, $0x3  }
0x3d: {  	s2 =	sshll.u32 s2, $0x7;
	s26 =	sshll.u32 s0, $0xB;
	s0 =	smul.u32 $0x1800, s0  }
0x3e: {  	[dreg:$0x14] =	wrdreg s1;
	s2 =	sand.u32 $0x380, s2;
	s1 =	sadd.s32 s3, s26  }
0x3f: {  	s28 =	rddreg [dreg:$0x0];
	s1 =	sor.u32 s2, s1;
	s0 =	sadd.s32 s30, s0  }
0x40: {  	s29 =	simm.s32 $0x16300;
	s1 =	sshrl.u32 s1, $0x3;
	s0 =	sor.u32 s2, s0  }
0x41: {  	s31 =	rddreg [dreg:$0x5];
	s1 =	sadd.s32 s28, s1;
	s0 =	sshrl.u32 s0, $0x3  }
0x42: {  	[tilespmem:s29], [sflag:$0x4] =	stream.strided.gather [hbm4b:s1+s4], $0x100, s5, s4, $0x38;
	[tilespmem:$0x16A00] =	vst v63  }
0x43: {  	s3 =	simm.s32 $0x3;
	s2 =	simm.s32 $0x16700;
	s0 =	sadd.s32 s31, s0  }
0x44: {  	[tilespmem:s2], [sflag:$0x6] =	stream.strided.gather [hbm4b:s0+s4], $0x300, s5, s4, $0x38;
	[tilespmem:$0x16A00] =	vst v63  }
0x45: {  	_ =	swait.ge [sflag:s3], $0x100  }
0x46: {  	[sflag:s3] =	ssyncset.done $0x0  }
0x47: {  	s4 =	simm.s32 $0x5;
	[sflag:s3] =	ssyncadd.s32 $0xFFFFFF00  }
0x48: {  	_ =	swait.ge [sflag:s4], $0x300  }
0x49: {  	p1 =	seq.s32 s6, $0x0;
	[sflag:s4] =	ssyncset.done $0x0  }
0x4a: {  	s0 =	simm.s32 @!p1 $0x1;
	[dreg:$0x12] =	wrdreg s6;
	[sflag:s4] =	ssyncadd.s32 $0xFFFFFD00  }
0x4b: {  	_ =	swait.ge @!p1 [sflag:s0], $0x2080  }
0x4c: {  	[sflag:s0] =	ssyncset.done @!p1 $0x0  }
0x4d: {  	s5 =	simm.s32 $0x0;
	[sflag:s0] =	ssyncadd.s32 @!p1 $0xFFFFDF80  }
0x4e: {  	s6 =	simm.s32 $0x16420;
	v0 =	vld [tilespmem:s5+$0x16200]  }
0x4f: {  	v1 =	vld [tilespmem:s6+$0xFFFFFFE0];
	_ =	sdelay $0x3  }
0x50: {  	v3 =	vshll.u32 v0, $0x5  }
0x51: {  	v0 =	vshll.u32 v1, $0x5;
	(v2sf) =	vpush v3, $0x0  }
0x52: {  	(v2sf) =	vpush v0, $0x2  }
0x53: {  	(v2sf) =	vpush v0, $0x0  }
0x54: {  	(v2sf) =	vpush v0, $0x1;
	_ =	sdelay $0xb  }
0x55: {  	s7 =	spop (v2sf)  }
0x56: {  	s8 =	spop (v2sf)  }
0x57: {  	s9 =	spop (v2sf)  }
0x58: {  	v1 =	vld [tilespmem:s9+$0x4000];
	s10 =	spop (v2sf)  }
0x59: {  	v2 =	vld [tilespmem:s10+$0x4000];
	_ =	sdelay $0x1  }
0x5a: {  	v4 =	vld [tilespmem:s8+$0x4000];
	_ =	sdelay $0x2  }
0x5b: {  	v1 =	vadd.f32 v2, v1  }
0x5c: {  	v2 =	vld [tilespmem:s7+$0x0]  }
0x5d: {  	v1 =	vadd.f32 v4, v1;
	_ =	sdelay $0x1  }
0x5e: {  	v1 =	vmul.f32 $3.333333430e-01, v1;
	_ =	sdelay $0x1  }
0x5f: {  	(v2sf) =	vpush v3, $0x1;
	v1 =	vadd.f32 v1, v2  }
0x60: {  	s14 =	simm.s32 $0x10110;
	v5 =	vld [tilespmem:s6+$0xFFFFFFF0];
	(v2sf) =	vpush v0, $0x5  }
0x61: {  	(v2sf) =	vpush v0, $0x3;
	v2 =	vld [tilespmem:s6+$0x0];
	[tilespmem:s14+$0xFFFFFF10] =	vst v1  }
0x62: {  	(v2sf) =	vpush v0, $0x4;
	v1 =	vld [tilespmem:s9+$0x4010]  }
0x63: {  	v4 =	vld [tilespmem:s10+$0x4010];
	_ =	sdelay $0x1  }
0x64: {  	v6 =	vld [tilespmem:s8+$0x4010];
	_ =	sdelay $0x2  }
0x65: {  	v1 =	vadd.f32 v4, v1  }
0x66: {  	v4 =	vld [tilespmem:s7+$0x10]  }
0x67: {  	v1 =	vadd.f32 v6, v1;
	_ =	sdelay $0x1  }
0x68: {  	v1 =	vmul.f32 $3.333333430e-01, v1;
	_ =	sdelay $0x1  }
0x69: {  	s11 =	spop (v2sf);
	v1 =	vadd.f32 v1, v4  }
0x6a: {  	s12 =	spop (v2sf)  }
0x6b: {  	s13 =	spop (v2sf);
	[tilespmem:s14+$0xFFFFFF20] =	vst v1  }
0x6c: {  	s15 =	spop (v2sf);
	v1 =	vld [tilespmem:s13+$0x4000]  }
0x6d: {  	v4 =	vld [tilespmem:s15+$0x4000];
	_ =	sdelay $0x1  }
0x6e: {  	v6 =	vld [tilespmem:s12+$0x4000];
	_ =	sdelay $0x2  }
0x6f: {  	v1 =	vadd.f32 v4, v1  }
0x70: {  	v4 =	vld [tilespmem:s11+$0x0]  }
0x71: {  	v1 =	vadd.f32 v6, v1;
	_ =	sdelay $0x1  }
0x72: {  	v1 =	vmul.f32 $3.333333430e-01, v1;
	_ =	sdelay $0x1  }
0x73: {  	v1 =	vadd.f32 v1, v4  }
0x74: {  	(v2sf) =	vpush v3, $0x2  }
0x75: {  	(v2sf) =	vpush v0, $0x6;
	[tilespmem:s14+$0xFFFFFF30] =	vst v1  }
0x76: {  	(v2sf) =	vpush v0, $0x7;
	v1 =	vld [tilespmem:s13+$0x4010]  }
0x77: {  	v4 =	vld [tilespmem:s15+$0x4010]  }
0x78: {  	(v2sf) =	vpush v0, $0x8  }
0x79: {  	v6 =	vld [tilespmem:s12+$0x4010];
	_ =	sdelay $0x2  }
0x7a: {  	v1 =	vadd.f32 v4, v1  }
0x7b: {  	v4 =	vld [tilespmem:s11+$0x10]  }
0x7c: {  	v1 =	vadd.f32 v6, v1;
	_ =	sdelay $0x1  }
0x7d: {  	v1 =	vmul.f32 $3.333333430e-01, v1;
	_ =	sdelay $0x1  }
0x7e: {  	v1 =	vadd.f32 v1, v4  }
0x7f: {  	s17 =	spop (v2sf)  }
0x80: {  	s18 =	spop (v2sf);
	[tilespmem:s14+$0xFFFFFF40] =	vst v1  }
0x81: {  	s19 =	spop (v2sf);
	v1 =	vld [tilespmem:s18+$0x4000]  }
0x82: {  	s16 =	simm.s32 $0x10;
	v6 =	vld [tilespmem:s19+$0x4000]  }
0x83: {  	s21 =	spop (v2sf);
	v4 =	vld [tilespmem:s16+$0x16200]  }
0x84: {  	s20 =	simm.s32 $0x16450;
	v8 =	vld [tilespmem:s21+$0x4000]  }
0x85: {  	v7 =	vld [tilespmem:s20+$0xFFFFFFE0];
	_ =	sdelay $0x1  }
0x86: {  	v6 =	vadd.f32 v6, v1  }
0x87: {  	v9 =	vld [tilespmem:s17+$0x0]  }
0x88: {  	v1 =	vshll.u32 v4, $0x5;
	v6 =	vadd.f32 v8, v6  }
0x89: {  	v4 =	vshll.u32 v7, $0x5;
	(v2sf) =	vpush v1, $0x0  }
0x8a: {  	(v2sf) =	vpush v4, $0x2;
	v6 =	vmul.f32 $3.333333430e-01, v6  }
0x8b: {  	(v2sf) =	vpush v4, $0x0  }
0x8c: {  	(v2sf) =	vpush v4, $0x1;
	v6 =	vadd.f32 v6, v9  }
0x8d: {  	(v2sf) =	vpush v3, $0x3  }
0x8e: {  	(v2sf) =	vpush v0, $0x9;
	[tilespmem:s14+$0xFFFFFF50] =	vst v6  }
0x8f: {  	(v2sf) =	vpush v0, $0xA;
	v6 =	vld [tilespmem:s18+$0x4010]  }
0x90: {  	v7 =	vld [tilespmem:s19+$0x4010]  }
0x91: {  	(v2sf) =	vpush v0, $0xB  }
0x92: {  	v8 =	vld [tilespmem:s21+$0x4010];
	_ =	sdelay $0x2  }
0x93: {  	v6 =	vadd.f32 v7, v6  }
0x94: {  	v7 =	vld [tilespmem:s17+$0x10]  }
0x95: {  	v6 =	vadd.f32 v8, v6  }
0x96: {  	s22 =	spop (v2sf)  }
0x97: {  	v8 =	vld [tilespmem:s22+$0x0];
	s23 =	spop (v2sf);
	v6 =	vmul.f32 $3.333333430e-01, v6  }
0x98: {  	v9 =	vld [tilespmem:s23+$0x4000];
	s24 =	spop (v2sf)  }
0x99: {  	s25 =	spop (v2sf);
	v6 =	vadd.f32 v6, v7  }
0x9a: {  	s26 =	spop (v2sf)  }
0x9b: {  	s28 =	spop (v2sf);
	[tilespmem:s14+$0xFFFFFF60] =	vst v6  }
0x9c: {  	s7 =	spop (v2sf);
	v6 =	vld [tilespmem:s28+$0x4000]  }
0x9d: {  	v7 =	vld [tilespmem:s7+$0x4000]  }
0x9e: {  	s8 =	spop (v2sf)  }
0x9f: {  	v10 =	vld [tilespmem:s8+$0x4000];
	_ =	sdelay $0x2  }
0xa0: {  	v6 =	vadd.f32 v7, v6  }
0xa1: {  	v7 =	vld [tilespmem:s26+$0x0]  }
0xa2: {  	v6 =	vadd.f32 v10, v6;
	_ =	sdelay $0x1  }
0xa3: {  	v6 =	vmul.f32 $3.333333430e-01, v6;
	_ =	sdelay $0x1  }
0xa4: {  	v6 =	vadd.f32 v6, v7;
	_ =	sdelay $0x1  }
0xa5: {  	(v2sf) =	vpush v0, $0xC;
	[tilespmem:s14+$0xFFFFFF70] =	vst v6  }
0xa6: {  	(v2sf) =	vpush v0, $0xD;
	v6 =	vld [tilespmem:s28+$0x4010]  }
0xa7: {  	(v2sf) =	vpush v3, $0x4;
	v7 =	vld [tilespmem:s7+$0x4010]  }
0xa8: {  	(v2sf) =	vpush v0, $0xE  }
0xa9: {  	v10 =	vld [tilespmem:s8+$0x4010];
	_ =	sdelay $0x2  }
0xaa: {  	v6 =	vadd.f32 v7, v6  }
0xab: {  	v7 =	vld [tilespmem:s26+$0x10]  }
0xac: {  	v6 =	vadd.f32 v10, v6;
	_ =	sdelay $0x1  }
0xad: {  	v6 =	vmul.f32 $3.333333430e-01, v6;
	_ =	sdelay $0x1  }
0xae: {  	v6 =	vadd.f32 v6, v7;
	_ =	sdelay $0x1  }
0xaf: {  	s29 =	spop (v2sf);
	[tilespmem:s14+$0xFFFFFF80] =	vst v6  }
0xb0: {  	s30 =	spop (v2sf);
	v6 =	vld [tilespmem:s29+$0x4000]  }
0xb1: {  	s31 =	spop (v2sf);
	v7 =	vld [tilespmem:s30+$0x4000]  }
0xb2: {  	s9 =	spop (v2sf)  }
0xb3: {  	v10 =	vld [tilespmem:s9+$0x4000];
	_ =	sdelay $0x2  }
0xb4: {  	v6 =	vadd.f32 v7, v6  }
0xb5: {  	v7 =	vld [tilespmem:s31+$0x0]  }
0xb6: {  	v6 =	vadd.f32 v10, v6;
	_ =	sdelay $0x1  }
0xb7: {  	(v2sf) =	vpush v1, $0x1;
	v6 =	vmul.f32 $3.333333430e-01, v6  }
0xb8: {  	(v2sf) =	vpush v4, $0x5  }
0xb9: {  	v11 =	vld [tilespmem:s25+$0x4000];
	(v2sf) =	vpush v4, $0x3;
	v7 =	vadd.f32 v6, v7  }
0xba: {  	(v2sf) =	vpush v4, $0x4;
	v10 =	vld [tilespmem:s24+$0x4000]  }
0xbb: {  	(v2sf) =	vpush v0, $0xF;
	v6 =	vshll.u32 v5, $0x5;
	[tilespmem:s14+$0xFFFFFF90] =	vst v7  }
0xbc: {  	(v2sf) =	vpush v6, $0x0;
	v0 =	vld [tilespmem:s29+$0x4010]  }
0xbd: {  	(v2sf) =	vpush v3, $0x5;
	v5 =	vld [tilespmem:s30+$0x4010]  }
0xbe: {  	(v2sf) =	vpush v6, $0x1  }
0xbf: {  	v7 =	vadd.f32 v11, v10;
	v10 =	vld [tilespmem:s9+$0x4010];
	_ =	sdelay $0x1  }
0xc0: {  	v7 =	vadd.f32 v9, v7  }
0xc1: {  	v0 =	vadd.f32 v5, v0  }
0xc2: {  	v9 =	vld [tilespmem:s31+$0x10];
	v5 =	vmul.f32 $3.333333430e-01, v7  }
0xc3: {  	v0 =	vadd.f32 v10, v0  }
0xc4: {  	v8 =	vadd.f32 v5, v8  }
0xc5: {  	s7 =	simm.s32 $0x10310;
	s10 =	spop (v2sf);
	v7 =	vld [tilespmem:s20+$0xFFFFFFF0];
	v0 =	vmul.f32 $3.333333430e-01, v0  }
0xc6: {  	s11 =	spop (v2sf);
	v5 =	vld [tilespmem:s20+$0x0];
	[tilespmem:s7+$0xFFFFFF10] =	vst v8  }
0xc7: {  	s12 =	spop (v2sf);
	v8 =	vld [tilespmem:s24+$0x4010];
	v0 =	vadd.f32 v0, v9  }
0xc8: {  	s13 =	spop (v2sf);
	v9 =	vld [tilespmem:s25+$0x4010]  }
0xc9: {  	s15 =	spop (v2sf);
	v10 =	vld [tilespmem:s23+$0x4010];
	[tilespmem:s14+$0xFFFFFFA0] =	vst v0  }
0xca: {  	s16 =	spop (v2sf);
	v0 =	vld [tilespmem:s15+$0x4000]  }
0xcb: {  	v11 =	vld [tilespmem:s16+$0x4000];
	s17 =	spop (v2sf)  }
0xcc: {  	s9 =	spop (v2sf)  }
0xcd: {  	v8 =	vadd.f32 v9, v8;
	v9 =	vld [tilespmem:s9+$0x4000]  }
0xce: {  	v12 =	vld [tilespmem:s22+$0x10]  }
0xcf: {  	v8 =	vadd.f32 v10, v8  }
0xd0: {  	v0 =	vadd.f32 v11, v0  }
0xd1: {  	v10 =	vld [tilespmem:s17+$0x0];
	v8 =	vmul.f32 $3.333333430e-01, v8  }
0xd2: {  	v0 =	vadd.f32 v9, v0  }
0xd3: {  	v8 =	vadd.f32 v8, v12  }
0xd4: {  	v0 =	vmul.f32 $3.333333430e-01, v0  }
0xd5: {  	[tilespmem:s7+$0xFFFFFF20] =	vst v8  }
0xd6: {  	v8 =	vld [tilespmem:s12+$0x4000];
	v0 =	vadd.f32 v0, v10  }
0xd7: {  	v9 =	vld [tilespmem:s13+$0x4000]  }
0xd8: {  	(v2sf) =	vpush v6, $0x2;
	v10 =	vld [tilespmem:s11+$0x4000];
	[tilespmem:s14+$0xFFFFFFB0] =	vst v0  }
0xd9: {  	(v2sf) =	vpush v6, $0x3;
	v0 =	vld [tilespmem:s15+$0x4010]  }
0xda: {  	(v2sf) =	vpush v3, $0x6;
	v11 =	vld [tilespmem:s16+$0x4010]  }
0xdb: {  	(v2sf) =	vpush v6, $0x4  }
0xdc: {  	v8 =	vadd.f32 v9, v8;
	v9 =	vld [tilespmem:s9+$0x4010]  }
0xdd: {  	v12 =	vld [tilespmem:s10+$0x0]  }
0xde: {  	v8 =	vadd.f32 v10, v8  }
0xdf: {  	v0 =	vadd.f32 v11, v0  }
0xe0: {  	v10 =	vld [tilespmem:s17+$0x10];
	v8 =	vmul.f32 $3.333333430e-01, v8  }
0xe1: {  	v0 =	vadd.f32 v9, v0  }
0xe2: {  	v8 =	vadd.f32 v8, v12  }
0xe3: {  	(v2sf) =	vpush v1, $0x2;
	v0 =	vmul.f32 $3.333333430e-01, v0  }
0xe4: {  	(v2sf) =	vpush v4, $0x6;
	[tilespmem:s7+$0xFFFFFF30] =	vst v8  }
0xe5: {  	(v2sf) =	vpush v4, $0x7;
	v8 =	vld [tilespmem:s12+$0x4010];
	v0 =	vadd.f32 v0, v10  }
0xe6: {  	(v2sf) =	vpush v4, $0x8;
	v9 =	vld [tilespmem:s13+$0x4010]  }
0xe7: {  	s18 =	spop (v2sf);
	v10 =	vld [tilespmem:s11+$0x4010];
	[tilespmem:s14+$0xFFFFFFC0] =	vst v0  }
0xe8: {  	s19 =	spop (v2sf);
	v0 =	vld [tilespmem:s18+$0x4000]  }
0xe9: {  	s20 =	spop (v2sf);
	v11 =	vld [tilespmem:s19+$0x4000]  }
0xea: {  	s21 =	spop (v2sf)  }
0xeb: {  	v8 =	vadd.f32 v9, v8;
	v9 =	vld [tilespmem:s21+$0x4000]  }
0xec: {  	v12 =	vld [tilespmem:s10+$0x10]  }
0xed: {  	s22 =	simm.s32 $0x20;
	v8 =	vadd.f32 v10, v8  }
0xee: {  	v10 =	vld [tilespmem:s22+$0x16200];
	v0 =	vadd.f32 v11, v0  }
0xef: {  	v11 =	vld [tilespmem:s20+$0x0];
	v8 =	vmul.f32 $3.333333430e-01, v8  }
0xf0: {  	v0 =	vadd.f32 v9, v0  }
0xf1: {  	v8 =	vadd.f32 v8, v12  }
0xf2: {  	s0 =	simm.s32 $0x16480;
	s23 =	spop (v2sf);
	v9 =	vmul.f32 $3.333333430e-01, v0  }
0xf3: {  	s24 =	spop (v2sf);
	v12 =	vld [tilespmem:s0+$0xFFFFFFE0];
	[tilespmem:s7+$0xFFFFFF40] =	vst v8  }
0xf4: {  	s25 =	spop (v2sf);
	v0 =	vshll.u32 v10, $0x5;
	v8 =	vld [tilespmem:s24+$0x4000];
	v9 =	vadd.f32 v9, v11  }
0xf5: {  	s26 =	spop (v2sf);
	(v2sf) =	vpush v0, $0x0;
	v10 =	vld [tilespmem:s25+$0x4000]  }
0xf6: {  	v13 =	vld [tilespmem:s26+$0x4000];
	(v2sf) =	vpush v6, $0x5;
	[tilespmem:s14+$0xFFFFFFD0] =	vst v9  }
0xf7: {  	(v2sf) =	vpush v6, $0x6;
	v9 =	vld [tilespmem:s18+$0x4010]  }
0xf8: {  	v14 =	vld [tilespmem:s19+$0x4010]  }
0xf9: {  	(v2sf) =	vpush v6, $0x7  }
0xfa: {  	v15 =	vld [tilespmem:s21+$0x4010];
	v8 =	vadd.f32 v10, v8  }
0xfb: {  	v11 =	vshll.u32 v12, $0x5;
	v10 =	vld [tilespmem:s23+$0x0]  }
0xfc: {  	(v2sf) =	vpush v11, $0x2;
	v8 =	vadd.f32 v13, v8  }
0xfd: {  	(v2sf) =	vpush v3, $0x7;
	v9 =	vadd.f32 v14, v9  }
0xfe: {  	v12 =	vld [tilespmem:s20+$0x10];
	v8 =	vmul.f32 $3.333333430e-01, v8  }
0xff: {  	(v2sf) =	vpush v11, $0x0;
	v9 =	vadd.f32 v15, v9  }
0x100: {  	(v2sf) =	vpush v11, $0x1;
	v8 =	vadd.f32 v8, v10  }
0x101: {  	(v2sf) =	vpush v1, $0x3;
	v9 =	vmul.f32 $3.333333430e-01, v9  }
0x102: {  	(v2sf) =	vpush v4, $0x9;
	[tilespmem:s7+$0xFFFFFF50] =	vst v8  }
0x103: {  	(v2sf) =	vpush v4, $0xA;
	v8 =	vld [tilespmem:s24+$0x4010];
	v9 =	vadd.f32 v9, v12  }
0x104: {  	s1 =	spop (v2sf);
	v10 =	vld [tilespmem:s25+$0x4010];
	(v2sf) =	vpush v4, $0xB  }
0x105: {  	v12 =	vld [tilespmem:s26+$0x4010];
	s28 =	spop (v2sf);
	[tilespmem:s14+$0xFFFFFFE0] =	vst v9  }
0x106: {  	s29 =	spop (v2sf);
	v9 =	vld [tilespmem:s28+$0x4000]  }
0x107: {  	v13 =	vld [tilespmem:s29+$0x4000]  }
0x108: {  	s30 =	spop (v2sf)  }
0x109: {  	v8 =	vadd.f32 v10, v8;
	v10 =	vld [tilespmem:s30+$0x4000]  }
0x10a: {  	v14 =	vld [tilespmem:s23+$0x10]  }
0x10b: {  	s31 =	spop (v2sf);
	v8 =	vadd.f32 v12, v8  }
0x10c: {  	s3 =	spop (v2sf);
	v9 =	vadd.f32 v13, v9  }
0x10d: {  	v12 =	vld [tilespmem:s3+$0x0];
	v8 =	vmul.f32 $3.333333430e-01, v8  }
0x10e: {  	s4 =	spop (v2sf);
	v9 =	vadd.f32 v10, v9  }
0x10f: {  	s15 =	spop (v2sf);
	v8 =	vadd.f32 v8, v14  }
0x110: {  	s10 =	spop (v2sf);
	v9 =	vmul.f32 $3.333333430e-01, v9  }
0x111: {  	s11 =	spop (v2sf);
	[tilespmem:s7+$0xFFFFFF60] =	vst v8  }
0x112: {  	s12 =	spop (v2sf);
	v8 =	vld [tilespmem:s11+$0x4000];
	v9 =	vadd.f32 v9, v12  }
0x113: {  	v10 =	vld [tilespmem:s12+$0x4000];
	s13 =	spop (v2sf)  }
0x114: {  	(v2sf) =	vpush v6, $0x8;
	v12 =	vld [tilespmem:s13+$0x4000];
	[tilespmem:s14+$0xFFFFFFF0] =	vst v9  }
0x115: {  	(v2sf) =	vpush v6, $0x9;
	v9 =	vld [tilespmem:s28+$0x4010]  }
0x116: {  	v13 =	vld [tilespmem:s29+$0x4010]  }
0x117: {  	(v2sf) =	vpush v6, $0xA  }
0x118: {  	v8 =	vadd.f32 v10, v8;
	v10 =	vld [tilespmem:s30+$0x4010]  }
0x119: {  	v14 =	vld [tilespmem:s10+$0x0]  }
0x11a: {  	v8 =	vadd.f32 v12, v8  }
0x11b: {  	(v2sf) =	vpush v3, $0x8;
	v9 =	vadd.f32 v13, v9  }
0x11c: {  	v12 =	vld [tilespmem:s3+$0x10];
	v8 =	vmul.f32 $3.333333430e-01, v8  }
0x11d: {  	v9 =	vadd.f32 v10, v9  }
0x11e: {  	v8 =	vadd.f32 v8, v14  }
0x11f: {  	(v2sf) =	vpush v4, $0xC;
	v9 =	vmul.f32 $3.333333430e-01, v9  }
0x120: {  	(v2sf) =	vpush v4, $0xD;
	[tilespmem:s7+$0xFFFFFF70] =	vst v8  }
0x121: {  	(v2sf) =	vpush v1, $0x4;
	v8 =	vld [tilespmem:s11+$0x4010];
	v9 =	vadd.f32 v9, v12  }
0x122: {  	(v2sf) =	vpush v4, $0xE;
	v10 =	vld [tilespmem:s12+$0x4010]  }
0x123: {  	s16 =	spop (v2sf);
	v12 =	vld [tilespmem:s13+$0x4010];
	[tilespmem:s14+$0x0] =	vst v9  }
0x124: {  	s17 =	spop (v2sf);
	v9 =	vld [tilespmem:s16+$0x4000]  }
0x125: {  	v13 =	vld [tilespmem:s17+$0x4000]  }
0x126: {  	s18 =	spop (v2sf)  }
0x127: {  	v8 =	vadd.f32 v10, v8;
	v10 =	vld [tilespmem:s18+$0x4000]  }
0x128: {  	v14 =	vld [tilespmem:s10+$0x10]  }
0x129: {  	v8 =	vadd.f32 v12, v8  }
0x12a: {  	s19 =	spop (v2sf);
	v9 =	vadd.f32 v13, v9  }
0x12b: {  	v12 =	vld [tilespmem:s19+$0x0];
	v8 =	vmul.f32 $3.333333430e-01, v8  }
0x12c: {  	v9 =	vadd.f32 v10, v9  }
0x12d: {  	v8 =	vadd.f32 v8, v14  }
0x12e: {  	s20 =	spop (v2sf);
	v9 =	vmul.f32 $3.333333430e-01, v9  }
0x12f: {  	s21 =	spop (v2sf);
	[tilespmem:s7+$0xFFFFFF80] =	vst v8  }
0x130: {  	s22 =	spop (v2sf);
	v8 =	vld [tilespmem:s20+$0x4000];
	v9 =	vadd.f32 v9, v12  }
0x131: {  	(v2sf) =	vpush v0, $0x1;
	s23 =	spop (v2sf);
	v10 =	vld [tilespmem:s21+$0x4000]  }
0x132: {  	(v2sf) =	vpush v6, $0xB;
	v12 =	vld [tilespmem:s23+$0x4000];
	[tilespmem:s14+$0x10] =	vst v9  }
0x133: {  	(v2sf) =	vpush v6, $0xC;
	v9 =	vld [tilespmem:s16+$0x4010]  }
0x134: {  	v13 =	vld [tilespmem:s17+$0x4010]  }
0x135: {  	(v2sf) =	vpush v6, $0xD  }
0x136: {  	v8 =	vadd.f32 v10, v8;
	v10 =	vld [tilespmem:s18+$0x4010]  }
0x137: {  	v14 =	vld [tilespmem:s22+$0x0]  }
0x138: {  	v15 =	vld [tilespmem:s4+$0x4000];
	v8 =	vadd.f32 v12, v8  }
0x139: {  	(v2sf) =	vpush v3, $0x9;
	v12 =	vld [tilespmem:s15+$0x4000];
	v9 =	vadd.f32 v13, v9  }
0x13a: {  	(v2sf) =	vpush v11, $0x5;
	v13 =	vld [tilespmem:s19+$0x10];
	v8 =	vmul.f32 $3.333333430e-01, v8  }
0x13b: {  	v16 =	vld [tilespmem:s31+$0x4000];
	(v2sf) =	vpush v11, $0x3;
	v9 =	vadd.f32 v10, v9  }
0x13c: {  	(v2sf) =	vpush v11, $0x4;
	v10 =	vadd.f32 v8, v14  }
0x13d: {  	(v2sf) =	vpush v4, $0xF;
	v14 =	vld [tilespmem:s1+$0x0];
	v8 =	vshll.u32 v7, $0x5;
	v4 =	vmul.f32 $3.333333430e-01, v9  }
0x13e: {  	v7 =	vadd.f32 v12, v15;
	v12 =	vld [tilespmem:s0+$0xFFFFFFF0];
	(v2sf) =	vpush v8, $0x0;
	[tilespmem:s7+$0xFFFFFF90] =	vst v10  }
0x13f: {  	(v2sf) =	vpush v1, $0x5;
	v9 =	vld [tilespmem:s20+$0x4010];
	v4 =	vadd.f32 v4, v13  }
0x140: {  	s5 =	spop (v2sf);
	v7 =	vadd.f32 v16, v7;
	v10 =	vld [tilespmem:s21+$0x4010];
	(v2sf) =	vpush v8, $0x1  }
0x141: {  	s24 =	spop (v2sf);
	v13 =	vld [tilespmem:s23+$0x4010];
	[tilespmem:s14+$0x20] =	vst v4  }
0x142: {  	s25 =	spop (v2sf);
	v4 =	vmul.f32 $3.333333430e-01, v7;
	v7 =	vld [tilespmem:s24+$0x4000]  }
0x143: {  	v15 =	vld [tilespmem:s25+$0x4000]  }
0x144: {  	s26 =	spop (v2sf);
	v14 =	vadd.f32 v4, v14;
	v4 =	vld [tilespmem:s0+$0x0]  }
0x145: {  	s8 =	simm.s32 $0x10510;
	v9 =	vadd.f32 v10, v9;
	v10 =	vld [tilespmem:s26+$0x4000]  }
0x146: {  	[tilespmem:s8+$0xFFFFFF10] =	vst v14;
	v14 =	vld [tilespmem:s22+$0x10]  }
0x147: {  	v16 =	vld [tilespmem:s4+$0x4010];
	v9 =	vadd.f32 v13, v9  }
0x148: {  	s28 =	spop (v2sf);
	v13 =	vld [tilespmem:s15+$0x4010];
	v7 =	vadd.f32 v15, v7  }
0x149: {  	s29 =	spop (v2sf);
	v15 =	vld [tilespmem:s28+$0x0];
	v9 =	vmul.f32 $3.333333430e-01, v9  }
0x14a: {  	s30 =	spop (v2sf);
	v17 =	vld [tilespmem:s31+$0x4010];
	v7 =	vadd.f32 v10, v7  }
0x14b: {  	s31 =	spop (v2sf);
	v9 =	vadd.f32 v9, v14  }
0x14c: {  	s13 =	spop (v2sf);
	v7 =	vmul.f32 $3.333333430e-01, v7  }
0x14d: {  	v10 =	vld [tilespmem:s1+$0x10];
	v13 =	vadd.f32 v13, v16;
	[tilespmem:s7+$0xFFFFFFA0] =	vst v9;
	s15 =	spop (v2sf)  }
0x14e: {  	v14 =	vld [tilespmem:s13+$0x4000];
	s16 =	spop (v2sf);
	v7 =	vadd.f32 v7, v15  }
0x14f: {  	v9 =	vadd.f32 v17, v13;
	v13 =	vld [tilespmem:s15+$0x4000];
	s17 =	spop (v2sf)  }
0x150: {  	(v2sf) =	vpush v6, $0xE;
	v15 =	vld [tilespmem:s17+$0x4000];
	[tilespmem:s14+$0x30] =	vst v7  }
0x151: {  	(v2sf) =	vpush v6, $0xF;
	v7 =	vmul.f32 $3.333333430e-01, v9;
	v6 =	vld [tilespmem:s24+$0x4010]  }
0x152: {  	v9 =	vshll.u32 v2, $0x5;
	v2 =	vld [tilespmem:s25+$0x4010]  }
0x153: {  	(v2sf) =	vpush v9, $0x0;
	v7 =	vadd.f32 v7, v10  }
0x154: {  	v10 =	vadd.f32 v13, v14;
	v13 =	vld [tilespmem:s26+$0x4010]  }
0x155: {  	[tilespmem:s8+$0xFFFFFF20] =	vst v7;
	v7 =	vld [tilespmem:s16+$0x0]  }
0x156: {  	v14 =	vld [tilespmem:s30+$0x4000];
	v10 =	vadd.f32 v15, v10  }
0x157: {  	(v2sf) =	vpush v3, $0xA;
	v15 =	vld [tilespmem:s31+$0x4000];
	v2 =	vadd.f32 v2, v6  }
0x158: {  	v6 =	vmul.f32 $3.333333430e-01, v10;
	v10 =	vld [tilespmem:s28+$0x10]  }
0x159: {  	v16 =	vld [tilespmem:s29+$0x4000];
	v2 =	vadd.f32 v13, v2  }
0x15a: {  	v6 =	vadd.f32 v6, v7  }
0x15b: {  	(v2sf) =	vpush v8, $0x2;
	v2 =	vmul.f32 $3.333333430e-01, v2  }
0x15c: {  	(v2sf) =	vpush v8, $0x3;
	v7 =	vld [tilespmem:s5+$0x0];
	v13 =	vadd.f32 v15, v14;
	[tilespmem:s7+$0xFFFFFFB0] =	vst v6  }
0x15d: {  	(v2sf) =	vpush v1, $0x6;
	v6 =	vld [tilespmem:s13+$0x4010];
	v2 =	vadd.f32 v2, v10  }
0x15e: {  	(v2sf) =	vpush v8, $0x4;
	v10 =	vadd.f32 v16, v13;
	v13 =	vld [tilespmem:s15+$0x4010]  }
0x15f: {  	s18 =	spop (v2sf);
	v14 =	vld [tilespmem:s17+$0x4010];
	[tilespmem:s14+$0x40] =	vst v2  }
0x160: {  	s19 =	spop (v2sf);
	v2 =	vmul.f32 $3.333333430e-01, v10;
	v10 =	vld [tilespmem:s18+$0x4000]  }
0x161: {  	v15 =	vld [tilespmem:s19+$0x4000]  }
0x162: {  	v2 =	vadd.f32 v2, v7;
	s20 =	spop (v2sf)  }
0x163: {  	v6 =	vadd.f32 v13, v6;
	v7 =	vld [tilespmem:s20+$0x4000]  }
0x164: {  	[tilespmem:s8+$0xFFFFFF30] =	vst v2;
	v2 =	vld [tilespmem:s16+$0x10]  }
0x165: {  	(v2sf) =	vpush v0, $0x2;
	v13 =	vld [tilespmem:s30+$0x4010];
	v6 =	vadd.f32 v14, v6  }
0x166: {  	(v2sf) =	vpush v11, $0x6;
	s21 =	spop (v2sf);
	v14 =	vld [tilespmem:s31+$0x4010];
	v10 =	vadd.f32 v15, v10  }
0x167: {  	(v2sf) =	vpush v11, $0x7;
	v15 =	vld [tilespmem:s21+$0x0];
	v6 =	vmul.f32 $3.333333430e-01, v6  }
0x168: {  	v7 =	vadd.f32 v7, v10  }
0x169: {  	(v2sf) =	vpush v11, $0x8;
	v10 =	vld [tilespmem:s29+$0x4010];
	v2 =	vadd.f32 v6, v2  }
0x16a: {  	s22 =	simm.s32 $0x30;
	s23 =	spop (v2sf);
	v16 =	vld [tilespmem:s5+$0x10];
	v7 =	vmul.f32 $3.333333430e-01, v7  }
0x16b: {  	s24 =	spop (v2sf);
	v6 =	vld [tilespmem:s22+$0x16200];
	[tilespmem:s7+$0xFFFFFFC0] =	vst v2  }
0x16c: {  	s25 =	spop (v2sf);
	v2 =	vadd.f32 v14, v13;
	v13 =	vld [tilespmem:s23+$0x4000];
	v7 =	vadd.f32 v7, v15  }
0x16d: {  	s26 =	spop (v2sf);
	v14 =	vld [tilespmem:s24+$0x4000]  }
0x16e: {  	(v2sf) =	vpush v9, $0x1;
	v2 =	vadd.f32 v10, v2;
	v10 =	vld [tilespmem:s26+$0x4000];
	[tilespmem:s14+$0x50] =	vst v7  }
0x16f: {  	(v2sf) =	vpush v9, $0x2;
	v7 =	vld [tilespmem:s18+$0x4010]  }
0x170: {  	v15 =	vld [tilespmem:s19+$0x4010]  }
0x171: {  	(v2sf) =	vpush v9, $0x3;
	v2 =	vmul.f32 $3.333333430e-01, v2  }
0x172: {  	v17 =	vld [tilespmem:s20+$0x4010];
	v13 =	vadd.f32 v14, v13  }
0x173: {  	v16 =	vadd.f32 v2, v16;
	v14 =	vld [tilespmem:s25+$0x0];
	v2 =	vshll.u32 v6, $0x5  }
0x174: {  	s28 =	spop (v2sf);
	(v2sf) =	vpush v2, $0x0;
	v6 =	vadd.f32 v10, v13  }
0x175: {  	s29 =	spop (v2sf);
	[tilespmem:s8+$0xFFFFFF40] =	vst v16;
	(v2sf) =	vpush v3, $0xB;
	v13 =	vld [tilespmem:s21+$0x10];
	v7 =	vadd.f32 v15, v7  }
0x176: {  	s30 =	spop (v2sf);
	v10 =	vld [tilespmem:s29+$0x4000];
	v6 =	vmul.f32 $3.333333430e-01, v6  }
0x177: {  	s17 =	simm.s32 $0x164B0;
	v15 =	vld [tilespmem:s30+$0x4000];
	v7 =	vadd.f32 v17, v7  }
0x178: {  	s31 =	spop (v2sf);
	v16 =	vld [tilespmem:s17+$0xFFFFFFE0];
	v6 =	vadd.f32 v6, v14  }
0x179: {  	v14 =	vld [tilespmem:s31+$0x4000];
	v7 =	vmul.f32 $3.333333430e-01, v7  }
0x17a: {  	(v2sf) =	vpush v8, $0x5;
	v17 =	vld [tilespmem:s28+$0x0];
	[tilespmem:s7+$0xFFFFFFD0] =	vst v6  }
0x17b: {  	(v2sf) =	vpush v8, $0x6;
	v6 =	vadd.f32 v7, v13;
	v7 =	vld [tilespmem:s23+$0x4010]  }
0x17c: {  	(v2sf) =	vpush v8, $0x7;
	v10 =	vadd.f32 v15, v10;
	v13 =	vld [tilespmem:s24+$0x4010]  }
0x17d: {  	s10 =	spop (v2sf);
	v15 =	vld [tilespmem:s26+$0x4010];
	[tilespmem:s14+$0x60] =	vst v6  }
0x17e: {  	s11 =	spop (v2sf);
	v10 =	vadd.f32 v14, v10;
	v6 =	vshll.u32 v16, $0x5;
	v14 =	vld [tilespmem:s10+$0x4000]  }
0x17f: {  	v16 =	vld [tilespmem:s11+$0x4000];
	(v2sf) =	vpush v6, $0x2  }
0x180: {  	s12 =	spop (v2sf);
	v10 =	vmul.f32 $3.333333430e-01, v10  }
0x181: {  	(v2sf) =	vpush v1, $0x7;
	v7 =	vadd.f32 v13, v7;
	v13 =	vld [tilespmem:s12+$0x4000]  }
0x182: {  	v18 =	vld [tilespmem:s25+$0x10];
	(v2sf) =	vpush v6, $0x0;
	v10 =	vadd.f32 v10, v17  }
0x183: {  	(v2sf) =	vpush v6, $0x1;
	s13 =	spop (v2sf);
	v7 =	vadd.f32 v15, v7  }
0x184: {  	(v2sf) =	vpush v0, $0x3;
	v15 =	vld [tilespmem:s13+$0x0];
	v14 =	vadd.f32 v16, v14;
	s19 =	spop (v2sf)  }
0x185: {  	[tilespmem:s8+$0xFFFFFF50] =	vst v10;
	(v2sf) =	vpush v11, $0x9;
	v7 =	vmul.f32 $3.333333430e-01, v7;
	v10 =	vld [tilespmem:s19+$0x0]  }
0x186: {  	v16 =	vld [tilespmem:s29+$0x4010];
	(v2sf) =	vpush v11, $0xA;
	v13 =	vadd.f32 v13, v14  }
0x187: {  	v14 =	vld [tilespmem:s30+$0x4010];
	v7 =	vadd.f32 v7, v18  }
0x188: {  	v17 =	vld [tilespmem:s28+$0x10];
	(v2sf) =	vpush v11, $0xB;
	v13 =	vmul.f32 $3.333333430e-01, v13  }
0x189: {  	s20 =	spop (v2sf);
	v18 =	vld [tilespmem:s31+$0x4010];
	[tilespmem:s7+$0xFFFFFFE0] =	vst v7  }
0x18a: {  	s21 =	spop (v2sf);
	v7 =	vld [tilespmem:s20+$0x4000];
	v10 =	vadd.f32 v13, v10  }
0x18b: {  	s22 =	spop (v2sf);
	v13 =	vld [tilespmem:s21+$0x4000]  }
0x18c: {  	v14 =	vadd.f32 v14, v16;
	v16 =	vld [tilespmem:s22+$0x4000];
	[tilespmem:s14+$0x70] =	vst v10  }
0x18d: {  	(v2sf) =	vpush v9, $0x4;
	v10 =	vld [tilespmem:s10+$0x4010]  }
0x18e: {  	(v2sf) =	vpush v9, $0x5;
	v14 =	vadd.f32 v18, v14;
	v18 =	vld [tilespmem:s11+$0x4010];
	s23 =	spop (v2sf)  }
0x18f: {  	v19 =	vld [tilespmem:s23+$0x4000]  }
0x190: {  	(v2sf) =	vpush v9, $0x6;
	s24 =	spop (v2sf);
	v14 =	vmul.f32 $3.333333430e-01, v14;
	v7 =	vadd.f32 v13, v7;
	v13 =	vld [tilespmem:s12+$0x4010]  }
0x191: {  	s25 =	spop (v2sf);
	v20 =	vld [tilespmem:s24+$0x0]  }
0x192: {  	v21 =	vld [tilespmem:s25+$0x4000];
	s26 =	spop (v2sf);
	v14 =	vadd.f32 v14, v17;
	v7 =	vadd.f32 v16, v7  }
0x193: {  	(v2sf) =	vpush v3, $0xC;
	v16 =	vld [tilespmem:s26+$0x4000];
	s28 =	spop (v2sf);
	v10 =	vadd.f32 v18, v10  }
0x194: {  	[tilespmem:s8+$0xFFFFFF60] =	vst v14;
	s29 =	spop (v2sf);
	v7 =	vmul.f32 $3.333333430e-01, v7;
	v14 =	vld [tilespmem:s19+$0x10]  }
0x195: {  	v17 =	vld [tilespmem:s29+$0x4000];
	s30 =	spop (v2sf);
	v10 =	vadd.f32 v13, v10  }
0x196: {  	v13 =	vld [tilespmem:s30+$0x4000];
	v7 =	vadd.f32 v7, v20  }
0x197: {  	(v2sf) =	vpush v8, $0x8;
	v18 =	vld [tilespmem:s28+$0x0];
	s31 =	spop (v2sf);
	v10 =	vmul.f32 $3.333333430e-01, v10  }
0x198: {  	(v2sf) =	vpush v8, $0x9;
	v20 =	vld [tilespmem:s31+$0x4000];
	[tilespmem:s7+$0xFFFFFFF0] =	vst v7  }
0x199: {  	v22 =	vld [tilespmem:s20+$0x4010];
	v7 =	vadd.f32 v10, v14;
	v10 =	vadd.f32 v16, v21  }
0x19a: {  	(v2sf) =	vpush v8, $0xA;
	v14 =	vld [tilespmem:s21+$0x4010]  }
0x19b: {  	v16 =	vld [tilespmem:s22+$0x4010];
	[tilespmem:s14+$0x80] =	vst v7;
	v7 =	vadd.f32 v19, v10;
	v10 =	vadd.f32 v13, v17  }
0x19c: {  	s11 =	spop (v2sf);
	v21 =	vld [tilespmem:s24+$0x10]  }
0x19d: {  	s16 =	spop (v2sf);
	v13 =	vld [tilespmem:s11+$0x4000];
	v19 =	vmul.f32 $3.333333430e-01, v7;
	v10 =	vadd.f32 v20, v10  }
0x19e: {  	(v2sf) =	vpush v1, $0x8;
	v17 =	vld [tilespmem:s16+$0x4000]  }
0x19f: {  	s18 =	spop (v2sf);
	v7 =	vld [tilespmem:s17+$0xFFFFFFF0];
	v14 =	vadd.f32 v14, v22;
	v15 =	vadd.f32 v19, v15;
	v19 =	vmul.f32 $3.333333430e-01, v10  }
0x1a0: {  	s15 =	simm.s32 $0x10710;
	v20 =	vld [tilespmem:s18+$0x4000]  }
0x1a1: {  	v10 =	vld [tilespmem:s17+$0x0];
	v14 =	vadd.f32 v16, v14;
	[tilespmem:s15+$0xFFFFFF10] =	vst v15;
	v15 =	vadd.f32 v19, v18  }
0x1a2: {  	s19 =	spop (v2sf)  }
0x1a3: {  	(v2sf) =	vpush v11, $0xC;
	v13 =	vadd.f32 v17, v13;
	v14 =	vmul.f32 $3.333333430e-01, v14;
	[tilespmem:s8+$0xFFFFFF70] =	vst v15;
	v15 =	vld [tilespmem:s19+$0x0]  }
0x1a4: {  	(v2sf) =	vpush v11, $0xD;
	v17 =	vld [tilespmem:s29+$0x4010]  }
0x1a5: {  	v13 =	vadd.f32 v20, v13;
	v18 =	vld [tilespmem:s30+$0x4010];
	v14 =	vadd.f32 v14, v21  }
0x1a6: {  	v19 =	vld [tilespmem:s28+$0x10]  }
0x1a7: {  	s20 =	spop (v2sf);
	v20 =	vld [tilespmem:s31+$0x4010];
	v13 =	vmul.f32 $3.333333430e-01, v13;
	[tilespmem:s7+$0x0] =	vst v14  }
0x1a8: {  	(v2sf) =	vpush v0, $0x4;
	s21 =	spop (v2sf);
	v14 =	vld [tilespmem:s20+$0x4000]  }
0x1a9: {  	(v2sf) =	vpush v11, $0xE;
	v13 =	vadd.f32 v13, v15;
	v15 =	vld [tilespmem:s21+$0x4000]  }
0x1aa: {  	v21 =	vld [tilespmem:s23+$0x4010];
	s22 =	spop (v2sf)  }
0x1ab: {  	v17 =	vadd.f32 v18, v17;
	v18 =	vld [tilespmem:s22+$0x4000];
	[tilespmem:s14+$0x90] =	vst v13  }
0x1ac: {  	v13 =	vld [tilespmem:s11+$0x4010]  }
0x1ad: {  	(v2sf) =	vpush v9, $0x7;
	s23 =	spop (v2sf);
	v17 =	vadd.f32 v20, v17;
	v20 =	vld [tilespmem:s16+$0x4010]  }
0x1ae: {  	v22 =	vld [tilespmem:s23+$0x0];
	v14 =	vadd.f32 v15, v14  }
0x1af: {  	(v2sf) =	vpush v9, $0x8;
	v17 =	vmul.f32 $3.333333430e-01, v17;
	v15 =	vld [tilespmem:s18+$0x4010]  }
0x1b0: {  	(v2sf) =	vpush v9, $0x9;
	v14 =	vadd.f32 v18, v14  }
0x1b1: {  	v23 =	vld [tilespmem:s25+$0x4010];
	(v2sf) =	vpush v2, $0x1;
	v17 =	vadd.f32 v17, v19  }
0x1b2: {  	(v2sf) =	vpush v3, $0xD;
	v18 =	vld [tilespmem:s26+$0x4010];
	v13 =	vadd.f32 v20, v13;
	v14 =	vmul.f32 $3.333333430e-01, v14  }
0x1b3: {  	s24 =	spop (v2sf);
	[tilespmem:s8+$0xFFFFFF80] =	vst v17;
	v17 =	vld [tilespmem:s19+$0x10]  }
0x1b4: {  	s25 =	spop (v2sf);
	v19 =	vld [tilespmem:s24+$0x4000];
	v13 =	vadd.f32 v15, v13;
	v14 =	vadd.f32 v14, v22  }
0x1b5: {  	(v2sf) =	vpush v8, $0xB;
	v15 =	vld [tilespmem:s25+$0x4000]  }
0x1b6: {  	v16 =	vld [tilespmem:s13+$0x10];
	(v2sf) =	vpush v8, $0xC;
	v13 =	vmul.f32 $3.333333430e-01, v13;
	[tilespmem:s7+$0x10] =	vst v14  }
0x1b7: {  	s26 =	spop (v2sf);
	(v2sf) =	vpush v8, $0xD;
	v14 =	vadd.f32 v18, v23;
	v18 =	vld [tilespmem:s20+$0x4010]  }
0x1b8: {  	s28 =	spop (v2sf);
	v13 =	vadd.f32 v13, v17;
	v17 =	vld [tilespmem:s21+$0x4010]  }
0x1b9: {  	v22 =	vld [tilespmem:s28+$0x4000];
	v14 =	vadd.f32 v21, v14  }
0x1ba: {  	v15 =	vadd.f32 v15, v19;
	v19 =	vld [tilespmem:s22+$0x4010]  }
0x1bb: {  	[tilespmem:s14+$0xA0] =	vst v13;
	v13 =	vmul.f32 $3.333333430e-01, v14  }
0x1bc: {  	(v2sf) =	vpush v1, $0x9;
	s29 =	spop (v2sf);
	v20 =	vld [tilespmem:s26+$0x0]  }
0x1bd: {  	v21 =	vld [tilespmem:s29+$0x4000];
	v13 =	vadd.f32 v13, v16;
	v16 =	vadd.f32 v17, v18  }
0x1be: {  	(v2sf) =	vpush v6, $0x5;
	s30 =	spop (v2sf);
	v14 =	vadd.f32 v22, v15;
	v18 =	vld [tilespmem:s23+$0x10]  }
0x1bf: {  	(v2sf) =	vpush v6, $0x3;
	s31 =	spop (v2sf);
	v15 =	vld [tilespmem:s30+$0x4000];
	v16 =	vadd.f32 v19, v16  }
0x1c0: {  	(v2sf) =	vpush v6, $0x4;
	s0 =	spop (v2sf);
	v14 =	vmul.f32 $3.333333430e-01, v14  }
0x1c1: {  	s16 =	spop (v2sf);
	(v2sf) =	vpush v11, $0xF;
	v17 =	vld [tilespmem:s31+$0x4000];
	v11 =	vmul.f32 $3.333333430e-01, v16  }
0x1c2: {  	v14 =	vadd.f32 v14, v20  }
0x1c3: {  	[tilespmem:s15+$0xFFFFFF20] =	vst v13;
	v11 =	vadd.f32 v11, v18  }
0x1c4: {  	s6 =	spop (v2sf);
	v13 =	vld [tilespmem:s0+$0x0];
	v15 =	vadd.f32 v15, v21;
	[tilespmem:s8+$0xFFFFFF90] =	vst v14  }
0x1c5: {  	s9 =	spop (v2sf);
	v14 =	vld [tilespmem:s16+$0x0];
	[tilespmem:s7+$0x20] =	vst v11;
	v11 =	vshll.u32 v12, $0x5  }
0x1c6: {  	s10 =	spop (v2sf);
	v16 =	vld [tilespmem:s24+$0x4010];
	v15 =	vadd.f32 v17, v15;
	(v2sf) =	vpush v11, $0x0  }
0x1c7: {  	v17 =	vld [tilespmem:s25+$0x4010];
	(v2sf) =	vpush v0, $0x5  }
0x1c8: {  	v19 =	vld [tilespmem:s26+$0x10];
	v15 =	vmul.f32 $3.333333430e-01, v15;
	(v2sf) =	vpush v11, $0x1  }
0x1c9: {  	v18 =	vld [tilespmem:s28+$0x4010]  }
0x1ca: {  	v20 =	vld [tilespmem:s6+$0x4000];
	v14 =	vadd.f32 v15, v14  }
0x1cb: {  	v15 =	vld [tilespmem:s9+$0x4000]  }
0x1cc: {  	s4 =	spop (v2sf);
	v12 =	vadd.f32 v17, v16;
	v16 =	vld [tilespmem:s10+$0x4000];
	[tilespmem:s14+$0xB0] =	vst v14;
	(v2sf) =	vpush v9, $0xA  }
0x1cd: {  	v21 =	vld [tilespmem:s29+$0x4010];
	(v2sf) =	vpush v9, $0xB  }
0x1ce: {  	v12 =	vadd.f32 v18, v12;
	v22 =	vld [tilespmem:s30+$0x4010]  }
0x1cf: {  	v17 =	vld [tilespmem:s4+$0x0];
	(v2sf) =	vpush v9, $0xC  }
0x1d0: {  	s1 =	spop (v2sf);
	v18 =	vld [tilespmem:s31+$0x4010];
	v23 =	vmul.f32 $3.333333430e-01, v12;
	v15 =	vadd.f32 v15, v20  }
0x1d1: {  	s5 =	spop (v2sf);
	v14 =	vld [tilespmem:s1+$0x4000]  }
0x1d2: {  	s3 =	spop (v2sf);
	v12 =	vld [tilespmem:s5+$0x4000];
	v20 =	vadd.f32 v23, v19;
	v23 =	vadd.f32 v16, v15  }
0x1d3: {  	(v2sf) =	vpush v3, $0xE;
	v15 =	vld [tilespmem:s3+$0x4000];
	v19 =	vadd.f32 v22, v21  }
0x1d4: {  	s2 =	simm.s32 $0x100;
	s11 =	spop (v2sf);
	v16 =	vld [tilespmem:s16+$0x10];
	[tilespmem:s8+$0xFFFFFFA0] =	vst v20;
	v20 =	vmul.f32 $3.333333430e-01, v23  }
.LBB2_7:
0x1d5: {  	p2 =	sne.s32 s2, $0x3C0;
	v21 =	vld [tilespmem:s11+$0x4000];
	s16 =	spop (v2sf);
	v18 =	vadd.f32 v18, v19  }
0x1d6: {  	v19 =	vld [tilespmem:s16+$0x4000];
	s13 =	spop (v2sf);
	v17 =	vadd.f32 v20, v17  }
0x1d7: {  	v20 =	vld [tilespmem:s13+$0x0];
	s12 =	spop (v2sf);
	(v2sf) =	vpush v8, $0xE;
	v18 =	vmul.f32 $3.333333430e-01, v18  }
0x1d8: {  	v22 =	vld [tilespmem:s12+$0x4000];
	[tilespmem:s7+$0x30] =	vst v17;
	(v2sf) =	vpush v8, $0xF;
	v8 =	vmov v11  }
0x1d9: {  	v11 =	vadd.f32 v15, v12;
	v12 =	vshll.u32 v5, $0x5;
	v5 =	vmovc v4;
	v4 =	vmovc v10;
	v15 =	vld [tilespmem:s6+$0x4010];
	v16 =	vadd.f32 v18, v16  }
0x1da: {  	v10 =	vld [tilespmem:s9+$0x4010];
	(v2sf) =	vpush v12, $0x0  }
0x1db: {  	v11 =	vadd.f32 v14, v11;
	v14 =	vadd.f32 v19, v21;
	v17 =	vld [tilespmem:s10+$0x4010];
	[tilespmem:s14+$0xC0] =	vst v16;
	s18 =	spop (v2sf)  }
0x1dc: {  	v16 =	vld [tilespmem:s18+$0x4000];
	s10 =	spop (v2sf)  }
0x1dd: {  	s6 =	sshra.s32 s2, $0x2;
	v18 =	vmul.f32 $3.333333430e-01, v11;
	v14 =	vadd.f32 v22, v14;
	v19 =	vld [tilespmem:s10+$0x4000]  }
0x1de: {  	v11 =	vld [tilespmem:s6+$0x16200];
	(v2sf) =	vpush v1, $0xA;
	s9 =	spop (v2sf)  }
0x1df: {  	v13 =	vadd.f32 v18, v13;
	v14 =	vmul.f32 $3.333333430e-01, v14;
	v15 =	vadd.f32 v10, v15;
	v18 =	vld [tilespmem:s9+$0x4000]  }
0x1e0: {  	s17 =	sadd.s32 $0x30, s17;
	v21 =	vld [tilespmem:s4+$0x10]  }
0x1e1: {  	v10 =	vld [tilespmem:s17+$0xFFFFFFE0];
	[tilespmem:s15+$0xFFFFFF30] =	vst v13;
	v13 =	vadd.f32 v14, v20;
	v14 =	vadd.f32 v17, v15  }
0x1e2: {  	v15 =	vld [tilespmem:s5+$0x4010];
	v16 =	vadd.f32 v19, v16;
	s5 =	spop (v2sf)  }
0x1e3: {  	[tilespmem:s8+$0xFFFFFFB0] =	vst v13;
	(v2sf) =	vpush v8, $0x2;
	v13 =	vmul.f32 $3.333333430e-01, v14;
	v14 =	vld [tilespmem:s5+$0x0]  }
0x1e4: {  	v17 =	vld [tilespmem:s11+$0x4010];
	(v2sf) =	vpush v8, $0x3;
	v16 =	vadd.f32 v18, v16  }
0x1e5: {  	v18 =	vld [tilespmem:s16+$0x4010];
	(v2sf) =	vpush v0, $0x6;
	v13 =	vadd.f32 v13, v21  }
0x1e6: {  	v19 =	vld [tilespmem:s13+$0x10];
	(v2sf) =	vpush v8, $0x4;
	s4 =	spop (v2sf);
	v16 =	vmul.f32 $3.333333430e-01, v16  }
0x1e7: {  	v20 =	vld [tilespmem:s12+$0x4010];
	[tilespmem:s7+$0x40] =	vst v13;
	s6 =	spop (v2sf)  }
0x1e8: {  	v13 =	vld [tilespmem:s4+$0x4000];
	v14 =	vadd.f32 v16, v14  }
0x1e9: {  	v16 =	vld [tilespmem:s6+$0x4000];
	s11 =	spop (v2sf)  }
0x1ea: {  	v17 =	vadd.f32 v18, v17;
	v18 =	vld [tilespmem:s11+$0x4000];
	[tilespmem:s14+$0xD0] =	vst v14;
	(v2sf) =	vpush v9, $0xD  }
0x1eb: {  	v14 =	vld [tilespmem:s18+$0x4010];
	(v2sf) =	vpush v9, $0xE  }
0x1ec: {  	(v2sf) =	vpush v2, $0x2;
	v17 =	vadd.f32 v20, v17;
	v20 =	vld [tilespmem:s10+$0x4010]  }
0x1ed: {  	v21 =	vld [tilespmem:s3+$0x4010];
	s3 =	spop (v2sf);
	(v2sf) =	vpush v9, $0xF;
	v9 =	vmov v12  }
0x1ee: {  	(v2sf) =	vpush v6, $0x6;
	v12 =	vmul.f32 $3.333333430e-01, v17;
	v13 =	vadd.f32 v16, v13;
	v16 =	vld [tilespmem:s9+$0x4010]  }
0x1ef: {  	(v2sf) =	vpush v6, $0x7;
	v17 =	vld [tilespmem:s3+$0x0]  }
0x1f0: {  	v22 =	vld [tilespmem:s1+$0x4010];
	v12 =	vadd.f32 v12, v19;
	v13 =	vadd.f32 v18, v13  }
0x1f1: {  	v18 =	vld [tilespmem:s0+$0x10];
	v14 =	vadd.f32 v20, v14;
	(v2sf) =	vpush v3, $0xF;
	v3 =	vmovc v1;
	v1 =	vmovc v0;
	v0 =	vmov v2  }
0x1f2: {  	(v2sf) =	vpush v6, $0x8;
	[tilespmem:s8+$0xFFFFFFC0] =	vst v12;
	s0 =	spop (v2sf);
	v2 =	vmul.f32 $3.333333430e-01, v13;
	v12 =	vld [tilespmem:s5+$0x10]  }
0x1f3: {  	v13 =	vadd.f32 v21, v15;
	v15 =	vld [tilespmem:s0+$0x4000];
	s5 =	spop (v2sf);
	v14 =	vadd.f32 v16, v14  }
0x1f4: {  	v16 =	vld [tilespmem:s5+$0x4000];
	s10 =	spop (v2sf);
	v2 =	vadd.f32 v2, v17  }
0x1f5: {  	v13 =	vadd.f32 v22, v13;
	v17 =	vld [tilespmem:s10+$0x0];
	s16 =	spop (v2sf);
	v14 =	vmul.f32 $3.333333430e-01, v14  }
0x1f6: {  	v19 =	vld [tilespmem:s16+$0x4000];
	[tilespmem:s7+$0x50] =	vst v2  }
0x1f7: {  	v2 =	vmul.f32 $3.333333430e-01, v13;
	v13 =	vld [tilespmem:s11+$0x4010];
	(v2sf) =	vpush v9, $0x1;
	v12 =	vadd.f32 v14, v12  }
0x1f8: {  	v14 =	vld [tilespmem:s4+$0x4010];
	(v2sf) =	vpush v9, $0x2  }
0x1f9: {  	v2 =	vadd.f32 v2, v18;
	v15 =	vadd.f32 v16, v15;
	v16 =	vld [tilespmem:s6+$0x4010];
	[tilespmem:s14+$0xE0] =	vst v12;
	s6 =	spop (v2sf)  }
0x1fa: {  	v12 =	vld [tilespmem:s6+$0x4000];
	s11 =	spop (v2sf)  }
0x1fb: {  	[tilespmem:s15+$0xFFFFFF40] =	vst v2;
	s1 =	spop (v2sf);
	v15 =	vadd.f32 v19, v15;
	(v2sf) =	vpush v9, $0x3;
	v18 =	vld [tilespmem:s11+$0x4000]  }
0x1fc: {  	v2 =	vshll.u32 v11, $0x5;
	v11 =	vld [tilespmem:s1+$0x0];
	s13 =	spop (v2sf)  }
0x1fd: {  	(v2sf) =	vpush v2, $0x0;
	s9 =	spop (v2sf);
	v15 =	vmul.f32 $3.333333430e-01, v15;
	v19 =	vld [tilespmem:s13+$0x4000]  }
0x1fe: {  	v20 =	vld [tilespmem:s9+$0x4000];
	s4 =	spop (v2sf);
	v14 =	vadd.f32 v16, v14  }
0x1ff: {  	v15 =	vadd.f32 v15, v17;
	v16 =	vld [tilespmem:s3+$0x10];
	(v2sf) =	vpush v3, $0xB  }
0x200: {  	v17 =	vld [tilespmem:s4+$0x4000];
	v13 =	vadd.f32 v13, v14;
	v12 =	vadd.f32 v18, v12;
	s12 =	spop (v2sf)  }
0x201: {  	s3 =	spop (v2sf);
	v14 =	vld [tilespmem:s12+$0x0]  }
0x202: {  	v18 =	vld [tilespmem:s3+$0x4000];
	[tilespmem:s8+$0xFFFFFFD0] =	vst v15;
	v13 =	vmul.f32 $3.333333430e-01, v13;
	v12 =	vadd.f32 v19, v12  }
0x203: {  	v15 =	vld [tilespmem:s10+$0x10]  }
0x204: {  	v19 =	vld [tilespmem:s16+$0x4010];
	(v2sf) =	vpush v8, $0x5;
	v13 =	vadd.f32 v13, v16;
	v12 =	vmul.f32 $3.333333430e-01, v12  }
0x205: {  	v16 =	vadd.f32 v17, v20;
	v17 =	vld [tilespmem:s0+$0x4010];
	(v2sf) =	vpush v8, $0x6  }
0x206: {  	v20 =	vld [tilespmem:s5+$0x4010];
	(v2sf) =	vpush v8, $0x7;
	[tilespmem:s7+$0x60] =	vst v13;
	s10 =	spop (v2sf);
	v13 =	vadd.f32 v12, v14  }
0x207: {  	v14 =	vadd.f32 v18, v16;
	v16 =	vld [tilespmem:s10+$0x4000];
	s5 =	spop (v2sf)  }
0x208: {  	v12 =	vshll.u32 v10, $0x5;
	v10 =	vld [tilespmem:s5+$0x4000];
	[tilespmem:s14+$0xF0] =	vst v13  }
0x209: {  	(v2sf) =	vpush v12, $0x2;
	v13 =	vmul.f32 $3.333333430e-01, v14;
	v14 =	vld [tilespmem:s6+$0x4010]  }
0x20a: {  	(v2sf) =	vpush v1, $0x7;
	s6 =	spop (v2sf);
	v18 =	vld [tilespmem:s11+$0x4010]  }
0x20b: {  	v11 =	vadd.f32 v13, v11;
	v13 =	vadd.f32 v20, v17;
	v17 =	vld [tilespmem:s6+$0x4000]  }
0x20c: {  	s0 =	spop (v2sf);
	(v2sf) =	vpush v12, $0x0;
	v20 =	vld [tilespmem:s13+$0x4010]  }
0x20d: {  	v21 =	vld [tilespmem:s0+$0x0];
	(v2sf) =	vpush v12, $0x1;
	[tilespmem:s15+$0xFFFFFF50] =	vst v11;
	v11 =	vadd.f32 v19, v13  }
0x20e: {  	v10 =	vadd.f32 v10, v16;
	v13 =	vld [tilespmem:s9+$0x4010];
	(v2sf) =	vpush v0, $0x3;
	s9 =	spop (v2sf)  }
0x20f: {  	(v2sf) =	vpush v6, $0x9;
	v11 =	vmul.f32 $3.333333430e-01, v11;
	v16 =	vld [tilespmem:s9+$0x0];
	v14 =	vadd.f32 v18, v14  }
0x210: {  	(v2sf) =	vpush v6, $0xA;
	v10 =	vadd.f32 v17, v10;
	v17 =	vld [tilespmem:s12+$0x10]  }
0x211: {  	v18 =	vld [tilespmem:s4+$0x4010];
	v11 =	vadd.f32 v11, v15;
	v14 =	vadd.f32 v20, v14  }
0x212: {  	v15 =	vld [tilespmem:s1+$0x10];
	(v2sf) =	vpush v6, $0xB;
	v10 =	vmul.f32 $3.333333430e-01, v10  }
0x213: {  	v19 =	vld [tilespmem:s3+$0x4010];
	[tilespmem:s8+$0xFFFFFFE0] =	vst v11;
	s11 =	spop (v2sf);
	v11 =	vmul.f32 $3.333333430e-01, v14  }
0x214: {  	v14 =	vld [tilespmem:s11+$0x4000];
	s13 =	spop (v2sf);
	v10 =	vadd.f32 v10, v16  }
0x215: {  	v16 =	vld [tilespmem:s13+$0x4000];
	s12 =	spop (v2sf);
	v11 =	vadd.f32 v11, v17  }
0x216: {  	v13 =	vadd.f32 v18, v13;
	v17 =	vld [tilespmem:s12+$0x4000];
	[tilespmem:s7+$0x70] =	vst v10;
	(v2sf) =	vpush v9, $0x4  }
0x217: {  	v10 =	vld [tilespmem:s10+$0x4010];
	(v2sf) =	vpush v9, $0x5;
	[tilespmem:s14+$0x100] =	vst v11;
	s14 =	smov.u32 s7;
	s7 =	smov.u32 s8;
	s8 =	smov.u32 s15  }
0x218: {  	s1 =	spop (v2sf);
	v11 =	vadd.f32 v19, v13;
	v13 =	vld [tilespmem:s5+$0x4010]  }
0x219: {  	v18 =	vld [tilespmem:s1+$0x4000];
	s10 =	spop (v2sf);
	(v2sf) =	vpush v9, $0x6  }
0x21a: {  	v11 =	vmul.f32 $3.333333430e-01, v11;
	v14 =	vadd.f32 v16, v14;
	v16 =	vld [tilespmem:s6+$0x4010]  }
0x21b: {  	s3 =	spop (v2sf);
	v19 =	vld [tilespmem:s10+$0x0]  }
0x21c: {  	v20 =	vld [tilespmem:s3+$0x4000];
	s4 =	spop (v2sf);
	v11 =	vadd.f32 v11, v15;
	v14 =	vadd.f32 v17, v14  }
0x21d: {  	v15 =	vld [tilespmem:s4+$0x4000];
	s5 =	spop (v2sf);
	v10 =	vadd.f32 v13, v10;
	(v2sf) =	vpush v3, $0xC  }
0x21e: {  	[tilespmem:s15+$0xFFFFFF60] =	vst v11;
	s16 =	spop (v2sf);
	v11 =	vmul.f32 $3.333333430e-01, v14;
	v13 =	vld [tilespmem:s9+$0x10]  }
0x21f: {  	v14 =	vld [tilespmem:s16+$0x4000];
	s9 =	spop (v2sf);
	v10 =	vadd.f32 v16, v10  }
0x220: {  	v16 =	vld [tilespmem:s9+$0x4000];
	v11 =	vadd.f32 v11, v19  }
0x221: {  	v17 =	vld [tilespmem:s5+$0x0];
	s6 =	spop (v2sf);
	(v2sf) =	vpush v8, $0x8;
	v10 =	vmul.f32 $3.333333430e-01, v10  }
0x222: {  	v19 =	vld [tilespmem:s6+$0x4000];
	[tilespmem:s7+$0xFFFFFFF0] =	vst v11;
	(v2sf) =	vpush v8, $0x9  }
0x223: {  	v11 =	vadd.f32 v15, v20;
	v15 =	vld [tilespmem:s11+$0x4010];
	v10 =	vadd.f32 v10, v13  }
0x224: {  	v13 =	vld [tilespmem:s13+$0x4010];
	(v2sf) =	vpush v8, $0xA  }
0x225: {  	v11 =	vadd.f32 v18, v11;
	v14 =	vadd.f32 v16, v14;
	v16 =	vld [tilespmem:s12+$0x4010];
	[tilespmem:s14+$0x80] =	vst v10;
	s18 =	spop (v2sf)  }
0x226: {  	v18 =	vld [tilespmem:s18+$0x4000];
	s11 =	spop (v2sf)  }
0x227: {  	v10 =	vmul.f32 $3.333333430e-01, v11;
	v11 =	vadd.f32 v19, v14;
	v19 =	vld [tilespmem:s11+$0x4000]  }
0x228: {  	v14 =	vld [tilespmem:s17+$0xFFFFFFF0];
	(v2sf) =	vpush v1, $0x8;
	s12 =	spop (v2sf)  }
0x229: {  	v20 =	vadd.f32 v10, v21;
	v11 =	vmul.f32 $3.333333430e-01, v11;
	v13 =	vadd.f32 v13, v15;
	v15 =	vld [tilespmem:s12+$0x4000]  }
0x22a: {  	s15 =	sadd.s32 $0x200, s15;
	v21 =	vld [tilespmem:s10+$0x10]  }
0x22b: {  	v10 =	vld [tilespmem:s17+$0x0];
	[tilespmem:s15+$0xFFFFFF10] =	vst v20;
	v11 =	vadd.f32 v11, v17;
	v13 =	vadd.f32 v16, v13  }
0x22c: {  	v16 =	vld [tilespmem:s0+$0x10];
	v17 =	vadd.f32 v19, v18;
	s13 =	spop (v2sf)  }
0x22d: {  	[tilespmem:s8+$0xFFFFFF70] =	vst v11;
	(v2sf) =	vpush v6, $0xC;
	v11 =	vmul.f32 $3.333333430e-01, v13;
	v13 =	vld [tilespmem:s13+$0x0]  }
0x22e: {  	v18 =	vld [tilespmem:s16+$0x4010];
	(v2sf) =	vpush v6, $0xD;
	v15 =	vadd.f32 v15, v17  }
0x22f: {  	v17 =	vld [tilespmem:s9+$0x4010];
	(v2sf) =	vpush v0, $0x4;
	v11 =	vadd.f32 v11, v21  }
0x230: {  	v19 =	vld [tilespmem:s5+$0x10];
	(v2sf) =	vpush v6, $0xE;
	s0 =	spop (v2sf);
	v15 =	vmul.f32 $3.333333430e-01, v15  }
0x231: {  	v20 =	vld [tilespmem:s6+$0x4010];
	[tilespmem:s7+$0x0] =	vst v11;
	s9 =	spop (v2sf)  }
0x232: {  	v11 =	vld [tilespmem:s0+$0x4000];
	v13 =	vadd.f32 v15, v13  }
0x233: {  	v15 =	vld [tilespmem:s9+$0x4000];
	s10 =	spop (v2sf)  }
0x234: {  	v17 =	vadd.f32 v17, v18;
	v18 =	vld [tilespmem:s10+$0x4000];
	[tilespmem:s14+$0x90] =	vst v13;
	(v2sf) =	vpush v9, $0x7  }
0x235: {  	v13 =	vld [tilespmem:s18+$0x4010];
	(v2sf) =	vpush v9, $0x8  }
0x236: {  	v17 =	vadd.f32 v20, v17;
	v20 =	vld [tilespmem:s11+$0x4010]  }
0x237: {  	v21 =	vld [tilespmem:s1+$0x4010];
	s1 =	spop (v2sf);
	(v2sf) =	vpush v9, $0x9  }
0x238: {  	v17 =	vmul.f32 $3.333333430e-01, v17;
	v11 =	vadd.f32 v15, v11;
	v15 =	vld [tilespmem:s12+$0x4010]  }
0x239: {  	(v2sf) =	vpush v2, $0x1;
	v22 =	vld [tilespmem:s1+$0x0]  }
0x23a: {  	v23 =	vld [tilespmem:s3+$0x4010];
	v17 =	vadd.f32 v17, v19;
	v11 =	vadd.f32 v18, v11  }
0x23b: {  	v18 =	vld [tilespmem:s4+$0x4010];
	v13 =	vadd.f32 v20, v13;
	(v2sf) =	vpush v3, $0xD  }
0x23c: {  	[tilespmem:s8+$0xFFFFFF80] =	vst v17;
	s3 =	spop (v2sf);
	v11 =	vmul.f32 $3.333333430e-01, v11;
	v17 =	vld [tilespmem:s13+$0x10]  }
0x23d: {  	v19 =	vld [tilespmem:s3+$0x4000];
	s6 =	spop (v2sf);
	v13 =	vadd.f32 v15, v13  }
0x23e: {  	v15 =	vld [tilespmem:s6+$0x4000];
	s5 =	spop (v2sf);
	v11 =	vadd.f32 v11, v22  }
0x23f: {  	v20 =	vld [tilespmem:s5+$0x0];
	s4 =	spop (v2sf);
	(v2sf) =	vpush v8, $0xB;
	v13 =	vmul.f32 $3.333333430e-01, v13  }
0x240: {  	v22 =	vld [tilespmem:s4+$0x4000];
	[tilespmem:s7+$0x10] =	vst v11;
	(v2sf) =	vpush v8, $0xC  }
0x241: {  	v11 =	vadd.f32 v18, v23;
	v18 =	vld [tilespmem:s0+$0x4010];
	v13 =	vadd.f32 v13, v17  }
0x242: {  	v17 =	vld [tilespmem:s9+$0x4010];
	(v2sf) =	vpush v8, $0xD  }
0x243: {  	v11 =	vadd.f32 v21, v11;
	v15 =	vadd.f32 v15, v19;
	v19 =	vld [tilespmem:s10+$0x4010];
	[tilespmem:s14+$0xA0] =	vst v13;
	s16 =	spop (v2sf)  }
0x244: {  	(v2sf) =	vpush v1, $0x9;
	v21 =	vld [tilespmem:s16+$0x4000];
	s11 =	spop (v2sf)  }
0x245: {  	v11 =	vmul.f32 $3.333333430e-01, v11;
	(v2sf) =	vpush v12, $0x5;
	v13 =	vadd.f32 v22, v15;
	v15 =	vld [tilespmem:s11+$0x4000]  }
0x246: {  	(v2sf) =	vpush v12, $0x3;
	s13 =	spop (v2sf)  }
0x247: {  	v11 =	vadd.f32 v11, v16;
	v13 =	vmul.f32 $3.333333430e-01, v13;
	v16 =	vadd.f32 v17, v18;
	v17 =	vld [tilespmem:s13+$0x4000]  }
0x248: {  	s0 =	spop (v2sf);
	(v2sf) =	vpush v12, $0x4;
	v18 =	vld [tilespmem:s1+$0x10]  }
0x249: {  	[tilespmem:s15+$0xFFFFFF20] =	vst v11;
	v20 =	vadd.f32 v13, v20;
	v16 =	vadd.f32 v19, v16  }
0x24a: {  	v13 =	vld [tilespmem:s0+$0x0];
	v15 =	vadd.f32 v15, v21;
	s12 =	spop (v2sf)  }
0x24b: {  	v11 =	vshll.u32 v7, $0x5;
	v7 =	vmovc v14;
	[tilespmem:s8+$0xFFFFFF90] =	vst v20;
	(v2sf) =	vpush v6, $0xF;
	v16 =	vmul.f32 $3.333333430e-01, v16;
	v19 =	vld [tilespmem:s12+$0x0];
	v6 =	vmovc v12  }
0x24c: {  	v12 =	vld [tilespmem:s3+$0x4010];
	(v2sf) =	vpush v11, $0x0;
	v14 =	vadd.f32 v17, v15  }
0x24d: {  	v15 =	vld [tilespmem:s6+$0x4010];
	(v2sf) =	vpush v0, $0x5;
	v16 =	vadd.f32 v16, v18  }
0x24e: {  	v20 =	vld [tilespmem:s5+$0x10];
	(v2sf) =	vpush v11, $0x1;
	s6 =	spop (v2sf);
	v14 =	vmul.f32 $3.333333430e-01, v14  }
0x24f: {  	v17 =	vld [tilespmem:s4+$0x4010];
	[tilespmem:s7+$0x20] =	vst v16;
	s9 =	spop (v2sf)  }
0x250: {  	v16 =	vld [tilespmem:s6+$0x4000];
	v14 =	vadd.f32 v14, v19  }
0x251: {  	v18 =	vld [tilespmem:s9+$0x4000];
	s10 =	spop (v2sf)  }
0x252: {  	v12 =	vadd.f32 v15, v12;
	v15 =	vld [tilespmem:s10+$0x4000];
	[tilespmem:s14+$0xB0] =	vst v14;
	(v2sf) =	vpush v9, $0xA  }
0x253: {  	s4 =	spop (v2sf);
	v19 =	vld [tilespmem:s16+$0x4010];
	(v2sf) =	vpush v9, $0xB  }
0x254: {  	s1 =	spop (v2sf);
	v12 =	vadd.f32 v17, v12;
	v21 =	vld [tilespmem:s11+$0x4010]  }
0x255: {  	v14 =	vld [tilespmem:s1+$0x4000];
	s5 =	spop (v2sf);
	(v2sf) =	vpush v9, $0xC  }
.Ltmp2:
0x256: {  	v22 =	vmul.f32 $3.333333430e-01, v12;
	v16 =	vadd.f32 v18, v16;
	v18 =	vld [tilespmem:s13+$0x4010];
	(pc) =	sbr.rel @p2 .LBB2_7-.Ltmp2, $4  }
0x257: {  	s3 =	spop (v2sf);
	v17 =	vld [tilespmem:s4+$0x0]  }
0x258: {  	v12 =	vld [tilespmem:s5+$0x4000];
	v20 =	vadd.f32 v22, v20;
	v16 =	vadd.f32 v15, v16  }
0x259: {  	v15 =	vld [tilespmem:s3+$0x4000];
	v19 =	vadd.f32 v21, v19;
	(v2sf) =	vpush v3, $0xE  }
0x25a: {  	s2 =	sadd.s32 $0x40, s2;
	[tilespmem:s8+$0xFFFFFFA0] =	vst v20;
	s11 =	spop (v2sf);
	v20 =	vmul.f32 $3.333333430e-01, v16;
	v16 =	vld [tilespmem:s12+$0x10]  }
0x25b: {  	v21 =	vld [tilespmem:s11+$0x4000];
	s2 =	spop (v2sf);
	v18 =	vadd.f32 v18, v19  }
0x25c: {  	v19 =	vld [tilespmem:s2+$0x4000];
	s12 =	spop (v2sf);
	v17 =	vadd.f32 v20, v17  }
0x25d: {  	(v2sf) =	vpush v8, $0xE;
	v20 =	vld [tilespmem:s12+$0x0];
	s13 =	spop (v2sf);
	v18 =	vmul.f32 $3.333333430e-01, v18  }
0x25e: {  	(v2sf) =	vpush v8, $0xF;
	v22 =	vld [tilespmem:s13+$0x4000];
	[tilespmem:s7+$0x30] =	vst v17  }
0x25f: {  	v8 =	vadd.f32 v15, v12;
	v12 =	vshll.u32 v5, $0x5;
	v5 =	vld [tilespmem:s6+$0x4010];
	v15 =	vadd.f32 v18, v16  }
0x260: {  	v16 =	vld [tilespmem:s9+$0x4010];
	(v2sf) =	vpush v12, $0x0  }
0x261: {  	v17 =	vld [tilespmem:s10+$0x4010];
	v8 =	vadd.f32 v14, v8;
	v14 =	vadd.f32 v19, v21;
	[tilespmem:s14+$0xC0] =	vst v15;
	s16 =	spop (v2sf)  }
0x262: {  	v15 =	vld [tilespmem:s16+$0x4000];
	s17 =	spop (v2sf)  }
0x263: {  	v8 =	vmul.f32 $3.333333430e-01, v8;
	v14 =	vadd.f32 v22, v14;
	v18 =	vld [tilespmem:s17+$0x4000]  }
0x264: {  	(v2sf) =	vpush v1, $0xA;
	s18 =	spop (v2sf)  }
0x265: {  	v8 =	vadd.f32 v8, v13;
	v5 =	vadd.f32 v16, v5;
	v13 =	vmul.f32 $3.333333430e-01, v14;
	v14 =	vld [tilespmem:s18+$0x4000]  }
0x266: {  	v16 =	vld [tilespmem:s4+$0x10]  }
0x267: {  	[tilespmem:s15+$0xFFFFFF30] =	vst v8;
	v5 =	vadd.f32 v17, v5;
	v8 =	vadd.f32 v13, v20  }
0x268: {  	v13 =	vld [tilespmem:s5+$0x4010];
	v15 =	vadd.f32 v18, v15;
	s19 =	spop (v2sf)  }
0x269: {  	(v2sf) =	vpush v11, $0x2;
	v5 =	vmul.f32 $3.333333430e-01, v5;
	[tilespmem:s8+$0xFFFFFFB0] =	vst v8;
	v8 =	vld [tilespmem:s19+$0x0]  }
0x26a: {  	(v2sf) =	vpush v11, $0x3;
	v17 =	vld [tilespmem:s11+$0x4010];
	v14 =	vadd.f32 v14, v15  }
0x26b: {  	v15 =	vld [tilespmem:s2+$0x4010];
	(v2sf) =	vpush v0, $0x6;
	v5 =	vadd.f32 v5, v16  }
0x26c: {  	v16 =	vld [tilespmem:s12+$0x10];
	(v2sf) =	vpush v11, $0x4;
	v14 =	vmul.f32 $3.333333430e-01, v14  }
0x26d: {  	s20 =	spop (v2sf);
	v18 =	vld [tilespmem:s13+$0x4010];
	[tilespmem:s7+$0x40] =	vst v5  }
0x26e: {  	s21 =	spop (v2sf);
	(v2sf) =	vpush v9, $0xD;
	v5 =	vld [tilespmem:s20+$0x4000];
	v8 =	vadd.f32 v14, v8  }
0x26f: {  	(v2sf) =	vpush v9, $0xE;
	v14 =	vld [tilespmem:s21+$0x4000];
	s22 =	spop (v2sf)  }
0x270: {  	(v2sf) =	vpush v2, $0x2;
	v15 =	vadd.f32 v15, v17;
	v17 =	vld [tilespmem:s22+$0x4000];
	[tilespmem:s14+$0xD0] =	vst v8  }
0x271: {  	(v2sf) =	vpush v9, $0xF;
	v8 =	vld [tilespmem:s16+$0x4010]  }
0x272: {  	(v2sf) =	vpush v6, $0x6;
	v9 =	vadd.f32 v18, v15;
	v15 =	vld [tilespmem:s17+$0x4010]  }
0x273: {  	v18 =	vld [tilespmem:s3+$0x4010];
	(v2sf) =	vpush v6, $0x7  }
0x274: {  	s23 =	spop (v2sf);
	(v2sf) =	vpush v3, $0xF;
	v9 =	vmul.f32 $3.333333430e-01, v9;
	v5 =	vadd.f32 v14, v5;
	v14 =	vld [tilespmem:s18+$0x4010]  }
0x275: {  	v3 =	vld [tilespmem:s23+$0x0];
	(v2sf) =	vpush v6, $0x8  }
0x276: {  	v19 =	vld [tilespmem:s1+$0x4010];
	v9 =	vadd.f32 v9, v16;
	v5 =	vadd.f32 v17, v5  }
0x277: {  	v16 =	vld [tilespmem:s0+$0x10];
	v8 =	vadd.f32 v15, v8  }
0x278: {  	[tilespmem:s8+$0xFFFFFFC0] =	vst v9;
	s24 =	spop (v2sf);
	v5 =	vmul.f32 $3.333333430e-01, v5;
	v9 =	vld [tilespmem:s19+$0x10]  }
0x279: {  	v13 =	vadd.f32 v18, v13;
	v15 =	vld [tilespmem:s24+$0x4000];
	s25 =	spop (v2sf);
	v8 =	vadd.f32 v14, v8  }
0x27a: {  	v14 =	vld [tilespmem:s25+$0x4000];
	s26 =	spop (v2sf);
	v3 =	vadd.f32 v5, v3  }
0x27b: {  	v5 =	vadd.f32 v19, v13;
	v13 =	vld [tilespmem:s26+$0x0];
	s28 =	spop (v2sf);
	v8 =	vmul.f32 $3.333333430e-01, v8  }
0x27c: {  	(v2sf) =	vpush v12, $0x1;
	v17 =	vld [tilespmem:s28+$0x4000];
	[tilespmem:s7+$0x50] =	vst v3  }
0x27d: {  	(v2sf) =	vpush v12, $0x2;
	v3 =	vmul.f32 $3.333333430e-01, v5;
	s29 =	spop (v2sf);
	v5 =	vadd.f32 v8, v9;
	v8 =	vld [tilespmem:s20+$0x4010]  }
0x27e: {  	v9 =	vld [tilespmem:s21+$0x4010];
	s30 =	spop (v2sf)  }
0x27f: {  	(v2sf) =	vpush v12, $0x3;
	v18 =	vld [tilespmem:s22+$0x4010];
	v3 =	vadd.f32 v3, v16;
	s31 =	spop (v2sf)  }
0x280: {  	v16 =	vld [tilespmem:s23+$0x10];
	[tilespmem:s14+$0xE0] =	vst v5;
	v5 =	vadd.f32 v14, v15;
	s0 =	spop (v2sf)  }
0x281: {  	v14 =	vld [tilespmem:s29+$0x4000];
	[tilespmem:s15+$0xFFFFFF40] =	vst v3;
	s12 =	spop (v2sf)  }
0x282: {  	v5 =	vadd.f32 v17, v5;
	v15 =	vld [tilespmem:s12+$0x4000];
	s16 =	spop (v2sf)  }
0x283: {  	(v2sf) =	vpush v1, $0xB;
	v8 =	vadd.f32 v9, v8;
	v9 =	vld [tilespmem:s16+$0x4000];
	s17 =	spop (v2sf)  }
0x284: {  	v3 =	vld [tilespmem:s30+$0x4000];
	v5 =	vmul.f32 $3.333333430e-01, v5;
	s18 =	spop (v2sf)  }
0x285: {  	v8 =	vadd.f32 v18, v8;
	v17 =	vld [tilespmem:s18+$0x4000]  }
0x286: {  	v19 =	vld [tilespmem:s17+$0x0];
	v5 =	vadd.f32 v5, v13  }
0x287: {  	v18 =	vld [tilespmem:s31+$0x0];
	v8 =	vmul.f32 $3.333333430e-01, v8  }
0x288: {  	(v2sf) =	vpush v11, $0x5;
	v13 =	vld [tilespmem:s0+$0x4000];
	[tilespmem:s8+$0xFFFFFFD0] =	vst v5;
	v5 =	vadd.f32 v9, v15  }
0x289: {  	(v2sf) =	vpush v11, $0x6;
	v8 =	vadd.f32 v8, v16;
	v9 =	vld [tilespmem:s24+$0x4010]  }
0x28a: {  	v15 =	vld [tilespmem:s25+$0x4010];
	v5 =	vadd.f32 v17, v5  }
0x28b: {  	(v2sf) =	vpush v11, $0x7;
	v3 =	vadd.f32 v3, v14;
	v14 =	vld [tilespmem:s28+$0x4010];
	s19 =	spop (v2sf);
	[tilespmem:s7+$0x60] =	vst v8  }
0x28c: {  	s20 =	spop (v2sf);
	v8 =	vld [tilespmem:s19+$0x4000];
	v5 =	vmul.f32 $3.333333430e-01, v5  }
0x28d: {  	v3 =	vadd.f32 v13, v3;
	v13 =	vld [tilespmem:s20+$0x4000]  }
0x28e: {  	(v2sf) =	vpush v0, $0x7;
	s21 =	spop (v2sf);
	v5 =	vadd.f32 v5, v18  }
0x28f: {  	(v2sf) =	vpush v2, $0x3;
	v9 =	vadd.f32 v15, v9;
	v15 =	vld [tilespmem:s21+$0x4000]  }
0x290: {  	v16 =	vld [tilespmem:s26+$0x10];
	(v2sf) =	vpush v6, $0x9;
	v3 =	vmul.f32 $3.333333430e-01, v3;
	[tilespmem:s15+$0xFFFFFF50] =	vst v5  }
0x291: {  	(v2sf) =	vpush v6, $0xA;
	v5 =	vadd.f32 v14, v9;
	v9 =	vld [tilespmem:s12+$0x4010]  }
0x292: {  	v3 =	vadd.f32 v3, v19;
	s22 =	spop (v2sf);
	v8 =	vadd.f32 v13, v8;
	v13 =	vld [tilespmem:s16+$0x4010]  }
0x293: {  	(v2sf) =	vpush v6, $0xB;
	v14 =	vld [tilespmem:s22+$0x0];
	v5 =	vmul.f32 $3.333333430e-01, v5  }
0x294: {  	[tilespmem:s14+$0xF0] =	vst v3;
	v3 =	vadd.f32 v15, v8;
	v8 =	vld [tilespmem:s18+$0x4010]  }
0x295: {  	v5 =	vadd.f32 v5, v16  }
0x296: {  	v17 =	vld [tilespmem:s31+$0x10]  }
0x297: {  	s23 =	spop (v2sf);
	v15 =	vld [tilespmem:s29+$0x4010];
	v3 =	vmul.f32 $3.333333430e-01, v3;
	[tilespmem:s8+$0xFFFFFFE0] =	vst v5;
	v5 =	vadd.f32 v13, v9  }
0x298: {  	s24 =	spop (v2sf);
	v9 =	vld [tilespmem:s23+$0x4000]  }
0x299: {  	v3 =	vadd.f32 v3, v14;
	v13 =	vld [tilespmem:s24+$0x4000];
	v5 =	vadd.f32 v8, v5  }
0x29a: {  	s25 =	spop (v2sf);
	v16 =	vld [tilespmem:s30+$0x4010]  }
0x29b: {  	v8 =	vld [tilespmem:s25+$0x4000];
	[tilespmem:s7+$0x70] =	vst v3;
	v5 =	vmul.f32 $3.333333430e-01, v5  }
0x29c: {  	(v2sf) =	vpush v12, $0x4;
	v3 =	vld [tilespmem:s19+$0x4010]  }
0x29d: {  	(v2sf) =	vpush v12, $0x5;
	s26 =	spop (v2sf);
	v14 =	vld [tilespmem:s20+$0x4010];
	v5 =	vadd.f32 v5, v17  }
0x29e: {  	s28 =	spop (v2sf);
	v9 =	vadd.f32 v13, v9;
	v13 =	vld [tilespmem:s21+$0x4010]  }
0x29f: {  	s29 =	spop (v2sf);
	v17 =	vld [tilespmem:s26+$0x0];
	[tilespmem:s15+$0xFFFFFF60] =	vst v5  }
0x2a0: {  	s30 =	spop (v2sf);
	v5 =	vadd.f32 v8, v9;
	v8 =	vld [tilespmem:s29+$0x4000]  }
0x2a1: {  	v9 =	vld [tilespmem:s30+$0x4000]  }
0x2a2: {  	(v2sf) =	vpush v12, $0x6;
	s31 =	spop (v2sf);
	v5 =	vmul.f32 $3.333333430e-01, v5  }
0x2a3: {  	v3 =	vadd.f32 v14, v3;
	v19 =	vld [tilespmem:s31+$0x4000]  }
0x2a4: {  	v14 =	vld [tilespmem:s22+$0x10];
	v5 =	vadd.f32 v5, v17  }
0x2a5: {  	v18 =	vld [tilespmem:s0+$0x4010];
	v3 =	vadd.f32 v13, v3  }
0x2a6: {  	[tilespmem:s8+$0xFFFFFFF0] =	vst v5;
	v5 =	vadd.f32 v9, v8  }
0x2a7: {  	v17 =	vld [tilespmem:s28+$0x0];
	v3 =	vmul.f32 $3.333333430e-01, v3  }
0x2a8: {  	v13 =	vadd.f32 v16, v15;
	v5 =	vadd.f32 v19, v5  }
0x2a9: {  	(v2sf) =	vpush v1, $0xC;
	v16 =	vld [tilespmem:s17+$0x10];
	v3 =	vadd.f32 v3, v14  }
0x2aa: {  	(v2sf) =	vpush v11, $0x8;
	v8 =	vadd.f32 v18, v13;
	v13 =	vld [tilespmem:s23+$0x4010];
	v18 =	vmul.f32 $3.333333430e-01, v5  }
0x2ab: {  	(v2sf) =	vpush v11, $0x9;
	s10 =	spop (v2sf);
	v14 =	vld [tilespmem:s24+$0x4010];
	[tilespmem:s7+$0x80] =	vst v3  }
0x2ac: {  	(v2sf) =	vpush v11, $0xA;
	s11 =	spop (v2sf);
	v15 =	vld [tilespmem:s25+$0x4010];
	[smem:$0x7F2] =	sst s10;
	v17 =	vadd.f32 v18, v17  }
0x2ad: {  	(v2sf) =	vpush v0, $0x8;
	v3 =	vld [tilespmem:s10+$0x4000];
	[smem:$0x7F3] =	sst s11  }
0x2ae: {  	(v2sf) =	vpush v6, $0xC;
	[tilespmem:s15+$0xFFFFFF70] =	vst v17  }
0x2af: {  	(v2sf) =	vpush v6, $0xD;
	v17 =	vld [tilespmem:s29+$0x4010]  }
0x2b0: {  	(v2sf) =	vpush v2, $0x4;
	v18 =	vld [tilespmem:s30+$0x4010]  }
0x2b1: {  	s18 =	spop (v2sf);
	(v2sf) =	vpush v6, $0xE  }
0x2b2: {  	v19 =	vld [tilespmem:s31+$0x4010];
	_ =	sdelay $0x2  }
0x2b3: {  	v17 =	vadd.f32 v18, v17  }
0x2b4: {  	v18 =	vld [tilespmem:s28+$0x10]  }
0x2b5: {  	v17 =	vadd.f32 v19, v17  }
0x2b6: {  	s19 =	spop (v2sf)  }
0x2b7: {  	s31 =	spop (v2sf);
	v17 =	vmul.f32 $3.333333430e-01, v17  }
0x2b8: {  	s30 =	spop (v2sf)  }
0x2b9: {  	v8 =	vmul.f32 $3.333333430e-01, v8;
	s28 =	spop (v2sf);
	v17 =	vadd.f32 v17, v18  }
0x2ba: {  	s9 =	spop (v2sf)  }
0x2bb: {  	v8 =	vadd.f32 v8, v16;
	s12 =	spop (v2sf);
	[tilespmem:s15+$0xFFFFFF80] =	vst v17  }
0x2bc: {  	s13 =	spop (v2sf);
	v17 =	vld [tilespmem:s12+$0x4000]  }
0x2bd: {  	[tilespmem:s14+$0x100] =	vst v8;
	s14 =	spop (v2sf);
	v18 =	vld [tilespmem:s13+$0x4000]  }
0x2be: {  	s16 =	spop (v2sf)  }
0x2bf: {  	v19 =	vld [tilespmem:s16+$0x4000]  }
0x2c0: {  	(v2sf) =	vpush v12, $0x7  }
0x2c1: {  	(v2sf) =	vpush v12, $0x8  }
0x2c2: {  	v17 =	vadd.f32 v18, v17  }
0x2c3: {  	v18 =	vld [tilespmem:s14+$0x0]  }
0x2c4: {  	(v2sf) =	vpush v12, $0x9;
	v17 =	vadd.f32 v19, v17  }
0x2c5: {  	(v2sf) =	vpush v1, $0xD  }
0x2c6: {  	(v2sf) =	vpush v11, $0xB;
	v17 =	vmul.f32 $3.333333430e-01, v17  }
0x2c7: {  	v9 =	vld [tilespmem:s11+$0x4000];
	(v2sf) =	vpush v11, $0xC  }
0x2c8: {  	v5 =	vld [tilespmem:s18+$0x4000];
	(v2sf) =	vpush v11, $0xD;
	v17 =	vadd.f32 v17, v18  }
0x2c9: {  	v16 =	vld [tilespmem:s26+$0x10];
	(v2sf) =	vpush v0, $0x9  }
0x2ca: {  	v7 =	vshll.u32 v7, $0x5;
	v8 =	vld [tilespmem:s19+$0x0];
	(v2sf) =	vpush v6, $0xF;
	[tilespmem:s15+$0xFFFFFF90] =	vst v17  }
0x2cb: {  	(v2sf) =	vpush v7, $0x0;
	v6 =	vld [tilespmem:s12+$0x4010]  }
0x2cc: {  	v17 =	vld [tilespmem:s13+$0x4010];
	(v2sf) =	vpush v2, $0x5  }
0x2cd: {  	(v2sf) =	vpush v7, $0x1  }
0x2ce: {  	v18 =	vld [tilespmem:s16+$0x4010]  }
0x2cf: {  	s17 =	spop (v2sf)  }
0x2d0: {  	[smem:$0x7F4] =	sst s17;
	s20 =	spop (v2sf)  }
0x2d1: {  	[smem:$0x7F5] =	sst s20;
	v6 =	vadd.f32 v17, v6  }
0x2d2: {  	v17 =	vld [tilespmem:s14+$0x10]  }
0x2d3: {  	s16 =	spop (v2sf);
	v6 =	vadd.f32 v18, v6  }
0x2d4: {  	s17 =	spop (v2sf)  }
0x2d5: {  	s29 =	spop (v2sf);
	v6 =	vmul.f32 $3.333333430e-01, v6  }
0x2d6: {  	s26 =	spop (v2sf)  }
0x2d7: {  	s25 =	spop (v2sf);
	v6 =	vadd.f32 v6, v17  }
0x2d8: {  	s24 =	spop (v2sf)  }
0x2d9: {  	s21 =	spop (v2sf);
	[tilespmem:s15+$0xFFFFFFA0] =	vst v6  }
0x2da: {  	s1 =	spop (v2sf);
	v6 =	vld [tilespmem:s21+$0x4000]  }
0x2db: {  	v17 =	vld [tilespmem:s1+$0x4000];
	s22 =	spop (v2sf)  }
0x2dc: {  	s23 =	spop (v2sf)  }
0x2dd: {  	v18 =	vld [tilespmem:s23+$0x4000]  }
0x2de: {  	(v2sf) =	vpush v12, $0xA  }
0x2df: {  	(v2sf) =	vpush v12, $0xB  }
0x2e0: {  	v6 =	vadd.f32 v17, v6  }
0x2e1: {  	v17 =	vld [tilespmem:s22+$0x0]  }
0x2e2: {  	(v2sf) =	vpush v12, $0xC;
	v6 =	vadd.f32 v18, v6  }
0x2e3: {  	(v2sf) =	vpush v1, $0xE  }
0x2e4: {  	(v2sf) =	vpush v11, $0xE;
	v6 =	vmul.f32 $3.333333430e-01, v6  }
0x2e5: {  	v4 =	vshll.u32 v4, $0x5;
	(v2sf) =	vpush v11, $0xF  }
0x2e6: {  	(v2sf) =	vpush v4, $0x0;
	v6 =	vadd.f32 v6, v17  }
0x2e7: {  	(v2sf) =	vpush v0, $0xA  }
0x2e8: {  	(v2sf) =	vpush v7, $0x2;
	[tilespmem:s15+$0xFFFFFFB0] =	vst v6  }
0x2e9: {  	(v2sf) =	vpush v7, $0x3;
	v6 =	vld [tilespmem:s21+$0x4010]  }
0x2ea: {  	(v2sf) =	vpush v2, $0x6;
	v11 =	vld [tilespmem:s1+$0x4010]  }
0x2eb: {  	(v2sf) =	vpush v7, $0x4  }
0x2ec: {  	v17 =	vld [tilespmem:s23+$0x4010]  }
0x2ed: {  	s4 =	spop (v2sf)  }
0x2ee: {  	s5 =	spop (v2sf);
	[smem:$0x7F6] =	sst s4  }
0x2ef: {  	[smem:$0x7F7] =	sst s5;
	v6 =	vadd.f32 v11, v6  }
0x2f0: {  	v11 =	vld [tilespmem:s22+$0x10]  }
0x2f1: {  	s6 =	spop (v2sf);
	v6 =	vadd.f32 v17, v6  }
0x2f2: {  	s10 =	spop (v2sf)  }
0x2f3: {  	s23 =	spop (v2sf);
	v6 =	vmul.f32 $3.333333430e-01, v6  }
0x2f4: {  	s21 =	spop (v2sf)  }
0x2f5: {  	[smem:$0x7F8] =	sst s6;
	s22 =	spop (v2sf);
	v6 =	vadd.f32 v6, v11  }
0x2f6: {  	[smem:$0x7F9] =	sst s10;
	s20 =	spop (v2sf)  }
0x2f7: {  	s11 =	spop (v2sf);
	[tilespmem:s15+$0xFFFFFFC0] =	vst v6  }
0x2f8: {  	s12 =	spop (v2sf);
	v6 =	vld [tilespmem:s11+$0x4000]  }
0x2f9: {  	s13 =	spop (v2sf);
	v11 =	vld [tilespmem:s12+$0x4000]  }
0x2fa: {  	s14 =	spop (v2sf)  }
0x2fb: {  	v17 =	vld [tilespmem:s14+$0x4000];
	_ =	sdelay $0x1  }
0x2fc: {  	(v2sf) =	vpush v12, $0xD  }
0x2fd: {  	v6 =	vadd.f32 v11, v6  }
0x2fe: {  	(v2sf) =	vpush v12, $0xE;
	v11 =	vld [tilespmem:s13+$0x0]  }
0x2ff: {  	(v2sf) =	vpush v12, $0xF;
	v6 =	vadd.f32 v17, v6  }
0x300: {  	(v2sf) =	vpush v1, $0xF  }
0x301: {  	(v2sf) =	vpush v4, $0x1;
	v1 =	vmul.f32 $3.333333430e-01, v6  }
0x302: {  	(v2sf) =	vpush v4, $0x2  }
0x303: {  	(v2sf) =	vpush v4, $0x3;
	v1 =	vadd.f32 v1, v11  }
0x304: {  	(v2sf) =	vpush v0, $0xB  }
0x305: {  	(v2sf) =	vpush v7, $0x5;
	[tilespmem:s15+$0xFFFFFFD0] =	vst v1  }
0x306: {  	(v2sf) =	vpush v7, $0x6;
	v1 =	vld [tilespmem:s11+$0x4010]  }
0x307: {  	v6 =	vld [tilespmem:s12+$0x4010]  }
0x308: {  	(v2sf) =	vpush v7, $0x7  }
0x309: {  	v11 =	vld [tilespmem:s14+$0x4010];
	_ =	sdelay $0x1  }
0x30a: {  	s1 =	spop (v2sf)  }
0x30b: {  	(v2sf) =	vpush v2, $0x7;
	[smem:$0x7FA] =	sst s1;
	v1 =	vadd.f32 v6, v1  }
0x30c: {  	s2 =	spop (v2sf);
	v6 =	vld [tilespmem:s13+$0x10]  }
0x30d: {  	s3 =	spop (v2sf);
	v1 =	vadd.f32 v11, v1  }
0x30e: {  	s4 =	spop (v2sf)  }
0x30f: {  	s10 =	spop (v2sf);
	v1 =	vmul.f32 $3.333333430e-01, v1  }
0x310: {  	s12 =	spop (v2sf);
	[smem:$0x7FB] =	sst s2  }
0x311: {  	s11 =	spop (v2sf);
	[smem:$0x7FC] =	sst s3;
	v1 =	vadd.f32 v1, v6  }
0x312: {  	s14 =	spop (v2sf);
	[smem:$0x7FD] =	sst s4  }
0x313: {  	s5 =	spop (v2sf);
	[tilespmem:s15+$0xFFFFFFE0] =	vst v1  }
0x314: {  	s6 =	spop (v2sf);
	v1 =	vld [tilespmem:s5+$0x4000]  }
0x315: {  	v6 =	vld [tilespmem:s6+$0x4000]  }
0x316: {  	s13 =	spop (v2sf)  }
0x317: {  	v11 =	vld [tilespmem:s13+$0x4000];
	_ =	sdelay $0x2  }
0x318: {  	s0 =	spop (v2sf);
	v1 =	vadd.f32 v6, v1  }
0x319: {  	v6 =	vld [tilespmem:s0+$0x0]  }
0x31a: {  	v1 =	vadd.f32 v11, v1;
	_ =	sdelay $0x1  }
0x31b: {  	(v2sf) =	vpush v4, $0x4;
	v1 =	vmul.f32 $3.333333430e-01, v1  }
0x31c: {  	(v2sf) =	vpush v4, $0x5  }
0x31d: {  	(v2sf) =	vpush v4, $0x6;
	v1 =	vadd.f32 v1, v6  }
0x31e: {  	(v2sf) =	vpush v0, $0xC  }
0x31f: {  	(v2sf) =	vpush v7, $0x8;
	[tilespmem:s15+$0xFFFFFFF0] =	vst v1  }
0x320: {  	(v2sf) =	vpush v7, $0x9;
	v1 =	vld [tilespmem:s5+$0x4010]  }
0x321: {  	v6 =	vld [tilespmem:s6+$0x4010]  }
0x322: {  	(v2sf) =	vpush v7, $0xA  }
0x323: {  	v12 =	vadd.f32 v14, v13;
	v11 =	vld [tilespmem:s13+$0x4010];
	_ =	sdelay $0x1  }
0x324: {  	v12 =	vadd.f32 v15, v12  }
0x325: {  	(v2sf) =	vpush v2, $0x8;
	v1 =	vadd.f32 v6, v1  }
0x326: {  	v12 =	vmul.f32 $3.333333430e-01, v12;
	v6 =	vld [tilespmem:s0+$0x10]  }
0x327: {  	v1 =	vadd.f32 v11, v1  }
0x328: {  	v11 =	vadd.f32 v12, v16  }
0x329: {  	s6 =	spop (v2sf);
	v1 =	vmul.f32 $3.333333430e-01, v1  }
0x32a: {  	s5 =	spop (v2sf);
	[tilespmem:s8+$0x0] =	vst v11  }
0x32b: {  	s4 =	spop (v2sf);
	v11 =	vld [tilespmem:s31+$0x4000];
	v1 =	vadd.f32 v1, v6  }
0x32c: {  	s13 =	spop (v2sf);
	v6 =	vld [tilespmem:s30+$0x4000]  }
0x32d: {  	s0 =	spop (v2sf);
	v12 =	vld [tilespmem:s28+$0x4000];
	[tilespmem:s15+$0x0] =	vst v1  }
0x32e: {  	s1 =	spop (v2sf);
	v1 =	vld [tilespmem:s0+$0x4000]  }
0x32f: {  	v13 =	vld [tilespmem:s1+$0x4000]  }
0x330: {  	s2 =	spop (v2sf)  }
0x331: {  	v6 =	vadd.f32 v6, v11;
	v11 =	vld [tilespmem:s2+$0x4000]  }
0x332: {  	v14 =	vld [tilespmem:s9+$0x0]  }
0x333: {  	v6 =	vadd.f32 v12, v6  }
0x334: {  	s3 =	spop (v2sf);
	v1 =	vadd.f32 v13, v1  }
0x335: {  	v12 =	vld [tilespmem:s3+$0x0];
	v6 =	vmul.f32 $3.333333430e-01, v6  }
0x336: {  	v1 =	vadd.f32 v11, v1  }
0x337: {  	v6 =	vadd.f32 v6, v14  }
0x338: {  	(v2sf) =	vpush v4, $0x7;
	v1 =	vmul.f32 $3.333333430e-01, v1  }
0x339: {  	(v2sf) =	vpush v4, $0x8;
	[tilespmem:s8+$0x10] =	vst v6  }
0x33a: {  	(v2sf) =	vpush v4, $0x9;
	v6 =	vld [tilespmem:s31+$0x4010];
	v1 =	vadd.f32 v1, v12  }
0x33b: {  	(v2sf) =	vpush v0, $0xD;
	v11 =	vld [tilespmem:s30+$0x4010]  }
0x33c: {  	(v2sf) =	vpush v7, $0xB;
	v12 =	vld [tilespmem:s28+$0x4010];
	[tilespmem:s15+$0x10] =	vst v1  }
0x33d: {  	(v2sf) =	vpush v7, $0xC;
	v1 =	vld [tilespmem:s0+$0x4010]  }
0x33e: {  	v13 =	vld [tilespmem:s1+$0x4010]  }
0x33f: {  	(v2sf) =	vpush v7, $0xD  }
0x340: {  	v14 =	vld [tilespmem:s2+$0x4010];
	v6 =	vadd.f32 v11, v6  }
0x341: {  	v11 =	vld [tilespmem:s9+$0x10]  }
0x342: {  	v6 =	vadd.f32 v12, v6  }
0x343: {  	(v2sf) =	vpush v2, $0x9;
	v1 =	vadd.f32 v13, v1  }
0x344: {  	v12 =	vld [tilespmem:s3+$0x10];
	v6 =	vmul.f32 $3.333333430e-01, v6  }
0x345: {  	v1 =	vadd.f32 v14, v1  }
0x346: {  	v6 =	vadd.f32 v6, v11  }
0x347: {  	s30 =	spop (v2sf);
	v1 =	vmul.f32 $3.333333430e-01, v1  }
0x348: {  	s31 =	spop (v2sf);
	[tilespmem:s8+$0x20] =	vst v6  }
0x349: {  	s9 =	spop (v2sf);
	v6 =	vld [tilespmem:s29+$0x4000];
	v1 =	vadd.f32 v1, v12  }
0x34a: {  	s28 =	spop (v2sf);
	v11 =	vld [tilespmem:s26+$0x4000]  }
0x34b: {  	s0 =	spop (v2sf);
	v12 =	vld [tilespmem:s25+$0x4000];
	[tilespmem:s15+$0x20] =	vst v1  }
0x34c: {  	s1 =	spop (v2sf);
	v1 =	vld [tilespmem:s0+$0x4000]  }
0x34d: {  	v13 =	vld [tilespmem:s1+$0x4000]  }
0x34e: {  	s2 =	spop (v2sf)  }
0x34f: {  	v6 =	vadd.f32 v11, v6;
	v11 =	vld [tilespmem:s2+$0x4000]  }
0x350: {  	v14 =	vld [tilespmem:s24+$0x0]  }
0x351: {  	v6 =	vadd.f32 v12, v6  }
0x352: {  	s3 =	spop (v2sf);
	v1 =	vadd.f32 v13, v1  }
0x353: {  	v12 =	vld [tilespmem:s3+$0x0];
	v6 =	vmul.f32 $3.333333430e-01, v6  }
0x354: {  	v1 =	vadd.f32 v11, v1  }
0x355: {  	v6 =	vadd.f32 v6, v14  }
0x356: {  	(v2sf) =	vpush v4, $0xA;
	v1 =	vmul.f32 $3.333333430e-01, v1  }
0x357: {  	(v2sf) =	vpush v4, $0xB;
	[tilespmem:s8+$0x30] =	vst v6  }
0x358: {  	(v2sf) =	vpush v4, $0xC;
	v6 =	vld [tilespmem:s29+$0x4010];
	v1 =	vadd.f32 v1, v12  }
0x359: {  	(v2sf) =	vpush v0, $0xE;
	v11 =	vld [tilespmem:s26+$0x4010]  }
0x35a: {  	(v2sf) =	vpush v7, $0xE;
	v12 =	vld [tilespmem:s25+$0x4010];
	[tilespmem:s15+$0x30] =	vst v1  }
0x35b: {  	(v2sf) =	vpush v7, $0xF;
	v13 =	vld [tilespmem:s0+$0x4010]  }
0x35c: {  	v1 =	vshll.u32 v10, $0x5;
	v7 =	vld [tilespmem:s1+$0x4010]  }
0x35d: {  	(v2sf) =	vpush v1, $0x0  }
0x35e: {  	v10 =	vld [tilespmem:s2+$0x4010];
	v6 =	vadd.f32 v11, v6  }
0x35f: {  	v11 =	vld [tilespmem:s24+$0x10]  }
0x360: {  	v6 =	vadd.f32 v12, v6  }
0x361: {  	(v2sf) =	vpush v2, $0xA;
	v7 =	vadd.f32 v7, v13  }
0x362: {  	v12 =	vld [tilespmem:s3+$0x10];
	v6 =	vmul.f32 $3.333333430e-01, v6  }
0x363: {  	v7 =	vadd.f32 v10, v7  }
0x364: {  	v6 =	vadd.f32 v6, v11  }
0x365: {  	s25 =	spop (v2sf);
	v7 =	vmul.f32 $3.333333430e-01, v7  }
0x366: {  	s26 =	spop (v2sf);
	[tilespmem:s8+$0x40] =	vst v6  }
0x367: {  	s29 =	spop (v2sf);
	v6 =	vld [tilespmem:s23+$0x4000];
	v7 =	vadd.f32 v7, v12  }
0x368: {  	s24 =	spop (v2sf);
	v10 =	vld [tilespmem:s21+$0x4000]  }
0x369: {  	s0 =	spop (v2sf);
	v11 =	vld [tilespmem:s22+$0x4000];
	[tilespmem:s15+$0x40] =	vst v7  }
0x36a: {  	s1 =	spop (v2sf);
	v7 =	vld [tilespmem:s0+$0x4000]  }
0x36b: {  	v12 =	vld [tilespmem:s1+$0x4000]  }
0x36c: {  	s2 =	spop (v2sf)  }
0x36d: {  	v6 =	vadd.f32 v10, v6;
	v10 =	vld [tilespmem:s2+$0x4000]  }
0x36e: {  	v13 =	vld [tilespmem:s20+$0x0]  }
0x36f: {  	v6 =	vadd.f32 v11, v6  }
0x370: {  	s3 =	spop (v2sf);
	v7 =	vadd.f32 v12, v7  }
0x371: {  	v11 =	vld [tilespmem:s3+$0x0];
	v6 =	vmul.f32 $3.333333430e-01, v6  }
0x372: {  	v7 =	vadd.f32 v10, v7  }
0x373: {  	v6 =	vadd.f32 v6, v13  }
0x374: {  	(v2sf) =	vpush v4, $0xD;
	v7 =	vmul.f32 $3.333333430e-01, v7  }
0x375: {  	(v2sf) =	vpush v4, $0xE;
	[tilespmem:s8+$0x50] =	vst v6  }
0x376: {  	(v2sf) =	vpush v4, $0xF;
	v6 =	vld [tilespmem:s23+$0x4010];
	v4 =	vadd.f32 v7, v11  }
0x377: {  	(v2sf) =	vpush v0, $0xF;
	v7 =	vld [tilespmem:s21+$0x4010]  }
0x378: {  	(v2sf) =	vpush v1, $0x1;
	v0 =	vld [tilespmem:s22+$0x4010];
	[tilespmem:s15+$0x50] =	vst v4  }
0x379: {  	(v2sf) =	vpush v1, $0x2;
	v4 =	vld [tilespmem:s0+$0x4010]  }
0x37a: {  	v10 =	vld [tilespmem:s1+$0x4010]  }
0x37b: {  	(v2sf) =	vpush v1, $0x3  }
0x37c: {  	v11 =	vld [tilespmem:s2+$0x4010];
	v6 =	vadd.f32 v7, v6  }
0x37d: {  	v7 =	vld [tilespmem:s20+$0x10]  }
0x37e: {  	v0 =	vadd.f32 v0, v6  }
0x37f: {  	(v2sf) =	vpush v2, $0xB;
	v4 =	vadd.f32 v10, v4  }
0x380: {  	v6 =	vld [tilespmem:s3+$0x10];
	v0 =	vmul.f32 $3.333333430e-01, v0  }
0x381: {  	v4 =	vadd.f32 v11, v4  }
0x382: {  	v0 =	vadd.f32 v0, v7  }
0x383: {  	s21 =	spop (v2sf);
	v4 =	vmul.f32 $3.333333430e-01, v4  }
0x384: {  	s23 =	spop (v2sf);
	[tilespmem:s8+$0x60] =	vst v0  }
0x385: {  	s22 =	spop (v2sf);
	v0 =	vld [tilespmem:s10+$0x4000];
	v4 =	vadd.f32 v4, v6  }
0x386: {  	s20 =	spop (v2sf);
	v6 =	vld [tilespmem:s12+$0x4000]  }
0x387: {  	s0 =	spop (v2sf);
	v7 =	vld [tilespmem:s11+$0x4000];
	[tilespmem:s15+$0x60] =	vst v4  }
0x388: {  	s1 =	spop (v2sf);
	v4 =	vld [tilespmem:s0+$0x4000]  }
0x389: {  	v10 =	vld [tilespmem:s1+$0x4000]  }
0x38a: {  	s2 =	spop (v2sf)  }
0x38b: {  	v0 =	vadd.f32 v6, v0;
	v6 =	vld [tilespmem:s2+$0x4000]  }
0x38c: {  	v11 =	vld [tilespmem:s14+$0x0]  }
0x38d: {  	v0 =	vadd.f32 v7, v0  }
0x38e: {  	s3 =	spop (v2sf);
	v4 =	vadd.f32 v10, v4  }
0x38f: {  	v7 =	vld [tilespmem:s3+$0x0];
	v0 =	vmul.f32 $3.333333430e-01, v0  }
0x390: {  	v4 =	vadd.f32 v6, v4  }
0x391: {  	v0 =	vadd.f32 v0, v11  }
0x392: {  	v4 =	vmul.f32 $3.333333430e-01, v4  }
0x393: {  	[tilespmem:s8+$0x70] =	vst v0  }
0x394: {  	v0 =	vld [tilespmem:s10+$0x4010];
	v4 =	vadd.f32 v4, v7  }
0x395: {  	v6 =	vld [tilespmem:s12+$0x4010]  }
0x396: {  	(v2sf) =	vpush v1, $0x4;
	v7 =	vld [tilespmem:s11+$0x4010];
	[tilespmem:s15+$0x70] =	vst v4  }
0x397: {  	(v2sf) =	vpush v1, $0x5;
	v4 =	vld [tilespmem:s0+$0x4010]  }
0x398: {  	v10 =	vld [tilespmem:s1+$0x4010]  }
0x399: {  	(v2sf) =	vpush v1, $0x6  }
0x39a: {  	v11 =	vld [tilespmem:s2+$0x4010];
	v0 =	vadd.f32 v6, v0  }
0x39b: {  	v6 =	vld [tilespmem:s14+$0x10]  }
0x39c: {  	v0 =	vadd.f32 v7, v0  }
0x39d: {  	v4 =	vadd.f32 v10, v4  }
0x39e: {  	v7 =	vld [tilespmem:s3+$0x10];
	v0 =	vmul.f32 $3.333333430e-01, v0  }
0x39f: {  	(v2sf) =	vpush v2, $0xC;
	v4 =	vadd.f32 v11, v4  }
0x3a0: {  	v0 =	vadd.f32 v0, v6  }
0x3a1: {  	v3 =	vadd.f32 v9, v3;
	v4 =	vmul.f32 $3.333333430e-01, v4  }
0x3a2: {  	[tilespmem:s8+$0x80] =	vst v0  }
0x3a3: {  	v3 =	vadd.f32 v5, v3;
	v0 =	vld [tilespmem:s6+$0x4000];
	v4 =	vadd.f32 v4, v7  }
0x3a4: {  	v6 =	vld [tilespmem:s5+$0x4000]  }
0x3a5: {  	v3 =	vmul.f32 $3.333333430e-01, v3;
	s1 =	spop (v2sf);
	[tilespmem:s15+$0x80] =	vst v4  }
0x3a6: {  	s2 =	spop (v2sf);
	v4 =	vld [tilespmem:s1+$0x4000]  }
0x3a7: {  	v3 =	vadd.f32 v3, v8;
	v5 =	vld [tilespmem:s2+$0x4000]  }
0x3a8: {  	s3 =	spop (v2sf);
	v7 =	vld [tilespmem:s4+$0x4000]  }
0x3a9: {  	[tilespmem:s7+$0x90] =	vst v3;
	v0 =	vadd.f32 v6, v0;
	v6 =	vld [tilespmem:s3+$0x4000]  }
0x3aa: {  	s12 =	sld [smem:$0x7F2]  }
0x3ab: {  	s14 =	sld [smem:$0x7F3]  }
0x3ac: {  	v9 =	vld [tilespmem:s13+$0x0];
	v4 =	vadd.f32 v5, v4  }
0x3ad: {  	v5 =	vld [tilespmem:s12+$0x4010]  }
0x3ae: {  	s11 =	spop (v2sf);
	v0 =	vadd.f32 v7, v0;
	v4 =	vadd.f32 v6, v4;
	v6 =	vld [tilespmem:s14+$0x4010]  }
0x3af: {  	v3 =	vld [tilespmem:s11+$0x0]  }
0x3b0: {  	v7 =	vld [tilespmem:s18+$0x4010];
	v0 =	vmul.f32 $3.333333430e-01, v0;
	_ =	sdelay $0x1  }
0x3b1: {  	v0 =	vadd.f32 v0, v9  }
0x3b2: {  	v4 =	vmul.f32 $3.333333430e-01, v4;
	v5 =	vadd.f32 v6, v5  }
0x3b3: {  	v8 =	vld [tilespmem:s19+$0x10];
	[tilespmem:s8+$0x90] =	vst v0  }
0x3b4: {  	v0 =	vld [tilespmem:s6+$0x4010];
	v3 =	vadd.f32 v4, v3;
	v5 =	vadd.f32 v7, v5  }
0x3b5: {  	v4 =	vld [tilespmem:s5+$0x4010]  }
0x3b6: {  	(v2sf) =	vpush v1, $0x7;
	v9 =	vld [tilespmem:s4+$0x4010];
	[tilespmem:s15+$0x90] =	vst v3;
	v5 =	vmul.f32 $3.333333430e-01, v5  }
0x3b7: {  	(v2sf) =	vpush v1, $0x8;
	v3 =	vld [tilespmem:s1+$0x4010]  }
0x3b8: {  	v6 =	vld [tilespmem:s2+$0x4010];
	v5 =	vadd.f32 v5, v8  }
0x3b9: {  	(v2sf) =	vpush v1, $0x9  }
0x3ba: {  	v7 =	vld [tilespmem:s3+$0x4010];
	v0 =	vadd.f32 v4, v0;
	[tilespmem:s7+$0xA0] =	vst v5  }
0x3bb: {  	v4 =	vld [tilespmem:s13+$0x10];
	s5 =	sld [smem:$0x7F4]  }
0x3bc: {  	v0 =	vadd.f32 v9, v0;
	s6 =	sld [smem:$0x7F5]  }
0x3bd: {  	v3 =	vadd.f32 v6, v3;
	v6 =	vld [tilespmem:s11+$0x10]  }
0x3be: {  	v0 =	vmul.f32 $3.333333430e-01, v0;
	v5 =	vld [tilespmem:s5+$0x4000]  }
0x3bf: {  	(v2sf) =	vpush v2, $0xD;
	v3 =	vadd.f32 v7, v3;
	v7 =	vld [tilespmem:s6+$0x4000]  }
0x3c0: {  	v0 =	vadd.f32 v0, v4  }
0x3c1: {  	v4 =	vld [tilespmem:s16+$0x4000];
	v3 =	vmul.f32 $3.333333430e-01, v3  }
0x3c2: {  	[tilespmem:s8+$0xA0] =	vst v0  }
0x3c3: {  	v0 =	vld [tilespmem:s30+$0x4000];
	v3 =	vadd.f32 v3, v6  }
0x3c4: {  	v6 =	vld [tilespmem:s31+$0x4000];
	v5 =	vadd.f32 v7, v5  }
0x3c5: {  	s10 =	spop (v2sf);
	v8 =	vld [tilespmem:s17+$0x0];
	[tilespmem:s15+$0xA0] =	vst v3  }
0x3c6: {  	s11 =	spop (v2sf);
	v3 =	vld [tilespmem:s10+$0x4000];
	v4 =	vadd.f32 v4, v5  }
0x3c7: {  	v5 =	vld [tilespmem:s11+$0x4000]  }
0x3c8: {  	s12 =	spop (v2sf);
	v7 =	vld [tilespmem:s9+$0x4000];
	v4 =	vmul.f32 $3.333333430e-01, v4  }
0x3c9: {  	v0 =	vadd.f32 v6, v0;
	v6 =	vld [tilespmem:s12+$0x4000]  }
0x3ca: {  	v4 =	vadd.f32 v4, v8;
	_ =	sdelay $0x1  }
0x3cb: {  	v9 =	vld [tilespmem:s28+$0x0];
	v3 =	vadd.f32 v5, v3;
	[tilespmem:s7+$0xB0] =	vst v4  }
0x3cc: {  	v0 =	vadd.f32 v7, v0;
	v5 =	vld [tilespmem:s5+$0x4010]  }
0x3cd: {  	s13 =	spop (v2sf);
	v3 =	vadd.f32 v6, v3;
	v6 =	vld [tilespmem:s6+$0x4010]  }
0x3ce: {  	v0 =	vmul.f32 $3.333333430e-01, v0;
	v4 =	vld [tilespmem:s13+$0x0]  }
0x3cf: {  	v7 =	vld [tilespmem:s16+$0x4010]  }
0x3d0: {  	v0 =	vadd.f32 v0, v9  }
0x3d1: {  	v3 =	vmul.f32 $3.333333430e-01, v3  }
0x3d2: {  	v8 =	vld [tilespmem:s17+$0x10];
	[tilespmem:s8+$0xB0] =	vst v0;
	v5 =	vadd.f32 v6, v5  }
0x3d3: {  	v0 =	vld [tilespmem:s30+$0x4010];
	v3 =	vadd.f32 v3, v4  }
0x3d4: {  	v4 =	vld [tilespmem:s31+$0x4010];
	v5 =	vadd.f32 v7, v5  }
0x3d5: {  	(v2sf) =	vpush v1, $0xA;
	v9 =	vld [tilespmem:s9+$0x4010];
	[tilespmem:s15+$0xB0] =	vst v3  }
0x3d6: {  	v3 =	vld [tilespmem:s10+$0x4010];
	v5 =	vmul.f32 $3.333333430e-01, v5  }
0x3d7: {  	(v2sf) =	vpush v1, $0xB;
	v6 =	vld [tilespmem:s11+$0x4010]  }
0x3d8: {  	v5 =	vadd.f32 v5, v8  }
0x3d9: {  	(v2sf) =	vpush v1, $0xC;
	v0 =	vadd.f32 v4, v0;
	v4 =	vld [tilespmem:s12+$0x4010]  }
0x3da: {  	[tilespmem:s7+$0xC0] =	vst v5  }
0x3db: {  	(v2sf) =	vpush v2, $0xE;
	v7 =	vld [tilespmem:s28+$0x10];
	s14 =	sld [smem:$0x7F6]  }
0x3dc: {  	v0 =	vadd.f32 v9, v0;
	v3 =	vadd.f32 v6, v3;
	s16 =	sld [smem:$0x7F7]  }
0x3dd: {  	v5 =	vld [tilespmem:s13+$0x10]  }
0x3de: {  	v0 =	vmul.f32 $3.333333430e-01, v0;
	v3 =	vadd.f32 v4, v3;
	s17 =	sld [smem:$0x7F8];
	v6 =	vld [tilespmem:s14+$0x4000]  }
0x3df: {  	s18 =	sld [smem:$0x7F9];
	v4 =	vld [tilespmem:s16+$0x4000]  }
0x3e0: {  	v0 =	vadd.f32 v0, v7;
	v3 =	vmul.f32 $3.333333430e-01, v3  }
0x3e1: {  	v7 =	vld [tilespmem:s17+$0x4000]  }
0x3e2: {  	v8 =	vld [tilespmem:s18+$0x0];
	[tilespmem:s8+$0xC0] =	vst v0;
	v3 =	vadd.f32 v3, v5  }
0x3e3: {  	v0 =	vld [tilespmem:s25+$0x4000]  }
0x3e4: {  	s19 =	spop (v2sf);
	v5 =	vld [tilespmem:s26+$0x4000];
	[tilespmem:s15+$0xC0] =	vst v3;
	v4 =	vadd.f32 v4, v6  }
0x3e5: {  	v3 =	vld [tilespmem:s19+$0x4000]  }
0x3e6: {  	s28 =	spop (v2sf);
	v6 =	vld [tilespmem:s29+$0x4000];
	v4 =	vadd.f32 v7, v4  }
0x3e7: {  	v7 =	vld [tilespmem:s28+$0x4000]  }
0x3e8: {  	s30 =	spop (v2sf);
	v4 =	vmul.f32 $3.333333430e-01, v4  }
0x3e9: {  	v0 =	vadd.f32 v5, v0;
	v5 =	vld [tilespmem:s30+$0x4000]  }
0x3ea: {  	v9 =	vld [tilespmem:s24+$0x0];
	v4 =	vadd.f32 v4, v8  }
0x3eb: {  	s31 =	spop (v2sf);
	v0 =	vadd.f32 v6, v0  }
0x3ec: {  	v3 =	vadd.f32 v7, v3;
	[tilespmem:s7+$0xD0] =	vst v4;
	v4 =	vld [tilespmem:s31+$0x0]  }
0x3ed: {  	v0 =	vmul.f32 $3.333333430e-01, v0;
	v6 =	vld [tilespmem:s14+$0x4010]  }
0x3ee: {  	v3 =	vadd.f32 v5, v3;
	v5 =	vld [tilespmem:s16+$0x4010]  }
0x3ef: {  	v0 =	vadd.f32 v0, v9  }
0x3f0: {  	v7 =	vld [tilespmem:s17+$0x4010];
	v3 =	vmul.f32 $3.333333430e-01, v3  }
0x3f1: {  	v8 =	vld [tilespmem:s18+$0x10];
	[tilespmem:s8+$0xD0] =	vst v0  }
0x3f2: {  	v0 =	vld [tilespmem:s25+$0x4010];
	v3 =	vadd.f32 v3, v4  }
0x3f3: {  	v4 =	vld [tilespmem:s26+$0x4010];
	v5 =	vadd.f32 v5, v6  }
0x3f4: {  	v9 =	vld [tilespmem:s29+$0x4010];
	[tilespmem:s15+$0xD0] =	vst v3  }
0x3f5: {  	(v2sf) =	vpush v1, $0xD;
	v3 =	vld [tilespmem:s19+$0x4010];
	v5 =	vadd.f32 v7, v5  }
0x3f6: {  	(v2sf) =	vpush v1, $0xE;
	v6 =	vld [tilespmem:s28+$0x4010]  }
0x3f7: {  	(v2sf) =	vpush v1, $0xF;
	v1 =	vmul.f32 $3.333333430e-01, v5  }
0x3f8: {  	v0 =	vadd.f32 v4, v0;
	v4 =	vld [tilespmem:s30+$0x4010]  }
0x3f9: {  	v1 =	vadd.f32 v1, v8  }
0x3fa: {  	v5 =	vld [tilespmem:s24+$0x10]  }
0x3fb: {  	v0 =	vadd.f32 v9, v0;
	v3 =	vadd.f32 v6, v3;
	[tilespmem:s7+$0xE0] =	vst v1  }
0x3fc: {  	(v2sf) =	vpush v2, $0xF;
	v2 =	vld [tilespmem:s31+$0x10];
	s5 =	sld [smem:$0x7FA]  }
0x3fd: {  	v0 =	vmul.f32 $3.333333430e-01, v0;
	v1 =	vadd.f32 v4, v3;
	s9 =	sld [smem:$0x7FB]  }
0x3fe: {  	s10 =	sld [smem:$0x7FC]  }
0x3ff: {  	v0 =	vadd.f32 v0, v5;
	v1 =	vmul.f32 $3.333333430e-01, v1;
	v3 =	vld [tilespmem:s5+$0x4000]  }
0x400: {  	v4 =	vld [tilespmem:s9+$0x4000]  }
0x401: {  	v5 =	vld [tilespmem:s10+$0x4000];
	[tilespmem:s8+$0xE0] =	vst v0;
	v1 =	vadd.f32 v1, v2  }
0x402: {  	v0 =	vld [tilespmem:s21+$0x4000]  }
0x403: {  	v2 =	vld [tilespmem:s23+$0x4000];
	[tilespmem:s15+$0xE0] =	vst v1  }
0x404: {  	s11 =	spop (v2sf);
	v6 =	vld [tilespmem:s22+$0x4000];
	s13 =	sld [smem:$0x7FD]  }
0x405: {  	s12 =	spop (v2sf);
	v1 =	vld [tilespmem:s11+$0x4000]  }
0x406: {  	v3 =	vadd.f32 v4, v3;
	v4 =	vld [tilespmem:s12+$0x4000]  }
0x407: {  	s14 =	spop (v2sf);
	v7 =	vld [tilespmem:s13+$0x0]  }
0x408: {  	v3 =	vadd.f32 v5, v3;
	v5 =	vld [tilespmem:s14+$0x4000]  }
0x409: {  	v0 =	vadd.f32 v2, v0  }
0x40a: {  	v2 =	vmul.f32 $3.333333430e-01, v3;
	v3 =	vld [tilespmem:s20+$0x0]  }
0x40b: {  	s16 =	spop (v2sf);
	v0 =	vadd.f32 v6, v0;
	v1 =	vadd.f32 v4, v1  }
0x40c: {  	v4 =	vld [tilespmem:s16+$0x0];
	v2 =	vadd.f32 v2, v7  }
0x40d: {  	v0 =	vmul.f32 $3.333333430e-01, v0;
	v1 =	vadd.f32 v5, v1  }
0x40e: {  	[tilespmem:s7+$0xF0] =	vst v2  }
0x40f: {  	v0 =	vadd.f32 v0, v3;
	v1 =	vmul.f32 $3.333333430e-01, v1;
	v2 =	vld [tilespmem:s5+$0x4010]  }
0x410: {  	v3 =	vld [tilespmem:s9+$0x4010]  }
0x411: {  	v5 =	vld [tilespmem:s10+$0x4010];
	[tilespmem:s8+$0xF0] =	vst v0;
	v0 =	vadd.f32 v1, v4  }
0x412: {  	v1 =	vld [tilespmem:s21+$0x4010]  }
0x413: {  	v4 =	vld [tilespmem:s23+$0x4010];
	[tilespmem:s15+$0xF0] =	vst v0  }
0x414: {  	v0 =	vld [tilespmem:s11+$0x4010]  }
0x415: {  	v6 =	vld [tilespmem:s12+$0x4010]  }
0x416: {  	v7 =	vld [tilespmem:s22+$0x4010]  }
0x417: {  	v8 =	vld [tilespmem:s14+$0x4010]  }
0x418: {  	v2 =	vadd.f32 v3, v2  }
0x419: {  	s17 =	rddreg [dreg:$0xb];
	v3 =	vld [tilespmem:s13+$0x10];
	v1 =	vadd.f32 v4, v1  }
0x41a: {  	s4 =	rddreg [dreg:$0x14];
	v2 =	vadd.f32 v5, v2;
	v4 =	vld [tilespmem:s20+$0x10];
	v0 =	vadd.f32 v6, v0  }
0x41b: {  	s0 =	sor.u32 s17, s4;
	v5 =	vld [tilespmem:s16+$0x10];
	v1 =	vadd.f32 v7, v1  }
0x41c: {  	s18 =	sshrl.u32 s0, $0x3;
	v2 =	vmul.f32 $3.333333430e-01, v2;
	v0 =	vadd.f32 v8, v0  }
0x41d: {  	s1 =	smul.u32 $0x10400, s18;
	v1 =	vmul.f32 $3.333333430e-01, v1  }
0x41e: {  	s19 =	rddreg [dreg:$0xf];
	s0 =	sshll.u32 s0, $0x7;
	v2 =	vadd.f32 v2, v3;
	v0 =	vmul.f32 $3.333333430e-01, v0  }
0x41f: {  	s0 =	sand.u32 $0x380, s0;
	s1 =	sadd.s32 s19, s1;
	v1 =	vadd.f32 v1, v4  }
0x420: {  	s0 =	sor.u32 s0, s1;
	[tilespmem:s7+$0x100] =	vst v2;
	v0 =	vadd.f32 v0, v5  }
0x421: {  	s21 =	simm.s32 $0x80;
	s20 =	rddreg [dreg:$0x3];
	s0 =	sshrl.u32 s0, $0x3;
	[tilespmem:s8+$0x100] =	vst v1  }
0x422: {  	s22 =	simm.s32 $0x400;
	s23 =	simm.s32 $0x10000;
	s0 =	sadd.s32 s20, s0;
	[tilespmem:s15+$0x100] =	vst v0  }
0x423: {  	[hbm4b:s0+s21] =	stream.strided.scatter [tilespmem:s23], [sflag:$0x1], $0x2080, s22, s21, $0x38;
	[tilespmem:$0x16A00] =	vst v63  }
0x424: {  	s24 =	rddreg [dreg:$0x12]  }
0x425: {  	p2 =	seq.s32 s24, $0x1F  }
0x426: {  	s1 =	rddreg [dreg:$0x9];
	s0 =	sadd.s32 @!p2 $0x2, s4  }
0x427: {  	s1 =	sadd.s32 @!p2 s1, s0  }
0x428: {  	s1 =	sshrl.u32 @!p2 s1, $0x3  }
0x429: {  	s3 =	rddreg [dreg:$0xa];
	s0 =	sshll.u32 @!p2 s0, $0x7;
	s2 =	sshll.u32 @!p2 s1, $0xB  }
0x42a: {  	s0 =	sand.u32 @!p2 $0x300, s0;
	s2 =	sadd.s32 @!p2 s3, s2  }
0x42b: {  	s4 =	simm.s32 @!p2 $0x400;
	s2 =	sor.u32 @!p2 s0, s2  }
0x42c: {  	s5 =	simm.s32 @!p2 $0x16200;
	s3 =	rddreg [dreg:$0x0];
	s2 =	sshrl.u32 @!p2 s2, $0x3  }
0x42d: {  	s1 =	smul.u32 @!p2 $0x1800, s1;
	s2 =	sadd.s32 @!p2 s3, s2;
	s3 =	simm.s32 @!p2 $0x80  }
0x42e: {  	[tilespmem:s5], [sflag:$0x3] =	stream.strided.gather @!p2 [hbm4b:s2+s3], $0x100, s4, s3, $0x38;
	[tilespmem:$0x16A00] =	vst v63  }
0x42f: {  	s2 =	rddreg [dreg:$0x8]  }
0x430: {  	s1 =	sadd.s32 @!p2 s2, s1  }
0x431: {  	s0 =	sor.u32 @!p2 s0, s1  }
0x432: {  	s1 =	rddreg [dreg:$0x5];
	s0 =	sshrl.u32 @!p2 s0, $0x3  }
0x433: {  	s25 =	simm.s32 $0x4;
	s0 =	sadd.s32 @!p2 s1, s0;
	s1 =	simm.s32 @!p2 $0x16400  }
0x434: {  	[tilespmem:s1], [sflag:$0x5] =	stream.strided.gather @!p2 [hbm4b:s0+s3], $0x300, s4, s3, $0x38;
	[tilespmem:$0x16A00] =	vst v63  }
0x435: {  	_ =	swait.ge [sflag:s25], $0x100  }
0x436: {  	[sflag:s25] =	ssyncset.done $0x0  }
0x437: {  	s26 =	simm.s32 $0x6;
	[sflag:s25] =	ssyncadd.s32 $0xFFFFFF00  }
0x438: {  	_ =	swait.ge [sflag:s26], $0x300  }
0x439: {  	[sflag:s26] =	ssyncset.done $0x0  }
0x43a: {  	s0 =	simm.s32 @!p1 $0x2;
	[sflag:s26] =	ssyncadd.s32 $0xFFFFFD00  }
0x43b: {  	_ =	swait.ge @!p1 [sflag:s0], $0x2080  }
0x43c: {  	[sflag:s0] =	ssyncset.done @!p1 $0x0  }
0x43d: {  	s28 =	simm.s32 $0x0;
	[sflag:s0] =	ssyncadd.s32 @!p1 $0xFFFFDF80  }
0x43e: {  	s29 =	simm.s32 $0x16720;
	v0 =	vld [tilespmem:s28+$0x16300]  }
0x43f: {  	v1 =	vld [tilespmem:s29+$0xFFFFFFE0];
	_ =	sdelay $0x3  }
0x440: {  	v3 =	vshll.u32 v0, $0x5  }
0x441: {  	v0 =	vshll.u32 v1, $0x5;
	(v2sf) =	vpush v3, $0x0  }
0x442: {  	(v2sf) =	vpush v0, $0x2  }
0x443: {  	(v2sf) =	vpush v0, $0x0  }
0x444: {  	(v2sf) =	vpush v0, $0x1;
	_ =	sdelay $0xb  }
0x445: {  	s30 =	spop (v2sf)  }
0x446: {  	s31 =	spop (v2sf)  }
0x447: {  	s4 =	spop (v2sf)  }
0x448: {  	v1 =	vld [tilespmem:s4+$0x4000];
	s5 =	spop (v2sf)  }
0x449: {  	v2 =	vld [tilespmem:s5+$0x4000];
	_ =	sdelay $0x1  }
0x44a: {  	v4 =	vld [tilespmem:s31+$0x4000];
	_ =	sdelay $0x2  }
0x44b: {  	v1 =	vadd.f32 v2, v1  }
0x44c: {  	v2 =	vld [tilespmem:s30+$0x0]  }
0x44d: {  	v1 =	vadd.f32 v4, v1;
	_ =	sdelay $0x1  }
0x44e: {  	v1 =	vmul.f32 $3.333333430e-01, v1;
	_ =	sdelay $0x1  }
0x44f: {  	(v2sf) =	vpush v3, $0x1;
	v1 =	vadd.f32 v1, v2  }
0x450: {  	s13 =	simm.s32 $0x12190;
	v5 =	vld [tilespmem:s29+$0xFFFFFFF0];
	(v2sf) =	vpush v0, $0x5  }
0x451: {  	(v2sf) =	vpush v0, $0x3;
	v2 =	vld [tilespmem:s29+$0x0];
	[tilespmem:s13+$0xFFFFFF10] =	vst v1  }
0x452: {  	(v2sf) =	vpush v0, $0x4;
	v1 =	vld [tilespmem:s4+$0x4010]  }
0x453: {  	v4 =	vld [tilespmem:s5+$0x4010];
	_ =	sdelay $0x1  }
0x454: {  	v6 =	vld [tilespmem:s31+$0x4010];
	_ =	sdelay $0x2  }
0x455: {  	v1 =	vadd.f32 v4, v1  }
0x456: {  	v4 =	vld [tilespmem:s30+$0x10]  }
0x457: {  	v1 =	vadd.f32 v6, v1;
	_ =	sdelay $0x1  }
0x458: {  	v1 =	vmul.f32 $3.333333430e-01, v1;
	_ =	sdelay $0x1  }
0x459: {  	s6 =	spop (v2sf);
	v1 =	vadd.f32 v1, v4  }
0x45a: {  	s7 =	spop (v2sf)  }
0x45b: {  	s8 =	spop (v2sf);
	[tilespmem:s13+$0xFFFFFF20] =	vst v1  }
0x45c: {  	s9 =	spop (v2sf);
	v1 =	vld [tilespmem:s8+$0x4000]  }
0x45d: {  	v4 =	vld [tilespmem:s9+$0x4000];
	_ =	sdelay $0x1  }
0x45e: {  	v6 =	vld [tilespmem:s7+$0x4000];
	_ =	sdelay $0x2  }
0x45f: {  	v1 =	vadd.f32 v4, v1  }
0x460: {  	v4 =	vld [tilespmem:s6+$0x0]  }
0x461: {  	v1 =	vadd.f32 v6, v1;
	_ =	sdelay $0x1  }
0x462: {  	v1 =	vmul.f32 $3.333333430e-01, v1;
	_ =	sdelay $0x1  }
0x463: {  	v1 =	vadd.f32 v1, v4  }
0x464: {  	(v2sf) =	vpush v3, $0x2  }
0x465: {  	(v2sf) =	vpush v0, $0x6;
	[tilespmem:s13+$0xFFFFFF30] =	vst v1  }
0x466: {  	(v2sf) =	vpush v0, $0x7;
	v1 =	vld [tilespmem:s8+$0x4010]  }
0x467: {  	v4 =	vld [tilespmem:s9+$0x4010]  }
0x468: {  	(v2sf) =	vpush v0, $0x8  }
0x469: {  	v6 =	vld [tilespmem:s7+$0x4010];
	_ =	sdelay $0x2  }
0x46a: {  	v1 =	vadd.f32 v4, v1  }
0x46b: {  	v4 =	vld [tilespmem:s6+$0x10]  }
0x46c: {  	v1 =	vadd.f32 v6, v1;
	_ =	sdelay $0x1  }
0x46d: {  	v1 =	vmul.f32 $3.333333430e-01, v1;
	_ =	sdelay $0x1  }
0x46e: {  	v1 =	vadd.f32 v1, v4  }
0x46f: {  	s11 =	spop (v2sf)  }
0x470: {  	s12 =	spop (v2sf);
	[tilespmem:s13+$0xFFFFFF40] =	vst v1  }
0x471: {  	s14 =	spop (v2sf);
	v1 =	vld [tilespmem:s12+$0x4000]  }
0x472: {  	s10 =	simm.s32 $0x10;
	v6 =	vld [tilespmem:s14+$0x4000]  }
0x473: {  	s16 =	spop (v2sf);
	v4 =	vld [tilespmem:s10+$0x16300]  }
0x474: {  	s15 =	simm.s32 $0x16750;
	v8 =	vld [tilespmem:s16+$0x4000]  }
0x475: {  	v7 =	vld [tilespmem:s15+$0xFFFFFFE0];
	_ =	sdelay $0x1  }
0x476: {  	v6 =	vadd.f32 v6, v1  }
0x477: {  	v9 =	vld [tilespmem:s11+$0x0]  }
0x478: {  	v1 =	vshll.u32 v4, $0x5;
	v6 =	vadd.f32 v8, v6  }
0x479: {  	v4 =	vshll.u32 v7, $0x5;
	(v2sf) =	vpush v1, $0x0  }
0x47a: {  	(v2sf) =	vpush v4, $0x2;
	v6 =	vmul.f32 $3.333333430e-01, v6  }
0x47b: {  	(v2sf) =	vpush v4, $0x0  }
0x47c: {  	(v2sf) =	vpush v4, $0x1;
	v6 =	vadd.f32 v6, v9  }
0x47d: {  	(v2sf) =	vpush v3, $0x3  }
0x47e: {  	(v2sf) =	vpush v0, $0x9;
	[tilespmem:s13+$0xFFFFFF50] =	vst v6  }
0x47f: {  	(v2sf) =	vpush v0, $0xA;
	v6 =	vld [tilespmem:s12+$0x4010]  }
0x480: {  	v7 =	vld [tilespmem:s14+$0x4010]  }
0x481: {  	(v2sf) =	vpush v0, $0xB  }
0x482: {  	v8 =	vld [tilespmem:s16+$0x4010];
	_ =	sdelay $0x2  }
0x483: {  	v6 =	vadd.f32 v7, v6  }
0x484: {  	v7 =	vld [tilespmem:s11+$0x10]  }
0x485: {  	v6 =	vadd.f32 v8, v6  }
0x486: {  	s17 =	spop (v2sf)  }
0x487: {  	v8 =	vld [tilespmem:s17+$0x0];
	s18 =	spop (v2sf);
	v6 =	vmul.f32 $3.333333430e-01, v6  }
0x488: {  	v9 =	vld [tilespmem:s18+$0x4000];
	s19 =	spop (v2sf)  }
0x489: {  	s20 =	spop (v2sf);
	v6 =	vadd.f32 v6, v7  }
0x48a: {  	s21 =	spop (v2sf)  }
0x48b: {  	s22 =	spop (v2sf);
	[tilespmem:s13+$0xFFFFFF60] =	vst v6  }
0x48c: {  	s23 =	spop (v2sf);
	v6 =	vld [tilespmem:s22+$0x4000]  }
0x48d: {  	v7 =	vld [tilespmem:s23+$0x4000]  }
0x48e: {  	s24 =	spop (v2sf)  }
0x48f: {  	v10 =	vld [tilespmem:s24+$0x4000];
	_ =	sdelay $0x2  }
0x490: {  	v6 =	vadd.f32 v7, v6  }
0x491: {  	v7 =	vld [tilespmem:s21+$0x0]  }
0x492: {  	v6 =	vadd.f32 v10, v6;
	_ =	sdelay $0x1  }
0x493: {  	v6 =	vmul.f32 $3.333333430e-01, v6;
	_ =	sdelay $0x1  }
0x494: {  	v6 =	vadd.f32 v6, v7;
	_ =	sdelay $0x1  }
0x495: {  	(v2sf) =	vpush v0, $0xC;
	[tilespmem:s13+$0xFFFFFF70] =	vst v6  }
0x496: {  	(v2sf) =	vpush v0, $0xD;
	v6 =	vld [tilespmem:s22+$0x4010]  }
0x497: {  	(v2sf) =	vpush v3, $0x4;
	v7 =	vld [tilespmem:s23+$0x4010]  }
0x498: {  	(v2sf) =	vpush v0, $0xE  }
0x499: {  	v10 =	vld [tilespmem:s24+$0x4010];
	_ =	sdelay $0x2  }
0x49a: {  	v6 =	vadd.f32 v7, v6  }
0x49b: {  	v7 =	vld [tilespmem:s21+$0x10]  }
0x49c: {  	v6 =	vadd.f32 v10, v6;
	_ =	sdelay $0x1  }
0x49d: {  	v6 =	vmul.f32 $3.333333430e-01, v6;
	_ =	sdelay $0x1  }
0x49e: {  	v6 =	vadd.f32 v6, v7;
	_ =	sdelay $0x1  }
0x49f: {  	s25 =	spop (v2sf);
	[tilespmem:s13+$0xFFFFFF80] =	vst v6  }
0x4a0: {  	s26 =	spop (v2sf);
	v6 =	vld [tilespmem:s25+$0x4000]  }
0x4a1: {  	s28 =	spop (v2sf);
	v7 =	vld [tilespmem:s26+$0x4000]  }
0x4a2: {  	s29 =	spop (v2sf)  }
0x4a3: {  	v10 =	vld [tilespmem:s29+$0x4000];
	_ =	sdelay $0x2  }
0x4a4: {  	v6 =	vadd.f32 v7, v6  }
0x4a5: {  	v7 =	vld [tilespmem:s28+$0x0]  }
0x4a6: {  	v6 =	vadd.f32 v10, v6;
	_ =	sdelay $0x1  }
0x4a7: {  	(v2sf) =	vpush v1, $0x1;
	v6 =	vmul.f32 $3.333333430e-01, v6  }
0x4a8: {  	(v2sf) =	vpush v4, $0x5  }
0x4a9: {  	v11 =	vld [tilespmem:s20+$0x4000];
	(v2sf) =	vpush v4, $0x3;
	v7 =	vadd.f32 v6, v7  }
0x4aa: {  	(v2sf) =	vpush v4, $0x4;
	v10 =	vld [tilespmem:s19+$0x4000]  }
0x4ab: {  	(v2sf) =	vpush v0, $0xF;
	v6 =	vshll.u32 v5, $0x5;
	[tilespmem:s13+$0xFFFFFF90] =	vst v7  }
0x4ac: {  	(v2sf) =	vpush v6, $0x0;
	v0 =	vld [tilespmem:s25+$0x4010]  }
0x4ad: {  	(v2sf) =	vpush v3, $0x5;
	v5 =	vld [tilespmem:s26+$0x4010]  }
0x4ae: {  	(v2sf) =	vpush v6, $0x1  }
0x4af: {  	v7 =	vadd.f32 v11, v10;
	v10 =	vld [tilespmem:s29+$0x4010];
	_ =	sdelay $0x1  }
0x4b0: {  	v7 =	vadd.f32 v9, v7  }
0x4b1: {  	v0 =	vadd.f32 v5, v0  }
0x4b2: {  	v9 =	vld [tilespmem:s28+$0x10];
	v5 =	vmul.f32 $3.333333430e-01, v7  }
0x4b3: {  	v0 =	vadd.f32 v10, v0  }
0x4b4: {  	v8 =	vadd.f32 v5, v8  }
0x4b5: {  	s7 =	simm.s32 $0x12390;
	s30 =	spop (v2sf);
	v7 =	vld [tilespmem:s15+$0xFFFFFFF0];
	v0 =	vmul.f32 $3.333333430e-01, v0  }
0x4b6: {  	s31 =	spop (v2sf);
	v5 =	vld [tilespmem:s15+$0x0];
	[tilespmem:s7+$0xFFFFFF10] =	vst v8  }
0x4b7: {  	s10 =	spop (v2sf);
	v8 =	vld [tilespmem:s19+$0x4010];
	v0 =	vadd.f32 v0, v9  }
0x4b8: {  	s11 =	spop (v2sf);
	v9 =	vld [tilespmem:s20+$0x4010]  }
0x4b9: {  	s12 =	spop (v2sf);
	v10 =	vld [tilespmem:s18+$0x4010];
	[tilespmem:s13+$0xFFFFFFA0] =	vst v0  }
0x4ba: {  	s14 =	spop (v2sf);
	v0 =	vld [tilespmem:s12+$0x4000]  }
0x4bb: {  	v11 =	vld [tilespmem:s14+$0x4000];
	s15 =	spop (v2sf)  }
0x4bc: {  	s16 =	spop (v2sf)  }
0x4bd: {  	v8 =	vadd.f32 v9, v8;
	v9 =	vld [tilespmem:s16+$0x4000]  }
0x4be: {  	v12 =	vld [tilespmem:s17+$0x10]  }
0x4bf: {  	v8 =	vadd.f32 v10, v8  }
0x4c0: {  	v0 =	vadd.f32 v11, v0  }
0x4c1: {  	v10 =	vld [tilespmem:s15+$0x0];
	v8 =	vmul.f32 $3.333333430e-01, v8  }
0x4c2: {  	v0 =	vadd.f32 v9, v0  }
0x4c3: {  	v8 =	vadd.f32 v8, v12  }
0x4c4: {  	v0 =	vmul.f32 $3.333333430e-01, v0  }
0x4c5: {  	[tilespmem:s7+$0xFFFFFF20] =	vst v8  }
0x4c6: {  	v8 =	vld [tilespmem:s10+$0x4000];
	v0 =	vadd.f32 v0, v10  }
0x4c7: {  	v9 =	vld [tilespmem:s11+$0x4000]  }
0x4c8: {  	(v2sf) =	vpush v6, $0x2;
	v10 =	vld [tilespmem:s31+$0x4000];
	[tilespmem:s13+$0xFFFFFFB0] =	vst v0  }
0x4c9: {  	(v2sf) =	vpush v6, $0x3;
	v0 =	vld [tilespmem:s12+$0x4010]  }
0x4ca: {  	(v2sf) =	vpush v3, $0x6;
	v11 =	vld [tilespmem:s14+$0x4010]  }
0x4cb: {  	(v2sf) =	vpush v6, $0x4  }
0x4cc: {  	v8 =	vadd.f32 v9, v8;
	v9 =	vld [tilespmem:s16+$0x4010]  }
0x4cd: {  	v12 =	vld [tilespmem:s30+$0x0]  }
0x4ce: {  	v8 =	vadd.f32 v10, v8  }
0x4cf: {  	v0 =	vadd.f32 v11, v0  }
0x4d0: {  	v10 =	vld [tilespmem:s15+$0x10];
	v8 =	vmul.f32 $3.333333430e-01, v8  }
0x4d1: {  	v0 =	vadd.f32 v9, v0  }
0x4d2: {  	v8 =	vadd.f32 v8, v12  }
0x4d3: {  	(v2sf) =	vpush v1, $0x2;
	v0 =	vmul.f32 $3.333333430e-01, v0  }
0x4d4: {  	(v2sf) =	vpush v4, $0x6;
	[tilespmem:s7+$0xFFFFFF30] =	vst v8  }
0x4d5: {  	(v2sf) =	vpush v4, $0x7;
	v8 =	vld [tilespmem:s10+$0x4010];
	v0 =	vadd.f32 v0, v10  }
0x4d6: {  	(v2sf) =	vpush v4, $0x8;
	v9 =	vld [tilespmem:s11+$0x4010]  }
0x4d7: {  	s17 =	spop (v2sf);
	v10 =	vld [tilespmem:s31+$0x4010];
	[tilespmem:s13+$0xFFFFFFC0] =	vst v0  }
0x4d8: {  	s18 =	spop (v2sf);
	v0 =	vld [tilespmem:s17+$0x4000]  }
0x4d9: {  	s19 =	spop (v2sf);
	v11 =	vld [tilespmem:s18+$0x4000]  }
0x4da: {  	s20 =	spop (v2sf)  }
0x4db: {  	v8 =	vadd.f32 v9, v8;
	v9 =	vld [tilespmem:s20+$0x4000]  }
0x4dc: {  	v12 =	vld [tilespmem:s30+$0x10]  }
0x4dd: {  	s21 =	simm.s32 $0x20;
	v8 =	vadd.f32 v10, v8  }
0x4de: {  	v10 =	vld [tilespmem:s21+$0x16300];
	v0 =	vadd.f32 v11, v0  }
0x4df: {  	v11 =	vld [tilespmem:s19+$0x0];
	v8 =	vmul.f32 $3.333333430e-01, v8  }
0x4e0: {  	v0 =	vadd.f32 v9, v0  }
0x4e1: {  	v8 =	vadd.f32 v8, v12  }
0x4e2: {  	s0 =	simm.s32 $0x16780;
	s22 =	spop (v2sf);
	v9 =	vmul.f32 $3.333333430e-01, v0  }
0x4e3: {  	s23 =	spop (v2sf);
	v12 =	vld [tilespmem:s0+$0xFFFFFFE0];
	[tilespmem:s7+$0xFFFFFF40] =	vst v8  }
0x4e4: {  	s24 =	spop (v2sf);
	v0 =	vshll.u32 v10, $0x5;
	v8 =	vld [tilespmem:s23+$0x4000];
	v9 =	vadd.f32 v9, v11  }
0x4e5: {  	s25 =	spop (v2sf);
	(v2sf) =	vpush v0, $0x0;
	v10 =	vld [tilespmem:s24+$0x4000]  }
0x4e6: {  	v13 =	vld [tilespmem:s25+$0x4000];
	(v2sf) =	vpush v6, $0x5;
	[tilespmem:s13+$0xFFFFFFD0] =	vst v9  }
0x4e7: {  	(v2sf) =	vpush v6, $0x6;
	v9 =	vld [tilespmem:s17+$0x4010]  }
0x4e8: {  	v14 =	vld [tilespmem:s18+$0x4010]  }
0x4e9: {  	(v2sf) =	vpush v6, $0x7  }
0x4ea: {  	v15 =	vld [tilespmem:s20+$0x4010];
	v8 =	vadd.f32 v10, v8  }
0x4eb: {  	v11 =	vshll.u32 v12, $0x5;
	v10 =	vld [tilespmem:s22+$0x0]  }
0x4ec: {  	(v2sf) =	vpush v11, $0x2;
	v8 =	vadd.f32 v13, v8  }
0x4ed: {  	(v2sf) =	vpush v3, $0x7;
	v9 =	vadd.f32 v14, v9  }
0x4ee: {  	v12 =	vld [tilespmem:s19+$0x10];
	v8 =	vmul.f32 $3.333333430e-01, v8  }
0x4ef: {  	(v2sf) =	vpush v11, $0x0;
	v9 =	vadd.f32 v15, v9  }
0x4f0: {  	(v2sf) =	vpush v11, $0x1;
	v8 =	vadd.f32 v8, v10  }
0x4f1: {  	(v2sf) =	vpush v1, $0x3;
	v9 =	vmul.f32 $3.333333430e-01, v9  }
0x4f2: {  	(v2sf) =	vpush v4, $0x9;
	[tilespmem:s7+$0xFFFFFF50] =	vst v8  }
0x4f3: {  	(v2sf) =	vpush v4, $0xA;
	v8 =	vld [tilespmem:s23+$0x4010];
	v9 =	vadd.f32 v9, v12  }
0x4f4: {  	s1 =	spop (v2sf);
	v10 =	vld [tilespmem:s24+$0x4010];
	(v2sf) =	vpush v4, $0xB  }
0x4f5: {  	v12 =	vld [tilespmem:s25+$0x4010];
	s26 =	spop (v2sf);
	[tilespmem:s13+$0xFFFFFFE0] =	vst v9  }
0x4f6: {  	s28 =	spop (v2sf);
	v9 =	vld [tilespmem:s26+$0x4000]  }
0x4f7: {  	v13 =	vld [tilespmem:s28+$0x4000]  }
0x4f8: {  	s29 =	spop (v2sf)  }
0x4f9: {  	v8 =	vadd.f32 v10, v8;
	v10 =	vld [tilespmem:s29+$0x4000]  }
0x4fa: {  	v14 =	vld [tilespmem:s22+$0x10]  }
0x4fb: {  	s2 =	spop (v2sf);
	v8 =	vadd.f32 v12, v8  }
0x4fc: {  	s3 =	spop (v2sf);
	v9 =	vadd.f32 v13, v9  }
0x4fd: {  	v12 =	vld [tilespmem:s3+$0x0];
	v8 =	vmul.f32 $3.333333430e-01, v8  }
0x4fe: {  	s4 =	spop (v2sf);
	v9 =	vadd.f32 v10, v9  }
0x4ff: {  	s30 =	spop (v2sf);
	v8 =	vadd.f32 v8, v14  }
0x500: {  	s31 =	spop (v2sf);
	v9 =	vmul.f32 $3.333333430e-01, v9  }
0x501: {  	s15 =	spop (v2sf);
	[tilespmem:s7+$0xFFFFFF60] =	vst v8  }
0x502: {  	s16 =	spop (v2sf);
	v8 =	vld [tilespmem:s15+$0x4000];
	v9 =	vadd.f32 v9, v12  }
0x503: {  	v10 =	vld [tilespmem:s16+$0x4000];
	s17 =	spop (v2sf)  }
0x504: {  	(v2sf) =	vpush v6, $0x8;
	v12 =	vld [tilespmem:s17+$0x4000];
	[tilespmem:s13+$0xFFFFFFF0] =	vst v9  }
0x505: {  	(v2sf) =	vpush v6, $0x9;
	v9 =	vld [tilespmem:s26+$0x4010]  }
0x506: {  	v13 =	vld [tilespmem:s28+$0x4010]  }
0x507: {  	(v2sf) =	vpush v6, $0xA  }
0x508: {  	v8 =	vadd.f32 v10, v8;
	v10 =	vld [tilespmem:s29+$0x4010]  }
0x509: {  	v14 =	vld [tilespmem:s31+$0x0]  }
0x50a: {  	v8 =	vadd.f32 v12, v8  }
0x50b: {  	(v2sf) =	vpush v3, $0x8;
	v9 =	vadd.f32 v13, v9  }
0x50c: {  	v12 =	vld [tilespmem:s3+$0x10];
	v8 =	vmul.f32 $3.333333430e-01, v8  }
0x50d: {  	v9 =	vadd.f32 v10, v9  }
0x50e: {  	v8 =	vadd.f32 v8, v14  }
0x50f: {  	(v2sf) =	vpush v4, $0xC;
	v9 =	vmul.f32 $3.333333430e-01, v9  }
0x510: {  	(v2sf) =	vpush v4, $0xD;
	[tilespmem:s7+$0xFFFFFF70] =	vst v8  }
0x511: {  	(v2sf) =	vpush v1, $0x4;
	v8 =	vld [tilespmem:s15+$0x4010];
	v9 =	vadd.f32 v9, v12  }
0x512: {  	(v2sf) =	vpush v4, $0xE;
	v10 =	vld [tilespmem:s16+$0x4010]  }
0x513: {  	s18 =	spop (v2sf);
	v12 =	vld [tilespmem:s17+$0x4010];
	[tilespmem:s13+$0x0] =	vst v9  }
0x514: {  	s19 =	spop (v2sf);
	v9 =	vld [tilespmem:s18+$0x4000]  }
0x515: {  	v13 =	vld [tilespmem:s19+$0x4000]  }
0x516: {  	s20 =	spop (v2sf)  }
0x517: {  	v8 =	vadd.f32 v10, v8;
	v10 =	vld [tilespmem:s20+$0x4000]  }
0x518: {  	v14 =	vld [tilespmem:s31+$0x10]  }
0x519: {  	v8 =	vadd.f32 v12, v8  }
0x51a: {  	s21 =	spop (v2sf);
	v9 =	vadd.f32 v13, v9  }
0x51b: {  	v12 =	vld [tilespmem:s21+$0x0];
	v8 =	vmul.f32 $3.333333430e-01, v8  }
0x51c: {  	v9 =	vadd.f32 v10, v9  }
0x51d: {  	v8 =	vadd.f32 v8, v14  }
0x51e: {  	s22 =	spop (v2sf);
	v9 =	vmul.f32 $3.333333430e-01, v9  }
0x51f: {  	s23 =	spop (v2sf);
	[tilespmem:s7+$0xFFFFFF80] =	vst v8  }
0x520: {  	s24 =	spop (v2sf);
	v8 =	vld [tilespmem:s22+$0x4000];
	v9 =	vadd.f32 v9, v12  }
0x521: {  	(v2sf) =	vpush v0, $0x1;
	s25 =	spop (v2sf);
	v10 =	vld [tilespmem:s23+$0x4000]  }
0x522: {  	(v2sf) =	vpush v6, $0xB;
	v12 =	vld [tilespmem:s25+$0x4000];
	[tilespmem:s13+$0x10] =	vst v9  }
0x523: {  	(v2sf) =	vpush v6, $0xC;
	v9 =	vld [tilespmem:s18+$0x4010]  }
0x524: {  	v13 =	vld [tilespmem:s19+$0x4010]  }
0x525: {  	(v2sf) =	vpush v6, $0xD  }
0x526: {  	v8 =	vadd.f32 v10, v8;
	v10 =	vld [tilespmem:s20+$0x4010]  }
0x527: {  	v14 =	vld [tilespmem:s24+$0x0]  }
0x528: {  	v15 =	vld [tilespmem:s4+$0x4000];
	v8 =	vadd.f32 v12, v8  }
0x529: {  	(v2sf) =	vpush v3, $0x9;
	v12 =	vld [tilespmem:s30+$0x4000];
	v9 =	vadd.f32 v13, v9  }
0x52a: {  	(v2sf) =	vpush v11, $0x5;
	v13 =	vld [tilespmem:s21+$0x10];
	v8 =	vmul.f32 $3.333333430e-01, v8  }
0x52b: {  	v16 =	vld [tilespmem:s2+$0x4000];
	(v2sf) =	vpush v11, $0x3;
	v9 =	vadd.f32 v10, v9  }
0x52c: {  	(v2sf) =	vpush v11, $0x4;
	v8 =	vadd.f32 v8, v14  }
0x52d: {  	v7 =	vshll.u32 v7, $0x5;
	(v2sf) =	vpush v4, $0xF;
	v10 =	vld [tilespmem:s1+$0x0];
	v4 =	vmul.f32 $3.333333430e-01, v9  }
0x52e: {  	(v2sf) =	vpush v7, $0x0;
	v9 =	vadd.f32 v12, v15;
	v12 =	vld [tilespmem:s0+$0xFFFFFFF0];
	[tilespmem:s7+$0xFFFFFF90] =	vst v8  }
0x52f: {  	(v2sf) =	vpush v1, $0x5;
	v8 =	vld [tilespmem:s22+$0x4010];
	v4 =	vadd.f32 v4, v13  }
0x530: {  	s5 =	spop (v2sf);
	(v2sf) =	vpush v7, $0x1;
	v9 =	vadd.f32 v16, v9;
	v13 =	vld [tilespmem:s23+$0x4010]  }
0x531: {  	s26 =	spop (v2sf);
	v14 =	vld [tilespmem:s25+$0x4010];
	[tilespmem:s13+$0x20] =	vst v4  }
0x532: {  	s28 =	spop (v2sf);
	v4 =	vmul.f32 $3.333333430e-01, v9;
	v9 =	vld [tilespmem:s26+$0x4000]  }
0x533: {  	v15 =	vld [tilespmem:s28+$0x4000]  }
0x534: {  	s29 =	spop (v2sf);
	v10 =	vadd.f32 v4, v10;
	v4 =	vld [tilespmem:s0+$0x0]  }
0x535: {  	s8 =	simm.s32 $0x12590;
	v8 =	vadd.f32 v13, v8;
	v13 =	vld [tilespmem:s29+$0x4000]  }
0x536: {  	[tilespmem:s8+$0xFFFFFF10] =	vst v10;
	v10 =	vld [tilespmem:s24+$0x10]  }
0x537: {  	v16 =	vld [tilespmem:s4+$0x4010];
	v8 =	vadd.f32 v14, v8  }
0x538: {  	v14 =	vld [tilespmem:s30+$0x4010];
	s30 =	spop (v2sf);
	v9 =	vadd.f32 v15, v9  }
0x539: {  	s31 =	spop (v2sf);
	v15 =	vld [tilespmem:s30+$0x0];
	v8 =	vmul.f32 $3.333333430e-01, v8  }
0x53a: {  	v17 =	vld [tilespmem:s2+$0x4010];
	s15 =	spop (v2sf);
	v9 =	vadd.f32 v13, v9  }
0x53b: {  	s16 =	spop (v2sf);
	v8 =	vadd.f32 v8, v10  }
0x53c: {  	s17 =	spop (v2sf);
	v9 =	vmul.f32 $3.333333430e-01, v9  }
0x53d: {  	v10 =	vld [tilespmem:s1+$0x10];
	v13 =	vadd.f32 v14, v16;
	s18 =	spop (v2sf);
	[tilespmem:s7+$0xFFFFFFA0] =	vst v8  }
0x53e: {  	s19 =	spop (v2sf);
	v14 =	vld [tilespmem:s17+$0x4000];
	v8 =	vadd.f32 v9, v15  }
0x53f: {  	v9 =	vadd.f32 v17, v13;
	v13 =	vld [tilespmem:s18+$0x4000];
	s20 =	spop (v2sf)  }
0x540: {  	(v2sf) =	vpush v6, $0xE;
	v15 =	vld [tilespmem:s20+$0x4000];
	[tilespmem:s13+$0x30] =	vst v8  }
0x541: {  	(v2sf) =	vpush v6, $0xF;
	v9 =	vmul.f32 $3.333333430e-01, v9;
	v6 =	vld [tilespmem:s26+$0x4010]  }
0x542: {  	v8 =	vshll.u32 v2, $0x5;
	v2 =	vld [tilespmem:s28+$0x4010]  }
0x543: {  	(v2sf) =	vpush v8, $0x0;
	v9 =	vadd.f32 v9, v10  }
0x544: {  	v10 =	vadd.f32 v13, v14;
	v13 =	vld [tilespmem:s29+$0x4010]  }
0x545: {  	[tilespmem:s8+$0xFFFFFF20] =	vst v9;
	v9 =	vld [tilespmem:s19+$0x0]  }
0x546: {  	v14 =	vld [tilespmem:s15+$0x4000];
	v10 =	vadd.f32 v15, v10  }
0x547: {  	(v2sf) =	vpush v3, $0xA;
	v15 =	vld [tilespmem:s16+$0x4000];
	v2 =	vadd.f32 v2, v6  }
0x548: {  	v6 =	vmul.f32 $3.333333430e-01, v10;
	v10 =	vld [tilespmem:s30+$0x10]  }
0x549: {  	v16 =	vld [tilespmem:s31+$0x4000];
	v2 =	vadd.f32 v13, v2  }
0x54a: {  	v6 =	vadd.f32 v6, v9  }
0x54b: {  	(v2sf) =	vpush v7, $0x2;
	v2 =	vmul.f32 $3.333333430e-01, v2  }
0x54c: {  	(v2sf) =	vpush v7, $0x3;
	v9 =	vld [tilespmem:s5+$0x0];
	v13 =	vadd.f32 v15, v14;
	[tilespmem:s7+$0xFFFFFFB0] =	vst v6  }
0x54d: {  	(v2sf) =	vpush v1, $0x6;
	v6 =	vld [tilespmem:s17+$0x4010];
	v2 =	vadd.f32 v2, v10  }
0x54e: {  	(v2sf) =	vpush v7, $0x4;
	v10 =	vadd.f32 v16, v13;
	v13 =	vld [tilespmem:s18+$0x4010]  }
0x54f: {  	s21 =	spop (v2sf);
	v14 =	vld [tilespmem:s20+$0x4010];
	[tilespmem:s13+$0x40] =	vst v2  }
0x550: {  	s22 =	spop (v2sf);
	v2 =	vmul.f32 $3.333333430e-01, v10;
	v10 =	vld [tilespmem:s21+$0x4000]  }
0x551: {  	v15 =	vld [tilespmem:s22+$0x4000]  }
0x552: {  	v2 =	vadd.f32 v2, v9;
	s23 =	spop (v2sf)  }
0x553: {  	v6 =	vadd.f32 v13, v6;
	v9 =	vld [tilespmem:s23+$0x4000]  }
0x554: {  	[tilespmem:s8+$0xFFFFFF30] =	vst v2;
	v2 =	vld [tilespmem:s19+$0x10]  }
0x555: {  	(v2sf) =	vpush v0, $0x2;
	v13 =	vld [tilespmem:s15+$0x4010];
	v6 =	vadd.f32 v14, v6  }
0x556: {  	(v2sf) =	vpush v11, $0x6;
	s24 =	spop (v2sf);
	v14 =	vld [tilespmem:s16+$0x4010];
	v10 =	vadd.f32 v15, v10  }
0x557: {  	(v2sf) =	vpush v11, $0x7;
	v15 =	vld [tilespmem:s24+$0x0];
	v6 =	vmul.f32 $3.333333430e-01, v6  }
0x558: {  	v9 =	vadd.f32 v9, v10  }
0x559: {  	(v2sf) =	vpush v11, $0x8;
	v10 =	vld [tilespmem:s31+$0x4010];
	v2 =	vadd.f32 v6, v2  }
0x55a: {  	s25 =	simm.s32 $0x30;
	s26 =	spop (v2sf);
	v16 =	vld [tilespmem:s5+$0x10];
	v9 =	vmul.f32 $3.333333430e-01, v9  }
0x55b: {  	s28 =	spop (v2sf);
	v6 =	vld [tilespmem:s25+$0x16300];
	[tilespmem:s7+$0xFFFFFFC0] =	vst v2  }
0x55c: {  	s29 =	spop (v2sf);
	v2 =	vadd.f32 v14, v13;
	v13 =	vld [tilespmem:s26+$0x4000];
	v9 =	vadd.f32 v9, v15  }
0x55d: {  	s30 =	spop (v2sf);
	v14 =	vld [tilespmem:s28+$0x4000]  }
0x55e: {  	(v2sf) =	vpush v8, $0x1;
	v2 =	vadd.f32 v10, v2;
	v10 =	vld [tilespmem:s30+$0x4000];
	[tilespmem:s13+$0x50] =	vst v9  }
0x55f: {  	(v2sf) =	vpush v8, $0x2;
	v9 =	vld [tilespmem:s21+$0x4010]  }
0x560: {  	v15 =	vld [tilespmem:s22+$0x4010]  }
0x561: {  	(v2sf) =	vpush v8, $0x3;
	v2 =	vmul.f32 $3.333333430e-01, v2  }
0x562: {  	v17 =	vld [tilespmem:s23+$0x4010];
	v13 =	vadd.f32 v14, v13  }
0x563: {  	v16 =	vadd.f32 v2, v16;
	v14 =	vld [tilespmem:s29+$0x0];
	v2 =	vshll.u32 v6, $0x5  }
0x564: {  	s31 =	spop (v2sf);
	(v2sf) =	vpush v2, $0x0;
	v6 =	vadd.f32 v10, v13  }
0x565: {  	s10 =	spop (v2sf);
	[tilespmem:s8+$0xFFFFFF40] =	vst v16;
	(v2sf) =	vpush v3, $0xB;
	v13 =	vld [tilespmem:s24+$0x10];
	v9 =	vadd.f32 v15, v9  }
0x566: {  	s11 =	spop (v2sf);
	v10 =	vld [tilespmem:s10+$0x4000];
	v6 =	vmul.f32 $3.333333430e-01, v6  }
0x567: {  	s15 =	simm.s32 $0x167B0;
	v15 =	vld [tilespmem:s11+$0x4000];
	v9 =	vadd.f32 v17, v9  }
0x568: {  	s12 =	spop (v2sf);
	v16 =	vld [tilespmem:s15+$0xFFFFFFE0];
	v6 =	vadd.f32 v6, v14  }
0x569: {  	v14 =	vld [tilespmem:s12+$0x4000];
	v9 =	vmul.f32 $3.333333430e-01, v9  }
0x56a: {  	(v2sf) =	vpush v7, $0x5;
	v17 =	vld [tilespmem:s31+$0x0];
	[tilespmem:s7+$0xFFFFFFD0] =	vst v6  }
0x56b: {  	(v2sf) =	vpush v7, $0x6;
	v6 =	vadd.f32 v9, v13;
	v9 =	vld [tilespmem:s26+$0x4010]  }
0x56c: {  	(v2sf) =	vpush v7, $0x7;
	v10 =	vadd.f32 v15, v10;
	v13 =	vld [tilespmem:s28+$0x4010]  }
0x56d: {  	s14 =	spop (v2sf);
	v15 =	vld [tilespmem:s30+$0x4010];
	[tilespmem:s13+$0x60] =	vst v6  }
0x56e: {  	s16 =	spop (v2sf);
	v10 =	vadd.f32 v14, v10;
	v6 =	vshll.u32 v16, $0x5;
	v14 =	vld [tilespmem:s14+$0x4000]  }
0x56f: {  	v16 =	vld [tilespmem:s16+$0x4000];
	(v2sf) =	vpush v6, $0x2  }
0x570: {  	s17 =	spop (v2sf);
	v10 =	vmul.f32 $3.333333430e-01, v10  }
0x571: {  	(v2sf) =	vpush v1, $0x7;
	v9 =	vadd.f32 v13, v9;
	v13 =	vld [tilespmem:s17+$0x4000]  }
0x572: {  	v18 =	vld [tilespmem:s29+$0x10];
	(v2sf) =	vpush v6, $0x0;
	v10 =	vadd.f32 v10, v17  }
0x573: {  	(v2sf) =	vpush v6, $0x1;
	s18 =	spop (v2sf);
	v9 =	vadd.f32 v15, v9  }
0x574: {  	(v2sf) =	vpush v0, $0x3;
	v15 =	vld [tilespmem:s18+$0x0];
	v14 =	vadd.f32 v16, v14;
	s19 =	spop (v2sf)  }
0x575: {  	[tilespmem:s8+$0xFFFFFF50] =	vst v10;
	(v2sf) =	vpush v11, $0x9;
	v9 =	vmul.f32 $3.333333430e-01, v9;
	v10 =	vld [tilespmem:s19+$0x0]  }
0x576: {  	v16 =	vld [tilespmem:s10+$0x4010];
	(v2sf) =	vpush v11, $0xA;
	v13 =	vadd.f32 v13, v14  }
0x577: {  	v14 =	vld [tilespmem:s11+$0x4010];
	v9 =	vadd.f32 v9, v18  }
0x578: {  	v17 =	vld [tilespmem:s31+$0x10];
	(v2sf) =	vpush v11, $0xB;
	v13 =	vmul.f32 $3.333333430e-01, v13  }
0x579: {  	s20 =	spop (v2sf);
	v18 =	vld [tilespmem:s12+$0x4010];
	[tilespmem:s7+$0xFFFFFFE0] =	vst v9  }
0x57a: {  	s21 =	spop (v2sf);
	v9 =	vld [tilespmem:s20+$0x4000];
	v10 =	vadd.f32 v13, v10  }
0x57b: {  	s22 =	spop (v2sf);
	v13 =	vld [tilespmem:s21+$0x4000]  }
0x57c: {  	(v2sf) =	vpush v8, $0x4;
	v14 =	vadd.f32 v14, v16;
	v16 =	vld [tilespmem:s22+$0x4000];
	[tilespmem:s13+$0x70] =	vst v10  }
0x57d: {  	(v2sf) =	vpush v8, $0x5;
	v10 =	vld [tilespmem:s14+$0x4010]  }
0x57e: {  	v14 =	vadd.f32 v18, v14;
	v18 =	vld [tilespmem:s16+$0x4010];
	s23 =	spop (v2sf)  }
0x57f: {  	(v2sf) =	vpush v8, $0x6;
	v19 =	vld [tilespmem:s23+$0x4000]  }
0x580: {  	s24 =	spop (v2sf);
	v14 =	vmul.f32 $3.333333430e-01, v14;
	v9 =	vadd.f32 v13, v9;
	v13 =	vld [tilespmem:s17+$0x4010]  }
0x581: {  	s25 =	spop (v2sf);
	v20 =	vld [tilespmem:s24+$0x0]  }
0x582: {  	v21 =	vld [tilespmem:s25+$0x4000];
	s26 =	spop (v2sf);
	v14 =	vadd.f32 v14, v17;
	v9 =	vadd.f32 v16, v9  }
0x583: {  	(v2sf) =	vpush v3, $0xC;
	v16 =	vld [tilespmem:s26+$0x4000];
	s28 =	spop (v2sf);
	v10 =	vadd.f32 v18, v10  }
0x584: {  	[tilespmem:s8+$0xFFFFFF60] =	vst v14;
	s29 =	spop (v2sf);
	v9 =	vmul.f32 $3.333333430e-01, v9;
	v14 =	vld [tilespmem:s19+$0x10]  }
0x585: {  	v17 =	vld [tilespmem:s29+$0x4000];
	s30 =	spop (v2sf);
	v10 =	vadd.f32 v13, v10  }
0x586: {  	v13 =	vld [tilespmem:s30+$0x4000];
	v9 =	vadd.f32 v9, v20  }
0x587: {  	(v2sf) =	vpush v7, $0x8;
	v18 =	vld [tilespmem:s28+$0x0];
	s31 =	spop (v2sf);
	v10 =	vmul.f32 $3.333333430e-01, v10  }
0x588: {  	(v2sf) =	vpush v7, $0x9;
	v20 =	vld [tilespmem:s31+$0x4000];
	[tilespmem:s7+$0xFFFFFFF0] =	vst v9  }
0x589: {  	v22 =	vld [tilespmem:s20+$0x4010];
	v9 =	vadd.f32 v10, v14;
	v10 =	vadd.f32 v16, v21  }
0x58a: {  	(v2sf) =	vpush v7, $0xA;
	v14 =	vld [tilespmem:s21+$0x4010]  }
0x58b: {  	s6 =	spop (v2sf);
	v16 =	vld [tilespmem:s22+$0x4010];
	[tilespmem:s13+$0x80] =	vst v9;
	v9 =	vadd.f32 v19, v10;
	v10 =	vadd.f32 v13, v17  }
0x58c: {  	s11 =	spop (v2sf);
	v13 =	vld [tilespmem:s6+$0x4000]  }
0x58d: {  	v17 =	vld [tilespmem:s11+$0x4000];
	v19 =	vmul.f32 $3.333333430e-01, v9;
	v10 =	vadd.f32 v20, v10  }
0x58e: {  	(v2sf) =	vpush v1, $0x8;
	s17 =	spop (v2sf);
	v21 =	vld [tilespmem:s24+$0x10]  }
0x58f: {  	v20 =	vld [tilespmem:s17+$0x4000];
	v14 =	vadd.f32 v14, v22;
	v15 =	vadd.f32 v19, v15;
	v19 =	vmul.f32 $3.333333430e-01, v10  }
0x590: {  	s14 =	simm.s32 $0x12790;
	v9 =	vld [tilespmem:s15+$0xFFFFFFF0]  }
0x591: {  	v10 =	vld [tilespmem:s15+$0x0];
	v14 =	vadd.f32 v16, v14;
	[tilespmem:s14+$0xFFFFFF10] =	vst v15;
	v15 =	vadd.f32 v19, v18  }
0x592: {  	v13 =	vadd.f32 v17, v13;
	v16 =	vld [tilespmem:s18+$0x10];
	s18 =	spop (v2sf)  }
0x593: {  	(v2sf) =	vpush v11, $0xC;
	v14 =	vmul.f32 $3.333333430e-01, v14;
	[tilespmem:s8+$0xFFFFFF70] =	vst v15;
	v15 =	vld [tilespmem:s18+$0x0]  }
0x594: {  	(v2sf) =	vpush v11, $0xD;
	v13 =	vadd.f32 v20, v13;
	v17 =	vld [tilespmem:s29+$0x4010]  }
0x595: {  	(v2sf) =	vpush v0, $0x4;
	v18 =	vld [tilespmem:s30+$0x4010];
	v14 =	vadd.f32 v14, v21  }
0x596: {  	(v2sf) =	vpush v11, $0xE;
	v19 =	vld [tilespmem:s28+$0x10];
	v13 =	vmul.f32 $3.333333430e-01, v13  }
0x597: {  	s19 =	spop (v2sf);
	v20 =	vld [tilespmem:s31+$0x4010];
	[tilespmem:s7+$0x0] =	vst v14  }
0x598: {  	s20 =	spop (v2sf);
	v14 =	vld [tilespmem:s19+$0x4000];
	v13 =	vadd.f32 v13, v15  }
0x599: {  	s21 =	spop (v2sf);
	v15 =	vld [tilespmem:s20+$0x4000]  }
0x59a: {  	(v2sf) =	vpush v8, $0x7;
	v17 =	vadd.f32 v18, v17;
	v18 =	vld [tilespmem:s21+$0x4000];
	[tilespmem:s13+$0x90] =	vst v13  }
0x59b: {  	(v2sf) =	vpush v8, $0x8;
	v13 =	vld [tilespmem:s6+$0x4010]  }
0x59c: {  	v17 =	vadd.f32 v20, v17;
	v20 =	vld [tilespmem:s11+$0x4010]  }
0x59d: {  	v23 =	vld [tilespmem:s25+$0x4010];
	(v2sf) =	vpush v8, $0x9  }
0x59e: {  	s22 =	spop (v2sf);
	v17 =	vmul.f32 $3.333333430e-01, v17;
	v14 =	vadd.f32 v15, v14;
	v15 =	vld [tilespmem:s17+$0x4010]  }
0x59f: {  	(v2sf) =	vpush v2, $0x1;
	v22 =	vld [tilespmem:s22+$0x0]  }
0x5a0: {  	v21 =	vld [tilespmem:s23+$0x4010];
	v17 =	vadd.f32 v17, v19;
	v14 =	vadd.f32 v18, v14  }
0x5a1: {  	(v2sf) =	vpush v3, $0xD;
	v18 =	vld [tilespmem:s26+$0x4010];
	v13 =	vadd.f32 v20, v13  }
0x5a2: {  	s23 =	spop (v2sf);
	[tilespmem:s8+$0xFFFFFF80] =	vst v17;
	v14 =	vmul.f32 $3.333333430e-01, v14;
	v17 =	vld [tilespmem:s18+$0x10]  }
0x5a3: {  	s24 =	spop (v2sf);
	v19 =	vld [tilespmem:s23+$0x4000];
	v13 =	vadd.f32 v15, v13  }
0x5a4: {  	s25 =	spop (v2sf);
	v15 =	vld [tilespmem:s24+$0x4000];
	v14 =	vadd.f32 v14, v22  }
0x5a5: {  	(v2sf) =	vpush v7, $0xB;
	s26 =	spop (v2sf);
	v20 =	vld [tilespmem:s25+$0x0];
	v13 =	vmul.f32 $3.333333430e-01, v13  }
0x5a6: {  	(v2sf) =	vpush v7, $0xC;
	v22 =	vld [tilespmem:s26+$0x4000];
	[tilespmem:s7+$0x10] =	vst v14  }
0x5a7: {  	v14 =	vadd.f32 v18, v23;
	v18 =	vld [tilespmem:s19+$0x4010];
	v13 =	vadd.f32 v13, v17  }
0x5a8: {  	(v2sf) =	vpush v7, $0xD;
	v17 =	vld [tilespmem:s20+$0x4010]  }
0x5a9: {  	s28 =	spop (v2sf);
	v14 =	vadd.f32 v21, v14;
	v15 =	vadd.f32 v15, v19;
	v19 =	vld [tilespmem:s21+$0x4010];
	[tilespmem:s13+$0xA0] =	vst v13  }
0x5aa: {  	s29 =	spop (v2sf);
	v21 =	vld [tilespmem:s28+$0x4000]  }
0x5ab: {  	v13 =	vmul.f32 $3.333333430e-01, v14;
	v14 =	vadd.f32 v22, v15;
	v15 =	vld [tilespmem:s29+$0x4000]  }
0x5ac: {  	(v2sf) =	vpush v1, $0x9;
	s30 =	spop (v2sf)  }
0x5ad: {  	v13 =	vadd.f32 v13, v16;
	v14 =	vmul.f32 $3.333333430e-01, v14;
	v16 =	vadd.f32 v17, v18;
	v17 =	vld [tilespmem:s30+$0x4000]  }
0x5ae: {  	(v2sf) =	vpush v6, $0x5  }
0x5af: {  	(v2sf) =	vpush v6, $0x3;
	s0 =	spop (v2sf);
	v18 =	vld [tilespmem:s22+$0x10];
	v14 =	vadd.f32 v14, v20  }
0x5b0: {  	s31 =	spop (v2sf);
	v16 =	vadd.f32 v19, v16;
	v15 =	vadd.f32 v15, v21  }
0x5b1: {  	(v2sf) =	vpush v6, $0x4;
	[tilespmem:s8+$0xFFFFFF90] =	vst v14;
	v14 =	vld [tilespmem:s31+$0x0]  }
0x5b2: {  	(v2sf) =	vpush v11, $0xF;
	v11 =	vmul.f32 $3.333333430e-01, v16;
	v15 =	vadd.f32 v17, v15;
	_ =	sdelay $0x1  }
0x5b3: {  	v11 =	vadd.f32 v11, v18;
	v15 =	vmul.f32 $3.333333430e-01, v15  }
0x5b4: {  	s6 =	spop (v2sf);
	[tilespmem:s14+$0xFFFFFF20] =	vst v13  }
0x5b5: {  	s9 =	spop (v2sf);
	v13 =	vld [tilespmem:s0+$0x0];
	[tilespmem:s7+$0x20] =	vst v11;
	v11 =	vadd.f32 v15, v14;
	v15 =	vshll.u32 v12, $0x5  }
0x5b6: {  	s10 =	spop (v2sf);
	v16 =	vld [tilespmem:s23+$0x4010];
	(v2sf) =	vpush v15, $0x0  }
0x5b7: {  	v17 =	vld [tilespmem:s24+$0x4010];
	(v2sf) =	vpush v0, $0x5  }
0x5b8: {  	v19 =	vld [tilespmem:s25+$0x10];
	(v2sf) =	vpush v15, $0x1  }
0x5b9: {  	v18 =	vld [tilespmem:s26+$0x4010]  }
0x5ba: {  	v20 =	vld [tilespmem:s6+$0x4000]  }
0x5bb: {  	v14 =	vld [tilespmem:s9+$0x4000]  }
0x5bc: {  	s4 =	spop (v2sf);
	v12 =	vadd.f32 v17, v16;
	v17 =	vld [tilespmem:s10+$0x4000];
	[tilespmem:s13+$0xB0] =	vst v11;
	(v2sf) =	vpush v8, $0xA  }
0x5bd: {  	v21 =	vld [tilespmem:s28+$0x4010];
	(v2sf) =	vpush v8, $0xB  }
0x5be: {  	v12 =	vadd.f32 v18, v12;
	v22 =	vld [tilespmem:s29+$0x4010]  }
0x5bf: {  	v16 =	vld [tilespmem:s4+$0x0];
	(v2sf) =	vpush v8, $0xC  }
0x5c0: {  	s1 =	spop (v2sf);
	v18 =	vld [tilespmem:s30+$0x4010];
	v23 =	vmul.f32 $3.333333430e-01, v12;
	v14 =	vadd.f32 v14, v20  }
0x5c1: {  	s5 =	spop (v2sf);
	v11 =	vld [tilespmem:s1+$0x4000]  }
0x5c2: {  	s3 =	spop (v2sf);
	v12 =	vld [tilespmem:s5+$0x4000];
	v20 =	vadd.f32 v23, v19;
	v23 =	vadd.f32 v17, v14  }
0x5c3: {  	v14 =	vld [tilespmem:s3+$0x4000];
	(v2sf) =	vpush v3, $0xE;
	v19 =	vadd.f32 v22, v21  }
0x5c4: {  	s2 =	simm.s32 $0x100;
	s11 =	spop (v2sf);
	v17 =	vld [tilespmem:s31+$0x10];
	[tilespmem:s8+$0xFFFFFFA0] =	vst v20;
	v20 =	vmul.f32 $3.333333430e-01, v23  }
.LBB2_9:
0x5c5: {  	p1 =	sne.s32 s2, $0x3C0;
	v21 =	vld [tilespmem:s11+$0x4000];
	s17 =	spop (v2sf);
	v18 =	vadd.f32 v18, v19  }
0x5c6: {  	v19 =	vld [tilespmem:s17+$0x4000];
	s16 =	spop (v2sf);
	v16 =	vadd.f32 v20, v16  }
0x5c7: {  	v20 =	vld [tilespmem:s16+$0x0];
	s12 =	spop (v2sf);
	(v2sf) =	vpush v7, $0xE;
	v18 =	vmul.f32 $3.333333430e-01, v18  }
0x5c8: {  	v22 =	vld [tilespmem:s12+$0x4000];
	[tilespmem:s7+$0x30] =	vst v16;
	(v2sf) =	vpush v7, $0xF;
	v7 =	vmov v15  }
0x5c9: {  	v12 =	vadd.f32 v14, v12;
	v14 =	vshll.u32 v5, $0x5;
	v5 =	vmovc v4;
	v4 =	vmovc v10;
	v15 =	vld [tilespmem:s6+$0x4010];
	v16 =	vadd.f32 v18, v17  }
0x5ca: {  	v10 =	vld [tilespmem:s9+$0x4010];
	(v2sf) =	vpush v14, $0x0  }
0x5cb: {  	v11 =	vadd.f32 v11, v12;
	v12 =	vadd.f32 v19, v21;
	v17 =	vld [tilespmem:s10+$0x4010];
	[tilespmem:s13+$0xC0] =	vst v16;
	s18 =	spop (v2sf)  }
0x5cc: {  	v16 =	vld [tilespmem:s18+$0x4000];
	s10 =	spop (v2sf)  }
0x5cd: {  	s6 =	sshra.s32 s2, $0x2;
	v18 =	vmul.f32 $3.333333430e-01, v11;
	v12 =	vadd.f32 v22, v12;
	v19 =	vld [tilespmem:s10+$0x4000]  }
0x5ce: {  	v11 =	vld [tilespmem:s6+$0x16300];
	(v2sf) =	vpush v1, $0xA;
	s9 =	spop (v2sf)  }
0x5cf: {  	v13 =	vadd.f32 v18, v13;
	v12 =	vmul.f32 $3.333333430e-01, v12;
	v15 =	vadd.f32 v10, v15;
	v18 =	vld [tilespmem:s9+$0x4000]  }
0x5d0: {  	s15 =	sadd.s32 $0x30, s15;
	v21 =	vld [tilespmem:s4+$0x10]  }
0x5d1: {  	v10 =	vld [tilespmem:s15+$0xFFFFFFE0];
	[tilespmem:s14+$0xFFFFFF30] =	vst v13;
	v12 =	vadd.f32 v12, v20;
	v13 =	vadd.f32 v17, v15  }
0x5d2: {  	v15 =	vld [tilespmem:s5+$0x4010];
	v16 =	vadd.f32 v19, v16;
	s5 =	spop (v2sf)  }
0x5d3: {  	[tilespmem:s8+$0xFFFFFFB0] =	vst v12;
	(v2sf) =	vpush v7, $0x2;
	v12 =	vmul.f32 $3.333333430e-01, v13;
	v13 =	vld [tilespmem:s5+$0x0]  }
0x5d4: {  	v17 =	vld [tilespmem:s11+$0x4010];
	(v2sf) =	vpush v7, $0x3;
	v16 =	vadd.f32 v18, v16  }
0x5d5: {  	v18 =	vld [tilespmem:s17+$0x4010];
	(v2sf) =	vpush v0, $0x6;
	v12 =	vadd.f32 v12, v21  }
0x5d6: {  	v19 =	vld [tilespmem:s16+$0x10];
	(v2sf) =	vpush v7, $0x4;
	s4 =	spop (v2sf);
	v16 =	vmul.f32 $3.333333430e-01, v16  }
0x5d7: {  	v20 =	vld [tilespmem:s12+$0x4010];
	[tilespmem:s7+$0x40] =	vst v12;
	s6 =	spop (v2sf)  }
0x5d8: {  	v12 =	vld [tilespmem:s4+$0x4000];
	v13 =	vadd.f32 v16, v13  }
0x5d9: {  	v16 =	vld [tilespmem:s6+$0x4000];
	s11 =	spop (v2sf)  }
0x5da: {  	v17 =	vadd.f32 v18, v17;
	v18 =	vld [tilespmem:s11+$0x4000];
	[tilespmem:s13+$0xD0] =	vst v13;
	(v2sf) =	vpush v8, $0xD  }
0x5db: {  	v13 =	vld [tilespmem:s18+$0x4010];
	(v2sf) =	vpush v8, $0xE  }
0x5dc: {  	(v2sf) =	vpush v2, $0x2;
	v17 =	vadd.f32 v20, v17;
	v20 =	vld [tilespmem:s10+$0x4010]  }
0x5dd: {  	v21 =	vld [tilespmem:s3+$0x4010];
	s3 =	spop (v2sf);
	(v2sf) =	vpush v8, $0xF;
	v8 =	vmov v14  }
0x5de: {  	(v2sf) =	vpush v6, $0x6;
	v14 =	vmul.f32 $3.333333430e-01, v17;
	v12 =	vadd.f32 v16, v12;
	v16 =	vld [tilespmem:s9+$0x4010]  }
0x5df: {  	(v2sf) =	vpush v6, $0x7;
	v17 =	vld [tilespmem:s3+$0x0]  }
0x5e0: {  	v22 =	vld [tilespmem:s1+$0x4010];
	v14 =	vadd.f32 v14, v19;
	v12 =	vadd.f32 v18, v12  }
0x5e1: {  	v18 =	vld [tilespmem:s0+$0x10];
	v13 =	vadd.f32 v20, v13;
	(v2sf) =	vpush v3, $0xF;
	v3 =	vmovc v1;
	v1 =	vmovc v0;
	v0 =	vmov v2  }
0x5e2: {  	(v2sf) =	vpush v6, $0x8;
	[tilespmem:s8+$0xFFFFFFC0] =	vst v14;
	s0 =	spop (v2sf);
	v2 =	vmul.f32 $3.333333430e-01, v12;
	v12 =	vld [tilespmem:s5+$0x10]  }
0x5e3: {  	v14 =	vadd.f32 v21, v15;
	v15 =	vld [tilespmem:s0+$0x4000];
	s5 =	spop (v2sf);
	v13 =	vadd.f32 v16, v13  }
0x5e4: {  	v16 =	vld [tilespmem:s5+$0x4000];
	s10 =	spop (v2sf);
	v2 =	vadd.f32 v2, v17  }
0x5e5: {  	v14 =	vadd.f32 v22, v14;
	v17 =	vld [tilespmem:s10+$0x0];
	s17 =	spop (v2sf);
	v13 =	vmul.f32 $3.333333430e-01, v13  }
0x5e6: {  	v19 =	vld [tilespmem:s17+$0x4000];
	[tilespmem:s7+$0x50] =	vst v2  }
0x5e7: {  	v2 =	vmul.f32 $3.333333430e-01, v14;
	v14 =	vld [tilespmem:s11+$0x4010];
	(v2sf) =	vpush v8, $0x1;
	v12 =	vadd.f32 v13, v12  }
0x5e8: {  	v13 =	vld [tilespmem:s4+$0x4010];
	(v2sf) =	vpush v8, $0x2  }
0x5e9: {  	v2 =	vadd.f32 v2, v18;
	v15 =	vadd.f32 v16, v15;
	v16 =	vld [tilespmem:s6+$0x4010];
	[tilespmem:s13+$0xE0] =	vst v12;
	s6 =	spop (v2sf)  }
0x5ea: {  	v12 =	vld [tilespmem:s6+$0x4000];
	s11 =	spop (v2sf)  }
0x5eb: {  	[tilespmem:s14+$0xFFFFFF40] =	vst v2;
	s1 =	spop (v2sf);
	v15 =	vadd.f32 v19, v15;
	(v2sf) =	vpush v8, $0x3;
	v18 =	vld [tilespmem:s11+$0x4000]  }
0x5ec: {  	v2 =	vshll.u32 v11, $0x5;
	v19 =	vld [tilespmem:s1+$0x0];
	s16 =	spop (v2sf)  }
0x5ed: {  	(v2sf) =	vpush v2, $0x0;
	s9 =	spop (v2sf);
	v11 =	vmul.f32 $3.333333430e-01, v15;
	v15 =	vld [tilespmem:s16+$0x4000]  }
0x5ee: {  	v20 =	vld [tilespmem:s9+$0x4000];
	s4 =	spop (v2sf);
	v13 =	vadd.f32 v16, v13  }
0x5ef: {  	v11 =	vadd.f32 v11, v17;
	v16 =	vld [tilespmem:s3+$0x10];
	(v2sf) =	vpush v3, $0xB  }
0x5f0: {  	v17 =	vld [tilespmem:s4+$0x4000];
	v13 =	vadd.f32 v14, v13;
	v12 =	vadd.f32 v18, v12;
	s12 =	spop (v2sf)  }
0x5f1: {  	s3 =	spop (v2sf);
	v14 =	vld [tilespmem:s12+$0x0]  }
0x5f2: {  	v18 =	vld [tilespmem:s3+$0x4000];
	[tilespmem:s8+$0xFFFFFFD0] =	vst v11;
	v11 =	vmul.f32 $3.333333430e-01, v13;
	v12 =	vadd.f32 v15, v12  }
0x5f3: {  	v13 =	vld [tilespmem:s10+$0x10]  }
0x5f4: {  	v15 =	vld [tilespmem:s17+$0x4010];
	(v2sf) =	vpush v7, $0x5;
	v11 =	vadd.f32 v11, v16;
	v12 =	vmul.f32 $3.333333430e-01, v12  }
0x5f5: {  	v16 =	vadd.f32 v17, v20;
	v17 =	vld [tilespmem:s0+$0x4010];
	(v2sf) =	vpush v7, $0x6  }
0x5f6: {  	v20 =	vld [tilespmem:s5+$0x4010];
	(v2sf) =	vpush v7, $0x7;
	[tilespmem:s7+$0x60] =	vst v11;
	s10 =	spop (v2sf);
	v12 =	vadd.f32 v12, v14  }
0x5f7: {  	v14 =	vadd.f32 v18, v16;
	v16 =	vld [tilespmem:s10+$0x4000];
	s5 =	spop (v2sf)  }
0x5f8: {  	v11 =	vshll.u32 v10, $0x5;
	v10 =	vld [tilespmem:s5+$0x4000];
	[tilespmem:s13+$0xF0] =	vst v12  }
0x5f9: {  	(v2sf) =	vpush v11, $0x2;
	v12 =	vmul.f32 $3.333333430e-01, v14;
	v14 =	vld [tilespmem:s6+$0x4010]  }
0x5fa: {  	(v2sf) =	vpush v1, $0x7;
	s6 =	spop (v2sf);
	v18 =	vld [tilespmem:s11+$0x4010]  }
0x5fb: {  	v12 =	vadd.f32 v12, v19;
	v17 =	vadd.f32 v20, v17;
	v19 =	vld [tilespmem:s6+$0x4000]  }
0x5fc: {  	s0 =	spop (v2sf);
	(v2sf) =	vpush v11, $0x0;
	v20 =	vld [tilespmem:s16+$0x4010]  }
0x5fd: {  	v21 =	vld [tilespmem:s0+$0x0];
	(v2sf) =	vpush v11, $0x1;
	[tilespmem:s14+$0xFFFFFF50] =	vst v12;
	v12 =	vadd.f32 v15, v17  }
0x5fe: {  	v10 =	vadd.f32 v10, v16;
	v15 =	vld [tilespmem:s9+$0x4010];
	(v2sf) =	vpush v0, $0x3;
	s9 =	spop (v2sf)  }
0x5ff: {  	(v2sf) =	vpush v6, $0x9;
	v12 =	vmul.f32 $3.333333430e-01, v12;
	v16 =	vld [tilespmem:s9+$0x0];
	v14 =	vadd.f32 v18, v14  }
0x600: {  	(v2sf) =	vpush v6, $0xA;
	v10 =	vadd.f32 v19, v10;
	v17 =	vld [tilespmem:s12+$0x10]  }
0x601: {  	v18 =	vld [tilespmem:s4+$0x4010];
	v12 =	vadd.f32 v12, v13;
	v13 =	vadd.f32 v20, v14  }
0x602: {  	v14 =	vld [tilespmem:s1+$0x10];
	(v2sf) =	vpush v6, $0xB;
	v10 =	vmul.f32 $3.333333430e-01, v10  }
0x603: {  	v19 =	vld [tilespmem:s3+$0x4010];
	[tilespmem:s8+$0xFFFFFFE0] =	vst v12;
	s11 =	spop (v2sf);
	v12 =	vmul.f32 $3.333333430e-01, v13  }
0x604: {  	v13 =	vld [tilespmem:s11+$0x4000];
	s16 =	spop (v2sf);
	v10 =	vadd.f32 v10, v16  }
0x605: {  	v16 =	vld [tilespmem:s16+$0x4000];
	s12 =	spop (v2sf);
	v12 =	vadd.f32 v12, v17  }
0x606: {  	v15 =	vadd.f32 v18, v15;
	v17 =	vld [tilespmem:s12+$0x4000];
	[tilespmem:s7+$0x70] =	vst v10;
	(v2sf) =	vpush v8, $0x4  }
0x607: {  	v10 =	vld [tilespmem:s10+$0x4010];
	(v2sf) =	vpush v8, $0x5;
	[tilespmem:s13+$0x100] =	vst v12;
	s13 =	smov.u32 s7;
	s7 =	smov.u32 s8;
	s8 =	smov.u32 s14  }
0x608: {  	s1 =	spop (v2sf);
	v12 =	vadd.f32 v19, v15;
	v15 =	vld [tilespmem:s5+$0x4010]  }
0x609: {  	v18 =	vld [tilespmem:s1+$0x4000];
	s10 =	spop (v2sf);
	(v2sf) =	vpush v8, $0x6  }
0x60a: {  	v12 =	vmul.f32 $3.333333430e-01, v12;
	v13 =	vadd.f32 v16, v13;
	v16 =	vld [tilespmem:s6+$0x4010]  }
0x60b: {  	s3 =	spop (v2sf);
	v19 =	vld [tilespmem:s10+$0x0]  }
0x60c: {  	v20 =	vld [tilespmem:s3+$0x4000];
	s4 =	spop (v2sf);
	v12 =	vadd.f32 v12, v14;
	v13 =	vadd.f32 v17, v13  }
0x60d: {  	v14 =	vld [tilespmem:s4+$0x4000];
	s5 =	spop (v2sf);
	v10 =	vadd.f32 v15, v10;
	(v2sf) =	vpush v3, $0xC  }
0x60e: {  	[tilespmem:s14+$0xFFFFFF60] =	vst v12;
	s17 =	spop (v2sf);
	v12 =	vmul.f32 $3.333333430e-01, v13;
	v13 =	vld [tilespmem:s9+$0x10]  }
0x60f: {  	v15 =	vld [tilespmem:s17+$0x4000];
	s9 =	spop (v2sf);
	v10 =	vadd.f32 v16, v10  }
0x610: {  	v16 =	vld [tilespmem:s9+$0x4000];
	v12 =	vadd.f32 v12, v19  }
0x611: {  	v17 =	vld [tilespmem:s5+$0x0];
	s6 =	spop (v2sf);
	(v2sf) =	vpush v7, $0x8;
	v10 =	vmul.f32 $3.333333430e-01, v10  }
0x612: {  	v19 =	vld [tilespmem:s6+$0x4000];
	[tilespmem:s7+$0xFFFFFFF0] =	vst v12;
	(v2sf) =	vpush v7, $0x9  }
0x613: {  	v12 =	vadd.f32 v14, v20;
	v14 =	vld [tilespmem:s11+$0x4010];
	v10 =	vadd.f32 v10, v13  }
0x614: {  	v13 =	vld [tilespmem:s16+$0x4010];
	(v2sf) =	vpush v7, $0xA  }
0x615: {  	v12 =	vadd.f32 v18, v12;
	v15 =	vadd.f32 v16, v15;
	v16 =	vld [tilespmem:s12+$0x4010];
	[tilespmem:s13+$0x80] =	vst v10;
	s18 =	spop (v2sf)  }
0x616: {  	v18 =	vld [tilespmem:s18+$0x4000];
	s11 =	spop (v2sf)  }
0x617: {  	v10 =	vmul.f32 $3.333333430e-01, v12;
	v15 =	vadd.f32 v19, v15;
	v19 =	vld [tilespmem:s11+$0x4000]  }
0x618: {  	v12 =	vld [tilespmem:s15+$0xFFFFFFF0];
	(v2sf) =	vpush v1, $0x8;
	s12 =	spop (v2sf)  }
0x619: {  	v20 =	vadd.f32 v10, v21;
	v15 =	vmul.f32 $3.333333430e-01, v15;
	v13 =	vadd.f32 v13, v14;
	v14 =	vld [tilespmem:s12+$0x4000]  }
0x61a: {  	s14 =	sadd.s32 $0x200, s14;
	v21 =	vld [tilespmem:s10+$0x10]  }
0x61b: {  	v10 =	vld [tilespmem:s15+$0x0];
	[tilespmem:s14+$0xFFFFFF10] =	vst v20;
	v15 =	vadd.f32 v15, v17;
	v13 =	vadd.f32 v16, v13  }
0x61c: {  	v16 =	vld [tilespmem:s0+$0x10];
	v17 =	vadd.f32 v19, v18;
	s16 =	spop (v2sf)  }
0x61d: {  	[tilespmem:s8+$0xFFFFFF70] =	vst v15;
	(v2sf) =	vpush v6, $0xC;
	v13 =	vmul.f32 $3.333333430e-01, v13;
	v15 =	vld [tilespmem:s16+$0x0]  }
0x61e: {  	v18 =	vld [tilespmem:s17+$0x4010];
	(v2sf) =	vpush v6, $0xD;
	v14 =	vadd.f32 v14, v17  }
0x61f: {  	v17 =	vld [tilespmem:s9+$0x4010];
	(v2sf) =	vpush v0, $0x4;
	v13 =	vadd.f32 v13, v21  }
0x620: {  	v19 =	vld [tilespmem:s5+$0x10];
	(v2sf) =	vpush v6, $0xE;
	s0 =	spop (v2sf);
	v14 =	vmul.f32 $3.333333430e-01, v14  }
0x621: {  	v20 =	vld [tilespmem:s6+$0x4010];
	[tilespmem:s7+$0x0] =	vst v13;
	s9 =	spop (v2sf)  }
0x622: {  	v13 =	vld [tilespmem:s0+$0x4000];
	v14 =	vadd.f32 v14, v15  }
0x623: {  	v15 =	vld [tilespmem:s9+$0x4000];
	s10 =	spop (v2sf)  }
0x624: {  	v17 =	vadd.f32 v17, v18;
	v18 =	vld [tilespmem:s10+$0x4000];
	[tilespmem:s13+$0x90] =	vst v14;
	(v2sf) =	vpush v8, $0x7  }
0x625: {  	v14 =	vld [tilespmem:s18+$0x4010];
	(v2sf) =	vpush v8, $0x8  }
0x626: {  	v17 =	vadd.f32 v20, v17;
	v20 =	vld [tilespmem:s11+$0x4010]  }
0x627: {  	v21 =	vld [tilespmem:s1+$0x4010];
	s1 =	spop (v2sf);
	(v2sf) =	vpush v8, $0x9  }
0x628: {  	v17 =	vmul.f32 $3.333333430e-01, v17;
	v13 =	vadd.f32 v15, v13;
	v15 =	vld [tilespmem:s12+$0x4010]  }
0x629: {  	(v2sf) =	vpush v2, $0x1;
	v22 =	vld [tilespmem:s1+$0x0]  }
0x62a: {  	v23 =	vld [tilespmem:s3+$0x4010];
	v17 =	vadd.f32 v17, v19;
	v13 =	vadd.f32 v18, v13  }
0x62b: {  	v18 =	vld [tilespmem:s4+$0x4010];
	v14 =	vadd.f32 v20, v14;
	(v2sf) =	vpush v3, $0xD  }
0x62c: {  	[tilespmem:s8+$0xFFFFFF80] =	vst v17;
	s3 =	spop (v2sf);
	v13 =	vmul.f32 $3.333333430e-01, v13;
	v17 =	vld [tilespmem:s16+$0x10]  }
0x62d: {  	v19 =	vld [tilespmem:s3+$0x4000];
	s6 =	spop (v2sf);
	v14 =	vadd.f32 v15, v14  }
0x62e: {  	v15 =	vld [tilespmem:s6+$0x4000];
	s5 =	spop (v2sf);
	v13 =	vadd.f32 v13, v22  }
0x62f: {  	v20 =	vld [tilespmem:s5+$0x0];
	s4 =	spop (v2sf);
	(v2sf) =	vpush v7, $0xB;
	v14 =	vmul.f32 $3.333333430e-01, v14  }
0x630: {  	v22 =	vld [tilespmem:s4+$0x4000];
	[tilespmem:s7+$0x10] =	vst v13;
	(v2sf) =	vpush v7, $0xC  }
0x631: {  	v13 =	vadd.f32 v18, v23;
	v18 =	vld [tilespmem:s0+$0x4010];
	v14 =	vadd.f32 v14, v17  }
0x632: {  	v17 =	vld [tilespmem:s9+$0x4010];
	(v2sf) =	vpush v7, $0xD  }
0x633: {  	v13 =	vadd.f32 v21, v13;
	v15 =	vadd.f32 v15, v19;
	v19 =	vld [tilespmem:s10+$0x4010];
	[tilespmem:s13+$0xA0] =	vst v14;
	s17 =	spop (v2sf)  }
0x634: {  	(v2sf) =	vpush v1, $0x9;
	v14 =	vld [tilespmem:s17+$0x4000];
	s11 =	spop (v2sf)  }
0x635: {  	v13 =	vmul.f32 $3.333333430e-01, v13;
	(v2sf) =	vpush v11, $0x5;
	v15 =	vadd.f32 v22, v15;
	v21 =	vld [tilespmem:s11+$0x4000]  }
0x636: {  	(v2sf) =	vpush v11, $0x3;
	s16 =	spop (v2sf)  }
0x637: {  	v13 =	vadd.f32 v13, v16;
	v15 =	vmul.f32 $3.333333430e-01, v15;
	v16 =	vadd.f32 v17, v18;
	v17 =	vld [tilespmem:s16+$0x4000]  }
0x638: {  	s0 =	spop (v2sf);
	(v2sf) =	vpush v11, $0x4;
	v18 =	vld [tilespmem:s1+$0x10]  }
0x639: {  	[tilespmem:s14+$0xFFFFFF20] =	vst v13;
	v20 =	vadd.f32 v15, v20;
	v16 =	vadd.f32 v19, v16  }
0x63a: {  	v13 =	vld [tilespmem:s0+$0x0];
	v14 =	vadd.f32 v21, v14;
	s12 =	spop (v2sf)  }
0x63b: {  	v15 =	vshll.u32 v9, $0x5;
	v9 =	vmovc v12;
	[tilespmem:s8+$0xFFFFFF90] =	vst v20;
	(v2sf) =	vpush v6, $0xF;
	v16 =	vmul.f32 $3.333333430e-01, v16;
	v19 =	vld [tilespmem:s12+$0x0];
	v6 =	vmovc v11  }
0x63c: {  	v11 =	vld [tilespmem:s3+$0x4010];
	(v2sf) =	vpush v15, $0x0;
	v12 =	vadd.f32 v17, v14  }
0x63d: {  	v14 =	vld [tilespmem:s6+$0x4010];
	(v2sf) =	vpush v0, $0x5;
	v16 =	vadd.f32 v16, v18  }
0x63e: {  	v17 =	vld [tilespmem:s5+$0x10];
	(v2sf) =	vpush v15, $0x1;
	s6 =	spop (v2sf);
	v12 =	vmul.f32 $3.333333430e-01, v12  }
0x63f: {  	v18 =	vld [tilespmem:s4+$0x4010];
	[tilespmem:s7+$0x20] =	vst v16;
	s9 =	spop (v2sf)  }
0x640: {  	v16 =	vld [tilespmem:s6+$0x4000];
	v12 =	vadd.f32 v12, v19  }
0x641: {  	v19 =	vld [tilespmem:s9+$0x4000];
	s10 =	spop (v2sf)  }
0x642: {  	v11 =	vadd.f32 v14, v11;
	v14 =	vld [tilespmem:s10+$0x4000];
	[tilespmem:s13+$0xB0] =	vst v12;
	(v2sf) =	vpush v8, $0xA  }
0x643: {  	s4 =	spop (v2sf);
	v20 =	vld [tilespmem:s17+$0x4010];
	(v2sf) =	vpush v8, $0xB  }
0x644: {  	s1 =	spop (v2sf);
	v12 =	vadd.f32 v18, v11;
	v21 =	vld [tilespmem:s11+$0x4010]  }
0x645: {  	v11 =	vld [tilespmem:s1+$0x4000];
	s5 =	spop (v2sf);
	(v2sf) =	vpush v8, $0xC  }
.Ltmp3:
0x646: {  	v22 =	vmul.f32 $3.333333430e-01, v12;
	v19 =	vadd.f32 v19, v16;
	v18 =	vld [tilespmem:s16+$0x4010];
	(pc) =	sbr.rel @p1 .LBB2_9-.Ltmp3, $4  }
0x647: {  	s3 =	spop (v2sf);
	v16 =	vld [tilespmem:s4+$0x0]  }
0x648: {  	v12 =	vld [tilespmem:s5+$0x4000];
	v17 =	vadd.f32 v22, v17;
	v22 =	vadd.f32 v14, v19  }
0x649: {  	v14 =	vld [tilespmem:s3+$0x4000];
	v19 =	vadd.f32 v21, v20;
	(v2sf) =	vpush v3, $0xE  }
0x64a: {  	s2 =	sadd.s32 $0x40, s2;
	[tilespmem:s8+$0xFFFFFFA0] =	vst v17;
	s11 =	spop (v2sf);
	v20 =	vmul.f32 $3.333333430e-01, v22;
	v17 =	vld [tilespmem:s12+$0x10]  }
0x64b: {  	v21 =	vld [tilespmem:s11+$0x4000];
	s2 =	spop (v2sf);
	v18 =	vadd.f32 v18, v19  }
0x64c: {  	v53 =	vld [tilespmem:s2+$0x4000];
	s12 =	spop (v2sf);
	v16 =	vadd.f32 v20, v16  }
0x64d: {  	(v2sf) =	vpush v7, $0xE;
	v54 =	vld [tilespmem:s12+$0x0];
	s15 =	spop (v2sf);
	v18 =	vmul.f32 $3.333333430e-01, v18  }
0x64e: {  	(v2sf) =	vpush v7, $0xF;
	v22 =	vld [tilespmem:s15+$0x4000];
	[tilespmem:s7+$0x30] =	vst v16  }
0x64f: {  	v55 =	vadd.f32 v14, v12;
	v16 =	vshll.u32 v5, $0x5;
	v56 =	vld [tilespmem:s6+$0x4010];
	v57 =	vadd.f32 v18, v17  }
0x650: {  	v58 =	vld [tilespmem:s9+$0x4010];
	(v2sf) =	vpush v16, $0x0  }
0x651: {  	v60 =	vld [tilespmem:s10+$0x4010];
	v7 =	vadd.f32 v11, v55;
	v59 =	vadd.f32 v53, v21;
	[tilespmem:s13+$0xC0] =	vst v57;
	s29 =	spop (v2sf)  }
0x652: {  	v12 =	vld [tilespmem:s29+$0x4000];
	s30 =	spop (v2sf)  }
0x653: {  	v7 =	vmul.f32 $3.333333430e-01, v7;
	v11 =	vadd.f32 v22, v59;
	v61 =	vld [tilespmem:s30+$0x4000]  }
0x654: {  	(v2sf) =	vpush v1, $0xA;
	s31 =	spop (v2sf)  }
0x655: {  	v7 =	vadd.f32 v7, v13;
	v5 =	vadd.f32 v58, v56;
	v11 =	vmul.f32 $3.333333430e-01, v11;
	v62 =	vld [tilespmem:s31+$0x4000]  }
0x656: {  	v63 =	vld [tilespmem:s4+$0x10]  }
0x657: {  	[tilespmem:s14+$0xFFFFFF30] =	vst v7;
	v5 =	vadd.f32 v60, v5;
	v21 =	vadd.f32 v11, v54  }
0x658: {  	v22 =	vld [tilespmem:s5+$0x4010];
	v12 =	vadd.f32 v61, v12;
	s5 =	spop (v2sf)  }
0x659: {  	(v2sf) =	vpush v15, $0x2;
	v5 =	vmul.f32 $3.333333430e-01, v5;
	[tilespmem:s8+$0xFFFFFFB0] =	vst v21;
	v23 =	vld [tilespmem:s5+$0x0]  }
0x65a: {  	(v2sf) =	vpush v15, $0x3;
	v24 =	vld [tilespmem:s11+$0x4010];
	v12 =	vadd.f32 v62, v12  }
0x65b: {  	v25 =	vld [tilespmem:s2+$0x4010];
	(v2sf) =	vpush v0, $0x6;
	v5 =	vadd.f32 v5, v63  }
0x65c: {  	v26 =	vld [tilespmem:s12+$0x10];
	(v2sf) =	vpush v15, $0x4;
	v12 =	vmul.f32 $3.333333430e-01, v12  }
0x65d: {  	s12 =	spop (v2sf);
	v27 =	vld [tilespmem:s15+$0x4010];
	[tilespmem:s7+$0x40] =	vst v5;
	(v2sf) =	vpush v8, $0xD  }
0x65e: {  	s16 =	spop (v2sf);
	v5 =	vld [tilespmem:s12+$0x4000];
	(v2sf) =	vpush v8, $0xE;
	v7 =	vadd.f32 v12, v23  }
0x65f: {  	v28 =	vld [tilespmem:s16+$0x4000];
	s17 =	spop (v2sf);
	(v2sf) =	vpush v2, $0x2  }
0x660: {  	v13 =	vadd.f32 v25, v24;
	v29 =	vld [tilespmem:s17+$0x4000];
	(v2sf) =	vpush v8, $0xF;
	[tilespmem:s13+$0xD0] =	vst v7  }
0x661: {  	v7 =	vld [tilespmem:s29+$0x4010]  }
0x662: {  	(v2sf) =	vpush v6, $0x6;
	v30 =	vadd.f32 v27, v13;
	v31 =	vld [tilespmem:s30+$0x4010]  }
0x663: {  	v32 =	vld [tilespmem:s3+$0x4010];
	(v2sf) =	vpush v6, $0x7  }
0x664: {  	s19 =	spop (v2sf);
	v33 =	vld [tilespmem:s31+$0x4010];
	v5 =	vadd.f32 v28, v5;
	(v2sf) =	vpush v3, $0xF;
	v8 =	vmul.f32 $3.333333430e-01, v30  }
0x665: {  	v34 =	vld [tilespmem:s19+$0x0];
	(v2sf) =	vpush v6, $0x8  }
0x666: {  	v35 =	vld [tilespmem:s1+$0x4010];
	v5 =	vadd.f32 v29, v5;
	v8 =	vadd.f32 v8, v26  }
0x667: {  	v36 =	vld [tilespmem:s0+$0x10];
	v7 =	vadd.f32 v31, v7  }
0x668: {  	v37 =	vld [tilespmem:s5+$0x10];
	v5 =	vmul.f32 $3.333333430e-01, v5;
	[tilespmem:s8+$0xFFFFFFC0] =	vst v8;
	s21 =	spop (v2sf)  }
0x669: {  	v11 =	vadd.f32 v32, v22;
	v38 =	vld [tilespmem:s21+$0x4000];
	s18 =	spop (v2sf);
	v7 =	vadd.f32 v33, v7  }
0x66a: {  	v3 =	vadd.f32 v5, v34;
	v39 =	vld [tilespmem:s18+$0x4000];
	s20 =	spop (v2sf)  }
0x66b: {  	v40 =	vadd.f32 v35, v11;
	v41 =	vld [tilespmem:s20+$0x0];
	s22 =	spop (v2sf);
	v7 =	vmul.f32 $3.333333430e-01, v7  }
0x66c: {  	[tilespmem:s7+$0x50] =	vst v3;
	v42 =	vld [tilespmem:s22+$0x4000];
	s23 =	spop (v2sf)  }
0x66d: {  	v43 =	vmul.f32 $3.333333430e-01, v40;
	v11 =	vld [tilespmem:s17+$0x4010];
	v44 =	vadd.f32 v7, v37;
	[dreg:$0x17] =	wrdreg s23;
	s24 =	spop (v2sf)  }
0x66e: {  	v12 =	vld [tilespmem:s12+$0x4010];
	[dreg:$0x16] =	wrdreg s24;
	s25 =	spop (v2sf)  }
0x66f: {  	v45 =	vadd.f32 v43, v36;
	v13 =	vld [tilespmem:s16+$0x4010];
	[tilespmem:s13+$0xE0] =	vst v44;
	s26 =	spop (v2sf)  }
0x670: {  	v3 =	vld [tilespmem:s23+$0x4000];
	[dreg:$0x18] =	wrdreg s26  }
0x671: {  	s28 =	spop (v2sf);
	[tilespmem:s14+$0xFFFFFF40] =	vst v45  }
0x672: {  	v46 =	vadd.f32 v39, v38;
	s29 =	spop (v2sf);
	v48 =	vld [tilespmem:s28+$0x4000]  }
0x673: {  	v49 =	vld [tilespmem:s29+$0x4000];
	s30 =	spop (v2sf)  }
0x674: {  	v5 =	vld [tilespmem:s24+$0x4000];
	v47 =	vadd.f32 v42, v46;
	[dreg:$0x15] =	wrdreg s30;
	s31 =	spop (v2sf)  }
0x675: {  	(v2sf) =	vpush v16, $0x1;
	v51 =	vld [tilespmem:s31+$0x4000]  }
0x676: {  	(v2sf) =	vpush v16, $0x2;
	v7 =	vmul.f32 $3.333333430e-01, v47  }
0x677: {  	(v2sf) =	vpush v16, $0x3  }
0x678: {  	v19 =	vadd.f32 v7, v41;
	v52 =	vadd.f32 v49, v48  }
0x679: {  	v50 =	vld [tilespmem:s25+$0x0]  }
0x67a: {  	(v2sf) =	vpush v1, $0xB;
	[tilespmem:s8+$0xFFFFFFD0] =	vst v19;
	v19 =	vadd.f32 v51, v52  }
0x67b: {  	(v2sf) =	vpush v15, $0x5  }
0x67c: {  	(v2sf) =	vpush v15, $0x6;
	v19 =	vmul.f32 $3.333333430e-01, v19  }
0x67d: {  	(v2sf) =	vpush v15, $0x7  }
0x67e: {  	v8 =	vld [tilespmem:s26+$0x4000];
	(v2sf) =	vpush v0, $0x7;
	v19 =	vadd.f32 v19, v50  }
0x67f: {  	v14 =	vld [tilespmem:s19+$0x10];
	(v2sf) =	vpush v2, $0x3  }
0x680: {  	v7 =	vld [tilespmem:s30+$0x0];
	(v2sf) =	vpush v6, $0x9;
	[tilespmem:s14+$0xFFFFFF50] =	vst v19  }
0x681: {  	(v2sf) =	vpush v6, $0xA;
	v19 =	vld [tilespmem:s28+$0x4010]  }
0x682: {  	v55 =	vld [tilespmem:s29+$0x4010]  }
0x683: {  	v53 =	vld [tilespmem:s20+$0x10];
	(v2sf) =	vpush v6, $0xB  }
0x684: {  	s9 =	spop (v2sf);
	v56 =	vld [tilespmem:s31+$0x4010]  }
0x685: {  	v54 =	vld [tilespmem:s22+$0x4010];
	[smem:$0x7E4] =	sst s9;
	s10 =	spop (v2sf)  }
0x686: {  	[smem:$0x7E5] =	sst s10;
	s11 =	spop (v2sf)  }
0x687: {  	[smem:$0x7E6] =	sst s11;
	v19 =	vadd.f32 v55, v19  }
0x688: {  	v57 =	vld [tilespmem:s25+$0x10]  }
0x689: {  	s12 =	spop (v2sf);
	v19 =	vadd.f32 v56, v19  }
0x68a: {  	s10 =	spop (v2sf)  }
0x68b: {  	s5 =	spop (v2sf);
	v19 =	vmul.f32 $3.333333430e-01, v19  }
0x68c: {  	s6 =	spop (v2sf)  }
0x68d: {  	s3 =	spop (v2sf);
	v19 =	vadd.f32 v19, v57  }
0x68e: {  	[smem:$0x7E7] =	sst s12;
	s15 =	spop (v2sf)  }
0x68f: {  	s16 =	spop (v2sf);
	[tilespmem:s14+$0xFFFFFF60] =	vst v19  }
0x690: {  	s17 =	spop (v2sf);
	v19 =	vld [tilespmem:s16+$0x4000]  }
0x691: {  	v58 =	vld [tilespmem:s17+$0x4000]  }
0x692: {  	s19 =	spop (v2sf)  }
0x693: {  	v59 =	vld [tilespmem:s19+$0x4000]  }
0x694: {  	(v2sf) =	vpush v16, $0x4  }
0x695: {  	(v2sf) =	vpush v16, $0x5  }
0x696: {  	v19 =	vadd.f32 v58, v19  }
0x697: {  	v60 =	vld [tilespmem:s15+$0x0]  }
0x698: {  	(v2sf) =	vpush v16, $0x6;
	v19 =	vadd.f32 v59, v19  }
0x699: {  	(v2sf) =	vpush v1, $0xC  }
0x69a: {  	(v2sf) =	vpush v15, $0x8;
	v19 =	vmul.f32 $3.333333430e-01, v19  }
0x69b: {  	(v2sf) =	vpush v15, $0x9  }
0x69c: {  	(v2sf) =	vpush v15, $0xA;
	v19 =	vadd.f32 v19, v60  }
0x69d: {  	(v2sf) =	vpush v0, $0x8  }
0x69e: {  	(v2sf) =	vpush v6, $0xC;
	[tilespmem:s14+$0xFFFFFF70] =	vst v19  }
0x69f: {  	(v2sf) =	vpush v6, $0xD;
	v19 =	vld [tilespmem:s16+$0x4010]  }
0x6a0: {  	(v2sf) =	vpush v2, $0x4;
	v61 =	vld [tilespmem:s17+$0x4010]  }
0x6a1: {  	(v2sf) =	vpush v6, $0xE  }
0x6a2: {  	v62 =	vld [tilespmem:s19+$0x4010]  }
0x6a3: {  	s0 =	spop (v2sf)  }
0x6a4: {  	[smem:$0x7E8] =	sst s0;
	s20 =	spop (v2sf)  }
0x6a5: {  	[smem:$0x7E9] =	sst s20;
	v19 =	vadd.f32 v61, v19  }
0x6a6: {  	v63 =	vld [tilespmem:s15+$0x10]  }
0x6a7: {  	s22 =	spop (v2sf);
	v19 =	vadd.f32 v62, v19  }
0x6a8: {  	s23 =	spop (v2sf)  }
0x6a9: {  	s16 =	spop (v2sf);
	v19 =	vmul.f32 $3.333333430e-01, v19  }
0x6aa: {  	s12 =	spop (v2sf)  }
0x6ab: {  	[smem:$0x7EA] =	sst s22;
	s11 =	spop (v2sf);
	v19 =	vadd.f32 v19, v63  }
0x6ac: {  	[smem:$0x7EB] =	sst s23;
	s9 =	spop (v2sf)  }
0x6ad: {  	s24 =	spop (v2sf);
	[tilespmem:s14+$0xFFFFFF80] =	vst v19  }
0x6ae: {  	s25 =	spop (v2sf);
	v19 =	vld [tilespmem:s24+$0x4000]  }
0x6af: {  	s26 =	spop (v2sf);
	v24 =	vld [tilespmem:s25+$0x4000]  }
0x6b0: {  	s17 =	spop (v2sf)  }
0x6b1: {  	v25 =	vld [tilespmem:s17+$0x4000];
	_ =	sdelay $0x1  }
0x6b2: {  	(v2sf) =	vpush v16, $0x7  }
0x6b3: {  	v19 =	vadd.f32 v24, v19  }
0x6b4: {  	(v2sf) =	vpush v16, $0x8;
	v26 =	vld [tilespmem:s26+$0x0]  }
0x6b5: {  	(v2sf) =	vpush v16, $0x9;
	v19 =	vadd.f32 v25, v19  }
0x6b6: {  	(v2sf) =	vpush v1, $0xD  }
0x6b7: {  	(v2sf) =	vpush v15, $0xB;
	v19 =	vmul.f32 $3.333333430e-01, v19  }
0x6b8: {  	(v2sf) =	vpush v15, $0xC  }
0x6b9: {  	(v2sf) =	vpush v15, $0xD;
	v19 =	vadd.f32 v19, v26  }
0x6ba: {  	(v2sf) =	vpush v0, $0x9  }
0x6bb: {  	v9 =	vshll.u32 v9, $0x5;
	(v2sf) =	vpush v6, $0xF;
	[tilespmem:s14+$0xFFFFFF90] =	vst v19  }
0x6bc: {  	(v2sf) =	vpush v9, $0x0;
	v27 =	vld [tilespmem:s24+$0x4010]  }
0x6bd: {  	(v2sf) =	vpush v2, $0x5;
	v19 =	vld [tilespmem:s25+$0x4010]  }
0x6be: {  	(v2sf) =	vpush v9, $0x1  }
0x6bf: {  	v28 =	vld [tilespmem:s17+$0x4010];
	_ =	sdelay $0x1  }
0x6c0: {  	s28 =	spop (v2sf)  }
0x6c1: {  	[smem:$0x7ED] =	sst s28;
	v6 =	vadd.f32 v19, v27  }
0x6c2: {  	s29 =	spop (v2sf);
	v29 =	vld [tilespmem:s26+$0x10]  }
0x6c3: {  	s30 =	spop (v2sf);
	v6 =	vadd.f32 v28, v6  }
0x6c4: {  	s31 =	spop (v2sf)  }
0x6c5: {  	s20 =	spop (v2sf);
	v6 =	vmul.f32 $3.333333430e-01, v6  }
0x6c6: {  	s17 =	spop (v2sf);
	[smem:$0x7EE] =	sst s29  }
0x6c7: {  	[smem:$0x7EF] =	sst s30;
	s15 =	spop (v2sf);
	v6 =	vadd.f32 v6, v29  }
0x6c8: {  	[smem:$0x7F0] =	sst s31;
	s23 =	spop (v2sf)  }
0x6c9: {  	s0 =	spop (v2sf);
	[tilespmem:s14+$0xFFFFFFA0] =	vst v6  }
0x6ca: {  	s1 =	spop (v2sf);
	v6 =	vld [tilespmem:s0+$0x4000]  }
0x6cb: {  	s19 =	spop (v2sf);
	v30 =	vld [tilespmem:s1+$0x4000]  }
0x6cc: {  	s22 =	spop (v2sf)  }
0x6cd: {  	v31 =	vld [tilespmem:s22+$0x4000];
	_ =	sdelay $0x1  }
0x6ce: {  	(v2sf) =	vpush v16, $0xA  }
0x6cf: {  	v6 =	vadd.f32 v30, v6  }
0x6d0: {  	(v2sf) =	vpush v16, $0xB;
	v32 =	vld [tilespmem:s19+$0x0]  }
0x6d1: {  	(v2sf) =	vpush v16, $0xC;
	v6 =	vadd.f32 v31, v6  }
0x6d2: {  	(v2sf) =	vpush v1, $0xE  }
0x6d3: {  	(v2sf) =	vpush v15, $0xE;
	v6 =	vmul.f32 $3.333333430e-01, v6  }
0x6d4: {  	v4 =	vshll.u32 v4, $0x5;
	(v2sf) =	vpush v15, $0xF  }
0x6d5: {  	(v2sf) =	vpush v4, $0x0;
	v6 =	vadd.f32 v6, v32  }
0x6d6: {  	(v2sf) =	vpush v0, $0xA  }
0x6d7: {  	(v2sf) =	vpush v9, $0x2;
	[tilespmem:s14+$0xFFFFFFB0] =	vst v6  }
0x6d8: {  	(v2sf) =	vpush v9, $0x3;
	v6 =	vld [tilespmem:s0+$0x4010]  }
0x6d9: {  	(v2sf) =	vpush v2, $0x6;
	v33 =	vld [tilespmem:s1+$0x4010]  }
0x6da: {  	(v2sf) =	vpush v9, $0x4  }
0x6db: {  	v34 =	vld [tilespmem:s22+$0x4010];
	_ =	sdelay $0x1  }
0x6dc: {  	s24 =	spop (v2sf)  }
0x6dd: {  	[dreg:$0x1e] =	wrdreg s24;
	v6 =	vadd.f32 v33, v6  }
0x6de: {  	s25 =	spop (v2sf);
	v35 =	vld [tilespmem:s19+$0x10]  }
0x6df: {  	s26 =	spop (v2sf);
	v6 =	vadd.f32 v34, v6  }
0x6e0: {  	s28 =	spop (v2sf)  }
0x6e1: {  	[dreg:$0x1f] =	wrdreg s25;
	s25 =	spop (v2sf);
	v6 =	vmul.f32 $3.333333430e-01, v6  }
0x6e2: {  	s22 =	spop (v2sf)  }
0x6e3: {  	[smem:$0x7F1] =	sst s26;
	s24 =	spop (v2sf);
	v6 =	vadd.f32 v6, v35  }
0x6e4: {  	[dreg:$0x1d] =	wrdreg s28;
	s19 =	spop (v2sf)  }
0x6e5: {  	s29 =	spop (v2sf);
	[tilespmem:s14+$0xFFFFFFC0] =	vst v6  }
0x6e6: {  	s30 =	spop (v2sf);
	v6 =	vld [tilespmem:s29+$0x4000]  }
0x6e7: {  	s31 =	spop (v2sf);
	v36 =	vld [tilespmem:s30+$0x4000]  }
0x6e8: {  	s26 =	spop (v2sf)  }
0x6e9: {  	v37 =	vld [tilespmem:s26+$0x4000];
	_ =	sdelay $0x1  }
0x6ea: {  	(v2sf) =	vpush v16, $0xD  }
0x6eb: {  	(v2sf) =	vpush v16, $0xE;
	v6 =	vadd.f32 v36, v6  }
0x6ec: {  	(v2sf) =	vpush v16, $0xF;
	v38 =	vld [tilespmem:s31+$0x0]  }
0x6ed: {  	(v2sf) =	vpush v1, $0xF;
	v6 =	vadd.f32 v37, v6;
	_ =	sdelay $0x1  }
0x6ee: {  	(v2sf) =	vpush v4, $0x1;
	v39 =	vmul.f32 $3.333333430e-01, v6  }
0x6ef: {  	(v2sf) =	vpush v4, $0x2;
	v40 =	vld [tilespmem:s21+$0x4010]  }
0x6f0: {  	v41 =	vld [tilespmem:s18+$0x4010];
	(v2sf) =	vpush v4, $0x3;
	v1 =	vadd.f32 v39, v38  }
0x6f1: {  	(v2sf) =	vpush v0, $0xB  }
0x6f2: {  	(v2sf) =	vpush v9, $0x5;
	[tilespmem:s14+$0xFFFFFFD0] =	vst v1  }
0x6f3: {  	(v2sf) =	vpush v9, $0x6;
	v1 =	vld [tilespmem:s29+$0x4010]  }
0x6f4: {  	v42 =	vld [tilespmem:s30+$0x4010]  }
0x6f5: {  	(v2sf) =	vpush v9, $0x7;
	v6 =	vadd.f32 v41, v40  }
0x6f6: {  	v43 =	vld [tilespmem:s26+$0x4010]  }
0x6f7: {  	v6 =	vadd.f32 v54, v6  }
0x6f8: {  	s28 =	spop (v2sf)  }
0x6f9: {  	(v2sf) =	vpush v2, $0x7;
	v6 =	vmul.f32 $3.333333430e-01, v6;
	[dreg:$0x1a] =	wrdreg s28;
	s29 =	spop (v2sf);
	v1 =	vadd.f32 v42, v1  }
0x6fa: {  	v44 =	vld [tilespmem:s31+$0x10];
	[dreg:$0x1b] =	wrdreg s29;
	s30 =	spop (v2sf)  }
0x6fb: {  	v6 =	vadd.f32 v6, v53;
	[dreg:$0x1c] =	wrdreg s30;
	s31 =	spop (v2sf);
	v1 =	vadd.f32 v43, v1  }
0x6fc: {  	[dreg:$0x19] =	wrdreg s31  }
0x6fd: {  	s29 =	spop (v2sf);
	[tilespmem:s8+$0xFFFFFFE0] =	vst v6;
	v1 =	vmul.f32 $3.333333430e-01, v1  }
0x6fe: {  	s28 =	spop (v2sf);
	v6 =	vld [tilespmem:s10+$0x4000]  }
0x6ff: {  	s26 =	spop (v2sf);
	v45 =	vld [tilespmem:s5+$0x4000];
	v1 =	vadd.f32 v1, v44  }
0x700: {  	s30 =	spop (v2sf)  }
0x701: {  	v46 =	vld [tilespmem:s6+$0x4000];
	s1 =	spop (v2sf);
	[tilespmem:s14+$0xFFFFFFE0] =	vst v1  }
0x702: {  	s2 =	spop (v2sf);
	v1 =	vld [tilespmem:s1+$0x4000]  }
0x703: {  	v47 =	vld [tilespmem:s2+$0x4000]  }
0x704: {  	v49 =	vld [tilespmem:s3+$0x0];
	s4 =	spop (v2sf);
	v6 =	vadd.f32 v45, v6  }
0x705: {  	v48 =	vld [tilespmem:s4+$0x4000]  }
0x706: {  	v6 =	vadd.f32 v46, v6;
	_ =	sdelay $0x1  }
0x707: {  	s31 =	spop (v2sf);
	v6 =	vmul.f32 $3.333333430e-01, v6;
	v1 =	vadd.f32 v47, v1  }
0x708: {  	v50 =	vld [tilespmem:s31+$0x0]  }
0x709: {  	v6 =	vadd.f32 v6, v49;
	v1 =	vadd.f32 v48, v1  }
0x70a: {  	(v2sf) =	vpush v4, $0x4  }
0x70b: {  	(v2sf) =	vpush v4, $0x5;
	[tilespmem:s8+$0xFFFFFFF0] =	vst v6;
	v1 =	vmul.f32 $3.333333430e-01, v1  }
0x70c: {  	(v2sf) =	vpush v4, $0x6;
	v6 =	vld [tilespmem:s10+$0x4010]  }
0x70d: {  	(v2sf) =	vpush v0, $0xC;
	v51 =	vld [tilespmem:s5+$0x4010];
	v1 =	vadd.f32 v1, v50;
	_ =	sdelay $0x1  }
0x70e: {  	(v2sf) =	vpush v9, $0x8;
	v52 =	vld [tilespmem:s6+$0x4010];
	[tilespmem:s14+$0xFFFFFFF0] =	vst v1  }
0x70f: {  	(v2sf) =	vpush v9, $0x9;
	v1 =	vld [tilespmem:s1+$0x4010]  }
0x710: {  	v53 =	vld [tilespmem:s2+$0x4010]  }
0x711: {  	(v2sf) =	vpush v9, $0xA;
	v55 =	vld [tilespmem:s3+$0x10];
	v6 =	vadd.f32 v51, v6  }
0x712: {  	v54 =	vld [tilespmem:s4+$0x4010]  }
0x713: {  	v6 =	vadd.f32 v52, v6;
	_ =	sdelay $0x1  }
0x714: {  	(v2sf) =	vpush v2, $0x8;
	v6 =	vmul.f32 $3.333333430e-01, v6;
	v1 =	vadd.f32 v53, v1  }
0x715: {  	v56 =	vld [tilespmem:s31+$0x10]  }
0x716: {  	v6 =	vadd.f32 v6, v55;
	v1 =	vadd.f32 v54, v1  }
0x717: {  	s31 =	spop (v2sf)  }
0x718: {  	s10 =	spop (v2sf);
	[tilespmem:s8+$0x0] =	vst v6;
	v1 =	vmul.f32 $3.333333430e-01, v1  }
0x719: {  	s6 =	spop (v2sf);
	v6 =	vld [tilespmem:s16+$0x4000]  }
0x71a: {  	s1 =	spop (v2sf);
	v57 =	vld [tilespmem:s12+$0x4000];
	v1 =	vadd.f32 v1, v56  }
0x71b: {  	[smem:$0x7EC] =	sst s1  }
0x71c: {  	s2 =	spop (v2sf);
	v58 =	vld [tilespmem:s11+$0x4000];
	[tilespmem:s14+$0x0] =	vst v1  }
0x71d: {  	s3 =	spop (v2sf);
	v1 =	vld [tilespmem:s2+$0x4000]  }
0x71e: {  	v59 =	vld [tilespmem:s3+$0x4000]  }
0x71f: {  	s4 =	spop (v2sf);
	v61 =	vld [tilespmem:s9+$0x0];
	v6 =	vadd.f32 v57, v6  }
0x720: {  	v60 =	vld [tilespmem:s4+$0x4000]  }
0x721: {  	v6 =	vadd.f32 v58, v6;
	_ =	sdelay $0x1  }
0x722: {  	s5 =	spop (v2sf);
	v6 =	vmul.f32 $3.333333430e-01, v6;
	v1 =	vadd.f32 v59, v1  }
0x723: {  	v62 =	vld [tilespmem:s5+$0x0]  }
0x724: {  	v6 =	vadd.f32 v6, v61;
	v1 =	vadd.f32 v60, v1;
	_ =	sdelay $0x1  }
0x725: {  	(v2sf) =	vpush v4, $0x7;
	[tilespmem:s8+$0x10] =	vst v6;
	v1 =	vmul.f32 $3.333333430e-01, v1  }
0x726: {  	(v2sf) =	vpush v4, $0x8;
	v6 =	vld [tilespmem:s16+$0x4010]  }
0x727: {  	(v2sf) =	vpush v4, $0x9;
	v63 =	vld [tilespmem:s12+$0x4010];
	v1 =	vadd.f32 v1, v62  }
0x728: {  	(v2sf) =	vpush v0, $0xD  }
0x729: {  	(v2sf) =	vpush v9, $0xB;
	v21 =	vld [tilespmem:s11+$0x4010];
	[tilespmem:s14+$0x10] =	vst v1  }
0x72a: {  	(v2sf) =	vpush v9, $0xC;
	v1 =	vld [tilespmem:s2+$0x4010]  }
0x72b: {  	v22 =	vld [tilespmem:s3+$0x4010]  }
0x72c: {  	(v2sf) =	vpush v9, $0xD;
	v24 =	vld [tilespmem:s9+$0x10];
	v6 =	vadd.f32 v63, v6  }
0x72d: {  	v23 =	vld [tilespmem:s4+$0x4010]  }
0x72e: {  	v6 =	vadd.f32 v21, v6;
	_ =	sdelay $0x1  }
0x72f: {  	(v2sf) =	vpush v2, $0x9;
	v6 =	vmul.f32 $3.333333430e-01, v6;
	v1 =	vadd.f32 v22, v1  }
0x730: {  	v25 =	vld [tilespmem:s5+$0x10]  }
0x731: {  	v6 =	vadd.f32 v6, v24;
	v1 =	vadd.f32 v23, v1;
	_ =	sdelay $0x1  }
0x732: {  	s12 =	spop (v2sf);
	[tilespmem:s8+$0x20] =	vst v6;
	v1 =	vmul.f32 $3.333333430e-01, v1  }
0x733: {  	s11 =	spop (v2sf);
	v6 =	vld [tilespmem:s20+$0x4000]  }
0x734: {  	s9 =	spop (v2sf);
	v26 =	vld [tilespmem:s17+$0x4000];
	v1 =	vadd.f32 v1, v25  }
0x735: {  	s16 =	spop (v2sf)  }
0x736: {  	s2 =	spop (v2sf);
	v27 =	vld [tilespmem:s15+$0x4000];
	[tilespmem:s14+$0x20] =	vst v1  }
0x737: {  	s3 =	spop (v2sf);
	v1 =	vld [tilespmem:s2+$0x4000]  }
0x738: {  	v28 =	vld [tilespmem:s3+$0x4000]  }
0x739: {  	s4 =	spop (v2sf);
	v30 =	vld [tilespmem:s23+$0x0];
	v6 =	vadd.f32 v26, v6  }
0x73a: {  	v29 =	vld [tilespmem:s4+$0x4000]  }
0x73b: {  	v6 =	vadd.f32 v27, v6;
	_ =	sdelay $0x1  }
0x73c: {  	s5 =	spop (v2sf);
	v6 =	vmul.f32 $3.333333430e-01, v6;
	v1 =	vadd.f32 v28, v1  }
0x73d: {  	v31 =	vld [tilespmem:s5+$0x0]  }
0x73e: {  	v6 =	vadd.f32 v6, v30;
	v1 =	vadd.f32 v29, v1;
	_ =	sdelay $0x1  }
0x73f: {  	(v2sf) =	vpush v4, $0xA;
	[tilespmem:s8+$0x30] =	vst v6;
	v1 =	vmul.f32 $3.333333430e-01, v1  }
0x740: {  	(v2sf) =	vpush v4, $0xB;
	v6 =	vld [tilespmem:s20+$0x4010]  }
0x741: {  	(v2sf) =	vpush v4, $0xC;
	v32 =	vld [tilespmem:s17+$0x4010];
	v1 =	vadd.f32 v1, v31  }
0x742: {  	(v2sf) =	vpush v0, $0xE  }
0x743: {  	(v2sf) =	vpush v9, $0xE;
	v33 =	vld [tilespmem:s15+$0x4010];
	[tilespmem:s14+$0x30] =	vst v1  }
0x744: {  	(v2sf) =	vpush v9, $0xF;
	v34 =	vld [tilespmem:s2+$0x4010]  }
0x745: {  	v1 =	vshll.u32 v10, $0x5;
	v35 =	vld [tilespmem:s3+$0x4010]  }
0x746: {  	v37 =	vld [tilespmem:s23+$0x10];
	v6 =	vadd.f32 v32, v6;
	(v2sf) =	vpush v1, $0x0  }
0x747: {  	v36 =	vld [tilespmem:s4+$0x4010]  }
0x748: {  	v6 =	vadd.f32 v33, v6;
	_ =	sdelay $0x1  }
0x749: {  	v6 =	vmul.f32 $3.333333430e-01, v6;
	(v2sf) =	vpush v2, $0xA;
	v9 =	vadd.f32 v35, v34  }
0x74a: {  	v38 =	vld [tilespmem:s5+$0x10]  }
0x74b: {  	v6 =	vadd.f32 v6, v37;
	v9 =	vadd.f32 v36, v9;
	_ =	sdelay $0x1  }
0x74c: {  	s18 =	spop (v2sf);
	[tilespmem:s8+$0x40] =	vst v6;
	v9 =	vmul.f32 $3.333333430e-01, v9  }
0x74d: {  	s17 =	spop (v2sf);
	v6 =	vld [tilespmem:s25+$0x4000]  }
0x74e: {  	s15 =	spop (v2sf);
	v39 =	vld [tilespmem:s22+$0x4000];
	v9 =	vadd.f32 v9, v38  }
0x74f: {  	s20 =	spop (v2sf)  }
0x750: {  	s2 =	spop (v2sf);
	v40 =	vld [tilespmem:s24+$0x4000];
	[tilespmem:s14+$0x40] =	vst v9  }
0x751: {  	s3 =	spop (v2sf);
	v9 =	vld [tilespmem:s2+$0x4000]  }
0x752: {  	v41 =	vld [tilespmem:s3+$0x4000]  }
0x753: {  	v43 =	vld [tilespmem:s19+$0x0];
	v6 =	vadd.f32 v39, v6;
	s4 =	spop (v2sf)  }
0x754: {  	v42 =	vld [tilespmem:s4+$0x4000]  }
0x755: {  	v6 =	vadd.f32 v40, v6;
	_ =	sdelay $0x1  }
0x756: {  	v6 =	vmul.f32 $3.333333430e-01, v6;
	s5 =	spop (v2sf);
	v9 =	vadd.f32 v41, v9  }
0x757: {  	v48 =	vadd.f32 v13, v12;
	v44 =	vld [tilespmem:s5+$0x0]  }
0x758: {  	v6 =	vadd.f32 v6, v43;
	v9 =	vadd.f32 v42, v9  }
0x759: {  	v10 =	vadd.f32 v11, v48  }
0x75a: {  	[tilespmem:s8+$0x50] =	vst v6;
	v9 =	vmul.f32 $3.333333430e-01, v9  }
0x75b: {  	v10 =	vmul.f32 $3.333333430e-01, v10;
	v6 =	vld [tilespmem:s25+$0x4010]  }
0x75c: {  	(v2sf) =	vpush v4, $0xD;
	v46 =	vld [tilespmem:s22+$0x4010];
	v45 =	vadd.f32 v9, v44  }
0x75d: {  	(v2sf) =	vpush v4, $0xE;
	v10 =	vadd.f32 v10, v14;
	v47 =	vld [tilespmem:s24+$0x4010]  }
0x75e: {  	(v2sf) =	vpush v4, $0xF;
	v51 =	vld [tilespmem:s19+$0x10];
	[tilespmem:s14+$0x50] =	vst v45  }
0x75f: {  	(v2sf) =	vpush v0, $0xF;
	[tilespmem:s7+$0x60] =	vst v10;
	v4 =	vld [tilespmem:s2+$0x4010]  }
0x760: {  	(v2sf) =	vpush v1, $0x1;
	v52 =	vld [tilespmem:s5+$0x10];
	s5 =	sld [smem:$0x7E4]  }
0x761: {  	(v2sf) =	vpush v1, $0x2;
	v50 =	vld [tilespmem:s4+$0x4010];
	s4 =	sld [smem:$0x7E5]  }
0x762: {  	v6 =	vadd.f32 v46, v6;
	v49 =	vld [tilespmem:s3+$0x4010]  }
0x763: {  	s3 =	sld [smem:$0x7E6];
	v10 =	vld [tilespmem:s5+$0x4000]  }
0x764: {  	(v2sf) =	vpush v1, $0x3;
	v0 =	vadd.f32 v47, v6;
	v53 =	vld [tilespmem:s4+$0x4000];
	_ =	sdelay $0x1  }
0x765: {  	v0 =	vmul.f32 $3.333333430e-01, v0;
	v54 =	vld [tilespmem:s3+$0x4000]  }
0x766: {  	s2 =	sld [smem:$0x7E7];
	v4 =	vadd.f32 v49, v4  }
0x767: {  	(v2sf) =	vpush v2, $0xB;
	v0 =	vadd.f32 v0, v51  }
0x768: {  	v4 =	vadd.f32 v50, v4;
	v10 =	vadd.f32 v53, v10  }
0x769: {  	v55 =	vld [tilespmem:s2+$0x0]  }
0x76a: {  	s25 =	spop (v2sf);
	[tilespmem:s8+$0x60] =	vst v0;
	v4 =	vmul.f32 $3.333333430e-01, v4;
	v9 =	vadd.f32 v54, v10  }
0x76b: {  	s19 =	spop (v2sf);
	v0 =	vld [tilespmem:s29+$0x4000]  }
0x76c: {  	s24 =	spop (v2sf);
	v56 =	vld [tilespmem:s28+$0x4000];
	v4 =	vadd.f32 v4, v52;
	v9 =	vmul.f32 $3.333333430e-01, v9  }
0x76d: {  	s22 =	spop (v2sf);
	v57 =	vld [tilespmem:s26+$0x4000]  }
0x76e: {  	s0 =	spop (v2sf);
	v60 =	vld [tilespmem:s30+$0x0];
	[tilespmem:s14+$0x60] =	vst v4;
	v9 =	vadd.f32 v9, v55  }
0x76f: {  	s1 =	spop (v2sf);
	v4 =	vld [tilespmem:s0+$0x4000]  }
0x770: {  	v58 =	vld [tilespmem:s1+$0x4000];
	[tilespmem:s7+$0x70] =	vst v9  }
0x771: {  	v62 =	vld [tilespmem:s5+$0x4010]  }
0x772: {  	s21 =	spop (v2sf);
	v63 =	vld [tilespmem:s4+$0x4010]  }
0x773: {  	v0 =	vadd.f32 v56, v0;
	v59 =	vld [tilespmem:s21+$0x4000]  }
0x774: {  	v16 =	vld [tilespmem:s3+$0x4010]  }
0x775: {  	v0 =	vadd.f32 v57, v0  }
0x776: {  	s23 =	spop (v2sf);
	v4 =	vadd.f32 v58, v4  }
0x777: {  	v0 =	vmul.f32 $3.333333430e-01, v0;
	v61 =	vld [tilespmem:s23+$0x0];
	v6 =	vadd.f32 v63, v62  }
0x778: {  	v17 =	vld [tilespmem:s2+$0x10];
	v4 =	vadd.f32 v59, v4  }
0x779: {  	v0 =	vadd.f32 v0, v60;
	v6 =	vadd.f32 v16, v6  }
0x77a: {  	v4 =	vmul.f32 $3.333333430e-01, v4  }
0x77b: {  	[tilespmem:s8+$0x70] =	vst v0;
	v6 =	vmul.f32 $3.333333430e-01, v6  }
0x77c: {  	v0 =	vld [tilespmem:s29+$0x4010];
	v4 =	vadd.f32 v4, v61  }
0x77d: {  	v18 =	vld [tilespmem:s28+$0x4010];
	v6 =	vadd.f32 v6, v17  }
0x77e: {  	(v2sf) =	vpush v1, $0x4;
	v19 =	vld [tilespmem:s26+$0x4010];
	[tilespmem:s14+$0x70] =	vst v4  }
0x77f: {  	(v2sf) =	vpush v1, $0x5;
	v4 =	vld [tilespmem:s0+$0x4010];
	[tilespmem:s7+$0x80] =	vst v6  }
0x780: {  	(v2sf) =	vpush v1, $0x6;
	v20 =	vld [tilespmem:s1+$0x4010];
	s26 =	sld [smem:$0x7E8]  }
0x781: {  	v22 =	vld [tilespmem:s30+$0x10];
	s29 =	sld [smem:$0x7E9]  }
0x782: {  	v0 =	vadd.f32 v18, v0;
	v21 =	vld [tilespmem:s21+$0x4010]  }
0x783: {  	s30 =	sld [smem:$0x7EA];
	v6 =	vld [tilespmem:s26+$0x4000]  }
0x784: {  	v0 =	vadd.f32 v19, v0;
	v24 =	vld [tilespmem:s29+$0x4000]  }
0x785: {  	v23 =	vld [tilespmem:s23+$0x10];
	v4 =	vadd.f32 v20, v4  }
0x786: {  	(v2sf) =	vpush v2, $0xC;
	v0 =	vmul.f32 $3.333333430e-01, v0;
	v25 =	vld [tilespmem:s30+$0x4000]  }
0x787: {  	s0 =	sld [smem:$0x7EB];
	v4 =	vadd.f32 v21, v4  }
0x788: {  	v0 =	vadd.f32 v0, v22  }
0x789: {  	v4 =	vmul.f32 $3.333333430e-01, v4;
	v6 =	vadd.f32 v24, v6  }
0x78a: {  	[tilespmem:s8+$0x80] =	vst v0;
	v26 =	vld [tilespmem:s0+$0x0]  }
0x78b: {  	v0 =	vld [tilespmem:s31+$0x4000];
	v4 =	vadd.f32 v4, v23;
	v6 =	vadd.f32 v25, v6  }
0x78c: {  	v27 =	vld [tilespmem:s10+$0x4000]  }
0x78d: {  	s1 =	spop (v2sf);
	v28 =	vld [tilespmem:s6+$0x4000];
	[tilespmem:s14+$0x80] =	vst v4;
	v6 =	vmul.f32 $3.333333430e-01, v6  }
0x78e: {  	s2 =	spop (v2sf);
	v4 =	vld [tilespmem:s1+$0x4000];
	s4 =	sld [smem:$0x7EC]  }
0x78f: {  	s3 =	spop (v2sf);
	v29 =	vld [tilespmem:s2+$0x4000];
	v6 =	vadd.f32 v6, v26  }
0x790: {  	v30 =	vld [tilespmem:s3+$0x4000]  }
0x791: {  	v31 =	vld [tilespmem:s4+$0x0];
	[tilespmem:s7+$0x90] =	vst v6  }
0x792: {  	v0 =	vadd.f32 v27, v0;
	v33 =	vld [tilespmem:s26+$0x4010]  }
0x793: {  	v34 =	vld [tilespmem:s29+$0x4010]  }
0x794: {  	v0 =	vadd.f32 v28, v0  }
0x795: {  	s5 =	spop (v2sf);
	v4 =	vadd.f32 v29, v4;
	v35 =	vld [tilespmem:s30+$0x4010]  }
0x796: {  	v0 =	vmul.f32 $3.333333430e-01, v0;
	v32 =	vld [tilespmem:s5+$0x0]  }
0x797: {  	v4 =	vadd.f32 v30, v4  }
0x798: {  	v0 =	vadd.f32 v0, v31;
	v9 =	vadd.f32 v34, v33  }
0x799: {  	v36 =	vld [tilespmem:s0+$0x10];
	v4 =	vmul.f32 $3.333333430e-01, v4  }
0x79a: {  	[tilespmem:s8+$0x90] =	vst v0;
	v9 =	vadd.f32 v35, v9  }
0x79b: {  	v0 =	vld [tilespmem:s31+$0x4010];
	v4 =	vadd.f32 v4, v32  }
0x79c: {  	v37 =	vld [tilespmem:s10+$0x4010];
	v9 =	vmul.f32 $3.333333430e-01, v9  }
0x79d: {  	(v2sf) =	vpush v1, $0x7;
	v38 =	vld [tilespmem:s6+$0x4010];
	[tilespmem:s14+$0x90] =	vst v4  }
0x79e: {  	(v2sf) =	vpush v1, $0x8;
	v4 =	vld [tilespmem:s1+$0x4010];
	v9 =	vadd.f32 v9, v36  }
0x79f: {  	v39 =	vld [tilespmem:s2+$0x4010]  }
0x7a0: {  	(v2sf) =	vpush v1, $0x9;
	[tilespmem:s7+$0xA0] =	vst v9  }
0x7a1: {  	v40 =	vld [tilespmem:s3+$0x4010];
	v0 =	vadd.f32 v37, v0;
	s10 =	sld [smem:$0x7ED]  }
0x7a2: {  	(v2sf) =	vpush v2, $0xD;
	v41 =	vld [tilespmem:s4+$0x10];
	s21 =	sld [smem:$0x7EE]  }
0x7a3: {  	v42 =	vld [tilespmem:s5+$0x10];
	v0 =	vadd.f32 v38, v0  }
0x7a4: {  	v4 =	vadd.f32 v39, v4;
	s23 =	sld [smem:$0x7EF];
	v9 =	vld [tilespmem:s10+$0x4000]  }
0x7a5: {  	v0 =	vmul.f32 $3.333333430e-01, v0;
	v43 =	vld [tilespmem:s21+$0x4000]  }
0x7a6: {  	s26 =	sld [smem:$0x7F0];
	v4 =	vadd.f32 v40, v4  }
0x7a7: {  	v0 =	vadd.f32 v0, v41;
	v44 =	vld [tilespmem:s23+$0x4000]  }
0x7a8: {  	v4 =	vmul.f32 $3.333333430e-01, v4  }
0x7a9: {  	v45 =	vld [tilespmem:s26+$0x0];
	[tilespmem:s8+$0xA0] =	vst v0  }
0x7aa: {  	v0 =	vld [tilespmem:s12+$0x4000];
	v4 =	vadd.f32 v4, v42;
	v9 =	vadd.f32 v43, v9  }
0x7ab: {  	v46 =	vld [tilespmem:s11+$0x4000]  }
0x7ac: {  	s28 =	spop (v2sf);
	v47 =	vld [tilespmem:s9+$0x4000];
	[tilespmem:s14+$0xA0] =	vst v4;
	v6 =	vadd.f32 v44, v9  }
0x7ad: {  	s29 =	spop (v2sf);
	v4 =	vld [tilespmem:s28+$0x4000]  }
0x7ae: {  	v48 =	vld [tilespmem:s29+$0x4000];
	v6 =	vmul.f32 $3.333333430e-01, v6  }
0x7af: {  	s30 =	spop (v2sf)  }
0x7b0: {  	v49 =	vld [tilespmem:s30+$0x4000];
	v0 =	vadd.f32 v46, v0;
	v6 =	vadd.f32 v6, v45  }
0x7b1: {  	s31 =	spop (v2sf);
	v50 =	vld [tilespmem:s16+$0x0]  }
0x7b2: {  	v51 =	vld [tilespmem:s31+$0x0];
	v0 =	vadd.f32 v47, v0;
	[tilespmem:s7+$0xB0] =	vst v6  }
0x7b3: {  	v4 =	vadd.f32 v48, v4;
	v52 =	vld [tilespmem:s10+$0x4010]  }
0x7b4: {  	v0 =	vmul.f32 $3.333333430e-01, v0;
	v53 =	vld [tilespmem:s21+$0x4010]  }
0x7b5: {  	v4 =	vadd.f32 v49, v4  }
0x7b6: {  	v0 =	vadd.f32 v0, v50;
	v54 =	vld [tilespmem:s23+$0x4010]  }
0x7b7: {  	v4 =	vmul.f32 $3.333333430e-01, v4  }
0x7b8: {  	v55 =	vld [tilespmem:s26+$0x10];
	[tilespmem:s8+$0xB0] =	vst v0  }
0x7b9: {  	v0 =	vld [tilespmem:s12+$0x4010];
	v4 =	vadd.f32 v4, v51;
	v9 =	vadd.f32 v53, v52  }
0x7ba: {  	v56 =	vld [tilespmem:s11+$0x4010]  }
0x7bb: {  	(v2sf) =	vpush v1, $0xA;
	v57 =	vld [tilespmem:s9+$0x4010];
	[tilespmem:s14+$0xB0] =	vst v4;
	v9 =	vadd.f32 v54, v9  }
0x7bc: {  	(v2sf) =	vpush v1, $0xB;
	v4 =	vld [tilespmem:s28+$0x4010]  }
0x7bd: {  	v58 =	vld [tilespmem:s29+$0x4010];
	v9 =	vmul.f32 $3.333333430e-01, v9  }
0x7be: {  	(v2sf) =	vpush v1, $0xC  }
0x7bf: {  	v59 =	vld [tilespmem:s30+$0x4010];
	v0 =	vadd.f32 v56, v0;
	v9 =	vadd.f32 v9, v55  }
0x7c0: {  	v60 =	vld [tilespmem:s16+$0x10]  }
0x7c1: {  	v0 =	vadd.f32 v57, v0;
	[tilespmem:s7+$0xC0] =	vst v9  }
0x7c2: {  	(v2sf) =	vpush v2, $0xE;
	v4 =	vadd.f32 v58, v4;
	s16 =	rddreg [dreg:$0x1e]  }
0x7c3: {  	v61 =	vld [tilespmem:s31+$0x10];
	v0 =	vmul.f32 $3.333333430e-01, v0;
	s21 =	rddreg [dreg:$0x1f]  }
0x7c4: {  	v4 =	vadd.f32 v59, v4;
	s23 =	sld [smem:$0x7F1];
	v62 =	vld [tilespmem:s16+$0x4000]  }
0x7c5: {  	v0 =	vadd.f32 v0, v60;
	s26 =	rddreg [dreg:$0x1d];
	v63 =	vld [tilespmem:s21+$0x4000]  }
0x7c6: {  	v4 =	vmul.f32 $3.333333430e-01, v4;
	v17 =	vld [tilespmem:s26+$0x0]  }
0x7c7: {  	[tilespmem:s8+$0xC0] =	vst v0;
	v16 =	vld [tilespmem:s23+$0x4000]  }
0x7c8: {  	v0 =	vld [tilespmem:s18+$0x4000];
	v4 =	vadd.f32 v4, v61  }
0x7c9: {  	v18 =	vld [tilespmem:s17+$0x4000]  }
0x7ca: {  	s28 =	spop (v2sf);
	v19 =	vld [tilespmem:s15+$0x4000];
	[tilespmem:s14+$0xC0] =	vst v4;
	v10 =	vadd.f32 v63, v62  }
0x7cb: {  	s29 =	spop (v2sf);
	v4 =	vld [tilespmem:s28+$0x4000]  }
0x7cc: {  	v20 =	vld [tilespmem:s29+$0x4000];
	v6 =	vadd.f32 v16, v10  }
0x7cd: {  	s30 =	spop (v2sf)  }
0x7ce: {  	v21 =	vld [tilespmem:s30+$0x4000];
	v0 =	vadd.f32 v18, v0;
	v6 =	vmul.f32 $3.333333430e-01, v6  }
0x7cf: {  	v22 =	vld [tilespmem:s20+$0x0]  }
0x7d0: {  	v0 =	vadd.f32 v19, v0;
	v6 =	vadd.f32 v6, v17  }
0x7d1: {  	s31 =	spop (v2sf);
	v4 =	vadd.f32 v20, v4  }
0x7d2: {  	v23 =	vld [tilespmem:s31+$0x0];
	v0 =	vmul.f32 $3.333333430e-01, v0;
	[tilespmem:s7+$0xD0] =	vst v6  }
0x7d3: {  	v4 =	vadd.f32 v21, v4;
	v24 =	vld [tilespmem:s16+$0x4010]  }
0x7d4: {  	v0 =	vadd.f32 v0, v22;
	v25 =	vld [tilespmem:s21+$0x4010]  }
0x7d5: {  	v4 =	vmul.f32 $3.333333430e-01, v4;
	v26 =	vld [tilespmem:s23+$0x4010]  }
0x7d6: {  	v27 =	vld [tilespmem:s26+$0x10];
	[tilespmem:s8+$0xD0] =	vst v0  }
0x7d7: {  	v0 =	vld [tilespmem:s18+$0x4010];
	v4 =	vadd.f32 v4, v23  }
0x7d8: {  	v28 =	vld [tilespmem:s17+$0x4010]  }
0x7d9: {  	(v2sf) =	vpush v1, $0xD;
	v29 =	vld [tilespmem:s15+$0x4010];
	[tilespmem:s14+$0xD0] =	vst v4;
	v9 =	vadd.f32 v25, v24  }
0x7da: {  	(v2sf) =	vpush v1, $0xE;
	v4 =	vld [tilespmem:s28+$0x4010]  }
0x7db: {  	v30 =	vld [tilespmem:s29+$0x4010];
	v9 =	vadd.f32 v26, v9  }
0x7dc: {  	(v2sf) =	vpush v1, $0xF  }
0x7dd: {  	v32 =	vld [tilespmem:s30+$0x4010];
	v0 =	vadd.f32 v28, v0;
	v31 =	vmul.f32 $3.333333430e-01, v9  }
0x7de: {  	(v2sf) =	vpush v2, $0xF;
	v33 =	vld [tilespmem:s20+$0x10]  }
0x7df: {  	v0 =	vadd.f32 v29, v0;
	v1 =	vadd.f32 v31, v27  }
0x7e0: {  	v4 =	vadd.f32 v30, v4  }
0x7e1: {  	v34 =	vld [tilespmem:s31+$0x10];
	v0 =	vmul.f32 $3.333333430e-01, v0;
	[tilespmem:s7+$0xE0] =	vst v1  }
0x7e2: {  	v35 =	vadd.f32 v32, v4;
	s9 =	rddreg [dreg:$0x1a]  }
0x7e3: {  	v0 =	vadd.f32 v0, v33;
	s10 =	rddreg [dreg:$0x1b];
	v36 =	vld [tilespmem:s9+$0x4000]  }
0x7e4: {  	v1 =	vmul.f32 $3.333333430e-01, v35;
	s11 =	rddreg [dreg:$0x1c];
	v37 =	vld [tilespmem:s10+$0x4000]  }
0x7e5: {  	[tilespmem:s8+$0xE0] =	vst v0;
	v38 =	vld [tilespmem:s11+$0x4000]  }
0x7e6: {  	v39 =	vadd.f32 v5, v3;
	v40 =	vld [tilespmem:s25+$0x4000];
	v1 =	vadd.f32 v1, v34  }
0x7e7: {  	v41 =	vld [tilespmem:s19+$0x4000]  }
0x7e8: {  	s12 =	spop (v2sf);
	v0 =	vadd.f32 v8, v39;
	v42 =	vld [tilespmem:s24+$0x4000];
	[tilespmem:s14+$0xE0] =	vst v1  }
0x7e9: {  	s15 =	spop (v2sf);
	v1 =	vld [tilespmem:s12+$0x4000]  }
0x7ea: {  	v0 =	vmul.f32 $3.333333430e-01, v0;
	v43 =	vld [tilespmem:s15+$0x4000];
	s16 =	rddreg [dreg:$0x19];
	v4 =	vadd.f32 v37, v36  }
0x7eb: {  	s17 =	spop (v2sf);
	v44 =	vld [tilespmem:s16+$0x0]  }
0x7ec: {  	v0 =	vadd.f32 v0, v7;
	v45 =	vld [tilespmem:s17+$0x4000];
	v4 =	vadd.f32 v38, v4  }
0x7ed: {  	v2 =	vadd.f32 v41, v40  }
0x7ee: {  	s20 =	spop (v2sf);
	v47 =	vld [tilespmem:s22+$0x0];
	[tilespmem:s13+$0xF0] =	vst v0;
	v46 =	vmul.f32 $3.333333430e-01, v4  }
0x7ef: {  	v49 =	vld [tilespmem:s20+$0x0];
	s18 =	rddreg [dreg:$0x17];
	v2 =	vadd.f32 v42, v2;
	v1 =	vadd.f32 v43, v1  }
0x7f0: {  	s21 =	rddreg [dreg:$0x16];
	v48 =	vld [tilespmem:s18+$0x4010];
	v0 =	vadd.f32 v46, v44  }
0x7f1: {  	s23 =	rddreg [dreg:$0x18];
	v50 =	vld [tilespmem:s21+$0x4010];
	v2 =	vmul.f32 $3.333333430e-01, v2;
	v1 =	vadd.f32 v45, v1  }
0x7f2: {  	v51 =	vld [tilespmem:s23+$0x4010];
	[tilespmem:s7+$0xF0] =	vst v0  }
0x7f3: {  	v2 =	vadd.f32 v2, v47;
	v1 =	vmul.f32 $3.333333430e-01, v1;
	v0 =	vld [tilespmem:s9+$0x4010]  }
0x7f4: {  	v52 =	vld [tilespmem:s10+$0x4010]  }
0x7f5: {  	[tilespmem:s8+$0xF0] =	vst v2;
	v53 =	vld [tilespmem:s11+$0x4010];
	v1 =	vadd.f32 v1, v49  }
0x7f6: {  	v2 =	vld [tilespmem:s25+$0x4010]  }
0x7f7: {  	v54 =	vld [tilespmem:s19+$0x4010];
	[tilespmem:s14+$0xF0] =	vst v1  }
0x7f8: {  	v1 =	vld [tilespmem:s12+$0x4010]  }
0x7f9: {  	v55 =	vld [tilespmem:s15+$0x4010]  }
0x7fa: {  	v56 =	vld [tilespmem:s24+$0x4010]  }
0x7fb: {  	v4 =	vadd.f32 v50, v48;
	v57 =	vld [tilespmem:s17+$0x4010];
	s24 =	rddreg [dreg:$0x15]  }
0x7fc: {  	v58 =	vld [tilespmem:s24+$0x10];
	v0 =	vadd.f32 v52, v0  }
0x7fd: {  	v59 =	vadd.f32 v51, v4;
	v60 =	vld [tilespmem:s16+$0x10];
	v2 =	vadd.f32 v54, v2  }
0x7fe: {  	v61 =	vld [tilespmem:s22+$0x10];
	v0 =	vadd.f32 v53, v0;
	v1 =	vadd.f32 v55, v1  }
0x7ff: {  	v3 =	vmul.f32 $3.333333430e-01, v59;
	v62 =	vld [tilespmem:s20+$0x10];
	v2 =	vadd.f32 v56, v2  }
0x800: {  	v0 =	vmul.f32 $3.333333430e-01, v0;
	v1 =	vadd.f32 v57, v1  }
0x801: {  	v3 =	vadd.f32 v3, v58;
	v2 =	vmul.f32 $3.333333430e-01, v2  }
0x802: {  	s25 =	rddreg [dreg:$0xb];
	v0 =	vadd.f32 v0, v60;
	v1 =	vmul.f32 $3.333333430e-01, v1  }
0x803: {  	s26 =	rddreg [dreg:$0x13];
	[tilespmem:s13+$0x100] =	vst v3;
	v2 =	vadd.f32 v2, v61  }
0x804: {  	s28 =	rddreg [dreg:$0xf];
	[tilespmem:s7+$0x100] =	vst v0;
	v63 =	vadd.f32 v1, v62  }
0x805: {  	[tilespmem:s8+$0x100] =	vst v2  }
0x806: {  	s0 =	sadd.s32 s25, s26;
	[tilespmem:s14+$0x100] =	vst v63  }
0x807: {  	s1 =	sshrl.u32 s0, $0x3;
	s31 =	rddreg [dreg:$0x12]  }
0x808: {  	s1 =	smul.u32 $0x10400, s1;
	s6 =	sadd.s32 $0x1, s31  }
0x809: {  	s0 =	sshll.u32 s0, $0x7;
	p1 =	sne.s32 s6, $0x20  }
.Ltmp4:
0x80a: {  	s0 =	sand.u32 $0x300, s0;
	s1 =	sadd.s32 s28, s1;
	(pc) =	sbr.rel @p1 .LBB2_6-.Ltmp4, $4  }
0x80b: {  	s0 =	sor.u32 s0, s1  }
0x80c: {  	s4 =	simm.s32 $0x80;
	s29 =	rddreg [dreg:$0x3];
	s0 =	sshrl.u32 s0, $0x3  }
0x80d: {  	s5 =	simm.s32 $0x400;
	s30 =	simm.s32 $0x12080;
	s0 =	sadd.s32 s29, s0  }
0x80e: {  	[hbm4b:s0+s4] =	stream.strided.scatter [tilespmem:s30], [sflag:$0x2], $0x2080, s5, s4, $0x38;
	[tilespmem:$0x16A00] =	vst v63  }
0x80f: {  	s0 =	simm.s32 $0x1  }
0x810: {  	_ =	swait.ge [sflag:s0], $0x2080  }
0x811: {  	[sflag:s0] =	ssyncset.done $0x0  }
0x812: {  	s1 =	simm.s32 $0x2;
	[sflag:s0] =	ssyncadd.s32 $0xFFFFDF80  }
0x813: {  	_ =	swait.ge [sflag:s1], $0x2080  }
0x814: {  	s2 =	rddreg [dreg:$0x11]  }
0x815: {  	s31 =	rddreg [dreg:$0x10];
	s2 =	sadd.s32 $0x1, s2  }
0x816: {  	p1 =	sne.s32 s2, s31  }
.Ltmp5:
0x817: {  	_ = 	snop;
	(pc) =	sbr.rel @p1 .LBB2_1-.Ltmp5, $3  }
0x818: {  	_ =	sdelay $0x1  }
0x819: {  	[sflag:s1] =	ssyncset.done $0x0  }
0x81a: {  	[sflag:s1] =	ssyncadd.s32 $0xFFFFDF80  }
0x81b: {  	_ =	sfence.sel $0x180000  }
0x81c: {  	[bflag:$0x0] =	sbarrier.arrive $0xFFFF  }
0x81d: {  	_ =	strace $0x90000047  }
0x81e: {  	s0 =	stileid.u32;
	[bflag:$0x2] =	sbarrier.arrive $0xFFFF  }
0x81f: {  	p0 =	sne.s32 s0, $0x0;
	s0 =	rddreg [dreg:$0x4]  }
0x820: {  	s0 =	sadd.s32 @!p0 $0x100000, s0  }
0x821: {  	[sflag:s0] =	ssyncadd.tile.s32 @!p0 $0x1;
	_ =	shalt  }
.Lfunc_end2:
_tile_overlayer_lowered:
.L_overlay_start_2:
0x822: {  	(tag) =	ssettag $0x2  }
0x823: {  	s0 =	rddreg [dreg:$0x0];
	s2 =	stileid.u32  }
0x824: {  	s1 =	rddreg [dreg:$0x1];
	p0 =	sne.s32 s2, $0x0  }
0x825: {  	s3 =	rddreg [dreg:$0x2];
	[bflag:$0x3] =	sbarrier.arrive $0xFFFF;
	s2 =	simm.s32 @!p0 $0x1C07  }
0x826: {  	[timem:s3], [sflag:s2] =	dma.local @!p0 [hbm:s0], s1  }
0x827: {  	s0 =	simm.s32 @!p0 $0x7  }
0x828: {  	_ =	swait.ge @!p0 [sflag:s0], s1  }
0x829: {  	s1 =	ssub.s32 @!p0 $0x0, s1;
	[sflag:s0] =	ssyncset.done @!p0 $0x0  }
0x82a: {  	[sflag:s0] =	ssyncadd.s32 @!p0 s1  }
0x82b: {  	[bflag:$0x3] =	sbarrier.arrive $0xFFFF  }
0x82c: {  	_ =	shalt  }

// kernel: sparse-core-data-format-call.cloned.1.call-start
scs
called_computation_lowered:
.L_overlay_start_0:
0x0: {  	s2 =	sld [smem:$0x3FD9]  }
0x1: {  	s3 =	sld [smem:$0x3FFE];
	_ =	sdelay $0x1  }
0x2: {  	s1 =	srdreg.scid  }
0x3: {  	s0 =	sand.u32 $0x1, s1  }
0x4: {  	s18 =	sshll.u32 s0, $0xA;
	s2 =	sadd.s32 s3, s2  }
0x5: {  	s2 =	sadd.s32 s2, s18  }
0x6: {  	[smem:$0x3FC3] =	sst s2  }
0x7: {  	_ = 	snop  }
0x8: {  	s2 =	sld [smem:$0x3FD0];
	(tm) =	ssettm $0x1  }
0x9: {  	s19 =	sld [smem:$0x3FFB];
	_ =	sdelay $0x3  }
0xa: {  	_ =	strace s19  }
0xb: {  	s3 =	sld [smem:$0x3FFC];
	_ =	sdelay $0x3  }
0xc: {  	_ =	strace s3  }
0xd: {  	s3 =	sld [smem:$0x3FFD];
	_ =	sdelay $0x3  }
0xe: {  	_ =	strace s3  }
0xf: {  	_ =	strace $0x8FFFFFFF  }
0x10: {  	s20 =	sld [smem:$0x3FDB];
	_ =	sdelay $0x1  }
0x11: {  	s4 =	simm.s32 $_scs_section_size  }
0x12: {  	s5 =	simm.s32 $_size__tile_overlayer_lowered;
	s6 =	simm.s32 $_tile_overlayer_lowered  }
0x13: {  	s23 =	simm.s32 $0x1BFF;
	s22 =	sshll.u32 s6, $0x1;
	s3 =	sadd.s32 s4, s20  }
0x14: {  	s7 =	simm.s32 $0x0;
	s21 =	sshll.u32 s5, $0x1;
	s5 =	sadd.s32 s22, s3  }
0x15: {  	[timem:s7], [sflag:s23] =	dma.local [hbm:s5], s21  }
0x16: {  	_ =	swait.ge [sflag:s23], s21  }
0x17: {  	s4 =	ssub.s32 $0x0, s21;
	[sflag:s23] =	ssyncset.done $0x0  }
0x18: {  	[sflag:s23] =	ssyncadd.s32 s4;
	_ =	sdelay $0x1  }
0x19: {  	s24 =	simm.s32 $0x1B8B  }
0x1a: {  	_ =	swait.ge [sflag:s24], $0x1  }
0x1b: {  	[sflag:s24] =	ssyncset.done $0x0  }
0x1c: {  	s26 =	simm.s32 $0x1B8E;
	s25 =	sld [smem:$0x3FFE];
	[sflag:s24] =	ssyncadd.s32 $0xFFFFFFFF  }
0x1d: {  	s27 =	simm.s32 $execute0_lowered;
	[smem:$0x3FD2] =	sst s26  }
0x1e: {  	s5 =	sshll.u32 s27, $0x1;
	_ =	strace $0x80000049;
	[dreg:$0x1] =	wrdreg $0xFFFFFFFF  }
0x1f: {  	s28 =	simm.s32 $_size_execute0_lowered;
	s3 =	sadd.s32 s3, s5;
	[dreg:$0x0] =	wrdreg $0x0  }
0x20: {  	s5 =	sshll.u32 s28, $0x1;
	[dreg:$0x2] =	wrdreg s3  }
0x21: {  	[dreg:$0x3] =	wrdreg s5  }
0x22: {  	[dreg:$0x4] =	wrdreg $0xC0  }
0x23: {  	_ =	task [dreg:s7], $0x5FFFF  }
0x24: {  	[dreg:$0x1] =	wrdreg $0xFFFFFFFF  }
0x25: {  	[dreg:$0x0] =	wrdreg $0x60  }
0x26: {  	[dreg:$0x2] =	wrdreg s25  }
0x27: {  	[dreg:$0x3] =	wrdreg s2  }
0x28: {  	[dreg:$0x4] =	wrdreg $0x9  }
0x29: {  	_ =	task.clear_ibuf [dreg:s7], $0x5FFFF;
	_ =	strace $0x90000049  }
0x2a: {  	s29 =	simm.s32 $0x9;
	_ =	strace $0x8000004B  }
0x2b: {  	_ =	swait.ge [sflag:s29], $0x1  }
0x2c: {  	[sflag:s29] =	ssyncadd.s32 $0xFFFFFFFF  }
0x2d: {  	_ =	strace $0x9000004B  }
0x2e: {  	_ =	sfence  }
0x2f: {  	s30 =	sld [smem:$0x0];
	_ =	sdelay $0x2  }
0x30: {  	s31 =	sshll.u32 s1, $0xD;
	s1 =	sshrl.u32 s1, $0x2  }
0x31: {  	s3 =	sand.u32 $0x4000, s31;
	s1 =	sadd.s32 s1, s30  }
0x32: {  	s0 =	sor.u32 s3, s0;
	s1 =	sshll.u32 s1, $0x11  }
0x33: {  	s0 =	sor.u32 s1, s0  }
0x34: {  	s0 =	sadd.s32 $0x8F2B, s0  }
0x35: {  	[sflag:s0] =	ssyncadd.remote.s32 $0x1  }
0x36: {  	_ =	sfence.sel $0xFFFF  }
0x37: {  	[dreg:$0x0] =	wrdreg $0xFFFFFFFF;
	(pc) =	sbr.abs _section_cstart, $3  }
0x38: {  	[dreg:$0x1] =	wrdreg $0xFFFFFFFF  }
0x39: {  	_ =	task.clear_ibuf [dreg:s7], $0x2FFFF;
	_ =	strace $0x9FFFFFFF  }
0x3a: {  	(tm) =	ssettm $0x7FFFFFFF  }
0x3b: {  	_ =	shalt  }
tec
execute0_lowered:
.L_overlay_start_1:
0x0: {  	(tag) =	ssettag $0x1  }
0x1: {  	s0 =	rddreg [dreg:$0x0];
	s1 =	srdreg.scid;
	_ =	strace $0x8000004A  }
0x2: {  	s2 =	stileid.u32;
	s30 =	simm.s32 $0x1;
	s31 =	simm.s32 $0x2  }
0x3: {  	s22 =	simm.s32 $0x0;
	p0 =	por $0x0, $0x0;
	s10 =	simm.s32 $0x3000  }
0x4: {  	s20 =	simm.s32 $0x0;
	s21 =	simm.s32 $0x0;
	s23 =	simm.s32 $0x0  }
0x5: {  	s11 =	simm.s32 $0x0;
	s12 =	simm.s32 $0x0;
	s14 =	simm.s32 $0x0  }
0x6: {  	s15 =	simm.s32 $0x0;
	s16 =	simm.s32 $0x0;
	s18 =	simm.s32 $0x0  }
.Ltmp0:
0x7: {  	s13 =	simm.s32 $0x0;
	s1 =	sshll.u32 s1, $0x4;
	(pc) =	sbr.rel .LBB1_1-.Ltmp0, $4  }
0x8: {  	s0 =	sadd.s32 $0x800, s0;
	s8 =	sand.u32 $0x7, s2;
	s1 =	sand.u32 $0x10, s1  }
0x9: {  	[sflag:s30] =	ssyncpa.u1 $0x0;
	[dreg:$0x3] =	wrdreg s0;
	s29 =	sor.u32 s2, s1  }
0xa: {  	[sflag:s31] =	ssyncpa.u1 $0x0;
	[dreg:$0x4] =	wrdreg s8;
	s9 =	sshrl.u32 s29, $0x3  }
0xb: {  	s19 =	smov.u32 s8;
	s17 =	smov.u32 s9;
	[dreg:$0x5] =	wrdreg s9  }
.LBB1_17:
0xc: {  	s12 =	rddreg [dreg:$0x7]  }
0xd: {  	s14 =	rddreg [dreg:$0x9]  }
0xe: {  	s11 =	rddreg [dreg:$0x6]  }
0xf: {  	s4 =	rddreg [dreg:$0x15]  }
0x10: {  	s5 =	rddreg [dreg:$0x17]  }
0x11: {  	s6 =	rddreg [dreg:$0x16]  }
0x12: {  	s23 =	rddreg [dreg:$0x13]  }
0x13: {  	s25 =	rddreg [dreg:$0x14]  }
0x14: {  	s15 =	rddreg [dreg:$0xa]  }
0x15: {  	s28 =	rddreg [dreg:$0x1]  }
0x16: {  	s8 =	rddreg [dreg:$0x4]  }
0x17: {  	s9 =	rddreg [dreg:$0x5]  }
0x18: {  	s13 =	rddreg [dreg:$0x8]  }
0x19: {  	s16 =	rddreg [dreg:$0xb]  }
0x1a: {  	s17 =	rddreg [dreg:$0xc]  }
0x1b: {  	s18 =	rddreg [dreg:$0xd]  }
0x1c: {  	s10 =	simm.s32 $0x3000;
	s19 =	rddreg [dreg:$0xe]  }
0x1d: {  	s20 =	rddreg [dreg:$0xf];
	s0 =	sshrl.u32 s12, $0x3;
	s5 =	smul.u32 $0x4080, s5  }
0x1e: {  	s1 =	sshll.u32 s14, $0x3;
	s21 =	sshll.u32 s12, $0x7;
	s26 =	smul.u32 $0x60600, s15  }
0x1f: {  	p1 =	sgt.s32 s14, $0x100;
	s2 =	smov.u32 s14;
	s27 =	smul.u32 $0x600, s11  }
0x20: {  	s3 =	sand.u32 $0x7F, s14;
	s0 =	smul.u32 $0xC00, s0;
	s2 =	simm.s32 @!p1 $0x100  }
0x21: {  	s1 =	sand.u32 $0xFFFFFC00, s1;
	p1 =	sgt.s32 s11, $0x81;
	s2 =	sadd.s32 s4, s2  }
0x22: {  	s31 =	sor.u32 $0x8000, s5;
	s0 =	sadd.s32 s1, s0;
	s1 =	sand.u32 $0x380, s21  }
0x23: {  	s4 =	sadd.s32 $0xFFFFFF00, s2;
	s2 =	ssub.s32 $0x180, s2;
	s0 =	sor.u32 s1, s0  }
0x24: {  	s21 =	rddreg [dreg:$0x10];
	s1 =	smov.u32 s11;
	s3 =	sor.u32 s3, s0  }
0x25: {  	s1 =	simm.s32 @!p1 $0x81;
	p1 =	sgt.s32 s4, $0x7F;
	s22 =	smulhi.u32 $0xAAAAAAAB, s3  }
0x26: {  	s0 =	smulhi.u32 $0xAAAAAAAB, s0;
	s2 =	simm.s32 @p1 $0x0;
	s1 =	sadd.s32 s6, s1  }
0x27: {  	s2 =	smul.u32 s23, s2;
	s24 =	sadd.s32 $0xFFFFFF7F, s1;
	s4 =	sshrl.u32 s22, $0x8  }
0x28: {  	s1 =	ssub.s32 $0x101, s1;
	s0 =	sshrl.u32 s0, $0x8;
	s4 =	smul.u32 $0x180, s4  }
0x29: {  	p1 =	sgt.s32 s24, $0x7F;
	s0 =	sand.u32 $0x1F, s0;
	s2 =	smul.u32 s25, s2  }
0x2a: {  	s23 =	rddreg [dreg:$0x12];
	s1 =	simm.s32 @p1 $0x0;
	s0 =	smul.u32 $0x30, s0  }
0x2b: {  	s1 =	smul.u32 s1, s2;
	s3 =	ssub.s32 s3, s4;
	s2 =	sadd.s32 s28, s26  }
0x2c: {  	s22 =	rddreg [dreg:$0x11];
	s2 =	sadd.s32 s27, s2;
	s29 =	sand.u32 $0x7, s3  }
0x2d: {  	s3 =	sshrl.u32 s3, $0x3;
	s0 =	sadd.s32 s0, s2;
	s30 =	sshll.u32 s29, $0x12  }
0x2e: {  	s1 =	sand.u32 $0x3FFFFFFF, s1;
	s0 =	sadd.s32 s3, s0;
	s2 =	sor.u32 $0x80, s30  }
0x2f: {  	[hbm4b:s0+s2] =	stream.strided.scatter [tilespmem:s31], [sflag:$0x2], s1, s10, s2, $0x20;
	[tilespmem:$0x10100] =	vst v63  }
.LBB1_18:
0x30: {  	p1 =	slt.u32 s13, $0x2;
	s0 =	smov.u32 s23  }
0x31: {  	s2 =	smov.u32 s22;
	s4 =	smov.u32 s20;
	p2 =	sgt.s32 @!p1 s23, $0x7  }
0x32: {  	s13 =	sadd.s32 $0x1, s13;
	s1 =	sshra.s32 @!p1 s23, $0x1F;
	p2 =	por !p2, p1  }
0x33: {  	p0 =	por !p0, !p0;
	s1 =	sand.u32 @!p1 s1, s23;
	s0 =	simm.s32 @p2 $0x7  }
0x34: {  	s3 =	sshra.s32 @!p1 s22, $0x1F;
	p2 =	sgt.s32 @!p1 s22, $0x81;
	s0 =	ssub.s32 @!p1 s0, s1  }
0x35: {  	s23 =	smov.u32 s15;
	p2 =	por !p2, p1;
	s1 =	sadd.s32 @!p1 $0xFFFFFFF9, s0  }
0x36: {  	s2 =	simm.s32 @p2 $0x81;
	s0 =	ssub.s32 @!p1 $0x8, s0;
	p3 =	sgt.s32 @!p1 s1, $0x0  }
0x37: {  	s1 =	sand.u32 @!p1 s3, s22;
	s3 =	sshra.s32 @!p1 s21, $0x1F;
	p2 =	por !p3, p1  }
0x38: {  	s1 =	ssub.s32 @!p1 s2, s1;
	p3 =	sgt.s32 @!p1 s21, $0x100;
	s3 =	sand.u32 @!p1 s3, s21  }
0x39: {  	s0 =	simm.s32 @!p2 $0x0;
	s2 =	sadd.s32 @!p1 $0xFFFFFF7F, s1;
	p3 =	por !p3, p1  }
0x3a: {  	s1 =	ssub.s32 @!p1 $0x101, s1;
	p2 =	sgt.s32 @!p1 s2, $0x7F;
	s2 =	smov.u32 s21  }
0x3b: {  	s2 =	simm.s32 @p3 $0x100;
	p3 =	sgt.s32 @!p1 s20, $0x1F;
	p2 =	por !p2, p1  }
0x3c: {  	p3 =	por !p3, p1;
	s2 =	ssub.s32 @!p1 s2, s3;
	s3 =	sshra.s32 @!p1 s20, $0x1F  }
0x3d: {  	s4 =	simm.s32 @p3 $0x1F;
	s3 =	sand.u32 @!p1 s3, s20;
	s5 =	sadd.s32 @!p1 $0xFFFFFF00, s2  }
0x3e: {  	s2 =	ssub.s32 @!p1 $0x180, s2;
	s3 =	ssub.s32 @!p1 s4, s3;
	p3 =	sgt.s32 @!p1 s5, $0x7F  }
0x3f: {  	s5 =	smov.u32 s17;
	s4 =	sadd.s32 @!p1 $0xFFFFFFE1, s3;
	p3 =	por !p3, p1  }
0x40: {  	s3 =	ssub.s32 @!p1 $0x20, s3;
	s2 =	simm.s32 @!p3 $0x0;
	p3 =	sgt.s32 @!p1 s4, $0x0  }
0x41: {  	p3 =	por !p3, p1;
	s0 =	smul.u32 @!p1 s0, s2;
	s2 =	sadd.s32 $0x80, s16  }
0x42: {  	s4 =	sadd.s32 $0x4, s17;
	s3 =	simm.s32 @!p3 $0x0;
	p3 =	sgt.s32 s2, $0x100  }
0x43: {  	s1 =	simm.s32 @!p2 $0x0;
	s0 =	smul.u32 @!p1 s3, s0;
	s5 =	smov.u32 @p3 s4  }
0x44: {  	s3 =	sadd.s32 $0x80, s18;
	s4 =	smov.u32 s18;
	p2 =	sgt.s32 s5, $0x1F  }
0x45: {  	s2 =	simm.s32 @p3 $0x0;
	s0 =	smul.u32 @!p1 s1, s0;
	s4 =	smov.u32 @p2 s3  }
0x46: {  	s1 =	sadd.s32 $0x8, s19;
	s3 =	smov.u32 s19;
	p3 =	sgt.s32 s4, $0x100  }
0x47: {  	s15 =	smov.u32 s19;
	s22 =	smov.u32 s11;
	s3 =	smov.u32 @p3 s1  }
0x48: {  	s11 =	smov.u32 s16;
	s5 =	smov.u32 @p2 s9;
	p2 =	sgt.s32 s3, $0x7  }
0x49: {  	s21 =	smov.u32 s14;
	s3 =	smov.u32 @p2 s8;
	p2 =	sne.s32 s13, $0x4A  }
.Ltmp1:
0x4a: {  	s14 =	smov.u32 s18;
	s20 =	smov.u32 s12;
	(pc) =	sbr.rel @!p2 .LBB1_19-.Ltmp1, $4  }
0x4b: {  	s12 =	smov.u32 s17;
	s0 =	sand.u32 @!p1 $0x3FFFFFFF, s0;
	s1 =	simm.s32 @!p1 $0x2  }
0x4c: {  	s16 =	smov.u32 s2;
	s17 =	smov.u32 s5;
	_ =	swait.ge @!p1 [sflag:s1], s0  }
0x4d: {  	s4 =	simm.s32 @p3 $0x0;
	s0 =	ssub.s32 @!p1 $0x0, s0;
	[sflag:s1] =	ssyncset.done @!p1 $0x0  }
0x4e: {  	s18 =	smov.u32 s4;
	[sflag:s1] =	ssyncadd.s32 @!p1 s0;
	s19 =	smov.u32 s3  }
.LBB1_1:
0x4f: {  	p1 =	sgt.u32 s13, $0x47  }
.Ltmp2:
0x50: {  	_ = 	snop;
	(pc) =	sbr.rel @p1 .LBB1_3-.Ltmp2, $1  }
0x51: {  	_ =	sdelay $0x3  }
0x52: {  	s0 =	sshrl.u32 s17, $0x3  }
0x53: {  	s1 =	sshll.u32 s16, $0x3;
	s2 =	sshll.u32 s17, $0x7;
	s0 =	smul.u32 $0xC00, s0  }
0x54: {  	s28 =	sand.u32 $0x7F, s16;
	p1 =	sgt.s32 s19, $0x7;
	s1 =	sand.u32 $0xFFFFFC00, s1  }
0x55: {  	s3 =	smov.u32 s19;
	s27 =	sand.u32 $0x380, s2;
	s0 =	sadd.s32 s0, s1  }
0x56: {  	s4 =	sshra.s32 s19, $0x1F;
	s5 =	sshra.s32 s18, $0x1F;
	s0 =	sor.u32 s27, s0  }
0x57: {  	s6 =	sshra.s32 s17, $0x1F;
	s26 =	smul.u32 $0x60600, s19;
	s1 =	sor.u32 s28, s0  }
0x58: {  	s7 =	sxor.u32 $0xFFFFFFFF, s13;
	s24 =	sshra.s32 s16, $0x1F;
	s2 =	smulhi.u32 $0xAAAAAAAB, s1  }
0x59: {  	s3 =	simm.s32 @!p1 $0x7;
	s4 =	sand.u32 s4, s19;
	p1 =	sgt.s32 s18, $0x81  }
0x5a: {  	s30 =	sand.u32 s5, s18;
	s29 =	ssub.s32 s3, s4;
	s2 =	sshrl.u32 s2, $0x8  }
0x5b: {  	s3 =	smov.u32 s18;
	s4 =	sadd.s32 $0xFFFFFFF9, s29;
	s2 =	smul.u32 $0x180, s2  }
0x5c: {  	s6 =	sand.u32 s6, s17;
	s3 =	simm.s32 @!p1 $0x81;
	p1 =	sgt.s32 s4, $0x0  }
0x5d: {  	s3 =	ssub.s32 s3, s30;
	s1 =	ssub.s32 s1, s2;
	s2 =	ssub.s32 $0x8, s29  }
0x5e: {  	s4 =	smov.u32 s17;
	s2 =	simm.s32 @p1 $0x0;
	p1 =	sgt.s32 s17, $0x1F  }
0x5f: {  	s5 =	sshll.u32 s7, $0xE;
	s31 =	sadd.s32 $0xFFFFFF7F, s3;
	s4 =	simm.s32 @!p1 $0x1F  }
0x60: {  	s3 =	ssub.s32 $0x101, s3;
	p1 =	sgt.s32 s31, $0x7F;
	s4 =	ssub.s32 s4, s6  }
0x61: {  	s0 =	smulhi.u32 $0xAAAAAAAB, s0;
	s3 =	simm.s32 @p1 $0x0;
	s6 =	sadd.s32 $0xFFFFFFE1, s4  }
0x62: {  	s2 =	smul.u32 s2, s3;
	s3 =	ssub.s32 $0x20, s4;
	p1 =	sgt.s32 s6, $0x0  }
0x63: {  	s4 =	smov.u32 s16;
	s3 =	simm.s32 @p1 $0x0;
	p1 =	sgt.s32 s16, $0x100  }
0x64: {  	s7 =	rddreg [dreg:$0x3];
	s6 =	sand.u32 s24, s16;
	s4 =	simm.s32 @!p1 $0x100  }
0x65: {  	s5 =	sand.u32 $0x4000, s5;
	s0 =	sshrl.u32 s0, $0x8;
	s25 =	ssub.s32 s4, s6  }
0x66: {  	s27 =	smul.u32 $0x600, s18;
	s0 =	sand.u32 $0x1F, s0;
	s4 =	sadd.s32 $0xFFFFFF00, s25  }
0x67: {  	s2 =	smul.u32 s3, s2;
	s3 =	ssub.s32 $0x180, s25;
	p1 =	sgt.s32 s4, $0x7F  }
0x68: {  	s0 =	smul.u32 $0x30, s0;
	s6 =	sadd.s32 s7, s26;
	s3 =	simm.s32 @p1 $0x0  }
0x69: {  	s29 =	sand.u32 $0x7, s1;
	s28 =	sadd.s32 s27, s6;
	s2 =	smul.u32 s3, s2  }
0x6a: {  	s1 =	sshrl.u32 s1, $0x3;
	s30 =	sshll.u32 s29, $0x12;
	s0 =	sadd.s32 s0, s28  }
0x6b: {  	s31 =	sor.u32 $0x80, s30;
	s0 =	sadd.s32 s1, s0;
	s2 =	sand.u32 $0x3FFFFFFF, s2  }
0x6c: {  	[tilespmem:s5], [sflag:$0x1] =	stream.strided.gather [hbm4b:s0+s31], s2, s10, s31, $0x38;
	[tilespmem:$0x10100] =	vst v63  }
.LBB1_3:
0x6d: {  	p1 =	seq.s32 s13, $0x0  }
0x6e: {  	p2 =	seq.s32 @!p1 s13, $0x49  }
0x6f: {  	p1 =	por p1, p2  }
.Ltmp3:
0x70: {  	_ = 	snop;
	(pc) =	sbr.rel @p1 .LBB1_18-.Ltmp3, $1  }
0x71: {  	_ =	sdelay $0x3  }
0x72: {  	[dreg:$0x12] =	wrdreg s23  }
0x73: {  	[dreg:$0x11] =	wrdreg s22  }
0x74: {  	[dreg:$0x10] =	wrdreg s21  }
0x75: {  	[dreg:$0xf] =	wrdreg s20  }
0x76: {  	[dreg:$0xe] =	wrdreg s19  }
0x77: {  	[dreg:$0xd] =	wrdreg s18  }
0x78: {  	[dreg:$0xc] =	wrdreg s17  }
0x79: {  	[dreg:$0xb] =	wrdreg s16  }
0x7a: {  	p1 =	sgt.s32 s15, $0x7;
	s0 =	smov.u32 s15;
	s1 =	sshra.s32 s15, $0x1F  }
0x7b: {  	s19 =	ssub.s32 $0x0, s14;
	s2 =	sshra.s32 s14, $0x1F;
	p2 =	sgt.s32 s12, $0x1F  }
0x7c: {  	s3 =	smov.u32 s12;
	s4 =	sshra.s32 s12, $0x1F;
	p3 =	sgt.s32 s14, $0x81  }
0x7d: {  	s5 =	smov.u32 s14;
	s24 =	ssub.s32 $0x0, s11;
	[dreg:$0x6] =	wrdreg s11  }
0x7e: {  	s25 =	sshra.s32 s11, $0x1F;
	[dreg:$0xa] =	wrdreg s15;
	s0 =	simm.s32 @!p1 $0x7  }
0x7f: {  	s1 =	sand.u32 s1, s15;
	s3 =	simm.s32 @!p2 $0x1F;
	s4 =	sand.u32 s4, s12  }
0x80: {  	s2 =	sand.u32 s19, s2;
	s5 =	simm.s32 @!p3 $0x81;
	p2 =	sgt.s32 s11, $0x100  }
0x81: {  	s26 =	sand.u32 s24, s25;
	s0 =	ssub.s32 s0, s1;
	s20 =	ssub.s32 s3, s4  }
0x82: {  	[dreg:$0x15] =	wrdreg s2;
	s21 =	sadd.s32 s2, s5;
	s5 =	smov.u32 s11  }
0x83: {  	s2 =	sadd.s32 $0x1, s15;
	s1 =	sadd.s32 $0xFFFFFFF9, s0;
	s6 =	ssub.s32 $0x8, s0  }
0x84: {  	s22 =	sadd.s32 $0xFFFFFFE1, s20;
	s23 =	sadd.s32 $0xFFFFFF7F, s21;
	s7 =	ssub.s32 $0x20, s20  }
0x85: {  	s5 =	simm.s32 @!p2 $0x100;
	s0 =	ssub.s32 $0x101, s21;
	p1 =	sgt.s32 s1, $0x0  }
0x86: {  	s1 =	sadd.s32 s26, s5;
	s6 =	simm.s32 @p1 $0x0;
	p1 =	sgt.s32 s22, $0x0  }
0x87: {  	p2 =	sgt.s32 s23, $0x7F;
	s27 =	sadd.s32 $0xFFFFFF00, s1;
	s7 =	simm.s32 @p1 $0x0  }
0x88: {  	s1 =	ssub.s32 $0x180, s1;
	p1 =	sgt.s32 s27, $0x7F;
	s29 =	smul.u32 s6, s7  }
0x89: {  	s0 =	simm.s32 @p2 $0x0;
	s1 =	simm.s32 @p1 $0x0;
	p1 =	slt.s32 s2, $0x8  }
0x8a: {  	s3 =	sadd.s32 $0x80, s14;
	s2 =	simm.s32 @!p1 $0x8;
	s0 =	smul.u32 s0, s29  }
0x8b: {  	[dreg:$0x9] =	wrdreg s14;
	p1 =	slt.s32 s3, $0x101;
	s2 =	ssub.s32 s2, s15  }
0x8c: {  	s3 =	simm.s32 @!p1 $0x101;
	s0 =	smul.u32 s1, s0;
	s1 =	sadd.s32 $0x1, s12  }
0x8d: {  	s3 =	ssub.s32 s3, s14;
	p1 =	slt.s32 s2, $0x1;
	p2 =	slt.s32 s1, $0x20  }
0x8e: {  	[dreg:$0x7] =	wrdreg s12;
	s1 =	simm.s32 @!p2 $0x20;
	p2 =	slt.s32 @!p1 s3, $0x1  }
0x8f: {  	[dreg:$0x16] =	wrdreg s26;
	s28 =	ssub.s32 s1, s12;
	p2 =	por p1, p2  }
0x90: {  	[dreg:$0x13] =	wrdreg s6;
	p3 =	slt.s32 @!p2 s28, $0x1  }
0x91: {  	[dreg:$0x14] =	wrdreg s7;
	p2 =	por p2, p3  }
.Ltmp4:
0x92: {  	[dreg:$0x18] =	wrdreg s2;
	(pc) =	sbr.rel @p2 .LBB1_17-.Ltmp4, $4  }
0x93: {  	s30 =	simm.s32 $0x1;
	[dreg:$0x19] =	wrdreg s3;
	s0 =	sand.u32 $0x3FFFFFFF, s0  }
0x94: {  	s31 =	sand.u32 $0x1, s13;
	_ =	swait.ge [sflag:s30], s0  }
0x95: {  	s0 =	ssub.s32 $0x0, s0;
	[dreg:$0x8] =	wrdreg s13;
	[sflag:s30] =	ssyncset.done $0x0  }
0x96: {  	[dreg:$0x17] =	wrdreg s31;
	[sflag:s30] =	ssyncadd.s32 s0  }
0x97: {  	s0 =	simm.s32 $0x1  }
0x98: {  	s0 =	simm.s32 @!p0 $0x0  }
0x99: {  	s0 =	smul.u32 $0x10200, s0;
	_ =	sdelay $0x1  }
0x9a: {  	s2 =	sshrl.u32 s0, $0x2  }
0x9b: {  	s3 =	rddreg [dreg:$0x6];
	s4 =	sadd.s32 $0xF8F0, s2  }
0x9c: {  	s16 =	sadd.s32 $0xF0E0, s2;
	[dreg:$0x1a] =	wrdreg s4  }
0x9d: {  	s17 =	sadd.s32 $0xE8D0, s2;
	[dreg:$0x1b] =	wrdreg s16  }
0x9e: {  	s18 =	sadd.s32 $0xE0C0, s2;
	[dreg:$0x1c] =	wrdreg s17  }
0x9f: {  	s19 =	sadd.s32 $0xD8B0, s2;
	[dreg:$0x1d] =	wrdreg s18  }
0xa0: {  	s20 =	sadd.s32 $0xD0A0, s2;
	[dreg:$0x1e] =	wrdreg s19  }
0xa1: {  	s21 =	sadd.s32 $0xC890, s2;
	[dreg:$0x1f] =	wrdreg s20  }
0xa2: {  	s22 =	sadd.s32 $0xC080, s2;
	[smem:$0x7F2] =	sst s21  }
0xa3: {  	s24 =	sadd.s32 $0xB870, s2;
	[smem:$0x7F3] =	sst s22  }
0xa4: {  	s1 =	sadd.s32 $0x80, s3;
	s25 =	sadd.s32 $0xB060, s2;
	[smem:$0x7F4] =	sst s24  }
0xa5: {  	p2 =	slt.s32 s1, $0x101;
	s26 =	sadd.s32 $0xA850, s2;
	[smem:$0x7F5] =	sst s25  }
0xa6: {  	s1 =	simm.s32 @!p2 $0x101;
	s27 =	sadd.s32 $0xA040, s2;
	[smem:$0x7F6] =	sst s26  }
0xa7: {  	s1 =	ssub.s32 s1, s3;
	s29 =	sadd.s32 $0x9830, s2;
	[smem:$0x7F7] =	sst s27  }
0xa8: {  	s1 =	sadd.s32 $0xF, s1;
	s30 =	sadd.s32 $0x9020, s2;
	[smem:$0x7F8] =	sst s29  }
0xa9: {  	s31 =	sadd.s32 $0x8810, s2;
	s23 =	sshrl.u32 s1, $0x8;
	[smem:$0x7F9] =	sst s30  }
0xaa: {  	s2 =	sor.u32 $0x8000, s2;
	[smem:$0x7FA] =	sst s31;
	s3 =	smul.u32 $0x20400, s23  }
.Ltmp5:
0xab: {  	[smem:$0x7FB] =	sst s2;
	(pc) =	sbr.rel .LBB1_6-.Ltmp5, $4  }
0xac: {  	s17 =	sand.u32 $0xFFFFFFF0, s1;
	s2 =	rddreg [dreg:$0x17];
	s0 =	sadd.s32 s0, s3  }
0xad: {  	s18 =	sand.u32 @!p1 $0xFFFFFF00, s1;
	s2 =	sshll.u32 @!p1 s2, $0xE;
	s0 =	sshra.s32 s0, $0x2  }
0xae: {  	p1 =	slt.s32 s1, $0x100;
	[smem:$0x7FC] =	sst s2;
	s0 =	sadd.s32 $0x8000, s0  }
0xaf: {  	p2 =	sge.s32 s18, s17;
	s2 =	simm.s32 $0x0;
	[smem:$0x7FD] =	sst s0  }
.LBB1_16:
0xb0: {  	s2 =	sld [smem:$0x7F0]  }
0xb1: {  	s0 =	rddreg [dreg:$0x1a]  }
0xb2: {  	s12 =	rddreg [dreg:$0x1b]  }
0xb3: {  	s13 =	rddreg [dreg:$0x1c]  }
0xb4: {  	s14 =	rddreg [dreg:$0x1d]  }
0xb5: {  	s15 =	rddreg [dreg:$0x1e]  }
0xb6: {  	s16 =	rddreg [dreg:$0x1f]  }
0xb7: {  	s19 =	sld [smem:$0x7F2]  }
0xb8: {  	s20 =	sld [smem:$0x7F3]  }
0xb9: {  	s21 =	sld [smem:$0x7F4]  }
0xba: {  	s22 =	sld [smem:$0x7F5]  }
0xbb: {  	s23 =	sld [smem:$0x7F6]  }
0xbc: {  	s24 =	sld [smem:$0x7F7]  }
0xbd: {  	s25 =	sld [smem:$0x7F8]  }
0xbe: {  	s26 =	sld [smem:$0x7F9]  }
0xbf: {  	s27 =	rddreg [dreg:$0x18]  }
0xc0: {  	s29 =	sld [smem:$0x7FA]  }
0xc1: {  	s30 =	sld [smem:$0x7FB]  }
0xc2: {  	s31 =	sld [smem:$0x7FD];
	s0 =	sadd.s32 $0x4080, s0  }
0xc3: {  	[dreg:$0x1a] =	wrdreg s0;
	s0 =	sadd.s32 $0x4080, s12  }
0xc4: {  	[dreg:$0x1b] =	wrdreg s0;
	s0 =	sadd.s32 $0x4080, s13  }
0xc5: {  	[dreg:$0x1c] =	wrdreg s0;
	s0 =	sadd.s32 $0x4080, s14  }
0xc6: {  	[dreg:$0x1d] =	wrdreg s0;
	s0 =	sadd.s32 $0x4080, s15  }
0xc7: {  	[dreg:$0x1e] =	wrdreg s0;
	s0 =	sadd.s32 $0x4080, s16  }
0xc8: {  	[dreg:$0x1f] =	wrdreg s0;
	s0 =	sadd.s32 $0x4080, s19  }
0xc9: {  	[smem:$0x7F2] =	sst s0;
	s0 =	sadd.s32 $0x4080, s20  }
0xca: {  	[smem:$0x7F3] =	sst s0;
	s0 =	sadd.s32 $0x4080, s21  }
0xcb: {  	[smem:$0x7F4] =	sst s0;
	s0 =	sadd.s32 $0x4080, s22  }
0xcc: {  	[smem:$0x7F5] =	sst s0;
	s0 =	sadd.s32 $0x4080, s23  }
0xcd: {  	s2 =	sadd.s32 $0x1, s2;
	[smem:$0x7F6] =	sst s0;
	s0 =	sadd.s32 $0x4080, s24  }
0xce: {  	p3 =	sne.s32 s2, s27;
	[smem:$0x7F7] =	sst s0;
	s0 =	sadd.s32 $0x4080, s25  }
.Ltmp6:
0xcf: {  	[smem:$0x7F8] =	sst s0;
	s0 =	sadd.s32 $0x4080, s26;
	(pc) =	sbr.rel @!p3 .LBB1_17-.Ltmp6, $4  }
0xd0: {  	[smem:$0x7F9] =	sst s0;
	s0 =	sadd.s32 $0x4080, s29  }
0xd1: {  	[smem:$0x7FA] =	sst s0;
	s0 =	sadd.s32 $0x4080, s30  }
0xd2: {  	[smem:$0x7FB] =	sst s0;
	s0 =	sadd.s32 $0x4080, s31  }
0xd3: {  	[smem:$0x7FD] =	sst s0  }
.LBB1_6:
.Ltmp7:
0xd4: {  	s1 =	sld [smem:$0x7FC];
	(pc) =	sbr.rel .LBB1_7-.Ltmp7, $4  }
0xd5: {  	s0 =	sshll.u32 s2, $0x10  }
0xd6: {  	s0 =	sshra.s32 s0, $0x2  }
0xd7: {  	[smem:$0x7F0] =	sst s2;
	s0 =	sadd.s32 s0, s1  }
0xd8: {  	s2 =	simm.s32 $0x0;
	s1 =	simm.s32 $0x0;
	[smem:$0x7F1] =	sst s0  }
.LBB1_15:
0xd9: {  	s2 =	sld [smem:$0x7ED];
	_ =	sdelay $0x2  }
0xda: {  	s0 =	rddreg [dreg:$0x19];
	s2 =	sadd.s32 $0x1, s2  }
0xdb: {  	p3 =	sne.s32 s2, s0  }
.Ltmp8:
0xdc: {  	_ = 	snop;
	(pc) =	sbr.rel @!p3 .LBB1_16-.Ltmp8, $2  }
0xdd: {  	s1 =	sld [smem:$0x7EE];
	_ =	sdelay $0x2  }
0xde: {  	s1 =	sadd.s32 $0x1, s1  }
.LBB1_7:
0xdf: {  	[smem:$0x7ED] =	sst s2  }
0xe0: {  	s3 =	sld [smem:$0x7F1]  }
.Ltmp9:
0xe1: {  	s31 =	sld [smem:$0x7FD];
	(pc) =	sbr.rel .LBB1_8-.Ltmp9, $4  }
0xe2: {  	s0 =	sshll.u32 s2, $0x9;
	[smem:$0x7EE] =	sst s1  }
0xe3: {  	s29 =	sand.u32 $0x7F, s1;
	s11 =	simm.s32 $0x0;
	s0 =	sshra.s32 s0, $0x2  }
0xe4: {  	s30 =	sshll.u32 s29, $0x2;
	s15 =	sadd.s32 s0, s3;
	s0 =	sadd.s32 s29, s31  }
0xe5: {  	s10 =	simm.s32 $0x0;
	s14 =	sshrl.u32 s30, $0x2;
	[smem:$0x7EF] =	sst s0  }
.LBB1_14:
0xe6: {  	s10 =	sadd.s32 $0x1, s10  }
0xe7: {  	p3 =	sne.s32 s10, s28  }
.Ltmp10:
0xe8: {  	_ = 	snop;
	(pc) =	sbr.rel @!p3 .LBB1_15-.Ltmp10, $2  }
0xe9: {  	_ =	sdelay $0x2  }
0xea: {  	s11 =	sadd.s32 $0x1, s11  }
.LBB1_8:
.Ltmp11:
0xeb: {  	(pc) =	sbr.rel @p1 .LBB1_11-.Ltmp11, $3  }
0xec: {  	s0 =	sand.u32 $0x7, s11  }
0xed: {  	s0 =	smul.u32 $0x204, s0;
	_ =	sdelay $0x1  }
0xee: {  	s19 =	sshll.u32 s10, $0x7;
	s26 =	sshrl.u32 s0, $0x2  }
0xef: {  	s0 =	rddreg [dreg:$0x1a]  }
0xf0: {  	s13 =	rddreg [dreg:$0x1b]  }
0xf1: {  	s16 =	rddreg [dreg:$0x1c]  }
0xf2: {  	s20 =	rddreg [dreg:$0x1d]  }
0xf3: {  	s21 =	rddreg [dreg:$0x1e]  }
0xf4: {  	s1 =	rddreg [dreg:$0x1f]  }
0xf5: {  	s2 =	sld [smem:$0x7F2]  }
0xf6: {  	s3 =	sld [smem:$0x7F3]  }
0xf7: {  	s25 =	sadd.s32 s26, s13;
	s13 =	sld [smem:$0x7F9]  }
0xf8: {  	s22 =	sld [smem:$0x7F4]  }
0xf9: {  	s23 =	sld [smem:$0x7F5];
	s29 =	sand.u32 $0x380, s19  }
0xfa: {  	s7 =	sadd.s32 s26, s20;
	s20 =	sadd.s32 s26, s13;
	s13 =	sadd.s32 s29, s15  }
0xfb: {  	s6 =	sld [smem:$0x7F6];
	v5 =	vld [tilespmem:s13+$0x70]  }
0xfc: {  	s9 =	sld [smem:$0x7F7];
	v6 =	vld [tilespmem:s13+$0x60]  }
0xfd: {  	s27 =	sld [smem:$0x7F8];
	v7 =	vld [tilespmem:s13+$0x50]  }
0xfe: {  	s30 =	sld [smem:$0x7FB];
	s8 =	sadd.s32 s26, s0;
	s24 =	sadd.s32 s26, s16;
	v0 =	vld [tilespmem:s13+$0x40]  }
0xff: {  	s16 =	sld [smem:$0x7FA];
	s4 =	sadd.s32 s26, s22;
	s22 =	sadd.s32 s14, s8;
	v1 =	vld [tilespmem:s13+$0x30]  }
0x100: {  	s12 =	sadd.s32 s26, s9;
	s9 =	sadd.s32 s26, s27;
	s27 =	sadd.s32 s14, s25;
	v2 =	vld [tilespmem:s13+$0x20];
	[tilespmem:s22+$0x0 ss:$0x81] =	vst.msk $0xffff, v5  }
0x101: {  	s0 =	sadd.s32 s26, s21;
	s31 =	sadd.s32 s14, s24;
	v3 =	vld [tilespmem:s13+$0x10];
	[tilespmem:s27+$0x0 ss:$0x81] =	vst.msk $0xffff, v6  }
0x102: {  	s1 =	sadd.s32 s26, s1;
	s21 =	sadd.s32 s26, s16;
	s16 =	sadd.s32 s14, s7;
	v4 =	vld [tilespmem:s13+$0x0];
	[tilespmem:s31+$0x0 ss:$0x81] =	vst.msk $0xffff, v7  }
0x103: {  	s2 =	sadd.s32 s26, s2;
	s5 =	sadd.s32 s26, s3;
	s29 =	sadd.s32 s14, s0;
	[tilespmem:s16+$0x0 ss:$0x81] =	vst.msk $0xffff, v0  }
0x104: {  	s3 =	sadd.s32 s26, s23;
	s23 =	sadd.s32 s26, s30;
	s30 =	sadd.s32 s14, s1;
	[tilespmem:s29+$0x0 ss:$0x81] =	vst.msk $0xffff, v1  }
0x105: {  	p4 =	sgt.s32 s18, $0x100;
	s31 =	sadd.s32 s14, s2;
	[tilespmem:s30+$0x0 ss:$0x81] =	vst.msk $0xffff, v2  }
.Ltmp12:
0x106: {  	s16 =	sadd.s32 s14, s5;
	[tilespmem:s31+$0x0 ss:$0x81] =	vst.msk $0xffff, v3;
	(pc) =	sbr.rel @!p4 .LBB1_10-.Ltmp12, $4  }
0x107: {  	s29 =	sadd.s32 s14, s23;
	[tilespmem:s16+$0x0 ss:$0x81] =	vst.msk $0xffff, v4  }
0x108: {  	s30 =	sadd.s32 s14, s21;
	[tilespmem:s29+$0x0 ss:$0x81] =	vst.msk $0xffff, v4  }
0x109: {  	[tilespmem:s30+$0x0 ss:$0x81] =	vst.msk $0xffff, v3;
	s31 =	sadd.s32 s14, s20  }
0x10a: {  	p3 =	por $0x0, $0x0;
	s6 =	sadd.s32 s26, s6;
	s22 =	sadd.s32 s14, s9;
	[tilespmem:s31+$0x0 ss:$0x81] =	vst.msk $0xffff, v2  }
0x10b: {  	v2 =	vld [tilespmem:s13+$0x70];
	[tilespmem:s22+$0x0 ss:$0x81] =	vst.msk $0xffff, v1;
	s16 =	sadd.s32 s14, s12  }
0x10c: {  	v4 =	vld [tilespmem:s13+$0x60];
	[tilespmem:s16+$0x0 ss:$0x81] =	vst.msk $0xffff, v0;
	s16 =	sadd.s32 s14, s6  }
0x10d: {  	v3 =	vld [tilespmem:s13+$0x50];
	[tilespmem:s16+$0x0 ss:$0x81] =	vst.msk $0xffff, v7;
	s16 =	sadd.s32 s14, s3  }
0x10e: {  	s8 =	sadd.s32 $0x8100, s8;
	v1 =	vld [tilespmem:s13+$0x30];
	[tilespmem:s16+$0x0 ss:$0x81] =	vst.msk $0xffff, v6;
	s16 =	sadd.s32 s14, s4  }
0x10f: {  	s29 =	sadd.s32 $0x8100, s25;
	v0 =	vld [tilespmem:s13+$0x40];
	s27 =	sadd.s32 s14, s8;
	[tilespmem:s16+$0x0 ss:$0x81] =	vst.msk $0xffff, v5  }
0x110: {  	s30 =	sadd.s32 $0x8100, s24;
	v6 =	vld [tilespmem:s13+$0x10];
	s16 =	sadd.s32 s14, s29;
	[tilespmem:s27+$0x0 ss:$0x81] =	vst.msk $0xffff, v2  }
0x111: {  	s0 =	sadd.s32 $0x8100, s0;
	s24 =	sadd.s32 s14, s30;
	v7 =	vld [tilespmem:s13+$0x0];
	[tilespmem:s16+$0x0 ss:$0x81] =	vst.msk $0xffff, v4  }
0x112: {  	s31 =	sadd.s32 $0x8100, s7;
	s25 =	sadd.s32 s14, s0;
	v5 =	vld [tilespmem:s13+$0x20];
	[tilespmem:s24+$0x0 ss:$0x81] =	vst.msk $0xffff, v3  }
0x113: {  	s2 =	sadd.s32 $0x8100, s2;
	s7 =	sadd.s32 s14, s31;
	[tilespmem:s25+$0x0 ss:$0x81] =	vst.msk $0xffff, v1  }
0x114: {  	s1 =	sadd.s32 $0x8100, s1;
	s24 =	sadd.s32 s14, s2;
	[tilespmem:s7+$0x0 ss:$0x81] =	vst.msk $0xffff, v0;
	s7 =	sadd.s32 $0x8100, s5  }
0x115: {  	p4 =	sgt.s32 s18, $0x200;
	s12 =	sadd.s32 $0x8100, s12;
	s25 =	sadd.s32 s14, s7;
	[tilespmem:s24+$0x0 ss:$0x81] =	vst.msk $0xffff, v6  }
.Ltmp13:
0x116: {  	s16 =	sadd.s32 s14, s1;
	s5 =	sadd.s32 $0x8100, s23;
	[tilespmem:s25+$0x0 ss:$0x81] =	vst.msk $0xffff, v7;
	(pc) =	sbr.rel @!p4 .LBB1_21-.Ltmp13, $4  }
0x117: {  	p3 =	por $0x1, $0x1;
	s25 =	sadd.s32 $0x8100, s21;
	[tilespmem:s16+$0x0 ss:$0x81] =	vst.msk $0xffff, v5;
	s16 =	sadd.s32 s14, s5  }
0x118: {  	s27 =	smov.u32 s3;
	s24 =	sadd.s32 $0x8100, s20;
	s21 =	sadd.s32 s14, s25;
	[tilespmem:s16+$0x0 ss:$0x81] =	vst.msk $0xffff, v7  }
0x119: {  	s23 =	simm.s32 $0x200;
	s20 =	sadd.s32 s14, s24;
	[tilespmem:s21+$0x0 ss:$0x81] =	vst.msk $0xffff, v6;
	s21 =	sadd.s32 $0x8100, s9  }
0x11a: {  	[tilespmem:s20+$0x0 ss:$0x81] =	vst.msk $0xffff, v5;
	s9 =	smov.u32 s6;
	s20 =	smov.u32 s4;
	s22 =	sadd.s32 s14, s21  }
.LBB1_22:
0x11b: {  	v5 =	vld [tilespmem:s13+$0x70];
	[tilespmem:s22+$0x0 ss:$0x81] =	vst.msk $0xffff, v1;
	s22 =	sadd.s32 s14, s12;
	s9 =	sadd.s32 $0x8100, s9  }
0x11c: {  	s27 =	sadd.s32 $0x8100, s27;
	v6 =	vld [tilespmem:s13+$0x60];
	[tilespmem:s22+$0x0 ss:$0x81] =	vst.msk $0xffff, v0;
	s22 =	sadd.s32 s14, s9  }
0x11d: {  	s20 =	sadd.s32 $0x8100, s20;
	[tilespmem:s22+$0x0 ss:$0x81] =	vst.msk $0xffff, v3;
	v3 =	vld [tilespmem:s13+$0x50];
	s22 =	sadd.s32 s14, s27  }
0x11e: {  	s8 =	sadd.s32 $0x8100, s8;
	v0 =	vld [tilespmem:s13+$0x40];
	[tilespmem:s22+$0x0 ss:$0x81] =	vst.msk $0xffff, v4;
	s22 =	sadd.s32 s14, s20  }
0x11f: {  	s29 =	sadd.s32 $0x8100, s29;
	s16 =	sadd.s32 s14, s8;
	v1 =	vld [tilespmem:s13+$0x30];
	[tilespmem:s22+$0x0 ss:$0x81] =	vst.msk $0xffff, v2  }
0x120: {  	s30 =	sadd.s32 $0x8100, s30;
	s22 =	sadd.s32 s14, s29;
	v7 =	vld [tilespmem:s13+$0x20];
	[tilespmem:s16+$0x0 ss:$0x81] =	vst.msk $0xffff, v5;
	v2 =	vmov v5  }
0x121: {  	s31 =	sadd.s32 $0x8100, s31;
	s16 =	sadd.s32 s14, s30;
	v5 =	vld [tilespmem:s13+$0x10];
	[tilespmem:s22+$0x0 ss:$0x81] =	vst.msk $0xffff, v6;
	v4 =	vmov v6  }
0x122: {  	s23 =	sadd.s32 $0x100, s23;
	s0 =	sadd.s32 $0x8100, s0;
	s22 =	sadd.s32 s14, s31;
	v6 =	vld [tilespmem:s13+$0x0];
	[tilespmem:s16+$0x0 ss:$0x81] =	vst.msk $0xffff, v3  }
0x123: {  	s1 =	sadd.s32 $0x8100, s1;
	p4 =	slt.s32 s23, s18;
	s16 =	sadd.s32 s14, s0;
	[tilespmem:s22+$0x0 ss:$0x81] =	vst.msk $0xffff, v0  }
0x124: {  	s2 =	sadd.s32 $0x8100, s2;
	s22 =	sadd.s32 s14, s1;
	[tilespmem:s16+$0x0 ss:$0x81] =	vst.msk $0xffff, v1  }
0x125: {  	s7 =	sadd.s32 $0x8100, s7;
	s16 =	sadd.s32 s14, s2;
	[tilespmem:s22+$0x0 ss:$0x81] =	vst.msk $0xffff, v7  }
.Ltmp14:
0x126: {  	s5 =	sadd.s32 $0x8100, s5;
	s22 =	sadd.s32 s14, s7;
	[tilespmem:s16+$0x0 ss:$0x81] =	vst.msk $0xffff, v5;
	(pc) =	sbr.rel @p4 .LBB1_22-.Ltmp14, $4  }
0x127: {  	s25 =	sadd.s32 $0x8100, s25;
	s16 =	sadd.s32 s14, s5;
	[tilespmem:s22+$0x0 ss:$0x81] =	vst.msk $0xffff, v6  }
0x128: {  	s24 =	sadd.s32 $0x8100, s24;
	[tilespmem:s16+$0x0 ss:$0x81] =	vst.msk $0xffff, v6;
	s16 =	sadd.s32 s14, s25  }
0x129: {  	s21 =	sadd.s32 $0x8100, s21;
	[tilespmem:s16+$0x0 ss:$0x81] =	vst.msk $0xffff, v5;
	s16 =	sadd.s32 s14, s24  }
0x12a: {  	s12 =	sadd.s32 $0x8100, s12;
	s22 =	sadd.s32 s14, s21;
	[tilespmem:s16+$0x0 ss:$0x81] =	vst.msk $0xffff, v7  }
0x12b: {  	v7 =	vmov v3;
	v6 =	vmov v4;
	v5 =	vmov v2  }
.LBB1_24:
0x12c: {  	s0 =	sadd.s32 @p3 $0x8100, s9  }
0x12d: {  	[tilespmem:s22+$0x0 ss:$0x81] =	vst.msk $0xffff, v1;
	s1 =	sadd.s32 s14, s12;
	s6 =	smov.u32 @p3 s0;
	s0 =	sadd.s32 @p3 $0x8100, s27  }
0x12e: {  	[tilespmem:s1+$0x0 ss:$0x81] =	vst.msk $0xffff, v0;
	s30 =	sadd.s32 s14, s6;
	s3 =	smov.u32 @p3 s0;
	s0 =	sadd.s32 @p3 $0x8100, s20  }
0x12f: {  	[tilespmem:s30+$0x0 ss:$0x81] =	vst.msk $0xffff, v7;
	s31 =	sadd.s32 s14, s3;
	s4 =	smov.u32 @p3 s0  }
0x130: {  	[tilespmem:s31+$0x0 ss:$0x81] =	vst.msk $0xffff, v6;
	s0 =	sadd.s32 s14, s4  }
0x131: {  	[tilespmem:s0+$0x0 ss:$0x81] =	vst.msk $0xffff, v5  }
.LBB1_11:
.Ltmp15:
0x132: {  	(pc) =	sbr.rel @p2 .LBB1_14-.Ltmp15, $1  }
0x133: {  	_ =	sdelay $0x3  }
0x134: {  	s0 =	sand.u32 $0x380, s19  }
0x135: {  	s1 =	sadd.s32 s0, s15  }
0x136: {  	s31 =	sld [smem:$0x7EF];
	v0 =	vmov s1;
	_ =	sdelay $0x2  }
0x137: {  	s1 =	smov.u32 s18;
	s0 =	sadd.s32 s26, s31  }
.LBB1_13:
0x138: {  	s2 =	sand.u32 $0x70, s1;
	s1 =	sadd.s32 $0x10, s1  }
0x139: {  	v1 =	vld.idx.msk [tilespmem:v0+s2+$0x0 ss:$0x1], $0xffff;
	p3 =	slt.s32 s1, s17  }
.Ltmp16:
0x13a: {  	_ = 	snop;
	(pc) =	sbr.rel @p3 .LBB1_13-.Ltmp16, $2  }
0x13b: {  	_ =	sdelay $0x2  }
0x13c: {  	[tilespmem:s0+$0x0 ss:$0x81] =	vst.msk $0xffff, v1;
	s0 =	sadd.s32 $0x810, s0  }
.Ltmp17:
0x13d: {  	_ = 	snop;
	(pc) =	sbr.rel .LBB1_14-.Ltmp17, $1  }
0x13e: {  	_ =	sdelay $0x3  }
.LBB1_10:
.Ltmp18:
0x13f: {  	(pc) =	sbr.rel .LBB1_24-.Ltmp18, $2  }
0x140: {  	_ =	sdelay $0x2  }
0x141: {  	s9 =	smov.u32 s6;
	s27 =	smov.u32 s3;
	s20 =	smov.u32 s4  }
.LBB1_21:
.Ltmp19:
0x142: {  	(pc) =	sbr.rel .LBB1_24-.Ltmp19, $2  }
0x143: {  	_ =	sdelay $0x2  }
0x144: {  	s9 =	smov.u32 s6;
	s27 =	smov.u32 s3;
	v7 =	vmov v3;
	s20 =	smov.u32 s4;
	v6 =	vmov v4;
	v5 =	vmov v2  }
.LBB1_19:
0x145: {  	_ =	sfence.sel $0x180000  }
0x146: {  	s0 =	simm.s32 $0x1;
	[bflag:$0x0] =	sbarrier.arrive $0xFFFF  }
0x147: {  	s30 =	simm.s32 $0x2;
	[sflag:s0] =	ssyncpa.u1 $0x1  }
0x148: {  	[sflag:s30] =	ssyncpa.u1 $0x1  }
0x149: {  	_ =	strace $0x9000004A  }
0x14a: {  	s31 =	stileid.u32;
	[bflag:$0x2] =	sbarrier.arrive $0xFFFF  }
0x14b: {  	p0 =	sne.s32 s31, $0x0;
	s0 =	rddreg [dreg:$0x2]  }
0x14c: {  	s0 =	sadd.s32 @!p0 $0x100000, s0  }
0x14d: {  	[sflag:s0] =	ssyncadd.tile.s32 @!p0 $0x1;
	_ =	shalt  }
.Lfunc_end1:
_tile_overlayer_lowered:
.L_overlay_start_2:
0x14e: {  	(tag) =	ssettag $0x2  }
0x14f: {  	s0 =	rddreg [dreg:$0x0];
	s2 =	stileid.u32  }
0x150: {  	s1 =	rddreg [dreg:$0x1];
	p0 =	sne.s32 s2, $0x0  }
0x151: {  	s3 =	rddreg [dreg:$0x2];
	[bflag:$0x3] =	sbarrier.arrive $0xFFFF;
	s2 =	simm.s32 @!p0 $0x1C01  }
0x152: {  	[timem:s3], [sflag:s2] =	dma.local @!p0 [hbm:s0], s1  }
0x153: {  	s0 =	simm.s32 @!p0 $0x1  }
0x154: {  	_ =	swait.ge @!p0 [sflag:s0], s1  }
0x155: {  	s1 =	ssub.s32 @!p0 $0x0, s1;
	[sflag:s0] =	ssyncset.done @!p0 $0x0  }
0x156: {  	[sflag:s0] =	ssyncadd.s32 @!p0 s1  }
0x157: {  	[bflag:$0x3] =	sbarrier.arrive $0xFFFF  }
0x158: {  	_ =	shalt  }

</sc_bundles>
